<compile_context>
chip_gen: v7x
topology: tpu7x:2x2x1
jax: 0.10.2.dev20260603
libtpu: 0.0.44.dev20260713+nightly
codegen_flags: <defaults>
</compile_context>

<pallas_src>
import functools

import jax
import jax.numpy as jnp
from jax import lax
from jax.experimental import pallas as pl
from jax.experimental.pallas import tpu as pltpu
from jax.experimental.pallas import tpu_sc as plsc

_T = 4096
_U = 4096
_E = 8388608
_NC = 2
_NS = 16
_EPT = _E // _NS
_W = 2048
_NWIN = _EPT // _W
_K = _W // 128
_SCW = (_T // _NC) * (_U // 8)
_PAD = 16384
_DRAIN = _SCW // _NS
_ZB = 16384


def _sc_scatter(g):
  mesh = plsc.VectorSubcoreMesh(core_axis_name="c", subcore_axis_name="s")

  @functools.partial(
      pl.kernel,
      out_type=jax.ShapeDtypeStruct((_NC * _SCW,), jnp.int32),
      mesh=mesh,
      scratch_types=[
          pltpu.VMEM_SHARED((_SCW + _PAD,), jnp.int32),
          pltpu.VMEM((_ZB,), jnp.int32),
          pltpu.VMEM((_W,), jnp.int32),
          pltpu.VMEM((_W,), jnp.int32),
          pltpu.VMEM((_K, 128), jnp.int32),
          pltpu.VMEM((_K, 128), jnp.int32),
          pltpu.VMEM((_K, 128), jnp.int32),
          pltpu.VMEM((_K, 128), jnp.int32),
          pltpu.SemaphoreType.DMA,
          pltpu.SemaphoreType.DMA,
          pltpu.SemaphoreType.DMA,
          pltpu.SemaphoreType.DMA,
      ],
  )
  def k(g_hbm, out_hbm, spm, zbuf, gb0, gb1, ib0, ib1, vb0, vb1,
        sl0, sl1, ss0, ss1):
    c = lax.axis_index("c")
    s = lax.axis_index("s")
    gbs, ibs, vbs = (gb0, gb1), (ib0, ib1), (vb0, vb1)
    sls, sss = (sl0, sl1), (ss0, ss1)
    ebase = s * _EPT

    pltpu.async_copy(g_hbm.at[pl.ds(ebase, _W)], gb0, sl0)
    pltpu.async_copy(g_hbm.at[pl.ds(ebase + _W, _W)], gb1, sl1)

    zero16 = jnp.zeros((16,), jnp.int32)

    def zb_body(i, carry):
      zbuf[pl.ds(i * 16, 16)] = zero16
      return carry

    lax.fori_loop(0, _ZB // 16, zb_body, 0)

    for j in range(_DRAIN // _ZB):
      pltpu.sync_copy(zbuf, spm.at[pl.ds(s * _DRAIN + j * _ZB, _ZB)])

    pltpu.sync_copy(zbuf.at[pl.ds(0, _PAD // _NS)],
                    spm.at[pl.ds(_SCW + s * (_PAD // _NS), _PAD // _NS)])

    plsc.subcore_barrier()

    dummy_base = _SCW + s * (_PAD // _NS) + lax.iota(jnp.int32, 16)

    def pair_body(h, carry):
      for p in range(2):
        w = 2 * h + p
        gbuf, idxb, valb = gbs[p], ibs[p], vbs[p]
        sld, ssc = sls[p], sss[p]
        pltpu.make_async_copy(
            g_hbm.at[pl.ds(ebase + w * _W, _W)], gbuf, sld).wait()

        @pl.when(h > 0)
        def _():
          for r in range(_K):
            pltpu.make_async_copy(valb.at[r], spm.at[idxb.at[r]], ssc).wait()

        def blk_body(r, c2):
          dummy = dummy_base + ((r * 256) & (_PAD // _NS - 16))
          gvs = [gbuf[pl.ds(r * 256 + j * 16, 16)] for j in range(16)]
          mines = [lax.shift_right_logical(gv, 20) & 1 for gv in gvs]
          widxs = [gv & 0xFFFFF for gv in gvs]
          vals = [jnp.left_shift(1, lax.shift_right_logical(gv, 21))
                  for gv in gvs]
          sels = [jnp.where(m == c, wi, dummy + j * 16)
                  for j, (m, wi) in enumerate(zip(mines, widxs))]
          for j in range(16):
            idxb[2 * r + j // 8, pl.ds((j % 8) * 16, 16)] = sels[j]
          for j in range(16):
            valb[2 * r + j // 8, pl.ds((j % 8) * 16, 16)] = vals[j]
          return c2

        lax.fori_loop(0, _K // 2, blk_body, 0)

        for r in range(_K):
          pltpu.async_copy(valb.at[r], spm.at[idxb.at[r]], ssc, add=True)

        @pl.when(w + 2 < _NWIN)
        def _():
          pltpu.async_copy(
              g_hbm.at[pl.ds(ebase + (w + 2) * _W, _W)], gbuf, sld)

      return carry

    lax.fori_loop(0, _NWIN // 2, pair_body, 0)

    for p in range(2):
      for r in range(_K):
        pltpu.make_async_copy(
            vbs[p].at[r], spm.at[ibs[p].at[r]], sss[p]).wait()

    plsc.subcore_barrier()

    pltpu.sync_copy(
        spm.at[pl.ds(s * _DRAIN, _DRAIN)],
        out_hbm.at[pl.ds(c * _SCW + s * _DRAIN, _DRAIN)],
    )

  return k(g)


def _expand(raster):

  def body(r_ref, o_ref):
    w = r_ref[...]
    for n in range(8):
      nib = lax.shift_right_logical(w, 4 * n) & 15
      o_ref[:, n * 512:(n + 1) * 512] = (nib != 0).astype(jnp.float32)

  return pl.pallas_call(
      body,
      grid=(_T // 128,),
      in_specs=[pl.BlockSpec((128, _U // 8), lambda i: (i, 0))],
      out_specs=pl.BlockSpec((128, _U), lambda i: (i, 0)),
      out_shape=jax.ShapeDtypeStruct((_T, _U), jnp.float32),
  )(raster)


def kernel(x):
  t = x[:, 0].astype(jnp.int32)
  u = x[:, 1].astype(jnp.int32)
  g = ((u >> 9) << 23) | (t << 9) | (u & 511)
  raster = _sc_scatter(g)
  return _expand(raster.reshape(_T, _U // 8))

# --- scband reference (transcript-rebuilt; emitter-appended) ---
"""Pipeline reference for scband-events-to-dense-42314017800626 (READ-ONLY COPY).

The authoritative reference and input builder live on the scoring server;
editing this copy changes nothing except your own understanding.
"""

import jax, jax.numpy as jnp
import numpy as np

TIME_STEP = 1.0
N_TIME_STEPS = 4096
N_UNITS = 4096
N_EVENTS = 8388608


def setup_inputs(seed: int = 0) -> dict:
    key = jax.random.key(seed)
    # x[:, 0] = spike times (integer-valued floats in [0, 4096)), x[:, 1] = unit ids in [0, 4096)
    x = jax.random.randint(key, (N_EVENTS, 2), 0, 4096).astype(jnp.float32)
    return {"x": x}


def reference(x):
    # bins = (x[:, 0] / time_step).long()
    bins = (x[:, 0] / TIME_STEP).astype(jnp.int32)
    # units = x[:, 1].long()
    units = x[:, 1].astype(jnp.int32)
    n_time_steps = N_TIME_STEPS
    n_units = N_UNITS
    dense = jnp.zeros((n_time_steps, n_units), dtype=jnp.float32)
    # dense[bins, units] = 1  (scatter-overwrite)
    dense = dense.at[bins, units].set(1.0)
    return dense[:n_time_steps, :]

if __name__ == "__main__":
    import jax
    _d = setup_inputs()
    print(jax.jit(kernel)(*tuple(_d.values())))

</pallas_src>

<mosaic_0001>
#map = affine_map<(d0, d1) -> (0)>
module attributes {stable_mosaic.version = 14 : i64} {
  func.func @k(%arg0: i32, %arg1: i32, %arg2: memref<8388608xi32, #tpu.memory_space<hbm>>, %arg3: memref<2097152xi32, #tpu.memory_space<hbm>>, %arg4: memref<1064960xi32, #tpu.memory_space<vmem_shared>>, %arg5: memref<16384xi32, #tpu.memory_space<vmem>>, %arg6: memref<2048xi32, #tpu.memory_space<vmem>>, %arg7: memref<2048xi32, #tpu.memory_space<vmem>>, %arg8: memref<16x128xi32, #tpu.memory_space<vmem>>, %arg9: memref<16x128xi32, #tpu.memory_space<vmem>>, %arg10: memref<16x128xi32, #tpu.memory_space<vmem>>, %arg11: memref<16x128xi32, #tpu.memory_space<vmem>>, %arg12: memref<!tpu.dma_semaphore, #tpu.memory_space<semaphore_mem>>, %arg13: memref<!tpu.dma_semaphore, #tpu.memory_space<semaphore_mem>>, %arg14: memref<!tpu.dma_semaphore, #tpu.memory_space<semaphore_mem>>, %arg15: memref<!tpu.dma_semaphore, #tpu.memory_space<semaphore_mem>>) attributes {dimension_semantics = [#tpu.dimension_semantics<core_parallel>, #tpu.dimension_semantics<subcore_parallel>], iteration_bounds = array<i64: 2, 16>, scalar_prefetch = 0 : i64, scratch_operands = 12 : i64, tpu.core_type = #tpu.core_type<sc_vector_subcore>, window_params = [{transform_indices = #map}, {transform_indices = #map}]} {
    %mul3A = arith.constant 524288 : i32
    %mul3A_0 = arith.muli %arg1, %mul3A : i32
    %dma_start3A = tpu.memref_slice %arg2[%mul3A_0] : memref<8388608xi32, #tpu.memory_space<hbm>> -> memref<2048xi32, #tpu.memory_space<hbm>>
    %dma_start3A_1 = tpu.memref_slice %arg2[%mul3A_0] : memref<8388608xi32, #tpu.memory_space<hbm>> -> memref<2048xi32, #tpu.memory_space<hbm>>
    tpu.enqueue_dma source(%dma_start3A_1 : memref<2048xi32, #tpu.memory_space<hbm>>) target(%arg6 : memref<2048xi32, #tpu.memory_space<vmem>>) target_semaphore(%arg12 : memref<!tpu.dma_semaphore, #tpu.memory_space<semaphore_mem>>)
    %add3A = arith.constant 2048 : i32
    %add3A_2 = arith.addi %mul3A_0, %add3A : i32
    %dma_start3A_3 = tpu.memref_slice %arg2[%add3A_2] : memref<8388608xi32, #tpu.memory_space<hbm>> -> memref<2048xi32, #tpu.memory_space<hbm>>
    %dma_start3A_4 = tpu.memref_slice %arg2[%add3A_2] : memref<8388608xi32, #tpu.memory_space<hbm>> -> memref<2048xi32, #tpu.memory_space<hbm>>
    tpu.enqueue_dma source(%dma_start3A_4 : memref<2048xi32, #tpu.memory_space<hbm>>) target(%arg7 : memref<2048xi32, #tpu.memory_space<vmem>>) target_semaphore(%arg13 : memref<!tpu.dma_semaphore, #tpu.memory_space<semaphore_mem>>)
    %broadcast_in_dim3A = arith.constant 0 : i32
    %broadcast_in_dim3A_5 = vector.broadcast %broadcast_in_dim3A : i32 to vector<16xi32>
    %scan3A = arith.constant 0 : i32
    %scan3A_6 = arith.constant 0 : i32
    %scan3A_7 = arith.constant 1024 : i32
    %scan3A_8 = arith.addi %scan3A_6, %scan3A_7 : i32
    %scan3A_9 = arith.constant 1 : i32
    scf.for %scan3A_370 = %scan3A_6 to %scan3A_8 step %scan3A_9  : i32 {
      %mul3A_371 = arith.constant 16 : i32
      %mul3A_372 = arith.muli %scan3A_370, %mul3A_371 : i32
      %swap3A = arith.index_cast %mul3A_372 : i32 to index
      %swap3A_373 = tpu.vector_load %arg5[%swap3A] {strides = array<i32>} : memref<16384xi32, #tpu.memory_space<vmem>>, vector<16xi32>,
      %swap3A_374 = vector.shape_cast %swap3A_373 : vector<16xi32> to vector<16xi32>
      %swap3A_375 = vector.shape_cast %broadcast_in_dim3A_5 : vector<16xi32> to vector<16xi32>
      tpu.vector_store %arg5[%swap3A], %swap3A_375 {strides = array<i32>} : memref<16384xi32, #tpu.memory_space<vmem>>, vector<16xi32>,
    }
    %scan3A_10 = arith.constant 1024 : i32
    %mul3A_11 = arith.constant 65536 : i32
    %mul3A_12 = arith.muli %arg1, %mul3A_11 : i32
    %add3A_13 = arith.constant 0 : i32
    %add3A_14 = arith.addi %mul3A_12, %add3A_13 : i32
    "tpu.region"() ({
      %run_scoped3A = tpu.sem_alloc : memref<!tpu.dma_semaphore, #tpu.memory_space<semaphore_mem>>
      %dma_start3A_370 = tpu.memref_slice %arg4[%add3A_14] : memref<1064960xi32, #tpu.memory_space<vmem_shared>> -> memref<16384xi32, #tpu.memory_space<vmem_shared>>
      %dma_start3A_371 = tpu.memref_slice %arg4[%add3A_14] : memref<1064960xi32, #tpu.memory_space<vmem_shared>> -> memref<16384xi32, #tpu.memory_space<vmem_shared>>
      tpu.enqueue_dma source(%arg5 : memref<16384xi32, #tpu.memory_space<vmem>>) target(%dma_start3A_371 : memref<16384xi32, #tpu.memory_space<vmem_shared>>) target_semaphore(%run_scoped3A : memref<!tpu.dma_semaphore, #tpu.memory_space<semaphore_mem>>)
      %dma_wait3A_372 = tpu.memref_slice %arg4[%add3A_14] : memref<1064960xi32, #tpu.memory_space<vmem_shared>> -> memref<16384xi32, #tpu.memory_space<vmem_shared>>
      %dma_wait3A_373 = tpu.memref_slice %arg4[%add3A_14] : memref<1064960xi32, #tpu.memory_space<vmem_shared>> -> memref<16384xi32, #tpu.memory_space<vmem_shared>>
      tpu.wait_dma2 semaphore(%run_scoped3A : memref<!tpu.dma_semaphore, #tpu.memory_space<semaphore_mem>>) src(%arg5 : memref<16384xi32, #tpu.memory_space<vmem>>) dst(%dma_wait3A_373 : memref<16384xi32, #tpu.memory_space<vmem_shared>>)
      tpu.yield
    }) : () -> ()
    %mul3A_15 = arith.constant 65536 : i32
    %mul3A_16 = arith.muli %arg1, %mul3A_15 : i32
    %add3A_17 = arith.constant 16384 : i32
    %add3A_18 = arith.addi %mul3A_16, %add3A_17 : i32
    "tpu.region"() ({
      %run_scoped3A = tpu.sem_alloc : memref<!tpu.dma_semaphore, #tpu.memory_space<semaphore_mem>>
      %dma_start3A_370 = tpu.memref_slice %arg4[%add3A_18] : memref<1064960xi32, #tpu.memory_space<vmem_shared>> -> memref<16384xi32, #tpu.memory_space<vmem_shared>>
      %dma_start3A_371 = tpu.memref_slice %arg4[%add3A_18] : memref<1064960xi32, #tpu.memory_space<vmem_shared>> -> memref<16384xi32, #tpu.memory_space<vmem_shared>>
      tpu.enqueue_dma source(%arg5 : memref<16384xi32, #tpu.memory_space<vmem>>) target(%dma_start3A_371 : memref<16384xi32, #tpu.memory_space<vmem_shared>>) target_semaphore(%run_scoped3A : memref<!tpu.dma_semaphore, #tpu.memory_space<semaphore_mem>>)
      %dma_wait3A_372 = tpu.memref_slice %arg4[%add3A_18] : memref<1064960xi32, #tpu.memory_space<vmem_shared>> -> memref<16384xi32, #tpu.memory_space<vmem_shared>>
      %dma_wait3A_373 = tpu.memref_slice %arg4[%add3A_18] : memref<1064960xi32, #tpu.memory_space<vmem_shared>> -> memref<16384xi32, #tpu.memory_space<vmem_shared>>
      tpu.wait_dma2 semaphore(%run_scoped3A : memref<!tpu.dma_semaphore, #tpu.memory_space<semaphore_mem>>) src(%arg5 : memref<16384xi32, #tpu.memory_space<vmem>>) dst(%dma_wait3A_373 : memref<16384xi32, #tpu.memory_space<vmem_shared>>)
      tpu.yield
    }) : () -> ()
    %mul3A_19 = arith.constant 65536 : i32
    %mul3A_20 = arith.muli %arg1, %mul3A_19 : i32
    %add3A_21 = arith.constant 32768 : i32
    %add3A_22 = arith.addi %mul3A_20, %add3A_21 : i32
    "tpu.region"() ({
      %run_scoped3A = tpu.sem_alloc : memref<!tpu.dma_semaphore, #tpu.memory_space<semaphore_mem>>
      %dma_start3A_370 = tpu.memref_slice %arg4[%add3A_22] : memref<1064960xi32, #tpu.memory_space<vmem_shared>> -> memref<16384xi32, #tpu.memory_space<vmem_shared>>
      %dma_start3A_371 = tpu.memref_slice %arg4[%add3A_22] : memref<1064960xi32, #tpu.memory_space<vmem_shared>> -> memref<16384xi32, #tpu.memory_space<vmem_shared>>
      tpu.enqueue_dma source(%arg5 : memref<16384xi32, #tpu.memory_space<vmem>>) target(%dma_start3A_371 : memref<16384xi32, #tpu.memory_space<vmem_shared>>) target_semaphore(%run_scoped3A : memref<!tpu.dma_semaphore, #tpu.memory_space<semaphore_mem>>)
      %dma_wait3A_372 = tpu.memref_slice %arg4[%add3A_22] : memref<1064960xi32, #tpu.memory_space<vmem_shared>> -> memref<16384xi32, #tpu.memory_space<vmem_shared>>
      %dma_wait3A_373 = tpu.memref_slice %arg4[%add3A_22] : memref<1064960xi32, #tpu.memory_space<vmem_shared>> -> memref<16384xi32, #tpu.memory_space<vmem_shared>>
      tpu.wait_dma2 semaphore(%run_scoped3A : memref<!tpu.dma_semaphore, #tpu.memory_space<semaphore_mem>>) src(%arg5 : memref<16384xi32, #tpu.memory_space<vmem>>) dst(%dma_wait3A_373 : memref<16384xi32, #tpu.memory_space<vmem_shared>>)
      tpu.yield
    }) : () -> ()
    %mul3A_23 = arith.constant 65536 : i32
    %mul3A_24 = arith.muli %arg1, %mul3A_23 : i32
    %add3A_25 = arith.constant 49152 : i32
    %add3A_26 = arith.addi %mul3A_24, %add3A_25 : i32
    "tpu.region"() ({
      %run_scoped3A = tpu.sem_alloc : memref<!tpu.dma_semaphore, #tpu.memory_space<semaphore_mem>>
      %dma_start3A_370 = tpu.memref_slice %arg4[%add3A_26] : memref<1064960xi32, #tpu.memory_space<vmem_shared>> -> memref<16384xi32, #tpu.memory_space<vmem_shared>>
      %dma_start3A_371 = tpu.memref_slice %arg4[%add3A_26] : memref<1064960xi32, #tpu.memory_space<vmem_shared>> -> memref<16384xi32, #tpu.memory_space<vmem_shared>>
      tpu.enqueue_dma source(%arg5 : memref<16384xi32, #tpu.memory_space<vmem>>) target(%dma_start3A_371 : memref<16384xi32, #tpu.memory_space<vmem_shared>>) target_semaphore(%run_scoped3A : memref<!tpu.dma_semaphore, #tpu.memory_space<semaphore_mem>>)
      %dma_wait3A_372 = tpu.memref_slice %arg4[%add3A_26] : memref<1064960xi32, #tpu.memory_space<vmem_shared>> -> memref<16384xi32, #tpu.memory_space<vmem_shared>>
      %dma_wait3A_373 = tpu.memref_slice %arg4[%add3A_26] : memref<1064960xi32, #tpu.memory_space<vmem_shared>> -> memref<16384xi32, #tpu.memory_space<vmem_shared>>
      tpu.wait_dma2 semaphore(%run_scoped3A : memref<!tpu.dma_semaphore, #tpu.memory_space<semaphore_mem>>) src(%arg5 : memref<16384xi32, #tpu.memory_space<vmem>>) dst(%dma_wait3A_373 : memref<16384xi32, #tpu.memory_space<vmem_shared>>)
      tpu.yield
    }) : () -> ()
    %mul3A_27 = arith.constant 1024 : i32
    %mul3A_28 = arith.muli %arg1, %mul3A_27 : i32
    %add3A_29 = arith.constant 1048576 : i32
    %add3A_30 = arith.addi %add3A_29, %mul3A_28 : i32
    "tpu.region"() ({
      %run_scoped3A = tpu.sem_alloc : memref<!tpu.dma_semaphore, #tpu.memory_space<semaphore_mem>>
      %dma_start3A_370 = arith.constant 0 : i32
      %dma_start3A_371 = tpu.memref_slice %arg5[%dma_start3A_370] : memref<16384xi32, #tpu.memory_space<vmem>> -> memref<1024xi32, #tpu.memory_space<vmem>>
      %dma_start3A_372 = tpu.memref_slice %arg4[%add3A_30] : memref<1064960xi32, #tpu.memory_space<vmem_shared>> -> memref<1024xi32, #tpu.memory_space<vmem_shared>>
      %dma_start3A_373 = tpu.memref_slice %arg4[%add3A_30] : memref<1064960xi32, #tpu.memory_space<vmem_shared>> -> memref<1024xi32, #tpu.memory_space<vmem_shared>>
      %dma_start3A_374 = arith.constant 0 : i32
      %dma_start3A_375 = tpu.memref_slice %arg5[%dma_start3A_374] : memref<16384xi32, #tpu.memory_space<vmem>> -> memref<1024xi32, #tpu.memory_space<vmem>>
      tpu.enqueue_dma source(%dma_start3A_375 : memref<1024xi32, #tpu.memory_space<vmem>>) target(%dma_start3A_373 : memref<1024xi32, #tpu.memory_space<vmem_shared>>) target_semaphore(%run_scoped3A : memref<!tpu.dma_semaphore, #tpu.memory_space<semaphore_mem>>)
      %dma_wait3A_376 = arith.constant 0 : i32
      %dma_wait3A_377 = tpu.memref_slice %arg5[%dma_wait3A_376] : memref<16384xi32, #tpu.memory_space<vmem>> -> memref<1024xi32, #tpu.memory_space<vmem>>
      %dma_wait3A_378 = tpu.memref_slice %arg4[%add3A_30] : memref<1064960xi32, #tpu.memory_space<vmem_shared>> -> memref<1024xi32, #tpu.memory_space<vmem_shared>>
      %dma_wait3A_379 = tpu.memref_slice %arg4[%add3A_30] : memref<1064960xi32, #tpu.memory_space<vmem_shared>> -> memref<1024xi32, #tpu.memory_space<vmem_shared>>
      %dma_wait3A_380 = arith.constant 0 : i32
      %dma_wait3A_381 = tpu.memref_slice %arg5[%dma_wait3A_380] : memref<16384xi32, #tpu.memory_space<vmem>> -> memref<1024xi32, #tpu.memory_space<vmem>>
      tpu.wait_dma2 semaphore(%run_scoped3A : memref<!tpu.dma_semaphore, #tpu.memory_space<semaphore_mem>>) src(%dma_wait3A_381 : memref<1024xi32, #tpu.memory_space<vmem>>) dst(%dma_wait3A_379 : memref<1024xi32, #tpu.memory_space<vmem_shared>>)
      tpu.yield
    }) : () -> ()
    %barrier3A = arith.constant 0 : index
    tpu.barrier barrier_id(%barrier3A)
    %mul3A_31 = arith.constant 1024 : i32
    %mul3A_32 = arith.muli %arg1, %mul3A_31 : i32
    %add3A_33 = arith.constant 1048576 : i32
    %add3A_34 = arith.addi %add3A_33, %mul3A_32 : i32
    %iota3A = tpu.iota {dimensions = array<i32: 0>} : vector<16xi32>
    %add3A_35 = vector.broadcast %add3A_34 : i32 to vector<16xi32>
    %add3A_36 = arith.addi %add3A_35, %iota3A : vector<16xi32>
    %scan3A_37 = arith.constant 0 : i32
    %scan3A_38 = arith.constant 0 : i32
    %scan3A_39 = arith.constant 128 : i32
    %scan3A_40 = arith.addi %scan3A_38, %scan3A_39 : i32
    %scan3A_41 = arith.constant 1 : i32
    scf.for %scan3A_370 = %scan3A_38 to %scan3A_40 step %scan3A_41  : i32 {
      %mul3A_371 = arith.constant 2 : i32
      %mul3A_372 = arith.muli %mul3A_371, %scan3A_370 : i32
      %add3A_373 = arith.constant 0 : i32
      %add3A_374 = arith.addi %mul3A_372, %add3A_373 : i32
      %mul3A_375 = arith.constant 2048 : i32
      %mul3A_376 = arith.muli %add3A_374, %mul3A_375 : i32
      %add3A_377 = arith.addi %mul3A_0, %mul3A_376 : i32
      %dma_wait3A_378 = tpu.memref_slice %arg2[%add3A_377] : memref<8388608xi32, #tpu.memory_space<hbm>> -> memref<2048xi32, #tpu.memory_space<hbm>>
      %dma_wait3A_379 = tpu.memref_slice %arg2[%add3A_377] : memref<8388608xi32, #tpu.memory_space<hbm>> -> memref<2048xi32, #tpu.memory_space<hbm>>
      tpu.wait_dma2 semaphore(%arg12 : memref<!tpu.dma_semaphore, #tpu.memory_space<semaphore_mem>>) src(%dma_wait3A_379 : memref<2048xi32, #tpu.memory_space<hbm>>) dst(%arg6 : memref<2048xi32, #tpu.memory_space<vmem>>)
      %gt3A = arith.constant 0 : i32
      %gt3A_380 = arith.cmpi sgt, %scan3A_370, %gt3A : i32
      %convert_element_type3A = arith.extui %gt3A_380 : i1 to i32
      %cond3A = arith.constant 0 : i32
      %cond3A_381 = arith.cmpi ne, %convert_element_type3A, %cond3A : i32
      scf.if %cond3A_381 {
        %dma_wait3A_741 = arith.constant 0 : i32
        %dma_wait3A_742 = arith.constant 0 : i32
        %dma_wait3A_743 = arith.constant 0 : i32
        %dma_wait3A_744 = tpu.memref_slice %arg10[%dma_wait3A_741, %dma_wait3A_743] : memref<16x128xi32, #tpu.memory_space<vmem>> -> memref<1x128xi32, #tpu.memory_space<vmem>>
        %dma_wait3A_745 = tpu.memref_squeeze %dma_wait3A_744 : memref<1x128xi32, #tpu.memory_space<vmem>> -> memref<128xi32, #tpu.memory_space<vmem>>
        %dma_wait3A_746 = arith.constant 0 : i32
        %dma_wait3A_747 = tpu.memref_slice %arg8[%dma_wait3A_742, %dma_wait3A_746] : memref<16x128xi32, #tpu.memory_space<vmem>> -> memref<1x128xi32, #tpu.memory_space<vmem>>
        %dma_wait3A_748 = tpu.memref_squeeze %dma_wait3A_747 : memref<1x128xi32, #tpu.memory_space<vmem>> -> memref<128xi32, #tpu.memory_space<vmem>>
        %dma_wait3A_749 = arith.constant 0 : i32
        %dma_wait3A_750 = tpu.memref_slice %arg4[%dma_wait3A_749] : memref<1064960xi32, #tpu.memory_space<vmem_shared>> -> memref<1064960xi32, #tpu.memory_space<vmem_shared>>
        tpu.wait_indirect_dma semaphore(%arg14 : memref<!tpu.dma_semaphore, #tpu.memory_space<semaphore_mem>>) src(%dma_wait3A_745 : memref<128xi32, #tpu.memory_space<vmem>>) dst(%dma_wait3A_750 : memref<1064960xi32, #tpu.memory_space<vmem_shared>>)
        %dma_wait3A_751 = arith.constant 1 : i32
        %dma_wait3A_752 = arith.constant 1 : i32
        %dma_wait3A_753 = arith.constant 0 : i32
        %dma_wait3A_754 = tpu.memref_slice %arg10[%dma_wait3A_751, %dma_wait3A_753] : memref<16x128xi32, #tpu.memory_space<vmem>> -> memref<1x128xi32, #tpu.memory_space<vmem>>
        %dma_wait3A_755 = tpu.memref_squeeze %dma_wait3A_754 : memref<1x128xi32, #tpu.memory_space<vmem>> -> memref<128xi32, #tpu.memory_space<vmem>>
        %dma_wait3A_756 = arith.constant 0 : i32
        %dma_wait3A_757 = tpu.memref_slice %arg8[%dma_wait3A_752, %dma_wait3A_756] : memref<16x128xi32, #tpu.memory_space<vmem>> -> memref<1x128xi32, #tpu.memory_space<vmem>>
        %dma_wait3A_758 = tpu.memref_squeeze %dma_wait3A_757 : memref<1x128xi32, #tpu.memory_space<vmem>> -> memref<128xi32, #tpu.memory_space<vmem>>
        %dma_wait3A_759 = arith.constant 0 : i32
        %dma_wait3A_760 = tpu.memref_slice %arg4[%dma_wait3A_759] : memref<1064960xi32, #tpu.memory_space<vmem_shared>> -> memref<1064960xi32, #tpu.memory_space<vmem_shared>>
        tpu.wait_indirect_dma semaphore(%arg14 : memref<!tpu.dma_semaphore, #tpu.memory_space<semaphore_mem>>) src(%dma_wait3A_755 : memref<128xi32, #tpu.memory_space<vmem>>) dst(%dma_wait3A_760 : memref<1064960xi32, #tpu.memory_space<vmem_shared>>)
        %dma_wait3A_761 = arith.constant 2 : i32
        %dma_wait3A_762 = arith.constant 2 : i32
        %dma_wait3A_763 = arith.constant 0 : i32
        %dma_wait3A_764 = tpu.memref_slice %arg10[%dma_wait3A_761, %dma_wait3A_763] : memref<16x128xi32, #tpu.memory_space<vmem>> -> memref<1x128xi32, #tpu.memory_space<vmem>>
        %dma_wait3A_765 = tpu.memref_squeeze %dma_wait3A_764 : memref<1x128xi32, #tpu.memory_space<vmem>> -> memref<128xi32, #tpu.memory_space<vmem>>
        %dma_wait3A_766 = arith.constant 0 : i32
        %dma_wait3A_767 = tpu.memref_slice %arg8[%dma_wait3A_762, %dma_wait3A_766] : memref<16x128xi32, #tpu.memory_space<vmem>> -> memref<1x128xi32, #tpu.memory_space<vmem>>
        %dma_wait3A_768 = tpu.memref_squeeze %dma_wait3A_767 : memref<1x128xi32, #tpu.memory_space<vmem>> -> memref<128xi32, #tpu.memory_space<vmem>>
        %dma_wait3A_769 = arith.constant 0 : i32
        %dma_wait3A_770 = tpu.memref_slice %arg4[%dma_wait3A_769] : memref<1064960xi32, #tpu.memory_space<vmem_shared>> -> memref<1064960xi32, #tpu.memory_space<vmem_shared>>
        tpu.wait_indirect_dma semaphore(%arg14 : memref<!tpu.dma_semaphore, #tpu.memory_space<semaphore_mem>>) src(%dma_wait3A_765 : memref<128xi32, #tpu.memory_space<vmem>>) dst(%dma_wait3A_770 : memref<1064960xi32, #tpu.memory_space<vmem_shared>>)
        %dma_wait3A_771 = arith.constant 3 : i32
        %dma_wait3A_772 = arith.constant 3 : i32
        %dma_wait3A_773 = arith.constant 0 : i32
        %dma_wait3A_774 = tpu.memref_slice %arg10[%dma_wait3A_771, %dma_wait3A_773] : memref<16x128xi32, #tpu.memory_space<vmem>> -> memref<1x128xi32, #tpu.memory_space<vmem>>
        %dma_wait3A_775 = tpu.memref_squeeze %dma_wait3A_774 : memref<1x128xi32, #tpu.memory_space<vmem>> -> memref<128xi32, #tpu.memory_space<vmem>>
        %dma_wait3A_776 = arith.constant 0 : i32
        %dma_wait3A_777 = tpu.memref_slice %arg8[%dma_wait3A_772, %dma_wait3A_776] : memref<16x128xi32, #tpu.memory_space<vmem>> -> memref<1x128xi32, #tpu.memory_space<vmem>>
        %dma_wait3A_778 = tpu.memref_squeeze %dma_wait3A_777 : memref<1x128xi32, #tpu.memory_space<vmem>> -> memref<128xi32, #tpu.memory_space<vmem>>
        %dma_wait3A_779 = arith.constant 0 : i32
        %dma_wait3A_780 = tpu.memref_slice %arg4[%dma_wait3A_779] : memref<1064960xi32, #tpu.memory_space<vmem_shared>> -> memref<1064960xi32, #tpu.memory_space<vmem_shared>>
        tpu.wait_indirect_dma semaphore(%arg14 : memref<!tpu.dma_semaphore, #tpu.memory_space<semaphore_mem>>) src(%dma_wait3A_775 : memref<128xi32, #tpu.memory_space<vmem>>) dst(%dma_wait3A_780 : memref<1064960xi32, #tpu.memory_space<vmem_shared>>)
        %dma_wait3A_781 = arith.constant 4 : i32
        %dma_wait3A_782 = arith.constant 4 : i32
        %dma_wait3A_783 = arith.constant 0 : i32
        %dma_wait3A_784 = tpu.memref_slice %arg10[%dma_wait3A_781, %dma_wait3A_783] : memref<16x128xi32, #tpu.memory_space<vmem>> -> memref<1x128xi32, #tpu.memory_space<vmem>>
        %dma_wait3A_785 = tpu.memref_squeeze %dma_wait3A_784 : memref<1x128xi32, #tpu.memory_space<vmem>> -> memref<128xi32, #tpu.memory_space<vmem>>
        %dma_wait3A_786 = arith.constant 0 : i32
        %dma_wait3A_787 = tpu.memref_slice %arg8[%dma_wait3A_782, %dma_wait3A_786] : memref<16x128xi32, #tpu.memory_space<vmem>> -> memref<1x128xi32, #tpu.memory_space<vmem>>
        %dma_wait3A_788 = tpu.memref_squeeze %dma_wait3A_787 : memref<1x128xi32, #tpu.memory_space<vmem>> -> memref<128xi32, #tpu.memory_space<vmem>>
        %dma_wait3A_789 = arith.constant 0 : i32
        %dma_wait3A_790 = tpu.memref_slice %arg4[%dma_wait3A_789] : memref<1064960xi32, #tpu.memory_space<vmem_shared>> -> memref<1064960xi32, #tpu.memory_space<vmem_shared>>
        tpu.wait_indirect_dma semaphore(%arg14 : memref<!tpu.dma_semaphore, #tpu.memory_space<semaphore_mem>>) src(%dma_wait3A_785 : memref<128xi32, #tpu.memory_space<vmem>>) dst(%dma_wait3A_790 : memref<1064960xi32, #tpu.memory_space<vmem_shared>>)
        %dma_wait3A_791 = arith.constant 5 : i32
        %dma_wait3A_792 = arith.constant 5 : i32
        %dma_wait3A_793 = arith.constant 0 : i32
        %dma_wait3A_794 = tpu.memref_slice %arg10[%dma_wait3A_791, %dma_wait3A_793] : memref<16x128xi32, #tpu.memory_space<vmem>> -> memref<1x128xi32, #tpu.memory_space<vmem>>
        %dma_wait3A_795 = tpu.memref_squeeze %dma_wait3A_794 : memref<1x128xi32, #tpu.memory_space<vmem>> -> memref<128xi32, #tpu.memory_space<vmem>>
        %dma_wait3A_796 = arith.constant 0 : i32
        %dma_wait3A_797 = tpu.memref_slice %arg8[%dma_wait3A_792, %dma_wait3A_796] : memref<16x128xi32, #tpu.memory_space<vmem>> -> memref<1x128xi32, #tpu.memory_space<vmem>>
        %dma_wait3A_798 = tpu.memref_squeeze %dma_wait3A_797 : memref<1x128xi32, #tpu.memory_space<vmem>> -> memref<128xi32, #tpu.memory_space<vmem>>
        %dma_wait3A_799 = arith.constant 0 : i32
        %dma_wait3A_800 = tpu.memref_slice %arg4[%dma_wait3A_799] : memref<1064960xi32, #tpu.memory_space<vmem_shared>> -> memref<1064960xi32, #tpu.memory_space<vmem_shared>>
        tpu.wait_indirect_dma semaphore(%arg14 : memref<!tpu.dma_semaphore, #tpu.memory_space<semaphore_mem>>) src(%dma_wait3A_795 : memref<128xi32, #tpu.memory_space<vmem>>) dst(%dma_wait3A_800 : memref<1064960xi32, #tpu.memory_space<vmem_shared>>)
        %dma_wait3A_801 = arith.constant 6 : i32
        %dma_wait3A_802 = arith.constant 6 : i32
        %dma_wait3A_803 = arith.constant 0 : i32
        %dma_wait3A_804 = tpu.memref_slice %arg10[%dma_wait3A_801, %dma_wait3A_803] : memref<16x128xi32, #tpu.memory_space<vmem>> -> memref<1x128xi32, #tpu.memory_space<vmem>>
        %dma_wait3A_805 = tpu.memref_squeeze %dma_wait3A_804 : memref<1x128xi32, #tpu.memory_space<vmem>> -> memref<128xi32, #tpu.memory_space<vmem>>
        %dma_wait3A_806 = arith.constant 0 : i32
        %dma_wait3A_807 = tpu.memref_slice %arg8[%dma_wait3A_802, %dma_wait3A_806] : memref<16x128xi32, #tpu.memory_space<vmem>> -> memref<1x128xi32, #tpu.memory_space<vmem>>
        %dma_wait3A_808 = tpu.memref_squeeze %dma_wait3A_807 : memref<1x128xi32, #tpu.memory_space<vmem>> -> memref<128xi32, #tpu.memory_space<vmem>>
        %dma_wait3A_809 = arith.constant 0 : i32
        %dma_wait3A_810 = tpu.memref_slice %arg4[%dma_wait3A_809] : memref<1064960xi32, #tpu.memory_space<vmem_shared>> -> memref<1064960xi32, #tpu.memory_space<vmem_shared>>
        tpu.wait_indirect_dma semaphore(%arg14 : memref<!tpu.dma_semaphore, #tpu.memory_space<semaphore_mem>>) src(%dma_wait3A_805 : memref<128xi32, #tpu.memory_space<vmem>>) dst(%dma_wait3A_810 : memref<1064960xi32, #tpu.memory_space<vmem_shared>>)
        %dma_wait3A_811 = arith.constant 7 : i32
        %dma_wait3A_812 = arith.constant 7 : i32
        %dma_wait3A_813 = arith.constant 0 : i32
        %dma_wait3A_814 = tpu.memref_slice %arg10[%dma_wait3A_811, %dma_wait3A_813] : memref<16x128xi32, #tpu.memory_space<vmem>> -> memref<1x128xi32, #tpu.memory_space<vmem>>
        %dma_wait3A_815 = tpu.memref_squeeze %dma_wait3A_814 : memref<1x128xi32, #tpu.memory_space<vmem>> -> memref<128xi32, #tpu.memory_space<vmem>>
        %dma_wait3A_816 = arith.constant 0 : i32
        %dma_wait3A_817 = tpu.memref_slice %arg8[%dma_wait3A_812, %dma_wait3A_816] : memref<16x128xi32, #tpu.memory_space<vmem>> -> memref<1x128xi32, #tpu.memory_space<vmem>>
        %dma_wait3A_818 = tpu.memref_squeeze %dma_wait3A_817 : memref<1x128xi32, #tpu.memory_space<vmem>> -> memref<128xi32, #tpu.memory_space<vmem>>
        %dma_wait3A_819 = arith.constant 0 : i32
        %dma_wait3A_820 = tpu.memref_slice %arg4[%dma_wait3A_819] : memref<1064960xi32, #tpu.memory_space<vmem_shared>> -> memref<1064960xi32, #tpu.memory_space<vmem_shared>>
        tpu.wait_indirect_dma semaphore(%arg14 : memref<!tpu.dma_semaphore, #tpu.memory_space<semaphore_mem>>) src(%dma_wait3A_815 : memref<128xi32, #tpu.memory_space<vmem>>) dst(%dma_wait3A_820 : memref<1064960xi32, #tpu.memory_space<vmem_shared>>)
        %dma_wait3A_821 = arith.constant 8 : i32
        %dma_wait3A_822 = arith.constant 8 : i32
        %dma_wait3A_823 = arith.constant 0 : i32
        %dma_wait3A_824 = tpu.memref_slice %arg10[%dma_wait3A_821, %dma_wait3A_823] : memref<16x128xi32, #tpu.memory_space<vmem>> -> memref<1x128xi32, #tpu.memory_space<vmem>>
        %dma_wait3A_825 = tpu.memref_squeeze %dma_wait3A_824 : memref<1x128xi32, #tpu.memory_space<vmem>> -> memref<128xi32, #tpu.memory_space<vmem>>
        %dma_wait3A_826 = arith.constant 0 : i32
        %dma_wait3A_827 = tpu.memref_slice %arg8[%dma_wait3A_822, %dma_wait3A_826] : memref<16x128xi32, #tpu.memory_space<vmem>> -> memref<1x128xi32, #tpu.memory_space<vmem>>
        %dma_wait3A_828 = tpu.memref_squeeze %dma_wait3A_827 : memref<1x128xi32, #tpu.memory_space<vmem>> -> memref<128xi32, #tpu.memory_space<vmem>>
        %dma_wait3A_829 = arith.constant 0 : i32
        %dma_wait3A_830 = tpu.memref_slice %arg4[%dma_wait3A_829] : memref<1064960xi32, #tpu.memory_space<vmem_shared>> -> memref<1064960xi32, #tpu.memory_space<vmem_shared>>
        tpu.wait_indirect_dma semaphore(%arg14 : memref<!tpu.dma_semaphore, #tpu.memory_space<semaphore_mem>>) src(%dma_wait3A_825 : memref<128xi32, #tpu.memory_space<vmem>>) dst(%dma_wait3A_830 : memref<1064960xi32, #tpu.memory_space<vmem_shared>>)
        %dma_wait3A_831 = arith.constant 9 : i32
        %dma_wait3A_832 = arith.constant 9 : i32
        %dma_wait3A_833 = arith.constant 0 : i32
        %dma_wait3A_834 = tpu.memref_slice %arg10[%dma_wait3A_831, %dma_wait3A_833] : memref<16x128xi32, #tpu.memory_space<vmem>> -> memref<1x128xi32, #tpu.memory_space<vmem>>
        %dma_wait3A_835 = tpu.memref_squeeze %dma_wait3A_834 : memref<1x128xi32, #tpu.memory_space<vmem>> -> memref<128xi32, #tpu.memory_space<vmem>>
        %dma_wait3A_836 = arith.constant 0 : i32
        %dma_wait3A_837 = tpu.memref_slice %arg8[%dma_wait3A_832, %dma_wait3A_836] : memref<16x128xi32, #tpu.memory_space<vmem>> -> memref<1x128xi32, #tpu.memory_space<vmem>>
        %dma_wait3A_838 = tpu.memref_squeeze %dma_wait3A_837 : memref<1x128xi32, #tpu.memory_space<vmem>> -> memref<128xi32, #tpu.memory_space<vmem>>
        %dma_wait3A_839 = arith.constant 0 : i32
        %dma_wait3A_840 = tpu.memref_slice %arg4[%dma_wait3A_839] : memref<1064960xi32, #tpu.memory_space<vmem_shared>> -> memref<1064960xi32, #tpu.memory_space<vmem_shared>>
        tpu.wait_indirect_dma semaphore(%arg14 : memref<!tpu.dma_semaphore, #tpu.memory_space<semaphore_mem>>) src(%dma_wait3A_835 : memref<128xi32, #tpu.memory_space<vmem>>) dst(%dma_wait3A_840 : memref<1064960xi32, #tpu.memory_space<vmem_shared>>)
        %dma_wait3A_841 = arith.constant 10 : i32
        %dma_wait3A_842 = arith.constant 10 : i32
        %dma_wait3A_843 = arith.constant 0 : i32
        %dma_wait3A_844 = tpu.memref_slice %arg10[%dma_wait3A_841, %dma_wait3A_843] : memref<16x128xi32, #tpu.memory_space<vmem>> -> memref<1x128xi32, #tpu.memory_space<vmem>>
        %dma_wait3A_845 = tpu.memref_squeeze %dma_wait3A_844 : memref<1x128xi32, #tpu.memory_space<vmem>> -> memref<128xi32, #tpu.memory_space<vmem>>
        %dma_wait3A_846 = arith.constant 0 : i32
        %dma_wait3A_847 = tpu.memref_slice %arg8[%dma_wait3A_842, %dma_wait3A_846] : memref<16x128xi32, #tpu.memory_space<vmem>> -> memref<1x128xi32, #tpu.memory_space<vmem>>
        %dma_wait3A_848 = tpu.memref_squeeze %dma_wait3A_847 : memref<1x128xi32, #tpu.memory_space<vmem>> -> memref<128xi32, #tpu.memory_space<vmem>>
        %dma_wait3A_849 = arith.constant 0 : i32
        %dma_wait3A_850 = tpu.memref_slice %arg4[%dma_wait3A_849] : memref<1064960xi32, #tpu.memory_space<vmem_shared>> -> memref<1064960xi32, #tpu.memory_space<vmem_shared>>
        tpu.wait_indirect_dma semaphore(%arg14 : memref<!tpu.dma_semaphore, #tpu.memory_space<semaphore_mem>>) src(%dma_wait3A_845 : memref<128xi32, #tpu.memory_space<vmem>>) dst(%dma_wait3A_850 : memref<1064960xi32, #tpu.memory_space<vmem_shared>>)
        %dma_wait3A_851 = arith.constant 11 : i32
        %dma_wait3A_852 = arith.constant 11 : i32
        %dma_wait3A_853 = arith.constant 0 : i32
        %dma_wait3A_854 = tpu.memref_slice %arg10[%dma_wait3A_851, %dma_wait3A_853] : memref<16x128xi32, #tpu.memory_space<vmem>> -> memref<1x128xi32, #tpu.memory_space<vmem>>
        %dma_wait3A_855 = tpu.memref_squeeze %dma_wait3A_854 : memref<1x128xi32, #tpu.memory_space<vmem>> -> memref<128xi32, #tpu.memory_space<vmem>>
        %dma_wait3A_856 = arith.constant 0 : i32
        %dma_wait3A_857 = tpu.memref_slice %arg8[%dma_wait3A_852, %dma_wait3A_856] : memref<16x128xi32, #tpu.memory_space<vmem>> -> memref<1x128xi32, #tpu.memory_space<vmem>>
        %dma_wait3A_858 = tpu.memref_squeeze %dma_wait3A_857 : memref<1x128xi32, #tpu.memory_space<vmem>> -> memref<128xi32, #tpu.memory_space<vmem>>
        %dma_wait3A_859 = arith.constant 0 : i32
        %dma_wait3A_860 = tpu.memref_slice %arg4[%dma_wait3A_859] : memref<1064960xi32, #tpu.memory_space<vmem_shared>> -> memref<1064960xi32, #tpu.memory_space<vmem_shared>>
        tpu.wait_indirect_dma semaphore(%arg14 : memref<!tpu.dma_semaphore, #tpu.memory_space<semaphore_mem>>) src(%dma_wait3A_855 : memref<128xi32, #tpu.memory_space<vmem>>) dst(%dma_wait3A_860 : memref<1064960xi32, #tpu.memory_space<vmem_shared>>)
        %dma_wait3A_861 = arith.constant 12 : i32
        %dma_wait3A_862 = arith.constant 12 : i32
        %dma_wait3A_863 = arith.constant 0 : i32
        %dma_wait3A_864 = tpu.memref_slice %arg10[%dma_wait3A_861, %dma_wait3A_863] : memref<16x128xi32, #tpu.memory_space<vmem>> -> memref<1x128xi32, #tpu.memory_space<vmem>>
        %dma_wait3A_865 = tpu.memref_squeeze %dma_wait3A_864 : memref<1x128xi32, #tpu.memory_space<vmem>> -> memref<128xi32, #tpu.memory_space<vmem>>
        %dma_wait3A_866 = arith.constant 0 : i32
        %dma_wait3A_867 = tpu.memref_slice %arg8[%dma_wait3A_862, %dma_wait3A_866] : memref<16x128xi32, #tpu.memory_space<vmem>> -> memref<1x128xi32, #tpu.memory_space<vmem>>
        %dma_wait3A_868 = tpu.memref_squeeze %dma_wait3A_867 : memref<1x128xi32, #tpu.memory_space<vmem>> -> memref<128xi32, #tpu.memory_space<vmem>>
        %dma_wait3A_869 = arith.constant 0 : i32
        %dma_wait3A_870 = tpu.memref_slice %arg4[%dma_wait3A_869] : memref<1064960xi32, #tpu.memory_space<vmem_shared>> -> memref<1064960xi32, #tpu.memory_space<vmem_shared>>
        tpu.wait_indirect_dma semaphore(%arg14 : memref<!tpu.dma_semaphore, #tpu.memory_space<semaphore_mem>>) src(%dma_wait3A_865 : memref<128xi32, #tpu.memory_space<vmem>>) dst(%dma_wait3A_870 : memref<1064960xi32, #tpu.memory_space<vmem_shared>>)
        %dma_wait3A_871 = arith.constant 13 : i32
        %dma_wait3A_872 = arith.constant 13 : i32
        %dma_wait3A_873 = arith.constant 0 : i32
        %dma_wait3A_874 = tpu.memref_slice %arg10[%dma_wait3A_871, %dma_wait3A_873] : memref<16x128xi32, #tpu.memory_space<vmem>> -> memref<1x128xi32, #tpu.memory_space<vmem>>
        %dma_wait3A_875 = tpu.memref_squeeze %dma_wait3A_874 : memref<1x128xi32, #tpu.memory_space<vmem>> -> memref<128xi32, #tpu.memory_space<vmem>>
        %dma_wait3A_876 = arith.constant 0 : i32
        %dma_wait3A_877 = tpu.memref_slice %arg8[%dma_wait3A_872, %dma_wait3A_876] : memref<16x128xi32, #tpu.memory_space<vmem>> -> memref<1x128xi32, #tpu.memory_space<vmem>>
        %dma_wait3A_878 = tpu.memref_squeeze %dma_wait3A_877 : memref<1x128xi32, #tpu.memory_space<vmem>> -> memref<128xi32, #tpu.memory_space<vmem>>
        %dma_wait3A_879 = arith.constant 0 : i32
        %dma_wait3A_880 = tpu.memref_slice %arg4[%dma_wait3A_879] : memref<1064960xi32, #tpu.memory_space<vmem_shared>> -> memref<1064960xi32, #tpu.memory_space<vmem_shared>>
        tpu.wait_indirect_dma semaphore(%arg14 : memref<!tpu.dma_semaphore, #tpu.memory_space<semaphore_mem>>) src(%dma_wait3A_875 : memref<128xi32, #tpu.memory_space<vmem>>) dst(%dma_wait3A_880 : memref<1064960xi32, #tpu.memory_space<vmem_shared>>)
        %dma_wait3A_881 = arith.constant 14 : i32
        %dma_wait3A_882 = arith.constant 14 : i32
        %dma_wait3A_883 = arith.constant 0 : i32
        %dma_wait3A_884 = tpu.memref_slice %arg10[%dma_wait3A_881, %dma_wait3A_883] : memref<16x128xi32, #tpu.memory_space<vmem>> -> memref<1x128xi32, #tpu.memory_space<vmem>>
        %dma_wait3A_885 = tpu.memref_squeeze %dma_wait3A_884 : memref<1x128xi32, #tpu.memory_space<vmem>> -> memref<128xi32, #tpu.memory_space<vmem>>
        %dma_wait3A_886 = arith.constant 0 : i32
        %dma_wait3A_887 = tpu.memref_slice %arg8[%dma_wait3A_882, %dma_wait3A_886] : memref<16x128xi32, #tpu.memory_space<vmem>> -> memref<1x128xi32, #tpu.memory_space<vmem>>
        %dma_wait3A_888 = tpu.memref_squeeze %dma_wait3A_887 : memref<1x128xi32, #tpu.memory_space<vmem>> -> memref<128xi32, #tpu.memory_space<vmem>>
        %dma_wait3A_889 = arith.constant 0 : i32
        %dma_wait3A_890 = tpu.memref_slice %arg4[%dma_wait3A_889] : memref<1064960xi32, #tpu.memory_space<vmem_shared>> -> memref<1064960xi32, #tpu.memory_space<vmem_shared>>
        tpu.wait_indirect_dma semaphore(%arg14 : memref<!tpu.dma_semaphore, #tpu.memory_space<semaphore_mem>>) src(%dma_wait3A_885 : memref<128xi32, #tpu.memory_space<vmem>>) dst(%dma_wait3A_890 : memref<1064960xi32, #tpu.memory_space<vmem_shared>>)
        %dma_wait3A_891 = arith.constant 15 : i32
        %dma_wait3A_892 = arith.constant 15 : i32
        %dma_wait3A_893 = arith.constant 0 : i32
        %dma_wait3A_894 = tpu.memref_slice %arg10[%dma_wait3A_891, %dma_wait3A_893] : memref<16x128xi32, #tpu.memory_space<vmem>> -> memref<1x128xi32, #tpu.memory_space<vmem>>
        %dma_wait3A_895 = tpu.memref_squeeze %dma_wait3A_894 : memref<1x128xi32, #tpu.memory_space<vmem>> -> memref<128xi32, #tpu.memory_space<vmem>>
        %dma_wait3A_896 = arith.constant 0 : i32
        %dma_wait3A_897 = tpu.memref_slice %arg8[%dma_wait3A_892, %dma_wait3A_896] : memref<16x128xi32, #tpu.memory_space<vmem>> -> memref<1x128xi32, #tpu.memory_space<vmem>>
        %dma_wait3A_898 = tpu.memref_squeeze %dma_wait3A_897 : memref<1x128xi32, #tpu.memory_space<vmem>> -> memref<128xi32, #tpu.memory_space<vmem>>
        %dma_wait3A_899 = arith.constant 0 : i32
        %dma_wait3A_900 = tpu.memref_slice %arg4[%dma_wait3A_899] : memref<1064960xi32, #tpu.memory_space<vmem_shared>> -> memref<1064960xi32, #tpu.memory_space<vmem_shared>>
        tpu.wait_indirect_dma semaphore(%arg14 : memref<!tpu.dma_semaphore, #tpu.memory_space<semaphore_mem>>) src(%dma_wait3A_895 : memref<128xi32, #tpu.memory_space<vmem>>) dst(%dma_wait3A_900 : memref<1064960xi32, #tpu.memory_space<vmem_shared>>)
      } else {
      }
      %scan3A_382 = arith.constant 0 : i32
      %scan3A_383 = arith.constant 0 : i32
      %scan3A_384 = arith.constant 8 : i32
      %scan3A_385 = arith.addi %scan3A_383, %scan3A_384 : i32
      %scan3A_386 = arith.constant 1 : i32
      scf.for %scan3A_741 = %scan3A_383 to %scan3A_385 step %scan3A_386  : i32 {
        %mul3A_742 = arith.constant 256 : i32
        %mul3A_743 = arith.muli %scan3A_741, %mul3A_742 : i32
        %and3A = arith.constant 1008 : i32
        %and3A_744 = arith.andi %mul3A_743, %and3A : i32
        %add3A_745 = vector.broadcast %and3A_744 : i32 to vector<16xi32>
        %add3A_746 = arith.addi %add3A_36, %add3A_745 : vector<16xi32>
        %mul3A_747 = arith.constant 256 : i32
        %mul3A_748 = arith.muli %scan3A_741, %mul3A_747 : i32
        %add3A_749 = arith.constant 0 : i32
        %add3A_750 = arith.addi %mul3A_748, %add3A_749 : i32
        %get3A = arith.index_cast %add3A_750 : i32 to index
        %get3A_751 = tpu.vector_load %arg6[%get3A] {strides = array<i32>} : memref<2048xi32, #tpu.memory_space<vmem>>, vector<16xi32>,
        %get3A_752 = vector.shape_cast %get3A_751 : vector<16xi32> to vector<16xi32>
        %mul3A_753 = arith.constant 256 : i32
        %mul3A_754 = arith.muli %scan3A_741, %mul3A_753 : i32
        %add3A_755 = arith.constant 16 : i32
        %add3A_756 = arith.addi %mul3A_754, %add3A_755 : i32
        %get3A_757 = arith.index_cast %add3A_756 : i32 to index
        %get3A_758 = tpu.vector_load %arg6[%get3A_757] {strides = array<i32>} : memref<2048xi32, #tpu.memory_space<vmem>>, vector<16xi32>,
        %get3A_759 = vector.shape_cast %get3A_758 : vector<16xi32> to vector<16xi32>
        %mul3A_760 = arith.constant 256 : i32
        %mul3A_761 = arith.muli %scan3A_741, %mul3A_760 : i32
        %add3A_762 = arith.constant 32 : i32
        %add3A_763 = arith.addi %mul3A_761, %add3A_762 : i32
        %get3A_764 = arith.index_cast %add3A_763 : i32 to index
        %get3A_765 = tpu.vector_load %arg6[%get3A_764] {strides = array<i32>} : memref<2048xi32, #tpu.memory_space<vmem>>, vector<16xi32>,
        %get3A_766 = vector.shape_cast %get3A_765 : vector<16xi32> to vector<16xi32>
        %mul3A_767 = arith.constant 256 : i32
        %mul3A_768 = arith.muli %scan3A_741, %mul3A_767 : i32
        %add3A_769 = arith.constant 48 : i32
        %add3A_770 = arith.addi %mul3A_768, %add3A_769 : i32
        %get3A_771 = arith.index_cast %add3A_770 : i32 to index
        %get3A_772 = tpu.vector_load %arg6[%get3A_771] {strides = array<i32>} : memref<2048xi32, #tpu.memory_space<vmem>>, vector<16xi32>,
        %get3A_773 = vector.shape_cast %get3A_772 : vector<16xi32> to vector<16xi32>
        %mul3A_774 = arith.constant 256 : i32
        %mul3A_775 = arith.muli %scan3A_741, %mul3A_774 : i32
        %add3A_776 = arith.constant 64 : i32
        %add3A_777 = arith.addi %mul3A_775, %add3A_776 : i32
        %get3A_778 = arith.index_cast %add3A_777 : i32 to index
        %get3A_779 = tpu.vector_load %arg6[%get3A_778] {strides = array<i32>} : memref<2048xi32, #tpu.memory_space<vmem>>, vector<16xi32>,
        %get3A_780 = vector.shape_cast %get3A_779 : vector<16xi32> to vector<16xi32>
        %mul3A_781 = arith.constant 256 : i32
        %mul3A_782 = arith.muli %scan3A_741, %mul3A_781 : i32
        %add3A_783 = arith.constant 80 : i32
        %add3A_784 = arith.addi %mul3A_782, %add3A_783 : i32
        %get3A_785 = arith.index_cast %add3A_784 : i32 to index
        %get3A_786 = tpu.vector_load %arg6[%get3A_785] {strides = array<i32>} : memref<2048xi32, #tpu.memory_space<vmem>>, vector<16xi32>,
        %get3A_787 = vector.shape_cast %get3A_786 : vector<16xi32> to vector<16xi32>
        %mul3A_788 = arith.constant 256 : i32
        %mul3A_789 = arith.muli %scan3A_741, %mul3A_788 : i32
        %add3A_790 = arith.constant 96 : i32
        %add3A_791 = arith.addi %mul3A_789, %add3A_790 : i32
        %get3A_792 = arith.index_cast %add3A_791 : i32 to index
        %get3A_793 = tpu.vector_load %arg6[%get3A_792] {strides = array<i32>} : memref<2048xi32, #tpu.memory_space<vmem>>, vector<16xi32>,
        %get3A_794 = vector.shape_cast %get3A_793 : vector<16xi32> to vector<16xi32>
        %mul3A_795 = arith.constant 256 : i32
        %mul3A_796 = arith.muli %scan3A_741, %mul3A_795 : i32
        %add3A_797 = arith.constant 112 : i32
        %add3A_798 = arith.addi %mul3A_796, %add3A_797 : i32
        %get3A_799 = arith.index_cast %add3A_798 : i32 to index
        %get3A_800 = tpu.vector_load %arg6[%get3A_799] {strides = array<i32>} : memref<2048xi32, #tpu.memory_space<vmem>>, vector<16xi32>,
        %get3A_801 = vector.shape_cast %get3A_800 : vector<16xi32> to vector<16xi32>
        %mul3A_802 = arith.constant 256 : i32
        %mul3A_803 = arith.muli %scan3A_741, %mul3A_802 : i32
        %add3A_804 = arith.constant 128 : i32
        %add3A_805 = arith.addi %mul3A_803, %add3A_804 : i32
        %get3A_806 = arith.index_cast %add3A_805 : i32 to index
        %get3A_807 = tpu.vector_load %arg6[%get3A_806] {strides = array<i32>} : memref<2048xi32, #tpu.memory_space<vmem>>, vector<16xi32>,
        %get3A_808 = vector.shape_cast %get3A_807 : vector<16xi32> to vector<16xi32>
        %mul3A_809 = arith.constant 256 : i32
        %mul3A_810 = arith.muli %scan3A_741, %mul3A_809 : i32
        %add3A_811 = arith.constant 144 : i32
        %add3A_812 = arith.addi %mul3A_810, %add3A_811 : i32
        %get3A_813 = arith.index_cast %add3A_812 : i32 to index
        %get3A_814 = tpu.vector_load %arg6[%get3A_813] {strides = array<i32>} : memref<2048xi32, #tpu.memory_space<vmem>>, vector<16xi32>,
        %get3A_815 = vector.shape_cast %get3A_814 : vector<16xi32> to vector<16xi32>
        %mul3A_816 = arith.constant 256 : i32
        %mul3A_817 = arith.muli %scan3A_741, %mul3A_816 : i32
        %add3A_818 = arith.constant 160 : i32
        %add3A_819 = arith.addi %mul3A_817, %add3A_818 : i32
        %get3A_820 = arith.index_cast %add3A_819 : i32 to index
        %get3A_821 = tpu.vector_load %arg6[%get3A_820] {strides = array<i32>} : memref<2048xi32, #tpu.memory_space<vmem>>, vector<16xi32>,
        %get3A_822 = vector.shape_cast %get3A_821 : vector<16xi32> to vector<16xi32>
        %mul3A_823 = arith.constant 256 : i32
        %mul3A_824 = arith.muli %scan3A_741, %mul3A_823 : i32
        %add3A_825 = arith.constant 176 : i32
        %add3A_826 = arith.addi %mul3A_824, %add3A_825 : i32
        %get3A_827 = arith.index_cast %add3A_826 : i32 to index
        %get3A_828 = tpu.vector_load %arg6[%get3A_827] {strides = array<i32>} : memref<2048xi32, #tpu.memory_space<vmem>>, vector<16xi32>,
        %get3A_829 = vector.shape_cast %get3A_828 : vector<16xi32> to vector<16xi32>
        %mul3A_830 = arith.constant 256 : i32
        %mul3A_831 = arith.muli %scan3A_741, %mul3A_830 : i32
        %add3A_832 = arith.constant 192 : i32
        %add3A_833 = arith.addi %mul3A_831, %add3A_832 : i32
        %get3A_834 = arith.index_cast %add3A_833 : i32 to index
        %get3A_835 = tpu.vector_load %arg6[%get3A_834] {strides = array<i32>} : memref<2048xi32, #tpu.memory_space<vmem>>, vector<16xi32>,
        %get3A_836 = vector.shape_cast %get3A_835 : vector<16xi32> to vector<16xi32>
        %mul3A_837 = arith.constant 256 : i32
        %mul3A_838 = arith.muli %scan3A_741, %mul3A_837 : i32
        %add3A_839 = arith.constant 208 : i32
        %add3A_840 = arith.addi %mul3A_838, %add3A_839 : i32
        %get3A_841 = arith.index_cast %add3A_840 : i32 to index
        %get3A_842 = tpu.vector_load %arg6[%get3A_841] {strides = array<i32>} : memref<2048xi32, #tpu.memory_space<vmem>>, vector<16xi32>,
        %get3A_843 = vector.shape_cast %get3A_842 : vector<16xi32> to vector<16xi32>
        %mul3A_844 = arith.constant 256 : i32
        %mul3A_845 = arith.muli %scan3A_741, %mul3A_844 : i32
        %add3A_846 = arith.constant 224 : i32
        %add3A_847 = arith.addi %mul3A_845, %add3A_846 : i32
        %get3A_848 = arith.index_cast %add3A_847 : i32 to index
        %get3A_849 = tpu.vector_load %arg6[%get3A_848] {strides = array<i32>} : memref<2048xi32, #tpu.memory_space<vmem>>, vector<16xi32>,
        %get3A_850 = vector.shape_cast %get3A_849 : vector<16xi32> to vector<16xi32>
        %mul3A_851 = arith.constant 256 : i32
        %mul3A_852 = arith.muli %scan3A_741, %mul3A_851 : i32
        %add3A_853 = arith.constant 240 : i32
        %add3A_854 = arith.addi %mul3A_852, %add3A_853 : i32
        %get3A_855 = arith.index_cast %add3A_854 : i32 to index
        %get3A_856 = tpu.vector_load %arg6[%get3A_855] {strides = array<i32>} : memref<2048xi32, #tpu.memory_space<vmem>>, vector<16xi32>,
        %get3A_857 = vector.shape_cast %get3A_856 : vector<16xi32> to vector<16xi32>
        %shift_right_logical3A = arith.constant 20 : i32
        %shift_right_logical3A_858 = vector.broadcast %shift_right_logical3A : i32 to vector<16xi32>
        %shift_right_logical3A_859 = arith.shrui %get3A_752, %shift_right_logical3A_858 : vector<16xi32>
        %and3A_860 = arith.constant 1 : i32
        %and3A_861 = vector.broadcast %and3A_860 : i32 to vector<16xi32>
        %and3A_862 = arith.andi %shift_right_logical3A_859, %and3A_861 : vector<16xi32>
        %shift_right_logical3A_863 = arith.constant 20 : i32
        %shift_right_logical3A_864 = vector.broadcast %shift_right_logical3A_863 : i32 to vector<16xi32>
        %shift_right_logical3A_865 = arith.shrui %get3A_759, %shift_right_logical3A_864 : vector<16xi32>
        %and3A_866 = arith.constant 1 : i32
        %and3A_867 = vector.broadcast %and3A_866 : i32 to vector<16xi32>
        %and3A_868 = arith.andi %shift_right_logical3A_865, %and3A_867 : vector<16xi32>
        %shift_right_logical3A_869 = arith.constant 20 : i32
        %shift_right_logical3A_870 = vector.broadcast %shift_right_logical3A_869 : i32 to vector<16xi32>
        %shift_right_logical3A_871 = arith.shrui %get3A_766, %shift_right_logical3A_870 : vector<16xi32>
        %and3A_872 = arith.constant 1 : i32
        %and3A_873 = vector.broadcast %and3A_872 : i32 to vector<16xi32>
        %and3A_874 = arith.andi %shift_right_logical3A_871, %and3A_873 : vector<16xi32>
        %shift_right_logical3A_875 = arith.constant 20 : i32
        %shift_right_logical3A_876 = vector.broadcast %shift_right_logical3A_875 : i32 to vector<16xi32>
        %shift_right_logical3A_877 = arith.shrui %get3A_773, %shift_right_logical3A_876 : vector<16xi32>
        %and3A_878 = arith.constant 1 : i32
        %and3A_879 = vector.broadcast %and3A_878 : i32 to vector<16xi32>
        %and3A_880 = arith.andi %shift_right_logical3A_877, %and3A_879 : vector<16xi32>
        %shift_right_logical3A_881 = arith.constant 20 : i32
        %shift_right_logical3A_882 = vector.broadcast %shift_right_logical3A_881 : i32 to vector<16xi32>
        %shift_right_logical3A_883 = arith.shrui %get3A_780, %shift_right_logical3A_882 : vector<16xi32>
        %and3A_884 = arith.constant 1 : i32
        %and3A_885 = vector.broadcast %and3A_884 : i32 to vector<16xi32>
        %and3A_886 = arith.andi %shift_right_logical3A_883, %and3A_885 : vector<16xi32>
        %shift_right_logical3A_887 = arith.constant 20 : i32
        %shift_right_logical3A_888 = vector.broadcast %shift_right_logical3A_887 : i32 to vector<16xi32>
        %shift_right_logical3A_889 = arith.shrui %get3A_787, %shift_right_logical3A_888 : vector<16xi32>
        %and3A_890 = arith.constant 1 : i32
        %and3A_891 = vector.broadcast %and3A_890 : i32 to vector<16xi32>
        %and3A_892 = arith.andi %shift_right_logical3A_889, %and3A_891 : vector<16xi32>
        %shift_right_logical3A_893 = arith.constant 20 : i32
        %shift_right_logical3A_894 = vector.broadcast %shift_right_logical3A_893 : i32 to vector<16xi32>
        %shift_right_logical3A_895 = arith.shrui %get3A_794, %shift_right_logical3A_894 : vector<16xi32>
        %and3A_896 = arith.constant 1 : i32
        %and3A_897 = vector.broadcast %and3A_896 : i32 to vector<16xi32>
        %and3A_898 = arith.andi %shift_right_logical3A_895, %and3A_897 : vector<16xi32>
        %shift_right_logical3A_899 = arith.constant 20 : i32
        %shift_right_logical3A_900 = vector.broadcast %shift_right_logical3A_899 : i32 to vector<16xi32>
        %shift_right_logical3A_901 = arith.shrui %get3A_801, %shift_right_logical3A_900 : vector<16xi32>
        %and3A_902 = arith.constant 1 : i32
        %and3A_903 = vector.broadcast %and3A_902 : i32 to vector<16xi32>
        %and3A_904 = arith.andi %shift_right_logical3A_901, %and3A_903 : vector<16xi32>
        %shift_right_logical3A_905 = arith.constant 20 : i32
        %shift_right_logical3A_906 = vector.broadcast %shift_right_logical3A_905 : i32 to vector<16xi32>
        %shift_right_logical3A_907 = arith.shrui %get3A_808, %shift_right_logical3A_906 : vector<16xi32>
        %and3A_908 = arith.constant 1 : i32
        %and3A_909 = vector.broadcast %and3A_908 : i32 to vector<16xi32>
        %and3A_910 = arith.andi %shift_right_logical3A_907, %and3A_909 : vector<16xi32>
        %shift_right_logical3A_911 = arith.constant 20 : i32
        %shift_right_logical3A_912 = vector.broadcast %shift_right_logical3A_911 : i32 to vector<16xi32>
        %shift_right_logical3A_913 = arith.shrui %get3A_815, %shift_right_logical3A_912 : vector<16xi32>
        %and3A_914 = arith.constant 1 : i32
        %and3A_915 = vector.broadcast %and3A_914 : i32 to vector<16xi32>
        %and3A_916 = arith.andi %shift_right_logical3A_913, %and3A_915 : vector<16xi32>
        %shift_right_logical3A_917 = arith.constant 20 : i32
        %shift_right_logical3A_918 = vector.broadcast %shift_right_logical3A_917 : i32 to vector<16xi32>
        %shift_right_logical3A_919 = arith.shrui %get3A_822, %shift_right_logical3A_918 : vector<16xi32>
        %and3A_920 = arith.constant 1 : i32
        %and3A_921 = vector.broadcast %and3A_920 : i32 to vector<16xi32>
        %and3A_922 = arith.andi %shift_right_logical3A_919, %and3A_921 : vector<16xi32>
        %shift_right_logical3A_923 = arith.constant 20 : i32
        %shift_right_logical3A_924 = vector.broadcast %shift_right_logical3A_923 : i32 to vector<16xi32>
        %shift_right_logical3A_925 = arith.shrui %get3A_829, %shift_right_logical3A_924 : vector<16xi32>
        %and3A_926 = arith.constant 1 : i32
        %and3A_927 = vector.broadcast %and3A_926 : i32 to vector<16xi32>
        %and3A_928 = arith.andi %shift_right_logical3A_925, %and3A_927 : vector<16xi32>
        %shift_right_logical3A_929 = arith.constant 20 : i32
        %shift_right_logical3A_930 = vector.broadcast %shift_right_logical3A_929 : i32 to vector<16xi32>
        %shift_right_logical3A_931 = arith.shrui %get3A_836, %shift_right_logical3A_930 : vector<16xi32>
        %and3A_932 = arith.constant 1 : i32
        %and3A_933 = vector.broadcast %and3A_932 : i32 to vector<16xi32>
        %and3A_934 = arith.andi %shift_right_logical3A_931, %and3A_933 : vector<16xi32>
        %shift_right_logical3A_935 = arith.constant 20 : i32
        %shift_right_logical3A_936 = vector.broadcast %shift_right_logical3A_935 : i32 to vector<16xi32>
        %shift_right_logical3A_937 = arith.shrui %get3A_843, %shift_right_logical3A_936 : vector<16xi32>
        %and3A_938 = arith.constant 1 : i32
        %and3A_939 = vector.broadcast %and3A_938 : i32 to vector<16xi32>
        %and3A_940 = arith.andi %shift_right_logical3A_937, %and3A_939 : vector<16xi32>
        %shift_right_logical3A_941 = arith.constant 20 : i32
        %shift_right_logical3A_942 = vector.broadcast %shift_right_logical3A_941 : i32 to vector<16xi32>
        %shift_right_logical3A_943 = arith.shrui %get3A_850, %shift_right_logical3A_942 : vector<16xi32>
        %and3A_944 = arith.constant 1 : i32
        %and3A_945 = vector.broadcast %and3A_944 : i32 to vector<16xi32>
        %and3A_946 = arith.andi %shift_right_logical3A_943, %and3A_945 : vector<16xi32>
        %shift_right_logical3A_947 = arith.constant 20 : i32
        %shift_right_logical3A_948 = vector.broadcast %shift_right_logical3A_947 : i32 to vector<16xi32>
        %shift_right_logical3A_949 = arith.shrui %get3A_857, %shift_right_logical3A_948 : vector<16xi32>
        %and3A_950 = arith.constant 1 : i32
        %and3A_951 = vector.broadcast %and3A_950 : i32 to vector<16xi32>
        %and3A_952 = arith.andi %shift_right_logical3A_949, %and3A_951 : vector<16xi32>
        %and3A_953 = arith.constant 1048575 : i32
        %and3A_954 = vector.broadcast %and3A_953 : i32 to vector<16xi32>
        %and3A_955 = arith.andi %get3A_752, %and3A_954 : vector<16xi32>
        %and3A_956 = arith.constant 1048575 : i32
        %and3A_957 = vector.broadcast %and3A_956 : i32 to vector<16xi32>
        %and3A_958 = arith.andi %get3A_759, %and3A_957 : vector<16xi32>
        %and3A_959 = arith.constant 1048575 : i32
        %and3A_960 = vector.broadcast %and3A_959 : i32 to vector<16xi32>
        %and3A_961 = arith.andi %get3A_766, %and3A_960 : vector<16xi32>
        %and3A_962 = arith.constant 1048575 : i32
        %and3A_963 = vector.broadcast %and3A_962 : i32 to vector<16xi32>
        %and3A_964 = arith.andi %get3A_773, %and3A_963 : vector<16xi32>
        %and3A_965 = arith.constant 1048575 : i32
        %and3A_966 = vector.broadcast %and3A_965 : i32 to vector<16xi32>
        %and3A_967 = arith.andi %get3A_780, %and3A_966 : vector<16xi32>
        %and3A_968 = arith.constant 1048575 : i32
        %and3A_969 = vector.broadcast %and3A_968 : i32 to vector<16xi32>
        %and3A_970 = arith.andi %get3A_787, %and3A_969 : vector<16xi32>
        %and3A_971 = arith.constant 1048575 : i32
        %and3A_972 = vector.broadcast %and3A_971 : i32 to vector<16xi32>
        %and3A_973 = arith.andi %get3A_794, %and3A_972 : vector<16xi32>
        %and3A_974 = arith.constant 1048575 : i32
        %and3A_975 = vector.broadcast %and3A_974 : i32 to vector<16xi32>
        %and3A_976 = arith.andi %get3A_801, %and3A_975 : vector<16xi32>
        %and3A_977 = arith.constant 1048575 : i32
        %and3A_978 = vector.broadcast %and3A_977 : i32 to vector<16xi32>
        %and3A_979 = arith.andi %get3A_808, %and3A_978 : vector<16xi32>
        %and3A_980 = arith.constant 1048575 : i32
        %and3A_981 = vector.broadcast %and3A_980 : i32 to vector<16xi32>
        %and3A_982 = arith.andi %get3A_815, %and3A_981 : vector<16xi32>
        %and3A_983 = arith.constant 1048575 : i32
        %and3A_984 = vector.broadcast %and3A_983 : i32 to vector<16xi32>
        %and3A_985 = arith.andi %get3A_822, %and3A_984 : vector<16xi32>
        %and3A_986 = arith.constant 1048575 : i32
        %and3A_987 = vector.broadcast %and3A_986 : i32 to vector<16xi32>
        %and3A_988 = arith.andi %get3A_829, %and3A_987 : vector<16xi32>
        %and3A_989 = arith.constant 1048575 : i32
        %and3A_990 = vector.broadcast %and3A_989 : i32 to vector<16xi32>
        %and3A_991 = arith.andi %get3A_836, %and3A_990 : vector<16xi32>
        %and3A_992 = arith.constant 1048575 : i32
        %and3A_993 = vector.broadcast %and3A_992 : i32 to vector<16xi32>
        %and3A_994 = arith.andi %get3A_843, %and3A_993 : vector<16xi32>
        %and3A_995 = arith.constant 1048575 : i32
        %and3A_996 = vector.broadcast %and3A_995 : i32 to vector<16xi32>
        %and3A_997 = arith.andi %get3A_850, %and3A_996 : vector<16xi32>
        %and3A_998 = arith.constant 1048575 : i32
        %and3A_999 = vector.broadcast %and3A_998 : i32 to vector<16xi32>
        %and3A_1000 = arith.andi %get3A_857, %and3A_999 : vector<16xi32>
        %shift_right_logical3A_1001 = arith.constant 21 : i32
        %shift_right_logical3A_1002 = vector.broadcast %shift_right_logical3A_1001 : i32 to vector<16xi32>
        %shift_right_logical3A_1003 = arith.shrui %get3A_752, %shift_right_logical3A_1002 : vector<16xi32>
        %shift_left3A = arith.constant 1 : i32
        %shift_left3A_1004 = vector.broadcast %shift_left3A : i32 to vector<16xi32>
        %shift_left3A_1005 = arith.shli %shift_left3A_1004, %shift_right_logical3A_1003 : vector<16xi32>
        %shift_right_logical3A_1006 = arith.constant 21 : i32
        %shift_right_logical3A_1007 = vector.broadcast %shift_right_logical3A_1006 : i32 to vector<16xi32>
        %shift_right_logical3A_1008 = arith.shrui %get3A_759, %shift_right_logical3A_1007 : vector<16xi32>
        %shift_left3A_1009 = arith.constant 1 : i32
        %shift_left3A_1010 = vector.broadcast %shift_left3A_1009 : i32 to vector<16xi32>
        %shift_left3A_1011 = arith.shli %shift_left3A_1010, %shift_right_logical3A_1008 : vector<16xi32>
        %shift_right_logical3A_1012 = arith.constant 21 : i32
        %shift_right_logical3A_1013 = vector.broadcast %shift_right_logical3A_1012 : i32 to vector<16xi32>
        %shift_right_logical3A_1014 = arith.shrui %get3A_766, %shift_right_logical3A_1013 : vector<16xi32>
        %shift_left3A_1015 = arith.constant 1 : i32
        %shift_left3A_1016 = vector.broadcast %shift_left3A_1015 : i32 to vector<16xi32>
        %shift_left3A_1017 = arith.shli %shift_left3A_1016, %shift_right_logical3A_1014 : vector<16xi32>
        %shift_right_logical3A_1018 = arith.constant 21 : i32
        %shift_right_logical3A_1019 = vector.broadcast %shift_right_logical3A_1018 : i32 to vector<16xi32>
        %shift_right_logical3A_1020 = arith.shrui %get3A_773, %shift_right_logical3A_1019 : vector<16xi32>
        %shift_left3A_1021 = arith.constant 1 : i32
        %shift_left3A_1022 = vector.broadcast %shift_left3A_1021 : i32 to vector<16xi32>
        %shift_left3A_1023 = arith.shli %shift_left3A_1022, %shift_right_logical3A_1020 : vector<16xi32>
        %shift_right_logical3A_1024 = arith.constant 21 : i32
        %shift_right_logical3A_1025 = vector.broadcast %shift_right_logical3A_1024 : i32 to vector<16xi32>
        %shift_right_logical3A_1026 = arith.shrui %get3A_780, %shift_right_logical3A_1025 : vector<16xi32>
        %shift_left3A_1027 = arith.constant 1 : i32
        %shift_left3A_1028 = vector.broadcast %shift_left3A_1027 : i32 to vector<16xi32>
        %shift_left3A_1029 = arith.shli %shift_left3A_1028, %shift_right_logical3A_1026 : vector<16xi32>
        %shift_right_logical3A_1030 = arith.constant 21 : i32
        %shift_right_logical3A_1031 = vector.broadcast %shift_right_logical3A_1030 : i32 to vector<16xi32>
        %shift_right_logical3A_1032 = arith.shrui %get3A_787, %shift_right_logical3A_1031 : vector<16xi32>
        %shift_left3A_1033 = arith.constant 1 : i32
        %shift_left3A_1034 = vector.broadcast %shift_left3A_1033 : i32 to vector<16xi32>
        %shift_left3A_1035 = arith.shli %shift_left3A_1034, %shift_right_logical3A_1032 : vector<16xi32>
        %shift_right_logical3A_1036 = arith.constant 21 : i32
        %shift_right_logical3A_1037 = vector.broadcast %shift_right_logical3A_1036 : i32 to vector<16xi32>
        %shift_right_logical3A_1038 = arith.shrui %get3A_794, %shift_right_logical3A_1037 : vector<16xi32>
        %shift_left3A_1039 = arith.constant 1 : i32
        %shift_left3A_1040 = vector.broadcast %shift_left3A_1039 : i32 to vector<16xi32>
        %shift_left3A_1041 = arith.shli %shift_left3A_1040, %shift_right_logical3A_1038 : vector<16xi32>
        %shift_right_logical3A_1042 = arith.constant 21 : i32
        %shift_right_logical3A_1043 = vector.broadcast %shift_right_logical3A_1042 : i32 to vector<16xi32>
        %shift_right_logical3A_1044 = arith.shrui %get3A_801, %shift_right_logical3A_1043 : vector<16xi32>
        %shift_left3A_1045 = arith.constant 1 : i32
        %shift_left3A_1046 = vector.broadcast %shift_left3A_1045 : i32 to vector<16xi32>
        %shift_left3A_1047 = arith.shli %shift_left3A_1046, %shift_right_logical3A_1044 : vector<16xi32>
        %shift_right_logical3A_1048 = arith.constant 21 : i32
        %shift_right_logical3A_1049 = vector.broadcast %shift_right_logical3A_1048 : i32 to vector<16xi32>
        %shift_right_logical3A_1050 = arith.shrui %get3A_808, %shift_right_logical3A_1049 : vector<16xi32>
        %shift_left3A_1051 = arith.constant 1 : i32
        %shift_left3A_1052 = vector.broadcast %shift_left3A_1051 : i32 to vector<16xi32>
        %shift_left3A_1053 = arith.shli %shift_left3A_1052, %shift_right_logical3A_1050 : vector<16xi32>
        %shift_right_logical3A_1054 = arith.constant 21 : i32
        %shift_right_logical3A_1055 = vector.broadcast %shift_right_logical3A_1054 : i32 to vector<16xi32>
        %shift_right_logical3A_1056 = arith.shrui %get3A_815, %shift_right_logical3A_1055 : vector<16xi32>
        %shift_left3A_1057 = arith.constant 1 : i32
        %shift_left3A_1058 = vector.broadcast %shift_left3A_1057 : i32 to vector<16xi32>
        %shift_left3A_1059 = arith.shli %shift_left3A_1058, %shift_right_logical3A_1056 : vector<16xi32>
        %shift_right_logical3A_1060 = arith.constant 21 : i32
        %shift_right_logical3A_1061 = vector.broadcast %shift_right_logical3A_1060 : i32 to vector<16xi32>
        %shift_right_logical3A_1062 = arith.shrui %get3A_822, %shift_right_logical3A_1061 : vector<16xi32>
        %shift_left3A_1063 = arith.constant 1 : i32
        %shift_left3A_1064 = vector.broadcast %shift_left3A_1063 : i32 to vector<16xi32>
        %shift_left3A_1065 = arith.shli %shift_left3A_1064, %shift_right_logical3A_1062 : vector<16xi32>
        %shift_right_logical3A_1066 = arith.constant 21 : i32
        %shift_right_logical3A_1067 = vector.broadcast %shift_right_logical3A_1066 : i32 to vector<16xi32>
        %shift_right_logical3A_1068 = arith.shrui %get3A_829, %shift_right_logical3A_1067 : vector<16xi32>
        %shift_left3A_1069 = arith.constant 1 : i32
        %shift_left3A_1070 = vector.broadcast %shift_left3A_1069 : i32 to vector<16xi32>
        %shift_left3A_1071 = arith.shli %shift_left3A_1070, %shift_right_logical3A_1068 : vector<16xi32>
        %shift_right_logical3A_1072 = arith.constant 21 : i32
        %shift_right_logical3A_1073 = vector.broadcast %shift_right_logical3A_1072 : i32 to vector<16xi32>
        %shift_right_logical3A_1074 = arith.shrui %get3A_836, %shift_right_logical3A_1073 : vector<16xi32>
        %shift_left3A_1075 = arith.constant 1 : i32
        %shift_left3A_1076 = vector.broadcast %shift_left3A_1075 : i32 to vector<16xi32>
        %shift_left3A_1077 = arith.shli %shift_left3A_1076, %shift_right_logical3A_1074 : vector<16xi32>
        %shift_right_logical3A_1078 = arith.constant 21 : i32
        %shift_right_logical3A_1079 = vector.broadcast %shift_right_logical3A_1078 : i32 to vector<16xi32>
        %shift_right_logical3A_1080 = arith.shrui %get3A_843, %shift_right_logical3A_1079 : vector<16xi32>
        %shift_left3A_1081 = arith.constant 1 : i32
        %shift_left3A_1082 = vector.broadcast %shift_left3A_1081 : i32 to vector<16xi32>
        %shift_left3A_1083 = arith.shli %shift_left3A_1082, %shift_right_logical3A_1080 : vector<16xi32>
        %shift_right_logical3A_1084 = arith.constant 21 : i32
        %shift_right_logical3A_1085 = vector.broadcast %shift_right_logical3A_1084 : i32 to vector<16xi32>
        %shift_right_logical3A_1086 = arith.shrui %get3A_850, %shift_right_logical3A_1085 : vector<16xi32>
        %shift_left3A_1087 = arith.constant 1 : i32
        %shift_left3A_1088 = vector.broadcast %shift_left3A_1087 : i32 to vector<16xi32>
        %shift_left3A_1089 = arith.shli %shift_left3A_1088, %shift_right_logical3A_1086 : vector<16xi32>
        %shift_right_logical3A_1090 = arith.constant 21 : i32
        %shift_right_logical3A_1091 = vector.broadcast %shift_right_logical3A_1090 : i32 to vector<16xi32>
        %shift_right_logical3A_1092 = arith.shrui %get3A_857, %shift_right_logical3A_1091 : vector<16xi32>
        %shift_left3A_1093 = arith.constant 1 : i32
        %shift_left3A_1094 = vector.broadcast %shift_left3A_1093 : i32 to vector<16xi32>
        %shift_left3A_1095 = arith.shli %shift_left3A_1094, %shift_right_logical3A_1092 : vector<16xi32>
        %eq3A = vector.broadcast %arg0 : i32 to vector<16xi32>
        %eq3A_1096 = arith.cmpi eq, %and3A_862, %eq3A : vector<16xi32>
        %add3A_1097 = arith.constant 0 : i32
        %add3A_1098 = vector.broadcast %add3A_1097 : i32 to vector<16xi32>
        %add3A_1099 = arith.addi %add3A_746, %add3A_1098 : vector<16xi32>
        %select_n3A = arith.select %eq3A_1096, %and3A_955, %add3A_1099 : vector<16xi1>, vector<16xi32>
        %eq3A_1100 = vector.broadcast %arg0 : i32 to vector<16xi32>
        %eq3A_1101 = arith.cmpi eq, %and3A_868, %eq3A_1100 : vector<16xi32>
        %add3A_1102 = arith.constant 16 : i32
        %add3A_1103 = vector.broadcast %add3A_1102 : i32 to vector<16xi32>
        %add3A_1104 = arith.addi %add3A_746, %add3A_1103 : vector<16xi32>
        %select_n3A_1105 = arith.select %eq3A_1101, %and3A_958, %add3A_1104 : vector<16xi1>, vector<16xi32>
        %eq3A_1106 = vector.broadcast %arg0 : i32 to vector<16xi32>
        %eq3A_1107 = arith.cmpi eq, %and3A_874, %eq3A_1106 : vector<16xi32>
        %add3A_1108 = arith.constant 32 : i32
        %add3A_1109 = vector.broadcast %add3A_1108 : i32 to vector<16xi32>
        %add3A_1110 = arith.addi %add3A_746, %add3A_1109 : vector<16xi32>
        %select_n3A_1111 = arith.select %eq3A_1107, %and3A_961, %add3A_1110 : vector<16xi1>, vector<16xi32>
        %eq3A_1112 = vector.broadcast %arg0 : i32 to vector<16xi32>
        %eq3A_1113 = arith.cmpi eq, %and3A_880, %eq3A_1112 : vector<16xi32>
        %add3A_1114 = arith.constant 48 : i32
        %add3A_1115 = vector.broadcast %add3A_1114 : i32 to vector<16xi32>
        %add3A_1116 = arith.addi %add3A_746, %add3A_1115 : vector<16xi32>
        %select_n3A_1117 = arith.select %eq3A_1113, %and3A_964, %add3A_1116 : vector<16xi1>, vector<16xi32>
        %eq3A_1118 = vector.broadcast %arg0 : i32 to vector<16xi32>
        %eq3A_1119 = arith.cmpi eq, %and3A_886, %eq3A_1118 : vector<16xi32>
        %add3A_1120 = arith.constant 64 : i32
        %add3A_1121 = vector.broadcast %add3A_1120 : i32 to vector<16xi32>
        %add3A_1122 = arith.addi %add3A_746, %add3A_1121 : vector<16xi32>
        %select_n3A_1123 = arith.select %eq3A_1119, %and3A_967, %add3A_1122 : vector<16xi1>, vector<16xi32>
        %eq3A_1124 = vector.broadcast %arg0 : i32 to vector<16xi32>
        %eq3A_1125 = arith.cmpi eq, %and3A_892, %eq3A_1124 : vector<16xi32>
        %add3A_1126 = arith.constant 80 : i32
        %add3A_1127 = vector.broadcast %add3A_1126 : i32 to vector<16xi32>
        %add3A_1128 = arith.addi %add3A_746, %add3A_1127 : vector<16xi32>
        %select_n3A_1129 = arith.select %eq3A_1125, %and3A_970, %add3A_1128 : vector<16xi1>, vector<16xi32>
        %eq3A_1130 = vector.broadcast %arg0 : i32 to vector<16xi32>
        %eq3A_1131 = arith.cmpi eq, %and3A_898, %eq3A_1130 : vector<16xi32>
        %add3A_1132 = arith.constant 96 : i32
        %add3A_1133 = vector.broadcast %add3A_1132 : i32 to vector<16xi32>
        %add3A_1134 = arith.addi %add3A_746, %add3A_1133 : vector<16xi32>
        %select_n3A_1135 = arith.select %eq3A_1131, %and3A_973, %add3A_1134 : vector<16xi1>, vector<16xi32>
        %eq3A_1136 = vector.broadcast %arg0 : i32 to vector<16xi32>
        %eq3A_1137 = arith.cmpi eq, %and3A_904, %eq3A_1136 : vector<16xi32>
        %add3A_1138 = arith.constant 112 : i32
        %add3A_1139 = vector.broadcast %add3A_1138 : i32 to vector<16xi32>
        %add3A_1140 = arith.addi %add3A_746, %add3A_1139 : vector<16xi32>
        %select_n3A_1141 = arith.select %eq3A_1137, %and3A_976, %add3A_1140 : vector<16xi1>, vector<16xi32>
        %eq3A_1142 = vector.broadcast %arg0 : i32 to vector<16xi32>
        %eq3A_1143 = arith.cmpi eq, %and3A_910, %eq3A_1142 : vector<16xi32>
        %add3A_1144 = arith.constant 128 : i32
        %add3A_1145 = vector.broadcast %add3A_1144 : i32 to vector<16xi32>
        %add3A_1146 = arith.addi %add3A_746, %add3A_1145 : vector<16xi32>
        %select_n3A_1147 = arith.select %eq3A_1143, %and3A_979, %add3A_1146 : vector<16xi1>, vector<16xi32>
        %eq3A_1148 = vector.broadcast %arg0 : i32 to vector<16xi32>
        %eq3A_1149 = arith.cmpi eq, %and3A_916, %eq3A_1148 : vector<16xi32>
        %add3A_1150 = arith.constant 144 : i32
        %add3A_1151 = vector.broadcast %add3A_1150 : i32 to vector<16xi32>
        %add3A_1152 = arith.addi %add3A_746, %add3A_1151 : vector<16xi32>
        %select_n3A_1153 = arith.select %eq3A_1149, %and3A_982, %add3A_1152 : vector<16xi1>, vector<16xi32>
        %eq3A_1154 = vector.broadcast %arg0 : i32 to vector<16xi32>
        %eq3A_1155 = arith.cmpi eq, %and3A_922, %eq3A_1154 : vector<16xi32>
        %add3A_1156 = arith.constant 160 : i32
        %add3A_1157 = vector.broadcast %add3A_1156 : i32 to vector<16xi32>
        %add3A_1158 = arith.addi %add3A_746, %add3A_1157 : vector<16xi32>
        %select_n3A_1159 = arith.select %eq3A_1155, %and3A_985, %add3A_1158 : vector<16xi1>, vector<16xi32>
        %eq3A_1160 = vector.broadcast %arg0 : i32 to vector<16xi32>
        %eq3A_1161 = arith.cmpi eq, %and3A_928, %eq3A_1160 : vector<16xi32>
        %add3A_1162 = arith.constant 176 : i32
        %add3A_1163 = vector.broadcast %add3A_1162 : i32 to vector<16xi32>
        %add3A_1164 = arith.addi %add3A_746, %add3A_1163 : vector<16xi32>
        %select_n3A_1165 = arith.select %eq3A_1161, %and3A_988, %add3A_1164 : vector<16xi1>, vector<16xi32>
        %eq3A_1166 = vector.broadcast %arg0 : i32 to vector<16xi32>
        %eq3A_1167 = arith.cmpi eq, %and3A_934, %eq3A_1166 : vector<16xi32>
        %add3A_1168 = arith.constant 192 : i32
        %add3A_1169 = vector.broadcast %add3A_1168 : i32 to vector<16xi32>
        %add3A_1170 = arith.addi %add3A_746, %add3A_1169 : vector<16xi32>
        %select_n3A_1171 = arith.select %eq3A_1167, %and3A_991, %add3A_1170 : vector<16xi1>, vector<16xi32>
        %eq3A_1172 = vector.broadcast %arg0 : i32 to vector<16xi32>
        %eq3A_1173 = arith.cmpi eq, %and3A_940, %eq3A_1172 : vector<16xi32>
        %add3A_1174 = arith.constant 208 : i32
        %add3A_1175 = vector.broadcast %add3A_1174 : i32 to vector<16xi32>
        %add3A_1176 = arith.addi %add3A_746, %add3A_1175 : vector<16xi32>
        %select_n3A_1177 = arith.select %eq3A_1173, %and3A_994, %add3A_1176 : vector<16xi1>, vector<16xi32>
        %eq3A_1178 = vector.broadcast %arg0 : i32 to vector<16xi32>
        %eq3A_1179 = arith.cmpi eq, %and3A_946, %eq3A_1178 : vector<16xi32>
        %add3A_1180 = arith.constant 224 : i32
        %add3A_1181 = vector.broadcast %add3A_1180 : i32 to vector<16xi32>
        %add3A_1182 = arith.addi %add3A_746, %add3A_1181 : vector<16xi32>
        %select_n3A_1183 = arith.select %eq3A_1179, %and3A_997, %add3A_1182 : vector<16xi1>, vector<16xi32>
        %eq3A_1184 = vector.broadcast %arg0 : i32 to vector<16xi32>
        %eq3A_1185 = arith.cmpi eq, %and3A_952, %eq3A_1184 : vector<16xi32>
        %add3A_1186 = arith.constant 240 : i32
        %add3A_1187 = vector.broadcast %add3A_1186 : i32 to vector<16xi32>
        %add3A_1188 = arith.addi %add3A_746, %add3A_1187 : vector<16xi32>
        %select_n3A_1189 = arith.select %eq3A_1185, %and3A_1000, %add3A_1188 : vector<16xi1>, vector<16xi32>
        %mul3A_1190 = arith.constant 2 : i32
        %mul3A_1191 = arith.muli %mul3A_1190, %scan3A_741 : i32
        %add3A_1192 = arith.constant 0 : i32
        %add3A_1193 = arith.addi %mul3A_1191, %add3A_1192 : i32
        %swap3A = arith.index_cast %add3A_1193 : i32 to index
        %swap3A_1194 = arith.constant 0 : index
        %swap3A_1195 = tpu.vector_load %arg8[%swap3A, %swap3A_1194] {strides = array<i32>} : memref<16x128xi32, #tpu.memory_space<vmem>>, vector<1x16xi32>,
        %swap3A_1196 = vector.shape_cast %swap3A_1195 : vector<1x16xi32> to vector<16xi32>
        %swap3A_1197 = vector.shape_cast %select_n3A : vector<16xi32> to vector<1x16xi32>
        tpu.vector_store %arg8[%swap3A, %swap3A_1194], %swap3A_1197 {strides = array<i32>} : memref<16x128xi32, #tpu.memory_space<vmem>>, vector<1x16xi32>,
        %mul3A_1198 = arith.constant 2 : i32
        %mul3A_1199 = arith.muli %mul3A_1198, %scan3A_741 : i32
        %add3A_1200 = arith.constant 0 : i32
        %add3A_1201 = arith.addi %mul3A_1199, %add3A_1200 : i32
        %swap3A_1202 = arith.index_cast %add3A_1201 : i32 to index
        %swap3A_1203 = arith.constant 16 : index
        %swap3A_1204 = tpu.vector_load %arg8[%swap3A_1202, %swap3A_1203] {strides = array<i32>} : memref<16x128xi32, #tpu.memory_space<vmem>>, vector<1x16xi32>,
        %swap3A_1205 = vector.shape_cast %swap3A_1204 : vector<1x16xi32> to vector<16xi32>
        %swap3A_1206 = vector.shape_cast %select_n3A_1105 : vector<16xi32> to vector<1x16xi32>
        tpu.vector_store %arg8[%swap3A_1202, %swap3A_1203], %swap3A_1206 {strides = array<i32>} : memref<16x128xi32, #tpu.memory_space<vmem>>, vector<1x16xi32>,
        %mul3A_1207 = arith.constant 2 : i32
        %mul3A_1208 = arith.muli %mul3A_1207, %scan3A_741 : i32
        %add3A_1209 = arith.constant 0 : i32
        %add3A_1210 = arith.addi %mul3A_1208, %add3A_1209 : i32
        %swap3A_1211 = arith.index_cast %add3A_1210 : i32 to index
        %swap3A_1212 = arith.constant 32 : index
        %swap3A_1213 = tpu.vector_load %arg8[%swap3A_1211, %swap3A_1212] {strides = array<i32>} : memref<16x128xi32, #tpu.memory_space<vmem>>, vector<1x16xi32>,
        %swap3A_1214 = vector.shape_cast %swap3A_1213 : vector<1x16xi32> to vector<16xi32>
        %swap3A_1215 = vector.shape_cast %select_n3A_1111 : vector<16xi32> to vector<1x16xi32>
        tpu.vector_store %arg8[%swap3A_1211, %swap3A_1212], %swap3A_1215 {strides = array<i32>} : memref<16x128xi32, #tpu.memory_space<vmem>>, vector<1x16xi32>,
        %mul3A_1216 = arith.constant 2 : i32
        %mul3A_1217 = arith.muli %mul3A_1216, %scan3A_741 : i32
        %add3A_1218 = arith.constant 0 : i32
        %add3A_1219 = arith.addi %mul3A_1217, %add3A_1218 : i32
        %swap3A_1220 = arith.index_cast %add3A_1219 : i32 to index
        %swap3A_1221 = arith.constant 48 : index
        %swap3A_1222 = tpu.vector_load %arg8[%swap3A_1220, %swap3A_1221] {strides = array<i32>} : memref<16x128xi32, #tpu.memory_space<vmem>>, vector<1x16xi32>,
        %swap3A_1223 = vector.shape_cast %swap3A_1222 : vector<1x16xi32> to vector<16xi32>
        %swap3A_1224 = vector.shape_cast %select_n3A_1117 : vector<16xi32> to vector<1x16xi32>
        tpu.vector_store %arg8[%swap3A_1220, %swap3A_1221], %swap3A_1224 {strides = array<i32>} : memref<16x128xi32, #tpu.memory_space<vmem>>, vector<1x16xi32>,
        %mul3A_1225 = arith.constant 2 : i32
        %mul3A_1226 = arith.muli %mul3A_1225, %scan3A_741 : i32
        %add3A_1227 = arith.constant 0 : i32
        %add3A_1228 = arith.addi %mul3A_1226, %add3A_1227 : i32
        %swap3A_1229 = arith.index_cast %add3A_1228 : i32 to index
        %swap3A_1230 = arith.constant 64 : index
        %swap3A_1231 = tpu.vector_load %arg8[%swap3A_1229, %swap3A_1230] {strides = array<i32>} : memref<16x128xi32, #tpu.memory_space<vmem>>, vector<1x16xi32>,
        %swap3A_1232 = vector.shape_cast %swap3A_1231 : vector<1x16xi32> to vector<16xi32>
        %swap3A_1233 = vector.shape_cast %select_n3A_1123 : vector<16xi32> to vector<1x16xi32>
        tpu.vector_store %arg8[%swap3A_1229, %swap3A_1230], %swap3A_1233 {strides = array<i32>} : memref<16x128xi32, #tpu.memory_space<vmem>>, vector<1x16xi32>,
        %mul3A_1234 = arith.constant 2 : i32
        %mul3A_1235 = arith.muli %mul3A_1234, %scan3A_741 : i32
        %add3A_1236 = arith.constant 0 : i32
        %add3A_1237 = arith.addi %mul3A_1235, %add3A_1236 : i32
        %swap3A_1238 = arith.index_cast %add3A_1237 : i32 to index
        %swap3A_1239 = arith.constant 80 : index
        %swap3A_1240 = tpu.vector_load %arg8[%swap3A_1238, %swap3A_1239] {strides = array<i32>} : memref<16x128xi32, #tpu.memory_space<vmem>>, vector<1x16xi32>,
        %swap3A_1241 = vector.shape_cast %swap3A_1240 : vector<1x16xi32> to vector<16xi32>
        %swap3A_1242 = vector.shape_cast %select_n3A_1129 : vector<16xi32> to vector<1x16xi32>
        tpu.vector_store %arg8[%swap3A_1238, %swap3A_1239], %swap3A_1242 {strides = array<i32>} : memref<16x128xi32, #tpu.memory_space<vmem>>, vector<1x16xi32>,
        %mul3A_1243 = arith.constant 2 : i32
        %mul3A_1244 = arith.muli %mul3A_1243, %scan3A_741 : i32
        %add3A_1245 = arith.constant 0 : i32
        %add3A_1246 = arith.addi %mul3A_1244, %add3A_1245 : i32
        %swap3A_1247 = arith.index_cast %add3A_1246 : i32 to index
        %swap3A_1248 = arith.constant 96 : index
        %swap3A_1249 = tpu.vector_load %arg8[%swap3A_1247, %swap3A_1248] {strides = array<i32>} : memref<16x128xi32, #tpu.memory_space<vmem>>, vector<1x16xi32>,
        %swap3A_1250 = vector.shape_cast %swap3A_1249 : vector<1x16xi32> to vector<16xi32>
        %swap3A_1251 = vector.shape_cast %select_n3A_1135 : vector<16xi32> to vector<1x16xi32>
        tpu.vector_store %arg8[%swap3A_1247, %swap3A_1248], %swap3A_1251 {strides = array<i32>} : memref<16x128xi32, #tpu.memory_space<vmem>>, vector<1x16xi32>,
        %mul3A_1252 = arith.constant 2 : i32
        %mul3A_1253 = arith.muli %mul3A_1252, %scan3A_741 : i32
        %add3A_1254 = arith.constant 0 : i32
        %add3A_1255 = arith.addi %mul3A_1253, %add3A_1254 : i32
        %swap3A_1256 = arith.index_cast %add3A_1255 : i32 to index
        %swap3A_1257 = arith.constant 112 : index
        %swap3A_1258 = tpu.vector_load %arg8[%swap3A_1256, %swap3A_1257] {strides = array<i32>} : memref<16x128xi32, #tpu.memory_space<vmem>>, vector<1x16xi32>,
        %swap3A_1259 = vector.shape_cast %swap3A_1258 : vector<1x16xi32> to vector<16xi32>
        %swap3A_1260 = vector.shape_cast %select_n3A_1141 : vector<16xi32> to vector<1x16xi32>
        tpu.vector_store %arg8[%swap3A_1256, %swap3A_1257], %swap3A_1260 {strides = array<i32>} : memref<16x128xi32, #tpu.memory_space<vmem>>, vector<1x16xi32>,
        %mul3A_1261 = arith.constant 2 : i32
        %mul3A_1262 = arith.muli %mul3A_1261, %scan3A_741 : i32
        %add3A_1263 = arith.constant 1 : i32
        %add3A_1264 = arith.addi %mul3A_1262, %add3A_1263 : i32
        %swap3A_1265 = arith.index_cast %add3A_1264 : i32 to index
        %swap3A_1266 = arith.constant 0 : index
        %swap3A_1267 = tpu.vector_load %arg8[%swap3A_1265, %swap3A_1266] {strides = array<i32>} : memref<16x128xi32, #tpu.memory_space<vmem>>, vector<1x16xi32>,
        %swap3A_1268 = vector.shape_cast %swap3A_1267 : vector<1x16xi32> to vector<16xi32>
        %swap3A_1269 = vector.shape_cast %select_n3A_1147 : vector<16xi32> to vector<1x16xi32>
        tpu.vector_store %arg8[%swap3A_1265, %swap3A_1266], %swap3A_1269 {strides = array<i32>} : memref<16x128xi32, #tpu.memory_space<vmem>>, vector<1x16xi32>,
        %mul3A_1270 = arith.constant 2 : i32
        %mul3A_1271 = arith.muli %mul3A_1270, %scan3A_741 : i32
        %add3A_1272 = arith.constant 1 : i32
        %add3A_1273 = arith.addi %mul3A_1271, %add3A_1272 : i32
        %swap3A_1274 = arith.index_cast %add3A_1273 : i32 to index
        %swap3A_1275 = arith.constant 16 : index
        %swap3A_1276 = tpu.vector_load %arg8[%swap3A_1274, %swap3A_1275] {strides = array<i32>} : memref<16x128xi32, #tpu.memory_space<vmem>>, vector<1x16xi32>,
        %swap3A_1277 = vector.shape_cast %swap3A_1276 : vector<1x16xi32> to vector<16xi32>
        %swap3A_1278 = vector.shape_cast %select_n3A_1153 : vector<16xi32> to vector<1x16xi32>
        tpu.vector_store %arg8[%swap3A_1274, %swap3A_1275], %swap3A_1278 {strides = array<i32>} : memref<16x128xi32, #tpu.memory_space<vmem>>, vector<1x16xi32>,
        %mul3A_1279 = arith.constant 2 : i32
        %mul3A_1280 = arith.muli %mul3A_1279, %scan3A_741 : i32
        %add3A_1281 = arith.constant 1 : i32
        %add3A_1282 = arith.addi %mul3A_1280, %add3A_1281 : i32
        %swap3A_1283 = arith.index_cast %add3A_1282 : i32 to index
        %swap3A_1284 = arith.constant 32 : index
        %swap3A_1285 = tpu.vector_load %arg8[%swap3A_1283, %swap3A_1284] {strides = array<i32>} : memref<16x128xi32, #tpu.memory_space<vmem>>, vector<1x16xi32>,
        %swap3A_1286 = vector.shape_cast %swap3A_1285 : vector<1x16xi32> to vector<16xi32>
        %swap3A_1287 = vector.shape_cast %select_n3A_1159 : vector<16xi32> to vector<1x16xi32>
        tpu.vector_store %arg8[%swap3A_1283, %swap3A_1284], %swap3A_1287 {strides = array<i32>} : memref<16x128xi32, #tpu.memory_space<vmem>>, vector<1x16xi32>,
        %mul3A_1288 = arith.constant 2 : i32
        %mul3A_1289 = arith.muli %mul3A_1288, %scan3A_741 : i32
        %add3A_1290 = arith.constant 1 : i32
        %add3A_1291 = arith.addi %mul3A_1289, %add3A_1290 : i32
        %swap3A_1292 = arith.index_cast %add3A_1291 : i32 to index
        %swap3A_1293 = arith.constant 48 : index
        %swap3A_1294 = tpu.vector_load %arg8[%swap3A_1292, %swap3A_1293] {strides = array<i32>} : memref<16x128xi32, #tpu.memory_space<vmem>>, vector<1x16xi32>,
        %swap3A_1295 = vector.shape_cast %swap3A_1294 : vector<1x16xi32> to vector<16xi32>
        %swap3A_1296 = vector.shape_cast %select_n3A_1165 : vector<16xi32> to vector<1x16xi32>
        tpu.vector_store %arg8[%swap3A_1292, %swap3A_1293], %swap3A_1296 {strides = array<i32>} : memref<16x128xi32, #tpu.memory_space<vmem>>, vector<1x16xi32>,
        %mul3A_1297 = arith.constant 2 : i32
        %mul3A_1298 = arith.muli %mul3A_1297, %scan3A_741 : i32
        %add3A_1299 = arith.constant 1 : i32
        %add3A_1300 = arith.addi %mul3A_1298, %add3A_1299 : i32
        %swap3A_1301 = arith.index_cast %add3A_1300 : i32 to index
        %swap3A_1302 = arith.constant 64 : index
        %swap3A_1303 = tpu.vector_load %arg8[%swap3A_1301, %swap3A_1302] {strides = array<i32>} : memref<16x128xi32, #tpu.memory_space<vmem>>, vector<1x16xi32>,
        %swap3A_1304 = vector.shape_cast %swap3A_1303 : vector<1x16xi32> to vector<16xi32>
        %swap3A_1305 = vector.shape_cast %select_n3A_1171 : vector<16xi32> to vector<1x16xi32>
        tpu.vector_store %arg8[%swap3A_1301, %swap3A_1302], %swap3A_1305 {strides = array<i32>} : memref<16x128xi32, #tpu.memory_space<vmem>>, vector<1x16xi32>,
        %mul3A_1306 = arith.constant 2 : i32
        %mul3A_1307 = arith.muli %mul3A_1306, %scan3A_741 : i32
        %add3A_1308 = arith.constant 1 : i32
        %add3A_1309 = arith.addi %mul3A_1307, %add3A_1308 : i32
        %swap3A_1310 = arith.index_cast %add3A_1309 : i32 to index
        %swap3A_1311 = arith.constant 80 : index
        %swap3A_1312 = tpu.vector_load %arg8[%swap3A_1310, %swap3A_1311] {strides = array<i32>} : memref<16x128xi32, #tpu.memory_space<vmem>>, vector<1x16xi32>,
        %swap3A_1313 = vector.shape_cast %swap3A_1312 : vector<1x16xi32> to vector<16xi32>
        %swap3A_1314 = vector.shape_cast %select_n3A_1177 : vector<16xi32> to vector<1x16xi32>
        tpu.vector_store %arg8[%swap3A_1310, %swap3A_1311], %swap3A_1314 {strides = array<i32>} : memref<16x128xi32, #tpu.memory_space<vmem>>, vector<1x16xi32>,
        %mul3A_1315 = arith.constant 2 : i32
        %mul3A_1316 = arith.muli %mul3A_1315, %scan3A_741 : i32
        %add3A_1317 = arith.constant 1 : i32
        %add3A_1318 = arith.addi %mul3A_1316, %add3A_1317 : i32
        %swap3A_1319 = arith.index_cast %add3A_1318 : i32 to index
        %swap3A_1320 = arith.constant 96 : index
        %swap3A_1321 = tpu.vector_load %arg8[%swap3A_1319, %swap3A_1320] {strides = array<i32>} : memref<16x128xi32, #tpu.memory_space<vmem>>, vector<1x16xi32>,
        %swap3A_1322 = vector.shape_cast %swap3A_1321 : vector<1x16xi32> to vector<16xi32>
        %swap3A_1323 = vector.shape_cast %select_n3A_1183 : vector<16xi32> to vector<1x16xi32>
        tpu.vector_store %arg8[%swap3A_1319, %swap3A_1320], %swap3A_1323 {strides = array<i32>} : memref<16x128xi32, #tpu.memory_space<vmem>>, vector<1x16xi32>,
        %mul3A_1324 = arith.constant 2 : i32
        %mul3A_1325 = arith.muli %mul3A_1324, %scan3A_741 : i32
        %add3A_1326 = arith.constant 1 : i32
        %add3A_1327 = arith.addi %mul3A_1325, %add3A_1326 : i32
        %swap3A_1328 = arith.index_cast %add3A_1327 : i32 to index
        %swap3A_1329 = arith.constant 112 : index
        %swap3A_1330 = tpu.vector_load %arg8[%swap3A_1328, %swap3A_1329] {strides = array<i32>} : memref<16x128xi32, #tpu.memory_space<vmem>>, vector<1x16xi32>,
        %swap3A_1331 = vector.shape_cast %swap3A_1330 : vector<1x16xi32> to vector<16xi32>
        %swap3A_1332 = vector.shape_cast %select_n3A_1189 : vector<16xi32> to vector<1x16xi32>
        tpu.vector_store %arg8[%swap3A_1328, %swap3A_1329], %swap3A_1332 {strides = array<i32>} : memref<16x128xi32, #tpu.memory_space<vmem>>, vector<1x16xi32>,
        %mul3A_1333 = arith.constant 2 : i32
        %mul3A_1334 = arith.muli %mul3A_1333, %scan3A_741 : i32
        %add3A_1335 = arith.constant 0 : i32
        %add3A_1336 = arith.addi %mul3A_1334, %add3A_1335 : i32
        %swap3A_1337 = arith.index_cast %add3A_1336 : i32 to index
        %swap3A_1338 = arith.constant 0 : index
        %swap3A_1339 = tpu.vector_load %arg10[%swap3A_1337, %swap3A_1338] {strides = array<i32>} : memref<16x128xi32, #tpu.memory_space<vmem>>, vector<1x16xi32>,
        %swap3A_1340 = vector.shape_cast %swap3A_1339 : vector<1x16xi32> to vector<16xi32>
        %swap3A_1341 = vector.shape_cast %shift_left3A_1005 : vector<16xi32> to vector<1x16xi32>
        tpu.vector_store %arg10[%swap3A_1337, %swap3A_1338], %swap3A_1341 {strides = array<i32>} : memref<16x128xi32, #tpu.memory_space<vmem>>, vector<1x16xi32>,
        %mul3A_1342 = arith.constant 2 : i32
        %mul3A_1343 = arith.muli %mul3A_1342, %scan3A_741 : i32
        %add3A_1344 = arith.constant 0 : i32
        %add3A_1345 = arith.addi %mul3A_1343, %add3A_1344 : i32
        %swap3A_1346 = arith.index_cast %add3A_1345 : i32 to index
        %swap3A_1347 = arith.constant 16 : index
        %swap3A_1348 = tpu.vector_load %arg10[%swap3A_1346, %swap3A_1347] {strides = array<i32>} : memref<16x128xi32, #tpu.memory_space<vmem>>, vector<1x16xi32>,
        %swap3A_1349 = vector.shape_cast %swap3A_1348 : vector<1x16xi32> to vector<16xi32>
        %swap3A_1350 = vector.shape_cast %shift_left3A_1011 : vector<16xi32> to vector<1x16xi32>
        tpu.vector_store %arg10[%swap3A_1346, %swap3A_1347], %swap3A_1350 {strides = array<i32>} : memref<16x128xi32, #tpu.memory_space<vmem>>, vector<1x16xi32>,
        %mul3A_1351 = arith.constant 2 : i32
        %mul3A_1352 = arith.muli %mul3A_1351, %scan3A_741 : i32
        %add3A_1353 = arith.constant 0 : i32
        %add3A_1354 = arith.addi %mul3A_1352, %add3A_1353 : i32
        %swap3A_1355 = arith.index_cast %add3A_1354 : i32 to index
        %swap3A_1356 = arith.constant 32 : index
        %swap3A_1357 = tpu.vector_load %arg10[%swap3A_1355, %swap3A_1356] {strides = array<i32>} : memref<16x128xi32, #tpu.memory_space<vmem>>, vector<1x16xi32>,
        %swap3A_1358 = vector.shape_cast %swap3A_1357 : vector<1x16xi32> to vector<16xi32>
        %swap3A_1359 = vector.shape_cast %shift_left3A_1017 : vector<16xi32> to vector<1x16xi32>
        tpu.vector_store %arg10[%swap3A_1355, %swap3A_1356], %swap3A_1359 {strides = array<i32>} : memref<16x128xi32, #tpu.memory_space<vmem>>, vector<1x16xi32>,
        %mul3A_1360 = arith.constant 2 : i32
        %mul3A_1361 = arith.muli %mul3A_1360, %scan3A_741 : i32
        %add3A_1362 = arith.constant 0 : i32
        %add3A_1363 = arith.addi %mul3A_1361, %add3A_1362 : i32
        %swap3A_1364 = arith.index_cast %add3A_1363 : i32 to index
        %swap3A_1365 = arith.constant 48 : index
        %swap3A_1366 = tpu.vector_load %arg10[%swap3A_1364, %swap3A_1365] {strides = array<i32>} : memref<16x128xi32, #tpu.memory_space<vmem>>, vector<1x16xi32>,
        %swap3A_1367 = vector.shape_cast %swap3A_1366 : vector<1x16xi32> to vector<16xi32>
        %swap3A_1368 = vector.shape_cast %shift_left3A_1023 : vector<16xi32> to vector<1x16xi32>
        tpu.vector_store %arg10[%swap3A_1364, %swap3A_1365], %swap3A_1368 {strides = array<i32>} : memref<16x128xi32, #tpu.memory_space<vmem>>, vector<1x16xi32>,
        %mul3A_1369 = arith.constant 2 : i32
        %mul3A_1370 = arith.muli %mul3A_1369, %scan3A_741 : i32
        %add3A_1371 = arith.constant 0 : i32
        %add3A_1372 = arith.addi %mul3A_1370, %add3A_1371 : i32
        %swap3A_1373 = arith.index_cast %add3A_1372 : i32 to index
        %swap3A_1374 = arith.constant 64 : index
        %swap3A_1375 = tpu.vector_load %arg10[%swap3A_1373, %swap3A_1374] {strides = array<i32>} : memref<16x128xi32, #tpu.memory_space<vmem>>, vector<1x16xi32>,
        %swap3A_1376 = vector.shape_cast %swap3A_1375 : vector<1x16xi32> to vector<16xi32>
        %swap3A_1377 = vector.shape_cast %shift_left3A_1029 : vector<16xi32> to vector<1x16xi32>
        tpu.vector_store %arg10[%swap3A_1373, %swap3A_1374], %swap3A_1377 {strides = array<i32>} : memref<16x128xi32, #tpu.memory_space<vmem>>, vector<1x16xi32>,
        %mul3A_1378 = arith.constant 2 : i32
        %mul3A_1379 = arith.muli %mul3A_1378, %scan3A_741 : i32
        %add3A_1380 = arith.constant 0 : i32
        %add3A_1381 = arith.addi %mul3A_1379, %add3A_1380 : i32
        %swap3A_1382 = arith.index_cast %add3A_1381 : i32 to index
        %swap3A_1383 = arith.constant 80 : index
        %swap3A_1384 = tpu.vector_load %arg10[%swap3A_1382, %swap3A_1383] {strides = array<i32>} : memref<16x128xi32, #tpu.memory_space<vmem>>, vector<1x16xi32>,
        %swap3A_1385 = vector.shape_cast %swap3A_1384 : vector<1x16xi32> to vector<16xi32>
        %swap3A_1386 = vector.shape_cast %shift_left3A_1035 : vector<16xi32> to vector<1x16xi32>
        tpu.vector_store %arg10[%swap3A_1382, %swap3A_1383], %swap3A_1386 {strides = array<i32>} : memref<16x128xi32, #tpu.memory_space<vmem>>, vector<1x16xi32>,
        %mul3A_1387 = arith.constant 2 : i32
        %mul3A_1388 = arith.muli %mul3A_1387, %scan3A_741 : i32
        %add3A_1389 = arith.constant 0 : i32
        %add3A_1390 = arith.addi %mul3A_1388, %add3A_1389 : i32
        %swap3A_1391 = arith.index_cast %add3A_1390 : i32 to index
        %swap3A_1392 = arith.constant 96 : index
        %swap3A_1393 = tpu.vector_load %arg10[%swap3A_1391, %swap3A_1392] {strides = array<i32>} : memref<16x128xi32, #tpu.memory_space<vmem>>, vector<1x16xi32>,
        %swap3A_1394 = vector.shape_cast %swap3A_1393 : vector<1x16xi32> to vector<16xi32>
        %swap3A_1395 = vector.shape_cast %shift_left3A_1041 : vector<16xi32> to vector<1x16xi32>
        tpu.vector_store %arg10[%swap3A_1391, %swap3A_1392], %swap3A_1395 {strides = array<i32>} : memref<16x128xi32, #tpu.memory_space<vmem>>, vector<1x16xi32>,
        %mul3A_1396 = arith.constant 2 : i32
        %mul3A_1397 = arith.muli %mul3A_1396, %scan3A_741 : i32
        %add3A_1398 = arith.constant 0 : i32
        %add3A_1399 = arith.addi %mul3A_1397, %add3A_1398 : i32
        %swap3A_1400 = arith.index_cast %add3A_1399 : i32 to index
        %swap3A_1401 = arith.constant 112 : index
        %swap3A_1402 = tpu.vector_load %arg10[%swap3A_1400, %swap3A_1401] {strides = array<i32>} : memref<16x128xi32, #tpu.memory_space<vmem>>, vector<1x16xi32>,
        %swap3A_1403 = vector.shape_cast %swap3A_1402 : vector<1x16xi32> to vector<16xi32>
        %swap3A_1404 = vector.shape_cast %shift_left3A_1047 : vector<16xi32> to vector<1x16xi32>
        tpu.vector_store %arg10[%swap3A_1400, %swap3A_1401], %swap3A_1404 {strides = array<i32>} : memref<16x128xi32, #tpu.memory_space<vmem>>, vector<1x16xi32>,
        %mul3A_1405 = arith.constant 2 : i32
        %mul3A_1406 = arith.muli %mul3A_1405, %scan3A_741 : i32
        %add3A_1407 = arith.constant 1 : i32
        %add3A_1408 = arith.addi %mul3A_1406, %add3A_1407 : i32
        %swap3A_1409 = arith.index_cast %add3A_1408 : i32 to index
        %swap3A_1410 = arith.constant 0 : index
        %swap3A_1411 = tpu.vector_load %arg10[%swap3A_1409, %swap3A_1410] {strides = array<i32>} : memref<16x128xi32, #tpu.memory_space<vmem>>, vector<1x16xi32>,
        %swap3A_1412 = vector.shape_cast %swap3A_1411 : vector<1x16xi32> to vector<16xi32>
        %swap3A_1413 = vector.shape_cast %shift_left3A_1053 : vector<16xi32> to vector<1x16xi32>
        tpu.vector_store %arg10[%swap3A_1409, %swap3A_1410], %swap3A_1413 {strides = array<i32>} : memref<16x128xi32, #tpu.memory_space<vmem>>, vector<1x16xi32>,
        %mul3A_1414 = arith.constant 2 : i32
        %mul3A_1415 = arith.muli %mul3A_1414, %scan3A_741 : i32
        %add3A_1416 = arith.constant 1 : i32
        %add3A_1417 = arith.addi %mul3A_1415, %add3A_1416 : i32
        %swap3A_1418 = arith.index_cast %add3A_1417 : i32 to index
        %swap3A_1419 = arith.constant 16 : index
        %swap3A_1420 = tpu.vector_load %arg10[%swap3A_1418, %swap3A_1419] {strides = array<i32>} : memref<16x128xi32, #tpu.memory_space<vmem>>, vector<1x16xi32>,
        %swap3A_1421 = vector.shape_cast %swap3A_1420 : vector<1x16xi32> to vector<16xi32>
        %swap3A_1422 = vector.shape_cast %shift_left3A_1059 : vector<16xi32> to vector<1x16xi32>
        tpu.vector_store %arg10[%swap3A_1418, %swap3A_1419], %swap3A_1422 {strides = array<i32>} : memref<16x128xi32, #tpu.memory_space<vmem>>, vector<1x16xi32>,
        %mul3A_1423 = arith.constant 2 : i32
        %mul3A_1424 = arith.muli %mul3A_1423, %scan3A_741 : i32
        %add3A_1425 = arith.constant 1 : i32
        %add3A_1426 = arith.addi %mul3A_1424, %add3A_1425 : i32
        %swap3A_1427 = arith.index_cast %add3A_1426 : i32 to index
        %swap3A_1428 = arith.constant 32 : index
        %swap3A_1429 = tpu.vector_load %arg10[%swap3A_1427, %swap3A_1428] {strides = array<i32>} : memref<16x128xi32, #tpu.memory_space<vmem>>, vector<1x16xi32>,
        %swap3A_1430 = vector.shape_cast %swap3A_1429 : vector<1x16xi32> to vector<16xi32>
        %swap3A_1431 = vector.shape_cast %shift_left3A_1065 : vector<16xi32> to vector<1x16xi32>
        tpu.vector_store %arg10[%swap3A_1427, %swap3A_1428], %swap3A_1431 {strides = array<i32>} : memref<16x128xi32, #tpu.memory_space<vmem>>, vector<1x16xi32>,
        %mul3A_1432 = arith.constant 2 : i32
        %mul3A_1433 = arith.muli %mul3A_1432, %scan3A_741 : i32
        %add3A_1434 = arith.constant 1 : i32
        %add3A_1435 = arith.addi %mul3A_1433, %add3A_1434 : i32
        %swap3A_1436 = arith.index_cast %add3A_1435 : i32 to index
        %swap3A_1437 = arith.constant 48 : index
        %swap3A_1438 = tpu.vector_load %arg10[%swap3A_1436, %swap3A_1437] {strides = array<i32>} : memref<16x128xi32, #tpu.memory_space<vmem>>, vector<1x16xi32>,
        %swap3A_1439 = vector.shape_cast %swap3A_1438 : vector<1x16xi32> to vector<16xi32>
        %swap3A_1440 = vector.shape_cast %shift_left3A_1071 : vector<16xi32> to vector<1x16xi32>
        tpu.vector_store %arg10[%swap3A_1436, %swap3A_1437], %swap3A_1440 {strides = array<i32>} : memref<16x128xi32, #tpu.memory_space<vmem>>, vector<1x16xi32>,
        %mul3A_1441 = arith.constant 2 : i32
        %mul3A_1442 = arith.muli %mul3A_1441, %scan3A_741 : i32
        %add3A_1443 = arith.constant 1 : i32
        %add3A_1444 = arith.addi %mul3A_1442, %add3A_1443 : i32
        %swap3A_1445 = arith.index_cast %add3A_1444 : i32 to index
        %swap3A_1446 = arith.constant 64 : index
        %swap3A_1447 = tpu.vector_load %arg10[%swap3A_1445, %swap3A_1446] {strides = array<i32>} : memref<16x128xi32, #tpu.memory_space<vmem>>, vector<1x16xi32>,
        %swap3A_1448 = vector.shape_cast %swap3A_1447 : vector<1x16xi32> to vector<16xi32>
        %swap3A_1449 = vector.shape_cast %shift_left3A_1077 : vector<16xi32> to vector<1x16xi32>
        tpu.vector_store %arg10[%swap3A_1445, %swap3A_1446], %swap3A_1449 {strides = array<i32>} : memref<16x128xi32, #tpu.memory_space<vmem>>, vector<1x16xi32>,
        %mul3A_1450 = arith.constant 2 : i32
        %mul3A_1451 = arith.muli %mul3A_1450, %scan3A_741 : i32
        %add3A_1452 = arith.constant 1 : i32
        %add3A_1453 = arith.addi %mul3A_1451, %add3A_1452 : i32
        %swap3A_1454 = arith.index_cast %add3A_1453 : i32 to index
        %swap3A_1455 = arith.constant 80 : index
        %swap3A_1456 = tpu.vector_load %arg10[%swap3A_1454, %swap3A_1455] {strides = array<i32>} : memref<16x128xi32, #tpu.memory_space<vmem>>, vector<1x16xi32>,
        %swap3A_1457 = vector.shape_cast %swap3A_1456 : vector<1x16xi32> to vector<16xi32>
        %swap3A_1458 = vector.shape_cast %shift_left3A_1083 : vector<16xi32> to vector<1x16xi32>
        tpu.vector_store %arg10[%swap3A_1454, %swap3A_1455], %swap3A_1458 {strides = array<i32>} : memref<16x128xi32, #tpu.memory_space<vmem>>, vector<1x16xi32>,
        %mul3A_1459 = arith.constant 2 : i32
        %mul3A_1460 = arith.muli %mul3A_1459, %scan3A_741 : i32
        %add3A_1461 = arith.constant 1 : i32
        %add3A_1462 = arith.addi %mul3A_1460, %add3A_1461 : i32
        %swap3A_1463 = arith.index_cast %add3A_1462 : i32 to index
        %swap3A_1464 = arith.constant 96 : index
        %swap3A_1465 = tpu.vector_load %arg10[%swap3A_1463, %swap3A_1464] {strides = array<i32>} : memref<16x128xi32, #tpu.memory_space<vmem>>, vector<1x16xi32>,
        %swap3A_1466 = vector.shape_cast %swap3A_1465 : vector<1x16xi32> to vector<16xi32>
        %swap3A_1467 = vector.shape_cast %shift_left3A_1089 : vector<16xi32> to vector<1x16xi32>
        tpu.vector_store %arg10[%swap3A_1463, %swap3A_1464], %swap3A_1467 {strides = array<i32>} : memref<16x128xi32, #tpu.memory_space<vmem>>, vector<1x16xi32>,
        %mul3A_1468 = arith.constant 2 : i32
        %mul3A_1469 = arith.muli %mul3A_1468, %scan3A_741 : i32
        %add3A_1470 = arith.constant 1 : i32
        %add3A_1471 = arith.addi %mul3A_1469, %add3A_1470 : i32
        %swap3A_1472 = arith.index_cast %add3A_1471 : i32 to index
        %swap3A_1473 = arith.constant 112 : index
        %swap3A_1474 = tpu.vector_load %arg10[%swap3A_1472, %swap3A_1473] {strides = array<i32>} : memref<16x128xi32, #tpu.memory_space<vmem>>, vector<1x16xi32>,
        %swap3A_1475 = vector.shape_cast %swap3A_1474 : vector<1x16xi32> to vector<16xi32>
        %swap3A_1476 = vector.shape_cast %shift_left3A_1095 : vector<16xi32> to vector<1x16xi32>
        tpu.vector_store %arg10[%swap3A_1472, %swap3A_1473], %swap3A_1476 {strides = array<i32>} : memref<16x128xi32, #tpu.memory_space<vmem>>, vector<1x16xi32>,
      }
      %scan3A_387 = arith.constant 8 : i32
      %dma_start3A_388 = arith.constant 0 : i32
      %dma_start3A_389 = arith.constant 0 : i32
      %dma_start3A_390 = arith.constant 0 : i32
      %dma_start3A_391 = tpu.memref_slice %arg10[%dma_start3A_388, %dma_start3A_390] : memref<16x128xi32, #tpu.memory_space<vmem>> -> memref<1x128xi32, #tpu.memory_space<vmem>>
      %dma_start3A_392 = tpu.memref_squeeze %dma_start3A_391 : memref<1x128xi32, #tpu.memory_space<vmem>> -> memref<128xi32, #tpu.memory_space<vmem>>
      %dma_start3A_393 = arith.constant 0 : i32
      %dma_start3A_394 = tpu.memref_slice %arg8[%dma_start3A_389, %dma_start3A_393] : memref<16x128xi32, #tpu.memory_space<vmem>> -> memref<1x128xi32, #tpu.memory_space<vmem>>
      %dma_start3A_395 = tpu.memref_squeeze %dma_start3A_394 : memref<1x128xi32, #tpu.memory_space<vmem>> -> memref<128xi32, #tpu.memory_space<vmem>>
      %dma_start3A_396 = arith.constant 0 : i32
      %dma_start3A_397 = tpu.memref_slice %arg4[%dma_start3A_396] : memref<1064960xi32, #tpu.memory_space<vmem_shared>> -> memref<1064960xi32, #tpu.memory_space<vmem_shared>>
      tpu.enqueue_indirect_dma source(%dma_start3A_392 : memref<128xi32, #tpu.memory_space<vmem>>) target(%dma_start3A_397 : memref<1064960xi32, #tpu.memory_space<vmem_shared>>) offsets(%dma_start3A_395 : memref<128xi32, #tpu.memory_space<vmem>>) semaphore(%arg14 : memref<!tpu.dma_semaphore, #tpu.memory_space<semaphore_mem>>) {add = true}
      %dma_start3A_398 = arith.constant 1 : i32
      %dma_start3A_399 = arith.constant 1 : i32
      %dma_start3A_400 = arith.constant 0 : i32
      %dma_start3A_401 = tpu.memref_slice %arg10[%dma_start3A_398, %dma_start3A_400] : memref<16x128xi32, #tpu.memory_space<vmem>> -> memref<1x128xi32, #tpu.memory_space<vmem>>
      %dma_start3A_402 = tpu.memref_squeeze %dma_start3A_401 : memref<1x128xi32, #tpu.memory_space<vmem>> -> memref<128xi32, #tpu.memory_space<vmem>>
      %dma_start3A_403 = arith.constant 0 : i32
      %dma_start3A_404 = tpu.memref_slice %arg8[%dma_start3A_399, %dma_start3A_403] : memref<16x128xi32, #tpu.memory_space<vmem>> -> memref<1x128xi32, #tpu.memory_space<vmem>>
      %dma_start3A_405 = tpu.memref_squeeze %dma_start3A_404 : memref<1x128xi32, #tpu.memory_space<vmem>> -> memref<128xi32, #tpu.memory_space<vmem>>
      %dma_start3A_406 = arith.constant 0 : i32
      %dma_start3A_407 = tpu.memref_slice %arg4[%dma_start3A_406] : memref<1064960xi32, #tpu.memory_space<vmem_shared>> -> memref<1064960xi32, #tpu.memory_space<vmem_shared>>
      tpu.enqueue_indirect_dma source(%dma_start3A_402 : memref<128xi32, #tpu.memory_space<vmem>>) target(%dma_start3A_407 : memref<1064960xi32, #tpu.memory_space<vmem_shared>>) offsets(%dma_start3A_405 : memref<128xi32, #tpu.memory_space<vmem>>) semaphore(%arg14 : memref<!tpu.dma_semaphore, #tpu.memory_space<semaphore_mem>>) {add = true}
      %dma_start3A_408 = arith.constant 2 : i32
      %dma_start3A_409 = arith.constant 2 : i32
      %dma_start3A_410 = arith.constant 0 : i32
      %dma_start3A_411 = tpu.memref_slice %arg10[%dma_start3A_408, %dma_start3A_410] : memref<16x128xi32, #tpu.memory_space<vmem>> -> memref<1x128xi32, #tpu.memory_space<vmem>>
      %dma_start3A_412 = tpu.memref_squeeze %dma_start3A_411 : memref<1x128xi32, #tpu.memory_space<vmem>> -> memref<128xi32, #tpu.memory_space<vmem>>
      %dma_start3A_413 = arith.constant 0 : i32
      %dma_start3A_414 = tpu.memref_slice %arg8[%dma_start3A_409, %dma_start3A_413] : memref<16x128xi32, #tpu.memory_space<vmem>> -> memref<1x128xi32, #tpu.memory_space<vmem>>
      %dma_start3A_415 = tpu.memref_squeeze %dma_start3A_414 : memref<1x128xi32, #tpu.memory_space<vmem>> -> memref<128xi32, #tpu.memory_space<vmem>>
      %dma_start3A_416 = arith.constant 0 : i32
      %dma_start3A_417 = tpu.memref_slice %arg4[%dma_start3A_416] : memref<1064960xi32, #tpu.memory_space<vmem_shared>> -> memref<1064960xi32, #tpu.memory_space<vmem_shared>>
      tpu.enqueue_indirect_dma source(%dma_start3A_412 : memref<128xi32, #tpu.memory_space<vmem>>) target(%dma_start3A_417 : memref<1064960xi32, #tpu.memory_space<vmem_shared>>) offsets(%dma_start3A_415 : memref<128xi32, #tpu.memory_space<vmem>>) semaphore(%arg14 : memref<!tpu.dma_semaphore, #tpu.memory_space<semaphore_mem>>) {add = true}
      %dma_start3A_418 = arith.constant 3 : i32
      %dma_start3A_419 = arith.constant 3 : i32
      %dma_start3A_420 = arith.constant 0 : i32
      %dma_start3A_421 = tpu.memref_slice %arg10[%dma_start3A_418, %dma_start3A_420] : memref<16x128xi32, #tpu.memory_space<vmem>> -> memref<1x128xi32, #tpu.memory_space<vmem>>
      %dma_start3A_422 = tpu.memref_squeeze %dma_start3A_421 : memref<1x128xi32, #tpu.memory_space<vmem>> -> memref<128xi32, #tpu.memory_space<vmem>>
      %dma_start3A_423 = arith.constant 0 : i32
      %dma_start3A_424 = tpu.memref_slice %arg8[%dma_start3A_419, %dma_start3A_423] : memref<16x128xi32, #tpu.memory_space<vmem>> -> memref<1x128xi32, #tpu.memory_space<vmem>>
      %dma_start3A_425 = tpu.memref_squeeze %dma_start3A_424 : memref<1x128xi32, #tpu.memory_space<vmem>> -> memref<128xi32, #tpu.memory_space<vmem>>
      %dma_start3A_426 = arith.constant 0 : i32
      %dma_start3A_427 = tpu.memref_slice %arg4[%dma_start3A_426] : memref<1064960xi32, #tpu.memory_space<vmem_shared>> -> memref<1064960xi32, #tpu.memory_space<vmem_shared>>
      tpu.enqueue_indirect_dma source(%dma_start3A_422 : memref<128xi32, #tpu.memory_space<vmem>>) target(%dma_start3A_427 : memref<1064960xi32, #tpu.memory_space<vmem_shared>>) offsets(%dma_start3A_425 : memref<128xi32, #tpu.memory_space<vmem>>) semaphore(%arg14 : memref<!tpu.dma_semaphore, #tpu.memory_space<semaphore_mem>>) {add = true}
      %dma_start3A_428 = arith.constant 4 : i32
      %dma_start3A_429 = arith.constant 4 : i32
      %dma_start3A_430 = arith.constant 0 : i32
      %dma_start3A_431 = tpu.memref_slice %arg10[%dma_start3A_428, %dma_start3A_430] : memref<16x128xi32, #tpu.memory_space<vmem>> -> memref<1x128xi32, #tpu.memory_space<vmem>>
      %dma_start3A_432 = tpu.memref_squeeze %dma_start3A_431 : memref<1x128xi32, #tpu.memory_space<vmem>> -> memref<128xi32, #tpu.memory_space<vmem>>
      %dma_start3A_433 = arith.constant 0 : i32
      %dma_start3A_434 = tpu.memref_slice %arg8[%dma_start3A_429, %dma_start3A_433] : memref<16x128xi32, #tpu.memory_space<vmem>> -> memref<1x128xi32, #tpu.memory_space<vmem>>
      %dma_start3A_435 = tpu.memref_squeeze %dma_start3A_434 : memref<1x128xi32, #tpu.memory_space<vmem>> -> memref<128xi32, #tpu.memory_space<vmem>>
      %dma_start3A_436 = arith.constant 0 : i32
      %dma_start3A_437 = tpu.memref_slice %arg4[%dma_start3A_436] : memref<1064960xi32, #tpu.memory_space<vmem_shared>> -> memref<1064960xi32, #tpu.memory_space<vmem_shared>>
      tpu.enqueue_indirect_dma source(%dma_start3A_432 : memref<128xi32, #tpu.memory_space<vmem>>) target(%dma_start3A_437 : memref<1064960xi32, #tpu.memory_space<vmem_shared>>) offsets(%dma_start3A_435 : memref<128xi32, #tpu.memory_space<vmem>>) semaphore(%arg14 : memref<!tpu.dma_semaphore, #tpu.memory_space<semaphore_mem>>) {add = true}
      %dma_start3A_438 = arith.constant 5 : i32
      %dma_start3A_439 = arith.constant 5 : i32
      %dma_start3A_440 = arith.constant 0 : i32
      %dma_start3A_441 = tpu.memref_slice %arg10[%dma_start3A_438, %dma_start3A_440] : memref<16x128xi32, #tpu.memory_space<vmem>> -> memref<1x128xi32, #tpu.memory_space<vmem>>
      %dma_start3A_442 = tpu.memref_squeeze %dma_start3A_441 : memref<1x128xi32, #tpu.memory_space<vmem>> -> memref<128xi32, #tpu.memory_space<vmem>>
      %dma_start3A_443 = arith.constant 0 : i32
      %dma_start3A_444 = tpu.memref_slice %arg8[%dma_start3A_439, %dma_start3A_443] : memref<16x128xi32, #tpu.memory_space<vmem>> -> memref<1x128xi32, #tpu.memory_space<vmem>>
      %dma_start3A_445 = tpu.memref_squeeze %dma_start3A_444 : memref<1x128xi32, #tpu.memory_space<vmem>> -> memref<128xi32, #tpu.memory_space<vmem>>
      %dma_start3A_446 = arith.constant 0 : i32
      %dma_start3A_447 = tpu.memref_slice %arg4[%dma_start3A_446] : memref<1064960xi32, #tpu.memory_space<vmem_shared>> -> memref<1064960xi32, #tpu.memory_space<vmem_shared>>
      tpu.enqueue_indirect_dma source(%dma_start3A_442 : memref<128xi32, #tpu.memory_space<vmem>>) target(%dma_start3A_447 : memref<1064960xi32, #tpu.memory_space<vmem_shared>>) offsets(%dma_start3A_445 : memref<128xi32, #tpu.memory_space<vmem>>) semaphore(%arg14 : memref<!tpu.dma_semaphore, #tpu.memory_space<semaphore_mem>>) {add = true}
      %dma_start3A_448 = arith.constant 6 : i32
      %dma_start3A_449 = arith.constant 6 : i32
      %dma_start3A_450 = arith.constant 0 : i32
      %dma_start3A_451 = tpu.memref_slice %arg10[%dma_start3A_448, %dma_start3A_450] : memref<16x128xi32, #tpu.memory_space<vmem>> -> memref<1x128xi32, #tpu.memory_space<vmem>>
      %dma_start3A_452 = tpu.memref_squeeze %dma_start3A_451 : memref<1x128xi32, #tpu.memory_space<vmem>> -> memref<128xi32, #tpu.memory_space<vmem>>
      %dma_start3A_453 = arith.constant 0 : i32
      %dma_start3A_454 = tpu.memref_slice %arg8[%dma_start3A_449, %dma_start3A_453] : memref<16x128xi32, #tpu.memory_space<vmem>> -> memref<1x128xi32, #tpu.memory_space<vmem>>
      %dma_start3A_455 = tpu.memref_squeeze %dma_start3A_454 : memref<1x128xi32, #tpu.memory_space<vmem>> -> memref<128xi32, #tpu.memory_space<vmem>>
      %dma_start3A_456 = arith.constant 0 : i32
      %dma_start3A_457 = tpu.memref_slice %arg4[%dma_start3A_456] : memref<1064960xi32, #tpu.memory_space<vmem_shared>> -> memref<1064960xi32, #tpu.memory_space<vmem_shared>>
      tpu.enqueue_indirect_dma source(%dma_start3A_452 : memref<128xi32, #tpu.memory_space<vmem>>) target(%dma_start3A_457 : memref<1064960xi32, #tpu.memory_space<vmem_shared>>) offsets(%dma_start3A_455 : memref<128xi32, #tpu.memory_space<vmem>>) semaphore(%arg14 : memref<!tpu.dma_semaphore, #tpu.memory_space<semaphore_mem>>) {add = true}
      %dma_start3A_458 = arith.constant 7 : i32
      %dma_start3A_459 = arith.constant 7 : i32
      %dma_start3A_460 = arith.constant 0 : i32
      %dma_start3A_461 = tpu.memref_slice %arg10[%dma_start3A_458, %dma_start3A_460] : memref<16x128xi32, #tpu.memory_space<vmem>> -> memref<1x128xi32, #tpu.memory_space<vmem>>
      %dma_start3A_462 = tpu.memref_squeeze %dma_start3A_461 : memref<1x128xi32, #tpu.memory_space<vmem>> -> memref<128xi32, #tpu.memory_space<vmem>>
      %dma_start3A_463 = arith.constant 0 : i32
      %dma_start3A_464 = tpu.memref_slice %arg8[%dma_start3A_459, %dma_start3A_463] : memref<16x128xi32, #tpu.memory_space<vmem>> -> memref<1x128xi32, #tpu.memory_space<vmem>>
      %dma_start3A_465 = tpu.memref_squeeze %dma_start3A_464 : memref<1x128xi32, #tpu.memory_space<vmem>> -> memref<128xi32, #tpu.memory_space<vmem>>
      %dma_start3A_466 = arith.constant 0 : i32
      %dma_start3A_467 = tpu.memref_slice %arg4[%dma_start3A_466] : memref<1064960xi32, #tpu.memory_space<vmem_shared>> -> memref<1064960xi32, #tpu.memory_space<vmem_shared>>
      tpu.enqueue_indirect_dma source(%dma_start3A_462 : memref<128xi32, #tpu.memory_space<vmem>>) target(%dma_start3A_467 : memref<1064960xi32, #tpu.memory_space<vmem_shared>>) offsets(%dma_start3A_465 : memref<128xi32, #tpu.memory_space<vmem>>) semaphore(%arg14 : memref<!tpu.dma_semaphore, #tpu.memory_space<semaphore_mem>>) {add = true}
      %dma_start3A_468 = arith.constant 8 : i32
      %dma_start3A_469 = arith.constant 8 : i32
      %dma_start3A_470 = arith.constant 0 : i32
      %dma_start3A_471 = tpu.memref_slice %arg10[%dma_start3A_468, %dma_start3A_470] : memref<16x128xi32, #tpu.memory_space<vmem>> -> memref<1x128xi32, #tpu.memory_space<vmem>>
      %dma_start3A_472 = tpu.memref_squeeze %dma_start3A_471 : memref<1x128xi32, #tpu.memory_space<vmem>> -> memref<128xi32, #tpu.memory_space<vmem>>
      %dma_start3A_473 = arith.constant 0 : i32
      %dma_start3A_474 = tpu.memref_slice %arg8[%dma_start3A_469, %dma_start3A_473] : memref<16x128xi32, #tpu.memory_space<vmem>> -> memref<1x128xi32, #tpu.memory_space<vmem>>
      %dma_start3A_475 = tpu.memref_squeeze %dma_start3A_474 : memref<1x128xi32, #tpu.memory_space<vmem>> -> memref<128xi32, #tpu.memory_space<vmem>>
      %dma_start3A_476 = arith.constant 0 : i32
      %dma_start3A_477 = tpu.memref_slice %arg4[%dma_start3A_476] : memref<1064960xi32, #tpu.memory_space<vmem_shared>> -> memref<1064960xi32, #tpu.memory_space<vmem_shared>>
      tpu.enqueue_indirect_dma source(%dma_start3A_472 : memref<128xi32, #tpu.memory_space<vmem>>) target(%dma_start3A_477 : memref<1064960xi32, #tpu.memory_space<vmem_shared>>) offsets(%dma_start3A_475 : memref<128xi32, #tpu.memory_space<vmem>>) semaphore(%arg14 : memref<!tpu.dma_semaphore, #tpu.memory_space<semaphore_mem>>) {add = true}
      %dma_start3A_478 = arith.constant 9 : i32
      %dma_start3A_479 = arith.constant 9 : i32
      %dma_start3A_480 = arith.constant 0 : i32
      %dma_start3A_481 = tpu.memref_slice %arg10[%dma_start3A_478, %dma_start3A_480] : memref<16x128xi32, #tpu.memory_space<vmem>> -> memref<1x128xi32, #tpu.memory_space<vmem>>
      %dma_start3A_482 = tpu.memref_squeeze %dma_start3A_481 : memref<1x128xi32, #tpu.memory_space<vmem>> -> memref<128xi32, #tpu.memory_space<vmem>>
      %dma_start3A_483 = arith.constant 0 : i32
      %dma_start3A_484 = tpu.memref_slice %arg8[%dma_start3A_479, %dma_start3A_483] : memref<16x128xi32, #tpu.memory_space<vmem>> -> memref<1x128xi32, #tpu.memory_space<vmem>>
      %dma_start3A_485 = tpu.memref_squeeze %dma_start3A_484 : memref<1x128xi32, #tpu.memory_space<vmem>> -> memref<128xi32, #tpu.memory_space<vmem>>
      %dma_start3A_486 = arith.constant 0 : i32
      %dma_start3A_487 = tpu.memref_slice %arg4[%dma_start3A_486] : memref<1064960xi32, #tpu.memory_space<vmem_shared>> -> memref<1064960xi32, #tpu.memory_space<vmem_shared>>
      tpu.enqueue_indirect_dma source(%dma_start3A_482 : memref<128xi32, #tpu.memory_space<vmem>>) target(%dma_start3A_487 : memref<1064960xi32, #tpu.memory_space<vmem_shared>>) offsets(%dma_start3A_485 : memref<128xi32, #tpu.memory_space<vmem>>) semaphore(%arg14 : memref<!tpu.dma_semaphore, #tpu.memory_space<semaphore_mem>>) {add = true}
      %dma_start3A_488 = arith.constant 10 : i32
      %dma_start3A_489 = arith.constant 10 : i32
      %dma_start3A_490 = arith.constant 0 : i32
      %dma_start3A_491 = tpu.memref_slice %arg10[%dma_start3A_488, %dma_start3A_490] : memref<16x128xi32, #tpu.memory_space<vmem>> -> memref<1x128xi32, #tpu.memory_space<vmem>>
      %dma_start3A_492 = tpu.memref_squeeze %dma_start3A_491 : memref<1x128xi32, #tpu.memory_space<vmem>> -> memref<128xi32, #tpu.memory_space<vmem>>
      %dma_start3A_493 = arith.constant 0 : i32
      %dma_start3A_494 = tpu.memref_slice %arg8[%dma_start3A_489, %dma_start3A_493] : memref<16x128xi32, #tpu.memory_space<vmem>> -> memref<1x128xi32, #tpu.memory_space<vmem>>
      %dma_start3A_495 = tpu.memref_squeeze %dma_start3A_494 : memref<1x128xi32, #tpu.memory_space<vmem>> -> memref<128xi32, #tpu.memory_space<vmem>>
      %dma_start3A_496 = arith.constant 0 : i32
      %dma_start3A_497 = tpu.memref_slice %arg4[%dma_start3A_496] : memref<1064960xi32, #tpu.memory_space<vmem_shared>> -> memref<1064960xi32, #tpu.memory_space<vmem_shared>>
      tpu.enqueue_indirect_dma source(%dma_start3A_492 : memref<128xi32, #tpu.memory_space<vmem>>) target(%dma_start3A_497 : memref<1064960xi32, #tpu.memory_space<vmem_shared>>) offsets(%dma_start3A_495 : memref<128xi32, #tpu.memory_space<vmem>>) semaphore(%arg14 : memref<!tpu.dma_semaphore, #tpu.memory_space<semaphore_mem>>) {add = true}
      %dma_start3A_498 = arith.constant 11 : i32
      %dma_start3A_499 = arith.constant 11 : i32
      %dma_start3A_500 = arith.constant 0 : i32
      %dma_start3A_501 = tpu.memref_slice %arg10[%dma_start3A_498, %dma_start3A_500] : memref<16x128xi32, #tpu.memory_space<vmem>> -> memref<1x128xi32, #tpu.memory_space<vmem>>
      %dma_start3A_502 = tpu.memref_squeeze %dma_start3A_501 : memref<1x128xi32, #tpu.memory_space<vmem>> -> memref<128xi32, #tpu.memory_space<vmem>>
      %dma_start3A_503 = arith.constant 0 : i32
      %dma_start3A_504 = tpu.memref_slice %arg8[%dma_start3A_499, %dma_start3A_503] : memref<16x128xi32, #tpu.memory_space<vmem>> -> memref<1x128xi32, #tpu.memory_space<vmem>>
      %dma_start3A_505 = tpu.memref_squeeze %dma_start3A_504 : memref<1x128xi32, #tpu.memory_space<vmem>> -> memref<128xi32, #tpu.memory_space<vmem>>
      %dma_start3A_506 = arith.constant 0 : i32
      %dma_start3A_507 = tpu.memref_slice %arg4[%dma_start3A_506] : memref<1064960xi32, #tpu.memory_space<vmem_shared>> -> memref<1064960xi32, #tpu.memory_space<vmem_shared>>
      tpu.enqueue_indirect_dma source(%dma_start3A_502 : memref<128xi32, #tpu.memory_space<vmem>>) target(%dma_start3A_507 : memref<1064960xi32, #tpu.memory_space<vmem_shared>>) offsets(%dma_start3A_505 : memref<128xi32, #tpu.memory_space<vmem>>) semaphore(%arg14 : memref<!tpu.dma_semaphore, #tpu.memory_space<semaphore_mem>>) {add = true}
      %dma_start3A_508 = arith.constant 12 : i32
      %dma_start3A_509 = arith.constant 12 : i32
      %dma_start3A_510 = arith.constant 0 : i32
      %dma_start3A_511 = tpu.memref_slice %arg10[%dma_start3A_508, %dma_start3A_510] : memref<16x128xi32, #tpu.memory_space<vmem>> -> memref<1x128xi32, #tpu.memory_space<vmem>>
      %dma_start3A_512 = tpu.memref_squeeze %dma_start3A_511 : memref<1x128xi32, #tpu.memory_space<vmem>> -> memref<128xi32, #tpu.memory_space<vmem>>
      %dma_start3A_513 = arith.constant 0 : i32
      %dma_start3A_514 = tpu.memref_slice %arg8[%dma_start3A_509, %dma_start3A_513] : memref<16x128xi32, #tpu.memory_space<vmem>> -> memref<1x128xi32, #tpu.memory_space<vmem>>
      %dma_start3A_515 = tpu.memref_squeeze %dma_start3A_514 : memref<1x128xi32, #tpu.memory_space<vmem>> -> memref<128xi32, #tpu.memory_space<vmem>>
      %dma_start3A_516 = arith.constant 0 : i32
      %dma_start3A_517 = tpu.memref_slice %arg4[%dma_start3A_516] : memref<1064960xi32, #tpu.memory_space<vmem_shared>> -> memref<1064960xi32, #tpu.memory_space<vmem_shared>>
      tpu.enqueue_indirect_dma source(%dma_start3A_512 : memref<128xi32, #tpu.memory_space<vmem>>) target(%dma_start3A_517 : memref<1064960xi32, #tpu.memory_space<vmem_shared>>) offsets(%dma_start3A_515 : memref<128xi32, #tpu.memory_space<vmem>>) semaphore(%arg14 : memref<!tpu.dma_semaphore, #tpu.memory_space<semaphore_mem>>) {add = true}
      %dma_start3A_518 = arith.constant 13 : i32
      %dma_start3A_519 = arith.constant 13 : i32
      %dma_start3A_520 = arith.constant 0 : i32
      %dma_start3A_521 = tpu.memref_slice %arg10[%dma_start3A_518, %dma_start3A_520] : memref<16x128xi32, #tpu.memory_space<vmem>> -> memref<1x128xi32, #tpu.memory_space<vmem>>
      %dma_start3A_522 = tpu.memref_squeeze %dma_start3A_521 : memref<1x128xi32, #tpu.memory_space<vmem>> -> memref<128xi32, #tpu.memory_space<vmem>>
      %dma_start3A_523 = arith.constant 0 : i32
      %dma_start3A_524 = tpu.memref_slice %arg8[%dma_start3A_519, %dma_start3A_523] : memref<16x128xi32, #tpu.memory_space<vmem>> -> memref<1x128xi32, #tpu.memory_space<vmem>>
      %dma_start3A_525 = tpu.memref_squeeze %dma_start3A_524 : memref<1x128xi32, #tpu.memory_space<vmem>> -> memref<128xi32, #tpu.memory_space<vmem>>
      %dma_start3A_526 = arith.constant 0 : i32
      %dma_start3A_527 = tpu.memref_slice %arg4[%dma_start3A_526] : memref<1064960xi32, #tpu.memory_space<vmem_shared>> -> memref<1064960xi32, #tpu.memory_space<vmem_shared>>
      tpu.enqueue_indirect_dma source(%dma_start3A_522 : memref<128xi32, #tpu.memory_space<vmem>>) target(%dma_start3A_527 : memref<1064960xi32, #tpu.memory_space<vmem_shared>>) offsets(%dma_start3A_525 : memref<128xi32, #tpu.memory_space<vmem>>) semaphore(%arg14 : memref<!tpu.dma_semaphore, #tpu.memory_space<semaphore_mem>>) {add = true}
      %dma_start3A_528 = arith.constant 14 : i32
      %dma_start3A_529 = arith.constant 14 : i32
      %dma_start3A_530 = arith.constant 0 : i32
      %dma_start3A_531 = tpu.memref_slice %arg10[%dma_start3A_528, %dma_start3A_530] : memref<16x128xi32, #tpu.memory_space<vmem>> -> memref<1x128xi32, #tpu.memory_space<vmem>>
      %dma_start3A_532 = tpu.memref_squeeze %dma_start3A_531 : memref<1x128xi32, #tpu.memory_space<vmem>> -> memref<128xi32, #tpu.memory_space<vmem>>
      %dma_start3A_533 = arith.constant 0 : i32
      %dma_start3A_534 = tpu.memref_slice %arg8[%dma_start3A_529, %dma_start3A_533] : memref<16x128xi32, #tpu.memory_space<vmem>> -> memref<1x128xi32, #tpu.memory_space<vmem>>
      %dma_start3A_535 = tpu.memref_squeeze %dma_start3A_534 : memref<1x128xi32, #tpu.memory_space<vmem>> -> memref<128xi32, #tpu.memory_space<vmem>>
      %dma_start3A_536 = arith.constant 0 : i32
      %dma_start3A_537 = tpu.memref_slice %arg4[%dma_start3A_536] : memref<1064960xi32, #tpu.memory_space<vmem_shared>> -> memref<1064960xi32, #tpu.memory_space<vmem_shared>>
      tpu.enqueue_indirect_dma source(%dma_start3A_532 : memref<128xi32, #tpu.memory_space<vmem>>) target(%dma_start3A_537 : memref<1064960xi32, #tpu.memory_space<vmem_shared>>) offsets(%dma_start3A_535 : memref<128xi32, #tpu.memory_space<vmem>>) semaphore(%arg14 : memref<!tpu.dma_semaphore, #tpu.memory_space<semaphore_mem>>) {add = true}
      %dma_start3A_538 = arith.constant 15 : i32
      %dma_start3A_539 = arith.constant 15 : i32
      %dma_start3A_540 = arith.constant 0 : i32
      %dma_start3A_541 = tpu.memref_slice %arg10[%dma_start3A_538, %dma_start3A_540] : memref<16x128xi32, #tpu.memory_space<vmem>> -> memref<1x128xi32, #tpu.memory_space<vmem>>
      %dma_start3A_542 = tpu.memref_squeeze %dma_start3A_541 : memref<1x128xi32, #tpu.memory_space<vmem>> -> memref<128xi32, #tpu.memory_space<vmem>>
      %dma_start3A_543 = arith.constant 0 : i32
      %dma_start3A_544 = tpu.memref_slice %arg8[%dma_start3A_539, %dma_start3A_543] : memref<16x128xi32, #tpu.memory_space<vmem>> -> memref<1x128xi32, #tpu.memory_space<vmem>>
      %dma_start3A_545 = tpu.memref_squeeze %dma_start3A_544 : memref<1x128xi32, #tpu.memory_space<vmem>> -> memref<128xi32, #tpu.memory_space<vmem>>
      %dma_start3A_546 = arith.constant 0 : i32
      %dma_start3A_547 = tpu.memref_slice %arg4[%dma_start3A_546] : memref<1064960xi32, #tpu.memory_space<vmem_shared>> -> memref<1064960xi32, #tpu.memory_space<vmem_shared>>
      tpu.enqueue_indirect_dma source(%dma_start3A_542 : memref<128xi32, #tpu.memory_space<vmem>>) target(%dma_start3A_547 : memref<1064960xi32, #tpu.memory_space<vmem_shared>>) offsets(%dma_start3A_545 : memref<128xi32, #tpu.memory_space<vmem>>) semaphore(%arg14 : memref<!tpu.dma_semaphore, #tpu.memory_space<semaphore_mem>>) {add = true}
      %add3A_548 = arith.constant 2 : i32
      %add3A_549 = arith.addi %add3A_374, %add3A_548 : i32
      %lt3A = arith.constant 256 : i32
      %lt3A_550 = arith.cmpi slt, %add3A_549, %lt3A : i32
      %convert_element_type3A_551 = arith.extui %lt3A_550 : i1 to i32
      %cond3A_552 = arith.constant 0 : i32
      %cond3A_553 = arith.cmpi ne, %convert_element_type3A_551, %cond3A_552 : i32
      scf.if %cond3A_553 {
        %add3A_741 = arith.constant 2 : i32
        %add3A_742 = arith.addi %add3A_374, %add3A_741 : i32
        %mul3A_743 = arith.constant 2048 : i32
        %mul3A_744 = arith.muli %add3A_742, %mul3A_743 : i32
        %add3A_745 = arith.addi %mul3A_0, %mul3A_744 : i32
        %dma_start3A_746 = tpu.memref_slice %arg2[%add3A_745] : memref<8388608xi32, #tpu.memory_space<hbm>> -> memref<2048xi32, #tpu.memory_space<hbm>>
        %dma_start3A_747 = tpu.memref_slice %arg2[%add3A_745] : memref<8388608xi32, #tpu.memory_space<hbm>> -> memref<2048xi32, #tpu.memory_space<hbm>>
        tpu.enqueue_dma source(%dma_start3A_747 : memref<2048xi32, #tpu.memory_space<hbm>>) target(%arg6 : memref<2048xi32, #tpu.memory_space<vmem>>) target_semaphore(%arg12 : memref<!tpu.dma_semaphore, #tpu.memory_space<semaphore_mem>>)
      } else {
      }
      %mul3A_554 = arith.constant 2 : i32
      %mul3A_555 = arith.muli %mul3A_554, %scan3A_370 : i32
      %add3A_556 = arith.constant 1 : i32
      %add3A_557 = arith.addi %mul3A_555, %add3A_556 : i32
      %mul3A_558 = arith.constant 2048 : i32
      %mul3A_559 = arith.muli %add3A_557, %mul3A_558 : i32
      %add3A_560 = arith.addi %mul3A_0, %mul3A_559 : i32
      %dma_wait3A_561 = tpu.memref_slice %arg2[%add3A_560] : memref<8388608xi32, #tpu.memory_space<hbm>> -> memref<2048xi32, #tpu.memory_space<hbm>>
      %dma_wait3A_562 = tpu.memref_slice %arg2[%add3A_560] : memref<8388608xi32, #tpu.memory_space<hbm>> -> memref<2048xi32, #tpu.memory_space<hbm>>
      tpu.wait_dma2 semaphore(%arg13 : memref<!tpu.dma_semaphore, #tpu.memory_space<semaphore_mem>>) src(%dma_wait3A_562 : memref<2048xi32, #tpu.memory_space<hbm>>) dst(%arg7 : memref<2048xi32, #tpu.memory_space<vmem>>)
      %gt3A_563 = arith.constant 0 : i32
      %gt3A_564 = arith.cmpi sgt, %scan3A_370, %gt3A_563 : i32
      %convert_element_type3A_565 = arith.extui %gt3A_564 : i1 to i32
      %cond3A_566 = arith.constant 0 : i32
      %cond3A_567 = arith.cmpi ne, %convert_element_type3A_565, %cond3A_566 : i32
      scf.if %cond3A_567 {
        %dma_wait3A_741 = arith.constant 0 : i32
        %dma_wait3A_742 = arith.constant 0 : i32
        %dma_wait3A_743 = arith.constant 0 : i32
        %dma_wait3A_744 = tpu.memref_slice %arg11[%dma_wait3A_741, %dma_wait3A_743] : memref<16x128xi32, #tpu.memory_space<vmem>> -> memref<1x128xi32, #tpu.memory_space<vmem>>
        %dma_wait3A_745 = tpu.memref_squeeze %dma_wait3A_744 : memref<1x128xi32, #tpu.memory_space<vmem>> -> memref<128xi32, #tpu.memory_space<vmem>>
        %dma_wait3A_746 = arith.constant 0 : i32
        %dma_wait3A_747 = tpu.memref_slice %arg9[%dma_wait3A_742, %dma_wait3A_746] : memref<16x128xi32, #tpu.memory_space<vmem>> -> memref<1x128xi32, #tpu.memory_space<vmem>>
        %dma_wait3A_748 = tpu.memref_squeeze %dma_wait3A_747 : memref<1x128xi32, #tpu.memory_space<vmem>> -> memref<128xi32, #tpu.memory_space<vmem>>
        %dma_wait3A_749 = arith.constant 0 : i32
        %dma_wait3A_750 = tpu.memref_slice %arg4[%dma_wait3A_749] : memref<1064960xi32, #tpu.memory_space<vmem_shared>> -> memref<1064960xi32, #tpu.memory_space<vmem_shared>>
        tpu.wait_indirect_dma semaphore(%arg15 : memref<!tpu.dma_semaphore, #tpu.memory_space<semaphore_mem>>) src(%dma_wait3A_745 : memref<128xi32, #tpu.memory_space<vmem>>) dst(%dma_wait3A_750 : memref<1064960xi32, #tpu.memory_space<vmem_shared>>)
        %dma_wait3A_751 = arith.constant 1 : i32
        %dma_wait3A_752 = arith.constant 1 : i32
        %dma_wait3A_753 = arith.constant 0 : i32
        %dma_wait3A_754 = tpu.memref_slice %arg11[%dma_wait3A_751, %dma_wait3A_753] : memref<16x128xi32, #tpu.memory_space<vmem>> -> memref<1x128xi32, #tpu.memory_space<vmem>>
        %dma_wait3A_755 = tpu.memref_squeeze %dma_wait3A_754 : memref<1x128xi32, #tpu.memory_space<vmem>> -> memref<128xi32, #tpu.memory_space<vmem>>
        %dma_wait3A_756 = arith.constant 0 : i32
        %dma_wait3A_757 = tpu.memref_slice %arg9[%dma_wait3A_752, %dma_wait3A_756] : memref<16x128xi32, #tpu.memory_space<vmem>> -> memref<1x128xi32, #tpu.memory_space<vmem>>
        %dma_wait3A_758 = tpu.memref_squeeze %dma_wait3A_757 : memref<1x128xi32, #tpu.memory_space<vmem>> -> memref<128xi32, #tpu.memory_space<vmem>>
        %dma_wait3A_759 = arith.constant 0 : i32
        %dma_wait3A_760 = tpu.memref_slice %arg4[%dma_wait3A_759] : memref<1064960xi32, #tpu.memory_space<vmem_shared>> -> memref<1064960xi32, #tpu.memory_space<vmem_shared>>
        tpu.wait_indirect_dma semaphore(%arg15 : memref<!tpu.dma_semaphore, #tpu.memory_space<semaphore_mem>>) src(%dma_wait3A_755 : memref<128xi32, #tpu.memory_space<vmem>>) dst(%dma_wait3A_760 : memref<1064960xi32, #tpu.memory_space<vmem_shared>>)
        %dma_wait3A_761 = arith.constant 2 : i32
        %dma_wait3A_762 = arith.constant 2 : i32
        %dma_wait3A_763 = arith.constant 0 : i32
        %dma_wait3A_764 = tpu.memref_slice %arg11[%dma_wait3A_761, %dma_wait3A_763] : memref<16x128xi32, #tpu.memory_space<vmem>> -> memref<1x128xi32, #tpu.memory_space<vmem>>
        %dma_wait3A_765 = tpu.memref_squeeze %dma_wait3A_764 : memref<1x128xi32, #tpu.memory_space<vmem>> -> memref<128xi32, #tpu.memory_space<vmem>>
        %dma_wait3A_766 = arith.constant 0 : i32
        %dma_wait3A_767 = tpu.memref_slice %arg9[%dma_wait3A_762, %dma_wait3A_766] : memref<16x128xi32, #tpu.memory_space<vmem>> -> memref<1x128xi32, #tpu.memory_space<vmem>>
        %dma_wait3A_768 = tpu.memref_squeeze %dma_wait3A_767 : memref<1x128xi32, #tpu.memory_space<vmem>> -> memref<128xi32, #tpu.memory_space<vmem>>
        %dma_wait3A_769 = arith.constant 0 : i32
        %dma_wait3A_770 = tpu.memref_slice %arg4[%dma_wait3A_769] : memref<1064960xi32, #tpu.memory_space<vmem_shared>> -> memref<1064960xi32, #tpu.memory_space<vmem_shared>>
        tpu.wait_indirect_dma semaphore(%arg15 : memref<!tpu.dma_semaphore, #tpu.memory_space<semaphore_mem>>) src(%dma_wait3A_765 : memref<128xi32, #tpu.memory_space<vmem>>) dst(%dma_wait3A_770 : memref<1064960xi32, #tpu.memory_space<vmem_shared>>)
        %dma_wait3A_771 = arith.constant 3 : i32
        %dma_wait3A_772 = arith.constant 3 : i32
        %dma_wait3A_773 = arith.constant 0 : i32
        %dma_wait3A_774 = tpu.memref_slice %arg11[%dma_wait3A_771, %dma_wait3A_773] : memref<16x128xi32, #tpu.memory_space<vmem>> -> memref<1x128xi32, #tpu.memory_space<vmem>>
        %dma_wait3A_775 = tpu.memref_squeeze %dma_wait3A_774 : memref<1x128xi32, #tpu.memory_space<vmem>> -> memref<128xi32, #tpu.memory_space<vmem>>
        %dma_wait3A_776 = arith.constant 0 : i32
        %dma_wait3A_777 = tpu.memref_slice %arg9[%dma_wait3A_772, %dma_wait3A_776] : memref<16x128xi32, #tpu.memory_space<vmem>> -> memref<1x128xi32, #tpu.memory_space<vmem>>
        %dma_wait3A_778 = tpu.memref_squeeze %dma_wait3A_777 : memref<1x128xi32, #tpu.memory_space<vmem>> -> memref<128xi32, #tpu.memory_space<vmem>>
        %dma_wait3A_779 = arith.constant 0 : i32
        %dma_wait3A_780 = tpu.memref_slice %arg4[%dma_wait3A_779] : memref<1064960xi32, #tpu.memory_space<vmem_shared>> -> memref<1064960xi32, #tpu.memory_space<vmem_shared>>
        tpu.wait_indirect_dma semaphore(%arg15 : memref<!tpu.dma_semaphore, #tpu.memory_space<semaphore_mem>>) src(%dma_wait3A_775 : memref<128xi32, #tpu.memory_space<vmem>>) dst(%dma_wait3A_780 : memref<1064960xi32, #tpu.memory_space<vmem_shared>>)
        %dma_wait3A_781 = arith.constant 4 : i32
        %dma_wait3A_782 = arith.constant 4 : i32
        %dma_wait3A_783 = arith.constant 0 : i32
        %dma_wait3A_784 = tpu.memref_slice %arg11[%dma_wait3A_781, %dma_wait3A_783] : memref<16x128xi32, #tpu.memory_space<vmem>> -> memref<1x128xi32, #tpu.memory_space<vmem>>
        %dma_wait3A_785 = tpu.memref_squeeze %dma_wait3A_784 : memref<1x128xi32, #tpu.memory_space<vmem>> -> memref<128xi32, #tpu.memory_space<vmem>>
        %dma_wait3A_786 = arith.constant 0 : i32
        %dma_wait3A_787 = tpu.memref_slice %arg9[%dma_wait3A_782, %dma_wait3A_786] : memref<16x128xi32, #tpu.memory_space<vmem>> -> memref<1x128xi32, #tpu.memory_space<vmem>>
        %dma_wait3A_788 = tpu.memref_squeeze %dma_wait3A_787 : memref<1x128xi32, #tpu.memory_space<vmem>> -> memref<128xi32, #tpu.memory_space<vmem>>
        %dma_wait3A_789 = arith.constant 0 : i32
        %dma_wait3A_790 = tpu.memref_slice %arg4[%dma_wait3A_789] : memref<1064960xi32, #tpu.memory_space<vmem_shared>> -> memref<1064960xi32, #tpu.memory_space<vmem_shared>>
        tpu.wait_indirect_dma semaphore(%arg15 : memref<!tpu.dma_semaphore, #tpu.memory_space<semaphore_mem>>) src(%dma_wait3A_785 : memref<128xi32, #tpu.memory_space<vmem>>) dst(%dma_wait3A_790 : memref<1064960xi32, #tpu.memory_space<vmem_shared>>)
        %dma_wait3A_791 = arith.constant 5 : i32
        %dma_wait3A_792 = arith.constant 5 : i32
        %dma_wait3A_793 = arith.constant 0 : i32
        %dma_wait3A_794 = tpu.memref_slice %arg11[%dma_wait3A_791, %dma_wait3A_793] : memref<16x128xi32, #tpu.memory_space<vmem>> -> memref<1x128xi32, #tpu.memory_space<vmem>>
        %dma_wait3A_795 = tpu.memref_squeeze %dma_wait3A_794 : memref<1x128xi32, #tpu.memory_space<vmem>> -> memref<128xi32, #tpu.memory_space<vmem>>
        %dma_wait3A_796 = arith.constant 0 : i32
        %dma_wait3A_797 = tpu.memref_slice %arg9[%dma_wait3A_792, %dma_wait3A_796] : memref<16x128xi32, #tpu.memory_space<vmem>> -> memref<1x128xi32, #tpu.memory_space<vmem>>
        %dma_wait3A_798 = tpu.memref_squeeze %dma_wait3A_797 : memref<1x128xi32, #tpu.memory_space<vmem>> -> memref<128xi32, #tpu.memory_space<vmem>>
        %dma_wait3A_799 = arith.constant 0 : i32
        %dma_wait3A_800 = tpu.memref_slice %arg4[%dma_wait3A_799] : memref<1064960xi32, #tpu.memory_space<vmem_shared>> -> memref<1064960xi32, #tpu.memory_space<vmem_shared>>
        tpu.wait_indirect_dma semaphore(%arg15 : memref<!tpu.dma_semaphore, #tpu.memory_space<semaphore_mem>>) src(%dma_wait3A_795 : memref<128xi32, #tpu.memory_space<vmem>>) dst(%dma_wait3A_800 : memref<1064960xi32, #tpu.memory_space<vmem_shared>>)
        %dma_wait3A_801 = arith.constant 6 : i32
        %dma_wait3A_802 = arith.constant 6 : i32
        %dma_wait3A_803 = arith.constant 0 : i32
        %dma_wait3A_804 = tpu.memref_slice %arg11[%dma_wait3A_801, %dma_wait3A_803] : memref<16x128xi32, #tpu.memory_space<vmem>> -> memref<1x128xi32, #tpu.memory_space<vmem>>
        %dma_wait3A_805 = tpu.memref_squeeze %dma_wait3A_804 : memref<1x128xi32, #tpu.memory_space<vmem>> -> memref<128xi32, #tpu.memory_space<vmem>>
        %dma_wait3A_806 = arith.constant 0 : i32
        %dma_wait3A_807 = tpu.memref_slice %arg9[%dma_wait3A_802, %dma_wait3A_806] : memref<16x128xi32, #tpu.memory_space<vmem>> -> memref<1x128xi32, #tpu.memory_space<vmem>>
        %dma_wait3A_808 = tpu.memref_squeeze %dma_wait3A_807 : memref<1x128xi32, #tpu.memory_space<vmem>> -> memref<128xi32, #tpu.memory_space<vmem>>
        %dma_wait3A_809 = arith.constant 0 : i32
        %dma_wait3A_810 = tpu.memref_slice %arg4[%dma_wait3A_809] : memref<1064960xi32, #tpu.memory_space<vmem_shared>> -> memref<1064960xi32, #tpu.memory_space<vmem_shared>>
        tpu.wait_indirect_dma semaphore(%arg15 : memref<!tpu.dma_semaphore, #tpu.memory_space<semaphore_mem>>) src(%dma_wait3A_805 : memref<128xi32, #tpu.memory_space<vmem>>) dst(%dma_wait3A_810 : memref<1064960xi32, #tpu.memory_space<vmem_shared>>)
        %dma_wait3A_811 = arith.constant 7 : i32
        %dma_wait3A_812 = arith.constant 7 : i32
        %dma_wait3A_813 = arith.constant 0 : i32
        %dma_wait3A_814 = tpu.memref_slice %arg11[%dma_wait3A_811, %dma_wait3A_813] : memref<16x128xi32, #tpu.memory_space<vmem>> -> memref<1x128xi32, #tpu.memory_space<vmem>>
        %dma_wait3A_815 = tpu.memref_squeeze %dma_wait3A_814 : memref<1x128xi32, #tpu.memory_space<vmem>> -> memref<128xi32, #tpu.memory_space<vmem>>
        %dma_wait3A_816 = arith.constant 0 : i32
        %dma_wait3A_817 = tpu.memref_slice %arg9[%dma_wait3A_812, %dma_wait3A_816] : memref<16x128xi32, #tpu.memory_space<vmem>> -> memref<1x128xi32, #tpu.memory_space<vmem>>
        %dma_wait3A_818 = tpu.memref_squeeze %dma_wait3A_817 : memref<1x128xi32, #tpu.memory_space<vmem>> -> memref<128xi32, #tpu.memory_space<vmem>>
        %dma_wait3A_819 = arith.constant 0 : i32
        %dma_wait3A_820 = tpu.memref_slice %arg4[%dma_wait3A_819] : memref<1064960xi32, #tpu.memory_space<vmem_shared>> -> memref<1064960xi32, #tpu.memory_space<vmem_shared>>
        tpu.wait_indirect_dma semaphore(%arg15 : memref<!tpu.dma_semaphore, #tpu.memory_space<semaphore_mem>>) src(%dma_wait3A_815 : memref<128xi32, #tpu.memory_space<vmem>>) dst(%dma_wait3A_820 : memref<1064960xi32, #tpu.memory_space<vmem_shared>>)
        %dma_wait3A_821 = arith.constant 8 : i32
        %dma_wait3A_822 = arith.constant 8 : i32
        %dma_wait3A_823 = arith.constant 0 : i32
        %dma_wait3A_824 = tpu.memref_slice %arg11[%dma_wait3A_821, %dma_wait3A_823] : memref<16x128xi32, #tpu.memory_space<vmem>> -> memref<1x128xi32, #tpu.memory_space<vmem>>
        %dma_wait3A_825 = tpu.memref_squeeze %dma_wait3A_824 : memref<1x128xi32, #tpu.memory_space<vmem>> -> memref<128xi32, #tpu.memory_space<vmem>>
        %dma_wait3A_826 = arith.constant 0 : i32
        %dma_wait3A_827 = tpu.memref_slice %arg9[%dma_wait3A_822, %dma_wait3A_826] : memref<16x128xi32, #tpu.memory_space<vmem>> -> memref<1x128xi32, #tpu.memory_space<vmem>>
        %dma_wait3A_828 = tpu.memref_squeeze %dma_wait3A_827 : memref<1x128xi32, #tpu.memory_space<vmem>> -> memref<128xi32, #tpu.memory_space<vmem>>
        %dma_wait3A_829 = arith.constant 0 : i32
        %dma_wait3A_830 = tpu.memref_slice %arg4[%dma_wait3A_829] : memref<1064960xi32, #tpu.memory_space<vmem_shared>> -> memref<1064960xi32, #tpu.memory_space<vmem_shared>>
        tpu.wait_indirect_dma semaphore(%arg15 : memref<!tpu.dma_semaphore, #tpu.memory_space<semaphore_mem>>) src(%dma_wait3A_825 : memref<128xi32, #tpu.memory_space<vmem>>) dst(%dma_wait3A_830 : memref<1064960xi32, #tpu.memory_space<vmem_shared>>)
        %dma_wait3A_831 = arith.constant 9 : i32
        %dma_wait3A_832 = arith.constant 9 : i32
        %dma_wait3A_833 = arith.constant 0 : i32
        %dma_wait3A_834 = tpu.memref_slice %arg11[%dma_wait3A_831, %dma_wait3A_833] : memref<16x128xi32, #tpu.memory_space<vmem>> -> memref<1x128xi32, #tpu.memory_space<vmem>>
        %dma_wait3A_835 = tpu.memref_squeeze %dma_wait3A_834 : memref<1x128xi32, #tpu.memory_space<vmem>> -> memref<128xi32, #tpu.memory_space<vmem>>
        %dma_wait3A_836 = arith.constant 0 : i32
        %dma_wait3A_837 = tpu.memref_slice %arg9[%dma_wait3A_832, %dma_wait3A_836] : memref<16x128xi32, #tpu.memory_space<vmem>> -> memref<1x128xi32, #tpu.memory_space<vmem>>
        %dma_wait3A_838 = tpu.memref_squeeze %dma_wait3A_837 : memref<1x128xi32, #tpu.memory_space<vmem>> -> memref<128xi32, #tpu.memory_space<vmem>>
        %dma_wait3A_839 = arith.constant 0 : i32
        %dma_wait3A_840 = tpu.memref_slice %arg4[%dma_wait3A_839] : memref<1064960xi32, #tpu.memory_space<vmem_shared>> -> memref<1064960xi32, #tpu.memory_space<vmem_shared>>
        tpu.wait_indirect_dma semaphore(%arg15 : memref<!tpu.dma_semaphore, #tpu.memory_space<semaphore_mem>>) src(%dma_wait3A_835 : memref<128xi32, #tpu.memory_space<vmem>>) dst(%dma_wait3A_840 : memref<1064960xi32, #tpu.memory_space<vmem_shared>>)
        %dma_wait3A_841 = arith.constant 10 : i32
        %dma_wait3A_842 = arith.constant 10 : i32
        %dma_wait3A_843 = arith.constant 0 : i32
        %dma_wait3A_844 = tpu.memref_slice %arg11[%dma_wait3A_841, %dma_wait3A_843] : memref<16x128xi32, #tpu.memory_space<vmem>> -> memref<1x128xi32, #tpu.memory_space<vmem>>
        %dma_wait3A_845 = tpu.memref_squeeze %dma_wait3A_844 : memref<1x128xi32, #tpu.memory_space<vmem>> -> memref<128xi32, #tpu.memory_space<vmem>>
        %dma_wait3A_846 = arith.constant 0 : i32
        %dma_wait3A_847 = tpu.memref_slice %arg9[%dma_wait3A_842, %dma_wait3A_846] : memref<16x128xi32, #tpu.memory_space<vmem>> -> memref<1x128xi32, #tpu.memory_space<vmem>>
        %dma_wait3A_848 = tpu.memref_squeeze %dma_wait3A_847 : memref<1x128xi32, #tpu.memory_space<vmem>> -> memref<128xi32, #tpu.memory_space<vmem>>
        %dma_wait3A_849 = arith.constant 0 : i32
        %dma_wait3A_850 = tpu.memref_slice %arg4[%dma_wait3A_849] : memref<1064960xi32, #tpu.memory_space<vmem_shared>> -> memref<1064960xi32, #tpu.memory_space<vmem_shared>>
        tpu.wait_indirect_dma semaphore(%arg15 : memref<!tpu.dma_semaphore, #tpu.memory_space<semaphore_mem>>) src(%dma_wait3A_845 : memref<128xi32, #tpu.memory_space<vmem>>) dst(%dma_wait3A_850 : memref<1064960xi32, #tpu.memory_space<vmem_shared>>)
        %dma_wait3A_851 = arith.constant 11 : i32
        %dma_wait3A_852 = arith.constant 11 : i32
        %dma_wait3A_853 = arith.constant 0 : i32
        %dma_wait3A_854 = tpu.memref_slice %arg11[%dma_wait3A_851, %dma_wait3A_853] : memref<16x128xi32, #tpu.memory_space<vmem>> -> memref<1x128xi32, #tpu.memory_space<vmem>>
        %dma_wait3A_855 = tpu.memref_squeeze %dma_wait3A_854 : memref<1x128xi32, #tpu.memory_space<vmem>> -> memref<128xi32, #tpu.memory_space<vmem>>
        %dma_wait3A_856 = arith.constant 0 : i32
        %dma_wait3A_857 = tpu.memref_slice %arg9[%dma_wait3A_852, %dma_wait3A_856] : memref<16x128xi32, #tpu.memory_space<vmem>> -> memref<1x128xi32, #tpu.memory_space<vmem>>
        %dma_wait3A_858 = tpu.memref_squeeze %dma_wait3A_857 : memref<1x128xi32, #tpu.memory_space<vmem>> -> memref<128xi32, #tpu.memory_space<vmem>>
        %dma_wait3A_859 = arith.constant 0 : i32
        %dma_wait3A_860 = tpu.memref_slice %arg4[%dma_wait3A_859] : memref<1064960xi32, #tpu.memory_space<vmem_shared>> -> memref<1064960xi32, #tpu.memory_space<vmem_shared>>
        tpu.wait_indirect_dma semaphore(%arg15 : memref<!tpu.dma_semaphore, #tpu.memory_space<semaphore_mem>>) src(%dma_wait3A_855 : memref<128xi32, #tpu.memory_space<vmem>>) dst(%dma_wait3A_860 : memref<1064960xi32, #tpu.memory_space<vmem_shared>>)
        %dma_wait3A_861 = arith.constant 12 : i32
        %dma_wait3A_862 = arith.constant 12 : i32
        %dma_wait3A_863 = arith.constant 0 : i32
        %dma_wait3A_864 = tpu.memref_slice %arg11[%dma_wait3A_861, %dma_wait3A_863] : memref<16x128xi32, #tpu.memory_space<vmem>> -> memref<1x128xi32, #tpu.memory_space<vmem>>
        %dma_wait3A_865 = tpu.memref_squeeze %dma_wait3A_864 : memref<1x128xi32, #tpu.memory_space<vmem>> -> memref<128xi32, #tpu.memory_space<vmem>>
        %dma_wait3A_866 = arith.constant 0 : i32
        %dma_wait3A_867 = tpu.memref_slice %arg9[%dma_wait3A_862, %dma_wait3A_866] : memref<16x128xi32, #tpu.memory_space<vmem>> -> memref<1x128xi32, #tpu.memory_space<vmem>>
        %dma_wait3A_868 = tpu.memref_squeeze %dma_wait3A_867 : memref<1x128xi32, #tpu.memory_space<vmem>> -> memref<128xi32, #tpu.memory_space<vmem>>
        %dma_wait3A_869 = arith.constant 0 : i32
        %dma_wait3A_870 = tpu.memref_slice %arg4[%dma_wait3A_869] : memref<1064960xi32, #tpu.memory_space<vmem_shared>> -> memref<1064960xi32, #tpu.memory_space<vmem_shared>>
        tpu.wait_indirect_dma semaphore(%arg15 : memref<!tpu.dma_semaphore, #tpu.memory_space<semaphore_mem>>) src(%dma_wait3A_865 : memref<128xi32, #tpu.memory_space<vmem>>) dst(%dma_wait3A_870 : memref<1064960xi32, #tpu.memory_space<vmem_shared>>)
        %dma_wait3A_871 = arith.constant 13 : i32
        %dma_wait3A_872 = arith.constant 13 : i32
        %dma_wait3A_873 = arith.constant 0 : i32
        %dma_wait3A_874 = tpu.memref_slice %arg11[%dma_wait3A_871, %dma_wait3A_873] : memref<16x128xi32, #tpu.memory_space<vmem>> -> memref<1x128xi32, #tpu.memory_space<vmem>>
        %dma_wait3A_875 = tpu.memref_squeeze %dma_wait3A_874 : memref<1x128xi32, #tpu.memory_space<vmem>> -> memref<128xi32, #tpu.memory_space<vmem>>
        %dma_wait3A_876 = arith.constant 0 : i32
        %dma_wait3A_877 = tpu.memref_slice %arg9[%dma_wait3A_872, %dma_wait3A_876] : memref<16x128xi32, #tpu.memory_space<vmem>> -> memref<1x128xi32, #tpu.memory_space<vmem>>
        %dma_wait3A_878 = tpu.memref_squeeze %dma_wait3A_877 : memref<1x128xi32, #tpu.memory_space<vmem>> -> memref<128xi32, #tpu.memory_space<vmem>>
        %dma_wait3A_879 = arith.constant 0 : i32
        %dma_wait3A_880 = tpu.memref_slice %arg4[%dma_wait3A_879] : memref<1064960xi32, #tpu.memory_space<vmem_shared>> -> memref<1064960xi32, #tpu.memory_space<vmem_shared>>
        tpu.wait_indirect_dma semaphore(%arg15 : memref<!tpu.dma_semaphore, #tpu.memory_space<semaphore_mem>>) src(%dma_wait3A_875 : memref<128xi32, #tpu.memory_space<vmem>>) dst(%dma_wait3A_880 : memref<1064960xi32, #tpu.memory_space<vmem_shared>>)
        %dma_wait3A_881 = arith.constant 14 : i32
        %dma_wait3A_882 = arith.constant 14 : i32
        %dma_wait3A_883 = arith.constant 0 : i32
        %dma_wait3A_884 = tpu.memref_slice %arg11[%dma_wait3A_881, %dma_wait3A_883] : memref<16x128xi32, #tpu.memory_space<vmem>> -> memref<1x128xi32, #tpu.memory_space<vmem>>
        %dma_wait3A_885 = tpu.memref_squeeze %dma_wait3A_884 : memref<1x128xi32, #tpu.memory_space<vmem>> -> memref<128xi32, #tpu.memory_space<vmem>>
        %dma_wait3A_886 = arith.constant 0 : i32
        %dma_wait3A_887 = tpu.memref_slice %arg9[%dma_wait3A_882, %dma_wait3A_886] : memref<16x128xi32, #tpu.memory_space<vmem>> -> memref<1x128xi32, #tpu.memory_space<vmem>>
        %dma_wait3A_888 = tpu.memref_squeeze %dma_wait3A_887 : memref<1x128xi32, #tpu.memory_space<vmem>> -> memref<128xi32, #tpu.memory_space<vmem>>
        %dma_wait3A_889 = arith.constant 0 : i32
        %dma_wait3A_890 = tpu.memref_slice %arg4[%dma_wait3A_889] : memref<1064960xi32, #tpu.memory_space<vmem_shared>> -> memref<1064960xi32, #tpu.memory_space<vmem_shared>>
        tpu.wait_indirect_dma semaphore(%arg15 : memref<!tpu.dma_semaphore, #tpu.memory_space<semaphore_mem>>) src(%dma_wait3A_885 : memref<128xi32, #tpu.memory_space<vmem>>) dst(%dma_wait3A_890 : memref<1064960xi32, #tpu.memory_space<vmem_shared>>)
        %dma_wait3A_891 = arith.constant 15 : i32
        %dma_wait3A_892 = arith.constant 15 : i32
        %dma_wait3A_893 = arith.constant 0 : i32
        %dma_wait3A_894 = tpu.memref_slice %arg11[%dma_wait3A_891, %dma_wait3A_893] : memref<16x128xi32, #tpu.memory_space<vmem>> -> memref<1x128xi32, #tpu.memory_space<vmem>>
        %dma_wait3A_895 = tpu.memref_squeeze %dma_wait3A_894 : memref<1x128xi32, #tpu.memory_space<vmem>> -> memref<128xi32, #tpu.memory_space<vmem>>
        %dma_wait3A_896 = arith.constant 0 : i32
        %dma_wait3A_897 = tpu.memref_slice %arg9[%dma_wait3A_892, %dma_wait3A_896] : memref<16x128xi32, #tpu.memory_space<vmem>> -> memref<1x128xi32, #tpu.memory_space<vmem>>
        %dma_wait3A_898 = tpu.memref_squeeze %dma_wait3A_897 : memref<1x128xi32, #tpu.memory_space<vmem>> -> memref<128xi32, #tpu.memory_space<vmem>>
        %dma_wait3A_899 = arith.constant 0 : i32
        %dma_wait3A_900 = tpu.memref_slice %arg4[%dma_wait3A_899] : memref<1064960xi32, #tpu.memory_space<vmem_shared>> -> memref<1064960xi32, #tpu.memory_space<vmem_shared>>
        tpu.wait_indirect_dma semaphore(%arg15 : memref<!tpu.dma_semaphore, #tpu.memory_space<semaphore_mem>>) src(%dma_wait3A_895 : memref<128xi32, #tpu.memory_space<vmem>>) dst(%dma_wait3A_900 : memref<1064960xi32, #tpu.memory_space<vmem_shared>>)
      } else {
      }
      %scan3A_568 = arith.constant 0 : i32
      %scan3A_569 = arith.constant 0 : i32
      %scan3A_570 = arith.constant 8 : i32
      %scan3A_571 = arith.addi %scan3A_569, %scan3A_570 : i32
      %scan3A_572 = arith.constant 1 : i32
      scf.for %scan3A_741 = %scan3A_569 to %scan3A_571 step %scan3A_572  : i32 {
        %mul3A_742 = arith.constant 256 : i32
        %mul3A_743 = arith.muli %scan3A_741, %mul3A_742 : i32
        %and3A = arith.constant 1008 : i32
        %and3A_744 = arith.andi %mul3A_743, %and3A : i32
        %add3A_745 = vector.broadcast %and3A_744 : i32 to vector<16xi32>
        %add3A_746 = arith.addi %add3A_36, %add3A_745 : vector<16xi32>
        %mul3A_747 = arith.constant 256 : i32
        %mul3A_748 = arith.muli %scan3A_741, %mul3A_747 : i32
        %add3A_749 = arith.constant 0 : i32
        %add3A_750 = arith.addi %mul3A_748, %add3A_749 : i32
        %get3A = arith.index_cast %add3A_750 : i32 to index
        %get3A_751 = tpu.vector_load %arg7[%get3A] {strides = array<i32>} : memref<2048xi32, #tpu.memory_space<vmem>>, vector<16xi32>,
        %get3A_752 = vector.shape_cast %get3A_751 : vector<16xi32> to vector<16xi32>
        %mul3A_753 = arith.constant 256 : i32
        %mul3A_754 = arith.muli %scan3A_741, %mul3A_753 : i32
        %add3A_755 = arith.constant 16 : i32
        %add3A_756 = arith.addi %mul3A_754, %add3A_755 : i32
        %get3A_757 = arith.index_cast %add3A_756 : i32 to index
        %get3A_758 = tpu.vector_load %arg7[%get3A_757] {strides = array<i32>} : memref<2048xi32, #tpu.memory_space<vmem>>, vector<16xi32>,
        %get3A_759 = vector.shape_cast %get3A_758 : vector<16xi32> to vector<16xi32>
        %mul3A_760 = arith.constant 256 : i32
        %mul3A_761 = arith.muli %scan3A_741, %mul3A_760 : i32
        %add3A_762 = arith.constant 32 : i32
        %add3A_763 = arith.addi %mul3A_761, %add3A_762 : i32
        %get3A_764 = arith.index_cast %add3A_763 : i32 to index
        %get3A_765 = tpu.vector_load %arg7[%get3A_764] {strides = array<i32>} : memref<2048xi32, #tpu.memory_space<vmem>>, vector<16xi32>,
        %get3A_766 = vector.shape_cast %get3A_765 : vector<16xi32> to vector<16xi32>
        %mul3A_767 = arith.constant 256 : i32
        %mul3A_768 = arith.muli %scan3A_741, %mul3A_767 : i32
        %add3A_769 = arith.constant 48 : i32
        %add3A_770 = arith.addi %mul3A_768, %add3A_769 : i32
        %get3A_771 = arith.index_cast %add3A_770 : i32 to index
        %get3A_772 = tpu.vector_load %arg7[%get3A_771] {strides = array<i32>} : memref<2048xi32, #tpu.memory_space<vmem>>, vector<16xi32>,
        %get3A_773 = vector.shape_cast %get3A_772 : vector<16xi32> to vector<16xi32>
        %mul3A_774 = arith.constant 256 : i32
        %mul3A_775 = arith.muli %scan3A_741, %mul3A_774 : i32
        %add3A_776 = arith.constant 64 : i32
        %add3A_777 = arith.addi %mul3A_775, %add3A_776 : i32
        %get3A_778 = arith.index_cast %add3A_777 : i32 to index
        %get3A_779 = tpu.vector_load %arg7[%get3A_778] {strides = array<i32>} : memref<2048xi32, #tpu.memory_space<vmem>>, vector<16xi32>,
        %get3A_780 = vector.shape_cast %get3A_779 : vector<16xi32> to vector<16xi32>
        %mul3A_781 = arith.constant 256 : i32
        %mul3A_782 = arith.muli %scan3A_741, %mul3A_781 : i32
        %add3A_783 = arith.constant 80 : i32
        %add3A_784 = arith.addi %mul3A_782, %add3A_783 : i32
        %get3A_785 = arith.index_cast %add3A_784 : i32 to index
        %get3A_786 = tpu.vector_load %arg7[%get3A_785] {strides = array<i32>} : memref<2048xi32, #tpu.memory_space<vmem>>, vector<16xi32>,
        %get3A_787 = vector.shape_cast %get3A_786 : vector<16xi32> to vector<16xi32>
        %mul3A_788 = arith.constant 256 : i32
        %mul3A_789 = arith.muli %scan3A_741, %mul3A_788 : i32
        %add3A_790 = arith.constant 96 : i32
        %add3A_791 = arith.addi %mul3A_789, %add3A_790 : i32
        %get3A_792 = arith.index_cast %add3A_791 : i32 to index
        %get3A_793 = tpu.vector_load %arg7[%get3A_792] {strides = array<i32>} : memref<2048xi32, #tpu.memory_space<vmem>>, vector<16xi32>,
        %get3A_794 = vector.shape_cast %get3A_793 : vector<16xi32> to vector<16xi32>
        %mul3A_795 = arith.constant 256 : i32
        %mul3A_796 = arith.muli %scan3A_741, %mul3A_795 : i32
        %add3A_797 = arith.constant 112 : i32
        %add3A_798 = arith.addi %mul3A_796, %add3A_797 : i32
        %get3A_799 = arith.index_cast %add3A_798 : i32 to index
        %get3A_800 = tpu.vector_load %arg7[%get3A_799] {strides = array<i32>} : memref<2048xi32, #tpu.memory_space<vmem>>, vector<16xi32>,
        %get3A_801 = vector.shape_cast %get3A_800 : vector<16xi32> to vector<16xi32>
        %mul3A_802 = arith.constant 256 : i32
        %mul3A_803 = arith.muli %scan3A_741, %mul3A_802 : i32
        %add3A_804 = arith.constant 128 : i32
        %add3A_805 = arith.addi %mul3A_803, %add3A_804 : i32
        %get3A_806 = arith.index_cast %add3A_805 : i32 to index
        %get3A_807 = tpu.vector_load %arg7[%get3A_806] {strides = array<i32>} : memref<2048xi32, #tpu.memory_space<vmem>>, vector<16xi32>,
        %get3A_808 = vector.shape_cast %get3A_807 : vector<16xi32> to vector<16xi32>
        %mul3A_809 = arith.constant 256 : i32
        %mul3A_810 = arith.muli %scan3A_741, %mul3A_809 : i32
        %add3A_811 = arith.constant 144 : i32
        %add3A_812 = arith.addi %mul3A_810, %add3A_811 : i32
        %get3A_813 = arith.index_cast %add3A_812 : i32 to index
        %get3A_814 = tpu.vector_load %arg7[%get3A_813] {strides = array<i32>} : memref<2048xi32, #tpu.memory_space<vmem>>, vector<16xi32>,
        %get3A_815 = vector.shape_cast %get3A_814 : vector<16xi32> to vector<16xi32>
        %mul3A_816 = arith.constant 256 : i32
        %mul3A_817 = arith.muli %scan3A_741, %mul3A_816 : i32
        %add3A_818 = arith.constant 160 : i32
        %add3A_819 = arith.addi %mul3A_817, %add3A_818 : i32
        %get3A_820 = arith.index_cast %add3A_819 : i32 to index
        %get3A_821 = tpu.vector_load %arg7[%get3A_820] {strides = array<i32>} : memref<2048xi32, #tpu.memory_space<vmem>>, vector<16xi32>,
        %get3A_822 = vector.shape_cast %get3A_821 : vector<16xi32> to vector<16xi32>
        %mul3A_823 = arith.constant 256 : i32
        %mul3A_824 = arith.muli %scan3A_741, %mul3A_823 : i32
        %add3A_825 = arith.constant 176 : i32
        %add3A_826 = arith.addi %mul3A_824, %add3A_825 : i32
        %get3A_827 = arith.index_cast %add3A_826 : i32 to index
        %get3A_828 = tpu.vector_load %arg7[%get3A_827] {strides = array<i32>} : memref<2048xi32, #tpu.memory_space<vmem>>, vector<16xi32>,
        %get3A_829 = vector.shape_cast %get3A_828 : vector<16xi32> to vector<16xi32>
        %mul3A_830 = arith.constant 256 : i32
        %mul3A_831 = arith.muli %scan3A_741, %mul3A_830 : i32
        %add3A_832 = arith.constant 192 : i32
        %add3A_833 = arith.addi %mul3A_831, %add3A_832 : i32
        %get3A_834 = arith.index_cast %add3A_833 : i32 to index
        %get3A_835 = tpu.vector_load %arg7[%get3A_834] {strides = array<i32>} : memref<2048xi32, #tpu.memory_space<vmem>>, vector<16xi32>,
        %get3A_836 = vector.shape_cast %get3A_835 : vector<16xi32> to vector<16xi32>
        %mul3A_837 = arith.constant 256 : i32
        %mul3A_838 = arith.muli %scan3A_741, %mul3A_837 : i32
        %add3A_839 = arith.constant 208 : i32
        %add3A_840 = arith.addi %mul3A_838, %add3A_839 : i32
        %get3A_841 = arith.index_cast %add3A_840 : i32 to index
        %get3A_842 = tpu.vector_load %arg7[%get3A_841] {strides = array<i32>} : memref<2048xi32, #tpu.memory_space<vmem>>, vector<16xi32>,
        %get3A_843 = vector.shape_cast %get3A_842 : vector<16xi32> to vector<16xi32>
        %mul3A_844 = arith.constant 256 : i32
        %mul3A_845 = arith.muli %scan3A_741, %mul3A_844 : i32
        %add3A_846 = arith.constant 224 : i32
        %add3A_847 = arith.addi %mul3A_845, %add3A_846 : i32
        %get3A_848 = arith.index_cast %add3A_847 : i32 to index
        %get3A_849 = tpu.vector_load %arg7[%get3A_848] {strides = array<i32>} : memref<2048xi32, #tpu.memory_space<vmem>>, vector<16xi32>,
        %get3A_850 = vector.shape_cast %get3A_849 : vector<16xi32> to vector<16xi32>
        %mul3A_851 = arith.constant 256 : i32
        %mul3A_852 = arith.muli %scan3A_741, %mul3A_851 : i32
        %add3A_853 = arith.constant 240 : i32
        %add3A_854 = arith.addi %mul3A_852, %add3A_853 : i32
        %get3A_855 = arith.index_cast %add3A_854 : i32 to index
        %get3A_856 = tpu.vector_load %arg7[%get3A_855] {strides = array<i32>} : memref<2048xi32, #tpu.memory_space<vmem>>, vector<16xi32>,
        %get3A_857 = vector.shape_cast %get3A_856 : vector<16xi32> to vector<16xi32>
        %shift_right_logical3A = arith.constant 20 : i32
        %shift_right_logical3A_858 = vector.broadcast %shift_right_logical3A : i32 to vector<16xi32>
        %shift_right_logical3A_859 = arith.shrui %get3A_752, %shift_right_logical3A_858 : vector<16xi32>
        %and3A_860 = arith.constant 1 : i32
        %and3A_861 = vector.broadcast %and3A_860 : i32 to vector<16xi32>
        %and3A_862 = arith.andi %shift_right_logical3A_859, %and3A_861 : vector<16xi32>
        %shift_right_logical3A_863 = arith.constant 20 : i32
        %shift_right_logical3A_864 = vector.broadcast %shift_right_logical3A_863 : i32 to vector<16xi32>
        %shift_right_logical3A_865 = arith.shrui %get3A_759, %shift_right_logical3A_864 : vector<16xi32>
        %and3A_866 = arith.constant 1 : i32
        %and3A_867 = vector.broadcast %and3A_866 : i32 to vector<16xi32>
        %and3A_868 = arith.andi %shift_right_logical3A_865, %and3A_867 : vector<16xi32>
        %shift_right_logical3A_869 = arith.constant 20 : i32
        %shift_right_logical3A_870 = vector.broadcast %shift_right_logical3A_869 : i32 to vector<16xi32>
        %shift_right_logical3A_871 = arith.shrui %get3A_766, %shift_right_logical3A_870 : vector<16xi32>
        %and3A_872 = arith.constant 1 : i32
        %and3A_873 = vector.broadcast %and3A_872 : i32 to vector<16xi32>
        %and3A_874 = arith.andi %shift_right_logical3A_871, %and3A_873 : vector<16xi32>
        %shift_right_logical3A_875 = arith.constant 20 : i32
        %shift_right_logical3A_876 = vector.broadcast %shift_right_logical3A_875 : i32 to vector<16xi32>
        %shift_right_logical3A_877 = arith.shrui %get3A_773, %shift_right_logical3A_876 : vector<16xi32>
        %and3A_878 = arith.constant 1 : i32
        %and3A_879 = vector.broadcast %and3A_878 : i32 to vector<16xi32>
        %and3A_880 = arith.andi %shift_right_logical3A_877, %and3A_879 : vector<16xi32>
        %shift_right_logical3A_881 = arith.constant 20 : i32
        %shift_right_logical3A_882 = vector.broadcast %shift_right_logical3A_881 : i32 to vector<16xi32>
        %shift_right_logical3A_883 = arith.shrui %get3A_780, %shift_right_logical3A_882 : vector<16xi32>
        %and3A_884 = arith.constant 1 : i32
        %and3A_885 = vector.broadcast %and3A_884 : i32 to vector<16xi32>
        %and3A_886 = arith.andi %shift_right_logical3A_883, %and3A_885 : vector<16xi32>
        %shift_right_logical3A_887 = arith.constant 20 : i32
        %shift_right_logical3A_888 = vector.broadcast %shift_right_logical3A_887 : i32 to vector<16xi32>
        %shift_right_logical3A_889 = arith.shrui %get3A_787, %shift_right_logical3A_888 : vector<16xi32>
        %and3A_890 = arith.constant 1 : i32
        %and3A_891 = vector.broadcast %and3A_890 : i32 to vector<16xi32>
        %and3A_892 = arith.andi %shift_right_logical3A_889, %and3A_891 : vector<16xi32>
        %shift_right_logical3A_893 = arith.constant 20 : i32
        %shift_right_logical3A_894 = vector.broadcast %shift_right_logical3A_893 : i32 to vector<16xi32>
        %shift_right_logical3A_895 = arith.shrui %get3A_794, %shift_right_logical3A_894 : vector<16xi32>
        %and3A_896 = arith.constant 1 : i32
        %and3A_897 = vector.broadcast %and3A_896 : i32 to vector<16xi32>
        %and3A_898 = arith.andi %shift_right_logical3A_895, %and3A_897 : vector<16xi32>
        %shift_right_logical3A_899 = arith.constant 20 : i32
        %shift_right_logical3A_900 = vector.broadcast %shift_right_logical3A_899 : i32 to vector<16xi32>
        %shift_right_logical3A_901 = arith.shrui %get3A_801, %shift_right_logical3A_900 : vector<16xi32>
        %and3A_902 = arith.constant 1 : i32
        %and3A_903 = vector.broadcast %and3A_902 : i32 to vector<16xi32>
        %and3A_904 = arith.andi %shift_right_logical3A_901, %and3A_903 : vector<16xi32>
        %shift_right_logical3A_905 = arith.constant 20 : i32
        %shift_right_logical3A_906 = vector.broadcast %shift_right_logical3A_905 : i32 to vector<16xi32>
        %shift_right_logical3A_907 = arith.shrui %get3A_808, %shift_right_logical3A_906 : vector<16xi32>
        %and3A_908 = arith.constant 1 : i32
        %and3A_909 = vector.broadcast %and3A_908 : i32 to vector<16xi32>
        %and3A_910 = arith.andi %shift_right_logical3A_907, %and3A_909 : vector<16xi32>
        %shift_right_logical3A_911 = arith.constant 20 : i32
        %shift_right_logical3A_912 = vector.broadcast %shift_right_logical3A_911 : i32 to vector<16xi32>
        %shift_right_logical3A_913 = arith.shrui %get3A_815, %shift_right_logical3A_912 : vector<16xi32>
        %and3A_914 = arith.constant 1 : i32
        %and3A_915 = vector.broadcast %and3A_914 : i32 to vector<16xi32>
        %and3A_916 = arith.andi %shift_right_logical3A_913, %and3A_915 : vector<16xi32>
        %shift_right_logical3A_917 = arith.constant 20 : i32
        %shift_right_logical3A_918 = vector.broadcast %shift_right_logical3A_917 : i32 to vector<16xi32>
        %shift_right_logical3A_919 = arith.shrui %get3A_822, %shift_right_logical3A_918 : vector<16xi32>
        %and3A_920 = arith.constant 1 : i32
        %and3A_921 = vector.broadcast %and3A_920 : i32 to vector<16xi32>
        %and3A_922 = arith.andi %shift_right_logical3A_919, %and3A_921 : vector<16xi32>
        %shift_right_logical3A_923 = arith.constant 20 : i32
        %shift_right_logical3A_924 = vector.broadcast %shift_right_logical3A_923 : i32 to vector<16xi32>
        %shift_right_logical3A_925 = arith.shrui %get3A_829, %shift_right_logical3A_924 : vector<16xi32>
        %and3A_926 = arith.constant 1 : i32
        %and3A_927 = vector.broadcast %and3A_926 : i32 to vector<16xi32>
        %and3A_928 = arith.andi %shift_right_logical3A_925, %and3A_927 : vector<16xi32>
        %shift_right_logical3A_929 = arith.constant 20 : i32
        %shift_right_logical3A_930 = vector.broadcast %shift_right_logical3A_929 : i32 to vector<16xi32>
        %shift_right_logical3A_931 = arith.shrui %get3A_836, %shift_right_logical3A_930 : vector<16xi32>
        %and3A_932 = arith.constant 1 : i32
        %and3A_933 = vector.broadcast %and3A_932 : i32 to vector<16xi32>
        %and3A_934 = arith.andi %shift_right_logical3A_931, %and3A_933 : vector<16xi32>
        %shift_right_logical3A_935 = arith.constant 20 : i32
        %shift_right_logical3A_936 = vector.broadcast %shift_right_logical3A_935 : i32 to vector<16xi32>
        %shift_right_logical3A_937 = arith.shrui %get3A_843, %shift_right_logical3A_936 : vector<16xi32>
        %and3A_938 = arith.constant 1 : i32
        %and3A_939 = vector.broadcast %and3A_938 : i32 to vector<16xi32>
        %and3A_940 = arith.andi %shift_right_logical3A_937, %and3A_939 : vector<16xi32>
        %shift_right_logical3A_941 = arith.constant 20 : i32
        %shift_right_logical3A_942 = vector.broadcast %shift_right_logical3A_941 : i32 to vector<16xi32>
        %shift_right_logical3A_943 = arith.shrui %get3A_850, %shift_right_logical3A_942 : vector<16xi32>
        %and3A_944 = arith.constant 1 : i32
        %and3A_945 = vector.broadcast %and3A_944 : i32 to vector<16xi32>
        %and3A_946 = arith.andi %shift_right_logical3A_943, %and3A_945 : vector<16xi32>
        %shift_right_logical3A_947 = arith.constant 20 : i32
        %shift_right_logical3A_948 = vector.broadcast %shift_right_logical3A_947 : i32 to vector<16xi32>
        %shift_right_logical3A_949 = arith.shrui %get3A_857, %shift_right_logical3A_948 : vector<16xi32>
        %and3A_950 = arith.constant 1 : i32
        %and3A_951 = vector.broadcast %and3A_950 : i32 to vector<16xi32>
        %and3A_952 = arith.andi %shift_right_logical3A_949, %and3A_951 : vector<16xi32>
        %and3A_953 = arith.constant 1048575 : i32
        %and3A_954 = vector.broadcast %and3A_953 : i32 to vector<16xi32>
        %and3A_955 = arith.andi %get3A_752, %and3A_954 : vector<16xi32>
        %and3A_956 = arith.constant 1048575 : i32
        %and3A_957 = vector.broadcast %and3A_956 : i32 to vector<16xi32>
        %and3A_958 = arith.andi %get3A_759, %and3A_957 : vector<16xi32>
        %and3A_959 = arith.constant 1048575 : i32
        %and3A_960 = vector.broadcast %and3A_959 : i32 to vector<16xi32>
        %and3A_961 = arith.andi %get3A_766, %and3A_960 : vector<16xi32>
        %and3A_962 = arith.constant 1048575 : i32
        %and3A_963 = vector.broadcast %and3A_962 : i32 to vector<16xi32>
        %and3A_964 = arith.andi %get3A_773, %and3A_963 : vector<16xi32>
        %and3A_965 = arith.constant 1048575 : i32
        %and3A_966 = vector.broadcast %and3A_965 : i32 to vector<16xi32>
        %and3A_967 = arith.andi %get3A_780, %and3A_966 : vector<16xi32>
        %and3A_968 = arith.constant 1048575 : i32
        %and3A_969 = vector.broadcast %and3A_968 : i32 to vector<16xi32>
        %and3A_970 = arith.andi %get3A_787, %and3A_969 : vector<16xi32>
        %and3A_971 = arith.constant 1048575 : i32
        %and3A_972 = vector.broadcast %and3A_971 : i32 to vector<16xi32>
        %and3A_973 = arith.andi %get3A_794, %and3A_972 : vector<16xi32>
        %and3A_974 = arith.constant 1048575 : i32
        %and3A_975 = vector.broadcast %and3A_974 : i32 to vector<16xi32>
        %and3A_976 = arith.andi %get3A_801, %and3A_975 : vector<16xi32>
        %and3A_977 = arith.constant 1048575 : i32
        %and3A_978 = vector.broadcast %and3A_977 : i32 to vector<16xi32>
        %and3A_979 = arith.andi %get3A_808, %and3A_978 : vector<16xi32>
        %and3A_980 = arith.constant 1048575 : i32
        %and3A_981 = vector.broadcast %and3A_980 : i32 to vector<16xi32>
        %and3A_982 = arith.andi %get3A_815, %and3A_981 : vector<16xi32>
        %and3A_983 = arith.constant 1048575 : i32
        %and3A_984 = vector.broadcast %and3A_983 : i32 to vector<16xi32>
        %and3A_985 = arith.andi %get3A_822, %and3A_984 : vector<16xi32>
        %and3A_986 = arith.constant 1048575 : i32
        %and3A_987 = vector.broadcast %and3A_986 : i32 to vector<16xi32>
        %and3A_988 = arith.andi %get3A_829, %and3A_987 : vector<16xi32>
        %and3A_989 = arith.constant 1048575 : i32
        %and3A_990 = vector.broadcast %and3A_989 : i32 to vector<16xi32>
        %and3A_991 = arith.andi %get3A_836, %and3A_990 : vector<16xi32>
        %and3A_992 = arith.constant 1048575 : i32
        %and3A_993 = vector.broadcast %and3A_992 : i32 to vector<16xi32>
        %and3A_994 = arith.andi %get3A_843, %and3A_993 : vector<16xi32>
        %and3A_995 = arith.constant 1048575 : i32
        %and3A_996 = vector.broadcast %and3A_995 : i32 to vector<16xi32>
        %and3A_997 = arith.andi %get3A_850, %and3A_996 : vector<16xi32>
        %and3A_998 = arith.constant 1048575 : i32
        %and3A_999 = vector.broadcast %and3A_998 : i32 to vector<16xi32>
        %and3A_1000 = arith.andi %get3A_857, %and3A_999 : vector<16xi32>
        %shift_right_logical3A_1001 = arith.constant 21 : i32
        %shift_right_logical3A_1002 = vector.broadcast %shift_right_logical3A_1001 : i32 to vector<16xi32>
        %shift_right_logical3A_1003 = arith.shrui %get3A_752, %shift_right_logical3A_1002 : vector<16xi32>
        %shift_left3A = arith.constant 1 : i32
        %shift_left3A_1004 = vector.broadcast %shift_left3A : i32 to vector<16xi32>
        %shift_left3A_1005 = arith.shli %shift_left3A_1004, %shift_right_logical3A_1003 : vector<16xi32>
        %shift_right_logical3A_1006 = arith.constant 21 : i32
        %shift_right_logical3A_1007 = vector.broadcast %shift_right_logical3A_1006 : i32 to vector<16xi32>
        %shift_right_logical3A_1008 = arith.shrui %get3A_759, %shift_right_logical3A_1007 : vector<16xi32>
        %shift_left3A_1009 = arith.constant 1 : i32
        %shift_left3A_1010 = vector.broadcast %shift_left3A_1009 : i32 to vector<16xi32>
        %shift_left3A_1011 = arith.shli %shift_left3A_1010, %shift_right_logical3A_1008 : vector<16xi32>
        %shift_right_logical3A_1012 = arith.constant 21 : i32
        %shift_right_logical3A_1013 = vector.broadcast %shift_right_logical3A_1012 : i32 to vector<16xi32>
        %shift_right_logical3A_1014 = arith.shrui %get3A_766, %shift_right_logical3A_1013 : vector<16xi32>
        %shift_left3A_1015 = arith.constant 1 : i32
        %shift_left3A_1016 = vector.broadcast %shift_left3A_1015 : i32 to vector<16xi32>
        %shift_left3A_1017 = arith.shli %shift_left3A_1016, %shift_right_logical3A_1014 : vector<16xi32>
        %shift_right_logical3A_1018 = arith.constant 21 : i32
        %shift_right_logical3A_1019 = vector.broadcast %shift_right_logical3A_1018 : i32 to vector<16xi32>
        %shift_right_logical3A_1020 = arith.shrui %get3A_773, %shift_right_logical3A_1019 : vector<16xi32>
        %shift_left3A_1021 = arith.constant 1 : i32
        %shift_left3A_1022 = vector.broadcast %shift_left3A_1021 : i32 to vector<16xi32>
        %shift_left3A_1023 = arith.shli %shift_left3A_1022, %shift_right_logical3A_1020 : vector<16xi32>
        %shift_right_logical3A_1024 = arith.constant 21 : i32
        %shift_right_logical3A_1025 = vector.broadcast %shift_right_logical3A_1024 : i32 to vector<16xi32>
        %shift_right_logical3A_1026 = arith.shrui %get3A_780, %shift_right_logical3A_1025 : vector<16xi32>
        %shift_left3A_1027 = arith.constant 1 : i32
        %shift_left3A_1028 = vector.broadcast %shift_left3A_1027 : i32 to vector<16xi32>
        %shift_left3A_1029 = arith.shli %shift_left3A_1028, %shift_right_logical3A_1026 : vector<16xi32>
        %shift_right_logical3A_1030 = arith.constant 21 : i32
        %shift_right_logical3A_1031 = vector.broadcast %shift_right_logical3A_1030 : i32 to vector<16xi32>
        %shift_right_logical3A_1032 = arith.shrui %get3A_787, %shift_right_logical3A_1031 : vector<16xi32>
        %shift_left3A_1033 = arith.constant 1 : i32
        %shift_left3A_1034 = vector.broadcast %shift_left3A_1033 : i32 to vector<16xi32>
        %shift_left3A_1035 = arith.shli %shift_left3A_1034, %shift_right_logical3A_1032 : vector<16xi32>
        %shift_right_logical3A_1036 = arith.constant 21 : i32
        %shift_right_logical3A_1037 = vector.broadcast %shift_right_logical3A_1036 : i32 to vector<16xi32>
        %shift_right_logical3A_1038 = arith.shrui %get3A_794, %shift_right_logical3A_1037 : vector<16xi32>
        %shift_left3A_1039 = arith.constant 1 : i32
        %shift_left3A_1040 = vector.broadcast %shift_left3A_1039 : i32 to vector<16xi32>
        %shift_left3A_1041 = arith.shli %shift_left3A_1040, %shift_right_logical3A_1038 : vector<16xi32>
        %shift_right_logical3A_1042 = arith.constant 21 : i32
        %shift_right_logical3A_1043 = vector.broadcast %shift_right_logical3A_1042 : i32 to vector<16xi32>
        %shift_right_logical3A_1044 = arith.shrui %get3A_801, %shift_right_logical3A_1043 : vector<16xi32>
        %shift_left3A_1045 = arith.constant 1 : i32
        %shift_left3A_1046 = vector.broadcast %shift_left3A_1045 : i32 to vector<16xi32>
        %shift_left3A_1047 = arith.shli %shift_left3A_1046, %shift_right_logical3A_1044 : vector<16xi32>
        %shift_right_logical3A_1048 = arith.constant 21 : i32
        %shift_right_logical3A_1049 = vector.broadcast %shift_right_logical3A_1048 : i32 to vector<16xi32>
        %shift_right_logical3A_1050 = arith.shrui %get3A_808, %shift_right_logical3A_1049 : vector<16xi32>
        %shift_left3A_1051 = arith.constant 1 : i32
        %shift_left3A_1052 = vector.broadcast %shift_left3A_1051 : i32 to vector<16xi32>
        %shift_left3A_1053 = arith.shli %shift_left3A_1052, %shift_right_logical3A_1050 : vector<16xi32>
        %shift_right_logical3A_1054 = arith.constant 21 : i32
        %shift_right_logical3A_1055 = vector.broadcast %shift_right_logical3A_1054 : i32 to vector<16xi32>
        %shift_right_logical3A_1056 = arith.shrui %get3A_815, %shift_right_logical3A_1055 : vector<16xi32>
        %shift_left3A_1057 = arith.constant 1 : i32
        %shift_left3A_1058 = vector.broadcast %shift_left3A_1057 : i32 to vector<16xi32>
        %shift_left3A_1059 = arith.shli %shift_left3A_1058, %shift_right_logical3A_1056 : vector<16xi32>
        %shift_right_logical3A_1060 = arith.constant 21 : i32
        %shift_right_logical3A_1061 = vector.broadcast %shift_right_logical3A_1060 : i32 to vector<16xi32>
        %shift_right_logical3A_1062 = arith.shrui %get3A_822, %shift_right_logical3A_1061 : vector<16xi32>
        %shift_left3A_1063 = arith.constant 1 : i32
        %shift_left3A_1064 = vector.broadcast %shift_left3A_1063 : i32 to vector<16xi32>
        %shift_left3A_1065 = arith.shli %shift_left3A_1064, %shift_right_logical3A_1062 : vector<16xi32>
        %shift_right_logical3A_1066 = arith.constant 21 : i32
        %shift_right_logical3A_1067 = vector.broadcast %shift_right_logical3A_1066 : i32 to vector<16xi32>
        %shift_right_logical3A_1068 = arith.shrui %get3A_829, %shift_right_logical3A_1067 : vector<16xi32>
        %shift_left3A_1069 = arith.constant 1 : i32
        %shift_left3A_1070 = vector.broadcast %shift_left3A_1069 : i32 to vector<16xi32>
        %shift_left3A_1071 = arith.shli %shift_left3A_1070, %shift_right_logical3A_1068 : vector<16xi32>
        %shift_right_logical3A_1072 = arith.constant 21 : i32
        %shift_right_logical3A_1073 = vector.broadcast %shift_right_logical3A_1072 : i32 to vector<16xi32>
        %shift_right_logical3A_1074 = arith.shrui %get3A_836, %shift_right_logical3A_1073 : vector<16xi32>
        %shift_left3A_1075 = arith.constant 1 : i32
        %shift_left3A_1076 = vector.broadcast %shift_left3A_1075 : i32 to vector<16xi32>
        %shift_left3A_1077 = arith.shli %shift_left3A_1076, %shift_right_logical3A_1074 : vector<16xi32>
        %shift_right_logical3A_1078 = arith.constant 21 : i32
        %shift_right_logical3A_1079 = vector.broadcast %shift_right_logical3A_1078 : i32 to vector<16xi32>
        %shift_right_logical3A_1080 = arith.shrui %get3A_843, %shift_right_logical3A_1079 : vector<16xi32>
        %shift_left3A_1081 = arith.constant 1 : i32
        %shift_left3A_1082 = vector.broadcast %shift_left3A_1081 : i32 to vector<16xi32>
        %shift_left3A_1083 = arith.shli %shift_left3A_1082, %shift_right_logical3A_1080 : vector<16xi32>
        %shift_right_logical3A_1084 = arith.constant 21 : i32
        %shift_right_logical3A_1085 = vector.broadcast %shift_right_logical3A_1084 : i32 to vector<16xi32>
        %shift_right_logical3A_1086 = arith.shrui %get3A_850, %shift_right_logical3A_1085 : vector<16xi32>
        %shift_left3A_1087 = arith.constant 1 : i32
        %shift_left3A_1088 = vector.broadcast %shift_left3A_1087 : i32 to vector<16xi32>
        %shift_left3A_1089 = arith.shli %shift_left3A_1088, %shift_right_logical3A_1086 : vector<16xi32>
        %shift_right_logical3A_1090 = arith.constant 21 : i32
        %shift_right_logical3A_1091 = vector.broadcast %shift_right_logical3A_1090 : i32 to vector<16xi32>
        %shift_right_logical3A_1092 = arith.shrui %get3A_857, %shift_right_logical3A_1091 : vector<16xi32>
        %shift_left3A_1093 = arith.constant 1 : i32
        %shift_left3A_1094 = vector.broadcast %shift_left3A_1093 : i32 to vector<16xi32>
        %shift_left3A_1095 = arith.shli %shift_left3A_1094, %shift_right_logical3A_1092 : vector<16xi32>
        %eq3A = vector.broadcast %arg0 : i32 to vector<16xi32>
        %eq3A_1096 = arith.cmpi eq, %and3A_862, %eq3A : vector<16xi32>
        %add3A_1097 = arith.constant 0 : i32
        %add3A_1098 = vector.broadcast %add3A_1097 : i32 to vector<16xi32>
        %add3A_1099 = arith.addi %add3A_746, %add3A_1098 : vector<16xi32>
        %select_n3A = arith.select %eq3A_1096, %and3A_955, %add3A_1099 : vector<16xi1>, vector<16xi32>
        %eq3A_1100 = vector.broadcast %arg0 : i32 to vector<16xi32>
        %eq3A_1101 = arith.cmpi eq, %and3A_868, %eq3A_1100 : vector<16xi32>
        %add3A_1102 = arith.constant 16 : i32
        %add3A_1103 = vector.broadcast %add3A_1102 : i32 to vector<16xi32>
        %add3A_1104 = arith.addi %add3A_746, %add3A_1103 : vector<16xi32>
        %select_n3A_1105 = arith.select %eq3A_1101, %and3A_958, %add3A_1104 : vector<16xi1>, vector<16xi32>
        %eq3A_1106 = vector.broadcast %arg0 : i32 to vector<16xi32>
        %eq3A_1107 = arith.cmpi eq, %and3A_874, %eq3A_1106 : vector<16xi32>
        %add3A_1108 = arith.constant 32 : i32
        %add3A_1109 = vector.broadcast %add3A_1108 : i32 to vector<16xi32>
        %add3A_1110 = arith.addi %add3A_746, %add3A_1109 : vector<16xi32>
        %select_n3A_1111 = arith.select %eq3A_1107, %and3A_961, %add3A_1110 : vector<16xi1>, vector<16xi32>
        %eq3A_1112 = vector.broadcast %arg0 : i32 to vector<16xi32>
        %eq3A_1113 = arith.cmpi eq, %and3A_880, %eq3A_1112 : vector<16xi32>
        %add3A_1114 = arith.constant 48 : i32
        %add3A_1115 = vector.broadcast %add3A_1114 : i32 to vector<16xi32>
        %add3A_1116 = arith.addi %add3A_746, %add3A_1115 : vector<16xi32>
        %select_n3A_1117 = arith.select %eq3A_1113, %and3A_964, %add3A_1116 : vector<16xi1>, vector<16xi32>
        %eq3A_1118 = vector.broadcast %arg0 : i32 to vector<16xi32>
        %eq3A_1119 = arith.cmpi eq, %and3A_886, %eq3A_1118 : vector<16xi32>
        %add3A_1120 = arith.constant 64 : i32
        %add3A_1121 = vector.broadcast %add3A_1120 : i32 to vector<16xi32>
        %add3A_1122 = arith.addi %add3A_746, %add3A_1121 : vector<16xi32>
        %select_n3A_1123 = arith.select %eq3A_1119, %and3A_967, %add3A_1122 : vector<16xi1>, vector<16xi32>
        %eq3A_1124 = vector.broadcast %arg0 : i32 to vector<16xi32>
        %eq3A_1125 = arith.cmpi eq, %and3A_892, %eq3A_1124 : vector<16xi32>
        %add3A_1126 = arith.constant 80 : i32
        %add3A_1127 = vector.broadcast %add3A_1126 : i32 to vector<16xi32>
        %add3A_1128 = arith.addi %add3A_746, %add3A_1127 : vector<16xi32>
        %select_n3A_1129 = arith.select %eq3A_1125, %and3A_970, %add3A_1128 : vector<16xi1>, vector<16xi32>
        %eq3A_1130 = vector.broadcast %arg0 : i32 to vector<16xi32>
        %eq3A_1131 = arith.cmpi eq, %and3A_898, %eq3A_1130 : vector<16xi32>
        %add3A_1132 = arith.constant 96 : i32
        %add3A_1133 = vector.broadcast %add3A_1132 : i32 to vector<16xi32>
        %add3A_1134 = arith.addi %add3A_746, %add3A_1133 : vector<16xi32>
        %select_n3A_1135 = arith.select %eq3A_1131, %and3A_973, %add3A_1134 : vector<16xi1>, vector<16xi32>
        %eq3A_1136 = vector.broadcast %arg0 : i32 to vector<16xi32>
        %eq3A_1137 = arith.cmpi eq, %and3A_904, %eq3A_1136 : vector<16xi32>
        %add3A_1138 = arith.constant 112 : i32
        %add3A_1139 = vector.broadcast %add3A_1138 : i32 to vector<16xi32>
        %add3A_1140 = arith.addi %add3A_746, %add3A_1139 : vector<16xi32>
        %select_n3A_1141 = arith.select %eq3A_1137, %and3A_976, %add3A_1140 : vector<16xi1>, vector<16xi32>
        %eq3A_1142 = vector.broadcast %arg0 : i32 to vector<16xi32>
        %eq3A_1143 = arith.cmpi eq, %and3A_910, %eq3A_1142 : vector<16xi32>
        %add3A_1144 = arith.constant 128 : i32
        %add3A_1145 = vector.broadcast %add3A_1144 : i32 to vector<16xi32>
        %add3A_1146 = arith.addi %add3A_746, %add3A_1145 : vector<16xi32>
        %select_n3A_1147 = arith.select %eq3A_1143, %and3A_979, %add3A_1146 : vector<16xi1>, vector<16xi32>
        %eq3A_1148 = vector.broadcast %arg0 : i32 to vector<16xi32>
        %eq3A_1149 = arith.cmpi eq, %and3A_916, %eq3A_1148 : vector<16xi32>
        %add3A_1150 = arith.constant 144 : i32
        %add3A_1151 = vector.broadcast %add3A_1150 : i32 to vector<16xi32>
        %add3A_1152 = arith.addi %add3A_746, %add3A_1151 : vector<16xi32>
        %select_n3A_1153 = arith.select %eq3A_1149, %and3A_982, %add3A_1152 : vector<16xi1>, vector<16xi32>
        %eq3A_1154 = vector.broadcast %arg0 : i32 to vector<16xi32>
        %eq3A_1155 = arith.cmpi eq, %and3A_922, %eq3A_1154 : vector<16xi32>
        %add3A_1156 = arith.constant 160 : i32
        %add3A_1157 = vector.broadcast %add3A_1156 : i32 to vector<16xi32>
        %add3A_1158 = arith.addi %add3A_746, %add3A_1157 : vector<16xi32>
        %select_n3A_1159 = arith.select %eq3A_1155, %and3A_985, %add3A_1158 : vector<16xi1>, vector<16xi32>
        %eq3A_1160 = vector.broadcast %arg0 : i32 to vector<16xi32>
        %eq3A_1161 = arith.cmpi eq, %and3A_928, %eq3A_1160 : vector<16xi32>
        %add3A_1162 = arith.constant 176 : i32
        %add3A_1163 = vector.broadcast %add3A_1162 : i32 to vector<16xi32>
        %add3A_1164 = arith.addi %add3A_746, %add3A_1163 : vector<16xi32>
        %select_n3A_1165 = arith.select %eq3A_1161, %and3A_988, %add3A_1164 : vector<16xi1>, vector<16xi32>
        %eq3A_1166 = vector.broadcast %arg0 : i32 to vector<16xi32>
        %eq3A_1167 = arith.cmpi eq, %and3A_934, %eq3A_1166 : vector<16xi32>
        %add3A_1168 = arith.constant 192 : i32
        %add3A_1169 = vector.broadcast %add3A_1168 : i32 to vector<16xi32>
        %add3A_1170 = arith.addi %add3A_746, %add3A_1169 : vector<16xi32>
        %select_n3A_1171 = arith.select %eq3A_1167, %and3A_991, %add3A_1170 : vector<16xi1>, vector<16xi32>
        %eq3A_1172 = vector.broadcast %arg0 : i32 to vector<16xi32>
        %eq3A_1173 = arith.cmpi eq, %and3A_940, %eq3A_1172 : vector<16xi32>
        %add3A_1174 = arith.constant 208 : i32
        %add3A_1175 = vector.broadcast %add3A_1174 : i32 to vector<16xi32>
        %add3A_1176 = arith.addi %add3A_746, %add3A_1175 : vector<16xi32>
        %select_n3A_1177 = arith.select %eq3A_1173, %and3A_994, %add3A_1176 : vector<16xi1>, vector<16xi32>
        %eq3A_1178 = vector.broadcast %arg0 : i32 to vector<16xi32>
        %eq3A_1179 = arith.cmpi eq, %and3A_946, %eq3A_1178 : vector<16xi32>
        %add3A_1180 = arith.constant 224 : i32
        %add3A_1181 = vector.broadcast %add3A_1180 : i32 to vector<16xi32>
        %add3A_1182 = arith.addi %add3A_746, %add3A_1181 : vector<16xi32>
        %select_n3A_1183 = arith.select %eq3A_1179, %and3A_997, %add3A_1182 : vector<16xi1>, vector<16xi32>
        %eq3A_1184 = vector.broadcast %arg0 : i32 to vector<16xi32>
        %eq3A_1185 = arith.cmpi eq, %and3A_952, %eq3A_1184 : vector<16xi32>
        %add3A_1186 = arith.constant 240 : i32
        %add3A_1187 = vector.broadcast %add3A_1186 : i32 to vector<16xi32>
        %add3A_1188 = arith.addi %add3A_746, %add3A_1187 : vector<16xi32>
        %select_n3A_1189 = arith.select %eq3A_1185, %and3A_1000, %add3A_1188 : vector<16xi1>, vector<16xi32>
        %mul3A_1190 = arith.constant 2 : i32
        %mul3A_1191 = arith.muli %mul3A_1190, %scan3A_741 : i32
        %add3A_1192 = arith.constant 0 : i32
        %add3A_1193 = arith.addi %mul3A_1191, %add3A_1192 : i32
        %swap3A = arith.index_cast %add3A_1193 : i32 to index
        %swap3A_1194 = arith.constant 0 : index
        %swap3A_1195 = tpu.vector_load %arg9[%swap3A, %swap3A_1194] {strides = array<i32>} : memref<16x128xi32, #tpu.memory_space<vmem>>, vector<1x16xi32>,
        %swap3A_1196 = vector.shape_cast %swap3A_1195 : vector<1x16xi32> to vector<16xi32>
        %swap3A_1197 = vector.shape_cast %select_n3A : vector<16xi32> to vector<1x16xi32>
        tpu.vector_store %arg9[%swap3A, %swap3A_1194], %swap3A_1197 {strides = array<i32>} : memref<16x128xi32, #tpu.memory_space<vmem>>, vector<1x16xi32>,
        %mul3A_1198 = arith.constant 2 : i32
        %mul3A_1199 = arith.muli %mul3A_1198, %scan3A_741 : i32
        %add3A_1200 = arith.constant 0 : i32
        %add3A_1201 = arith.addi %mul3A_1199, %add3A_1200 : i32
        %swap3A_1202 = arith.index_cast %add3A_1201 : i32 to index
        %swap3A_1203 = arith.constant 16 : index
        %swap3A_1204 = tpu.vector_load %arg9[%swap3A_1202, %swap3A_1203] {strides = array<i32>} : memref<16x128xi32, #tpu.memory_space<vmem>>, vector<1x16xi32>,
        %swap3A_1205 = vector.shape_cast %swap3A_1204 : vector<1x16xi32> to vector<16xi32>
        %swap3A_1206 = vector.shape_cast %select_n3A_1105 : vector<16xi32> to vector<1x16xi32>
        tpu.vector_store %arg9[%swap3A_1202, %swap3A_1203], %swap3A_1206 {strides = array<i32>} : memref<16x128xi32, #tpu.memory_space<vmem>>, vector<1x16xi32>,
        %mul3A_1207 = arith.constant 2 : i32
        %mul3A_1208 = arith.muli %mul3A_1207, %scan3A_741 : i32
        %add3A_1209 = arith.constant 0 : i32
        %add3A_1210 = arith.addi %mul3A_1208, %add3A_1209 : i32
        %swap3A_1211 = arith.index_cast %add3A_1210 : i32 to index
        %swap3A_1212 = arith.constant 32 : index
        %swap3A_1213 = tpu.vector_load %arg9[%swap3A_1211, %swap3A_1212] {strides = array<i32>} : memref<16x128xi32, #tpu.memory_space<vmem>>, vector<1x16xi32>,
        %swap3A_1214 = vector.shape_cast %swap3A_1213 : vector<1x16xi32> to vector<16xi32>
        %swap3A_1215 = vector.shape_cast %select_n3A_1111 : vector<16xi32> to vector<1x16xi32>
        tpu.vector_store %arg9[%swap3A_1211, %swap3A_1212], %swap3A_1215 {strides = array<i32>} : memref<16x128xi32, #tpu.memory_space<vmem>>, vector<1x16xi32>,
        %mul3A_1216 = arith.constant 2 : i32
        %mul3A_1217 = arith.muli %mul3A_1216, %scan3A_741 : i32
        %add3A_1218 = arith.constant 0 : i32
        %add3A_1219 = arith.addi %mul3A_1217, %add3A_1218 : i32
        %swap3A_1220 = arith.index_cast %add3A_1219 : i32 to index
        %swap3A_1221 = arith.constant 48 : index
        %swap3A_1222 = tpu.vector_load %arg9[%swap3A_1220, %swap3A_1221] {strides = array<i32>} : memref<16x128xi32, #tpu.memory_space<vmem>>, vector<1x16xi32>,
        %swap3A_1223 = vector.shape_cast %swap3A_1222 : vector<1x16xi32> to vector<16xi32>
        %swap3A_1224 = vector.shape_cast %select_n3A_1117 : vector<16xi32> to vector<1x16xi32>
        tpu.vector_store %arg9[%swap3A_1220, %swap3A_1221], %swap3A_1224 {strides = array<i32>} : memref<16x128xi32, #tpu.memory_space<vmem>>, vector<1x16xi32>,
        %mul3A_1225 = arith.constant 2 : i32
        %mul3A_1226 = arith.muli %mul3A_1225, %scan3A_741 : i32
        %add3A_1227 = arith.constant 0 : i32
        %add3A_1228 = arith.addi %mul3A_1226, %add3A_1227 : i32
        %swap3A_1229 = arith.index_cast %add3A_1228 : i32 to index
        %swap3A_1230 = arith.constant 64 : index
        %swap3A_1231 = tpu.vector_load %arg9[%swap3A_1229, %swap3A_1230] {strides = array<i32>} : memref<16x128xi32, #tpu.memory_space<vmem>>, vector<1x16xi32>,
        %swap3A_1232 = vector.shape_cast %swap3A_1231 : vector<1x16xi32> to vector<16xi32>
        %swap3A_1233 = vector.shape_cast %select_n3A_1123 : vector<16xi32> to vector<1x16xi32>
        tpu.vector_store %arg9[%swap3A_1229, %swap3A_1230], %swap3A_1233 {strides = array<i32>} : memref<16x128xi32, #tpu.memory_space<vmem>>, vector<1x16xi32>,
        %mul3A_1234 = arith.constant 2 : i32
        %mul3A_1235 = arith.muli %mul3A_1234, %scan3A_741 : i32
        %add3A_1236 = arith.constant 0 : i32
        %add3A_1237 = arith.addi %mul3A_1235, %add3A_1236 : i32
        %swap3A_1238 = arith.index_cast %add3A_1237 : i32 to index
        %swap3A_1239 = arith.constant 80 : index
        %swap3A_1240 = tpu.vector_load %arg9[%swap3A_1238, %swap3A_1239] {strides = array<i32>} : memref<16x128xi32, #tpu.memory_space<vmem>>, vector<1x16xi32>,
        %swap3A_1241 = vector.shape_cast %swap3A_1240 : vector<1x16xi32> to vector<16xi32>
        %swap3A_1242 = vector.shape_cast %select_n3A_1129 : vector<16xi32> to vector<1x16xi32>
        tpu.vector_store %arg9[%swap3A_1238, %swap3A_1239], %swap3A_1242 {strides = array<i32>} : memref<16x128xi32, #tpu.memory_space<vmem>>, vector<1x16xi32>,
        %mul3A_1243 = arith.constant 2 : i32
        %mul3A_1244 = arith.muli %mul3A_1243, %scan3A_741 : i32
        %add3A_1245 = arith.constant 0 : i32
        %add3A_1246 = arith.addi %mul3A_1244, %add3A_1245 : i32
        %swap3A_1247 = arith.index_cast %add3A_1246 : i32 to index
        %swap3A_1248 = arith.constant 96 : index
        %swap3A_1249 = tpu.vector_load %arg9[%swap3A_1247, %swap3A_1248] {strides = array<i32>} : memref<16x128xi32, #tpu.memory_space<vmem>>, vector<1x16xi32>,
        %swap3A_1250 = vector.shape_cast %swap3A_1249 : vector<1x16xi32> to vector<16xi32>
        %swap3A_1251 = vector.shape_cast %select_n3A_1135 : vector<16xi32> to vector<1x16xi32>
        tpu.vector_store %arg9[%swap3A_1247, %swap3A_1248], %swap3A_1251 {strides = array<i32>} : memref<16x128xi32, #tpu.memory_space<vmem>>, vector<1x16xi32>,
        %mul3A_1252 = arith.constant 2 : i32
        %mul3A_1253 = arith.muli %mul3A_1252, %scan3A_741 : i32
        %add3A_1254 = arith.constant 0 : i32
        %add3A_1255 = arith.addi %mul3A_1253, %add3A_1254 : i32
        %swap3A_1256 = arith.index_cast %add3A_1255 : i32 to index
        %swap3A_1257 = arith.constant 112 : index
        %swap3A_1258 = tpu.vector_load %arg9[%swap3A_1256, %swap3A_1257] {strides = array<i32>} : memref<16x128xi32, #tpu.memory_space<vmem>>, vector<1x16xi32>,
        %swap3A_1259 = vector.shape_cast %swap3A_1258 : vector<1x16xi32> to vector<16xi32>
        %swap3A_1260 = vector.shape_cast %select_n3A_1141 : vector<16xi32> to vector<1x16xi32>
        tpu.vector_store %arg9[%swap3A_1256, %swap3A_1257], %swap3A_1260 {strides = array<i32>} : memref<16x128xi32, #tpu.memory_space<vmem>>, vector<1x16xi32>,
        %mul3A_1261 = arith.constant 2 : i32
        %mul3A_1262 = arith.muli %mul3A_1261, %scan3A_741 : i32
        %add3A_1263 = arith.constant 1 : i32
        %add3A_1264 = arith.addi %mul3A_1262, %add3A_1263 : i32
        %swap3A_1265 = arith.index_cast %add3A_1264 : i32 to index
        %swap3A_1266 = arith.constant 0 : index
        %swap3A_1267 = tpu.vector_load %arg9[%swap3A_1265, %swap3A_1266] {strides = array<i32>} : memref<16x128xi32, #tpu.memory_space<vmem>>, vector<1x16xi32>,
        %swap3A_1268 = vector.shape_cast %swap3A_1267 : vector<1x16xi32> to vector<16xi32>
        %swap3A_1269 = vector.shape_cast %select_n3A_1147 : vector<16xi32> to vector<1x16xi32>
        tpu.vector_store %arg9[%swap3A_1265, %swap3A_1266], %swap3A_1269 {strides = array<i32>} : memref<16x128xi32, #tpu.memory_space<vmem>>, vector<1x16xi32>,
        %mul3A_1270 = arith.constant 2 : i32
        %mul3A_1271 = arith.muli %mul3A_1270, %scan3A_741 : i32
        %add3A_1272 = arith.constant 1 : i32
        %add3A_1273 = arith.addi %mul3A_1271, %add3A_1272 : i32
        %swap3A_1274 = arith.index_cast %add3A_1273 : i32 to index
        %swap3A_1275 = arith.constant 16 : index
        %swap3A_1276 = tpu.vector_load %arg9[%swap3A_1274, %swap3A_1275] {strides = array<i32>} : memref<16x128xi32, #tpu.memory_space<vmem>>, vector<1x16xi32>,
        %swap3A_1277 = vector.shape_cast %swap3A_1276 : vector<1x16xi32> to vector<16xi32>
        %swap3A_1278 = vector.shape_cast %select_n3A_1153 : vector<16xi32> to vector<1x16xi32>
        tpu.vector_store %arg9[%swap3A_1274, %swap3A_1275], %swap3A_1278 {strides = array<i32>} : memref<16x128xi32, #tpu.memory_space<vmem>>, vector<1x16xi32>,
        %mul3A_1279 = arith.constant 2 : i32
        %mul3A_1280 = arith.muli %mul3A_1279, %scan3A_741 : i32
        %add3A_1281 = arith.constant 1 : i32
        %add3A_1282 = arith.addi %mul3A_1280, %add3A_1281 : i32
        %swap3A_1283 = arith.index_cast %add3A_1282 : i32 to index
        %swap3A_1284 = arith.constant 32 : index
        %swap3A_1285 = tpu.vector_load %arg9[%swap3A_1283, %swap3A_1284] {strides = array<i32>} : memref<16x128xi32, #tpu.memory_space<vmem>>, vector<1x16xi32>,
        %swap3A_1286 = vector.shape_cast %swap3A_1285 : vector<1x16xi32> to vector<16xi32>
        %swap3A_1287 = vector.shape_cast %select_n3A_1159 : vector<16xi32> to vector<1x16xi32>
        tpu.vector_store %arg9[%swap3A_1283, %swap3A_1284], %swap3A_1287 {strides = array<i32>} : memref<16x128xi32, #tpu.memory_space<vmem>>, vector<1x16xi32>,
        %mul3A_1288 = arith.constant 2 : i32
        %mul3A_1289 = arith.muli %mul3A_1288, %scan3A_741 : i32
        %add3A_1290 = arith.constant 1 : i32
        %add3A_1291 = arith.addi %mul3A_1289, %add3A_1290 : i32
        %swap3A_1292 = arith.index_cast %add3A_1291 : i32 to index
        %swap3A_1293 = arith.constant 48 : index
        %swap3A_1294 = tpu.vector_load %arg9[%swap3A_1292, %swap3A_1293] {strides = array<i32>} : memref<16x128xi32, #tpu.memory_space<vmem>>, vector<1x16xi32>,
        %swap3A_1295 = vector.shape_cast %swap3A_1294 : vector<1x16xi32> to vector<16xi32>
        %swap3A_1296 = vector.shape_cast %select_n3A_1165 : vector<16xi32> to vector<1x16xi32>
        tpu.vector_store %arg9[%swap3A_1292, %swap3A_1293], %swap3A_1296 {strides = array<i32>} : memref<16x128xi32, #tpu.memory_space<vmem>>, vector<1x16xi32>,
        %mul3A_1297 = arith.constant 2 : i32
        %mul3A_1298 = arith.muli %mul3A_1297, %scan3A_741 : i32
        %add3A_1299 = arith.constant 1 : i32
        %add3A_1300 = arith.addi %mul3A_1298, %add3A_1299 : i32
        %swap3A_1301 = arith.index_cast %add3A_1300 : i32 to index
        %swap3A_1302 = arith.constant 64 : index
        %swap3A_1303 = tpu.vector_load %arg9[%swap3A_1301, %swap3A_1302] {strides = array<i32>} : memref<16x128xi32, #tpu.memory_space<vmem>>, vector<1x16xi32>,
        %swap3A_1304 = vector.shape_cast %swap3A_1303 : vector<1x16xi32> to vector<16xi32>
        %swap3A_1305 = vector.shape_cast %select_n3A_1171 : vector<16xi32> to vector<1x16xi32>
        tpu.vector_store %arg9[%swap3A_1301, %swap3A_1302], %swap3A_1305 {strides = array<i32>} : memref<16x128xi32, #tpu.memory_space<vmem>>, vector<1x16xi32>,
        %mul3A_1306 = arith.constant 2 : i32
        %mul3A_1307 = arith.muli %mul3A_1306, %scan3A_741 : i32
        %add3A_1308 = arith.constant 1 : i32
        %add3A_1309 = arith.addi %mul3A_1307, %add3A_1308 : i32
        %swap3A_1310 = arith.index_cast %add3A_1309 : i32 to index
        %swap3A_1311 = arith.constant 80 : index
        %swap3A_1312 = tpu.vector_load %arg9[%swap3A_1310, %swap3A_1311] {strides = array<i32>} : memref<16x128xi32, #tpu.memory_space<vmem>>, vector<1x16xi32>,
        %swap3A_1313 = vector.shape_cast %swap3A_1312 : vector<1x16xi32> to vector<16xi32>
        %swap3A_1314 = vector.shape_cast %select_n3A_1177 : vector<16xi32> to vector<1x16xi32>
        tpu.vector_store %arg9[%swap3A_1310, %swap3A_1311], %swap3A_1314 {strides = array<i32>} : memref<16x128xi32, #tpu.memory_space<vmem>>, vector<1x16xi32>,
        %mul3A_1315 = arith.constant 2 : i32
        %mul3A_1316 = arith.muli %mul3A_1315, %scan3A_741 : i32
        %add3A_1317 = arith.constant 1 : i32
        %add3A_1318 = arith.addi %mul3A_1316, %add3A_1317 : i32
        %swap3A_1319 = arith.index_cast %add3A_1318 : i32 to index
        %swap3A_1320 = arith.constant 96 : index
        %swap3A_1321 = tpu.vector_load %arg9[%swap3A_1319, %swap3A_1320] {strides = array<i32>} : memref<16x128xi32, #tpu.memory_space<vmem>>, vector<1x16xi32>,
        %swap3A_1322 = vector.shape_cast %swap3A_1321 : vector<1x16xi32> to vector<16xi32>
        %swap3A_1323 = vector.shape_cast %select_n3A_1183 : vector<16xi32> to vector<1x16xi32>
        tpu.vector_store %arg9[%swap3A_1319, %swap3A_1320], %swap3A_1323 {strides = array<i32>} : memref<16x128xi32, #tpu.memory_space<vmem>>, vector<1x16xi32>,
        %mul3A_1324 = arith.constant 2 : i32
        %mul3A_1325 = arith.muli %mul3A_1324, %scan3A_741 : i32
        %add3A_1326 = arith.constant 1 : i32
        %add3A_1327 = arith.addi %mul3A_1325, %add3A_1326 : i32
        %swap3A_1328 = arith.index_cast %add3A_1327 : i32 to index
        %swap3A_1329 = arith.constant 112 : index
        %swap3A_1330 = tpu.vector_load %arg9[%swap3A_1328, %swap3A_1329] {strides = array<i32>} : memref<16x128xi32, #tpu.memory_space<vmem>>, vector<1x16xi32>,
        %swap3A_1331 = vector.shape_cast %swap3A_1330 : vector<1x16xi32> to vector<16xi32>
        %swap3A_1332 = vector.shape_cast %select_n3A_1189 : vector<16xi32> to vector<1x16xi32>
        tpu.vector_store %arg9[%swap3A_1328, %swap3A_1329], %swap3A_1332 {strides = array<i32>} : memref<16x128xi32, #tpu.memory_space<vmem>>, vector<1x16xi32>,
        %mul3A_1333 = arith.constant 2 : i32
        %mul3A_1334 = arith.muli %mul3A_1333, %scan3A_741 : i32
        %add3A_1335 = arith.constant 0 : i32
        %add3A_1336 = arith.addi %mul3A_1334, %add3A_1335 : i32
        %swap3A_1337 = arith.index_cast %add3A_1336 : i32 to index
        %swap3A_1338 = arith.constant 0 : index
        %swap3A_1339 = tpu.vector_load %arg11[%swap3A_1337, %swap3A_1338] {strides = array<i32>} : memref<16x128xi32, #tpu.memory_space<vmem>>, vector<1x16xi32>,
        %swap3A_1340 = vector.shape_cast %swap3A_1339 : vector<1x16xi32> to vector<16xi32>
        %swap3A_1341 = vector.shape_cast %shift_left3A_1005 : vector<16xi32> to vector<1x16xi32>
        tpu.vector_store %arg11[%swap3A_1337, %swap3A_1338], %swap3A_1341 {strides = array<i32>} : memref<16x128xi32, #tpu.memory_space<vmem>>, vector<1x16xi32>,
        %mul3A_1342 = arith.constant 2 : i32
        %mul3A_1343 = arith.muli %mul3A_1342, %scan3A_741 : i32
        %add3A_1344 = arith.constant 0 : i32
        %add3A_1345 = arith.addi %mul3A_1343, %add3A_1344 : i32
        %swap3A_1346 = arith.index_cast %add3A_1345 : i32 to index
        %swap3A_1347 = arith.constant 16 : index
        %swap3A_1348 = tpu.vector_load %arg11[%swap3A_1346, %swap3A_1347] {strides = array<i32>} : memref<16x128xi32, #tpu.memory_space<vmem>>, vector<1x16xi32>,
        %swap3A_1349 = vector.shape_cast %swap3A_1348 : vector<1x16xi32> to vector<16xi32>
        %swap3A_1350 = vector.shape_cast %shift_left3A_1011 : vector<16xi32> to vector<1x16xi32>
        tpu.vector_store %arg11[%swap3A_1346, %swap3A_1347], %swap3A_1350 {strides = array<i32>} : memref<16x128xi32, #tpu.memory_space<vmem>>, vector<1x16xi32>,
        %mul3A_1351 = arith.constant 2 : i32
        %mul3A_1352 = arith.muli %mul3A_1351, %scan3A_741 : i32
        %add3A_1353 = arith.constant 0 : i32
        %add3A_1354 = arith.addi %mul3A_1352, %add3A_1353 : i32
        %swap3A_1355 = arith.index_cast %add3A_1354 : i32 to index
        %swap3A_1356 = arith.constant 32 : index
        %swap3A_1357 = tpu.vector_load %arg11[%swap3A_1355, %swap3A_1356] {strides = array<i32>} : memref<16x128xi32, #tpu.memory_space<vmem>>, vector<1x16xi32>,
        %swap3A_1358 = vector.shape_cast %swap3A_1357 : vector<1x16xi32> to vector<16xi32>
        %swap3A_1359 = vector.shape_cast %shift_left3A_1017 : vector<16xi32> to vector<1x16xi32>
        tpu.vector_store %arg11[%swap3A_1355, %swap3A_1356], %swap3A_1359 {strides = array<i32>} : memref<16x128xi32, #tpu.memory_space<vmem>>, vector<1x16xi32>,
        %mul3A_1360 = arith.constant 2 : i32
        %mul3A_1361 = arith.muli %mul3A_1360, %scan3A_741 : i32
        %add3A_1362 = arith.constant 0 : i32
        %add3A_1363 = arith.addi %mul3A_1361, %add3A_1362 : i32
        %swap3A_1364 = arith.index_cast %add3A_1363 : i32 to index
        %swap3A_1365 = arith.constant 48 : index
        %swap3A_1366 = tpu.vector_load %arg11[%swap3A_1364, %swap3A_1365] {strides = array<i32>} : memref<16x128xi32, #tpu.memory_space<vmem>>, vector<1x16xi32>,
        %swap3A_1367 = vector.shape_cast %swap3A_1366 : vector<1x16xi32> to vector<16xi32>
        %swap3A_1368 = vector.shape_cast %shift_left3A_1023 : vector<16xi32> to vector<1x16xi32>
        tpu.vector_store %arg11[%swap3A_1364, %swap3A_1365], %swap3A_1368 {strides = array<i32>} : memref<16x128xi32, #tpu.memory_space<vmem>>, vector<1x16xi32>,
        %mul3A_1369 = arith.constant 2 : i32
        %mul3A_1370 = arith.muli %mul3A_1369, %scan3A_741 : i32
        %add3A_1371 = arith.constant 0 : i32
        %add3A_1372 = arith.addi %mul3A_1370, %add3A_1371 : i32
        %swap3A_1373 = arith.index_cast %add3A_1372 : i32 to index
        %swap3A_1374 = arith.constant 64 : index
        %swap3A_1375 = tpu.vector_load %arg11[%swap3A_1373, %swap3A_1374] {strides = array<i32>} : memref<16x128xi32, #tpu.memory_space<vmem>>, vector<1x16xi32>,
        %swap3A_1376 = vector.shape_cast %swap3A_1375 : vector<1x16xi32> to vector<16xi32>
        %swap3A_1377 = vector.shape_cast %shift_left3A_1029 : vector<16xi32> to vector<1x16xi32>
        tpu.vector_store %arg11[%swap3A_1373, %swap3A_1374], %swap3A_1377 {strides = array<i32>} : memref<16x128xi32, #tpu.memory_space<vmem>>, vector<1x16xi32>,
        %mul3A_1378 = arith.constant 2 : i32
        %mul3A_1379 = arith.muli %mul3A_1378, %scan3A_741 : i32
        %add3A_1380 = arith.constant 0 : i32
        %add3A_1381 = arith.addi %mul3A_1379, %add3A_1380 : i32
        %swap3A_1382 = arith.index_cast %add3A_1381 : i32 to index
        %swap3A_1383 = arith.constant 80 : index
        %swap3A_1384 = tpu.vector_load %arg11[%swap3A_1382, %swap3A_1383] {strides = array<i32>} : memref<16x128xi32, #tpu.memory_space<vmem>>, vector<1x16xi32>,
        %swap3A_1385 = vector.shape_cast %swap3A_1384 : vector<1x16xi32> to vector<16xi32>
        %swap3A_1386 = vector.shape_cast %shift_left3A_1035 : vector<16xi32> to vector<1x16xi32>
        tpu.vector_store %arg11[%swap3A_1382, %swap3A_1383], %swap3A_1386 {strides = array<i32>} : memref<16x128xi32, #tpu.memory_space<vmem>>, vector<1x16xi32>,
        %mul3A_1387 = arith.constant 2 : i32
        %mul3A_1388 = arith.muli %mul3A_1387, %scan3A_741 : i32
        %add3A_1389 = arith.constant 0 : i32
        %add3A_1390 = arith.addi %mul3A_1388, %add3A_1389 : i32
        %swap3A_1391 = arith.index_cast %add3A_1390 : i32 to index
        %swap3A_1392 = arith.constant 96 : index
        %swap3A_1393 = tpu.vector_load %arg11[%swap3A_1391, %swap3A_1392] {strides = array<i32>} : memref<16x128xi32, #tpu.memory_space<vmem>>, vector<1x16xi32>,
        %swap3A_1394 = vector.shape_cast %swap3A_1393 : vector<1x16xi32> to vector<16xi32>
        %swap3A_1395 = vector.shape_cast %shift_left3A_1041 : vector<16xi32> to vector<1x16xi32>
        tpu.vector_store %arg11[%swap3A_1391, %swap3A_1392], %swap3A_1395 {strides = array<i32>} : memref<16x128xi32, #tpu.memory_space<vmem>>, vector<1x16xi32>,
        %mul3A_1396 = arith.constant 2 : i32
        %mul3A_1397 = arith.muli %mul3A_1396, %scan3A_741 : i32
        %add3A_1398 = arith.constant 0 : i32
        %add3A_1399 = arith.addi %mul3A_1397, %add3A_1398 : i32
        %swap3A_1400 = arith.index_cast %add3A_1399 : i32 to index
        %swap3A_1401 = arith.constant 112 : index
        %swap3A_1402 = tpu.vector_load %arg11[%swap3A_1400, %swap3A_1401] {strides = array<i32>} : memref<16x128xi32, #tpu.memory_space<vmem>>, vector<1x16xi32>,
        %swap3A_1403 = vector.shape_cast %swap3A_1402 : vector<1x16xi32> to vector<16xi32>
        %swap3A_1404 = vector.shape_cast %shift_left3A_1047 : vector<16xi32> to vector<1x16xi32>
        tpu.vector_store %arg11[%swap3A_1400, %swap3A_1401], %swap3A_1404 {strides = array<i32>} : memref<16x128xi32, #tpu.memory_space<vmem>>, vector<1x16xi32>,
        %mul3A_1405 = arith.constant 2 : i32
        %mul3A_1406 = arith.muli %mul3A_1405, %scan3A_741 : i32
        %add3A_1407 = arith.constant 1 : i32
        %add3A_1408 = arith.addi %mul3A_1406, %add3A_1407 : i32
        %swap3A_1409 = arith.index_cast %add3A_1408 : i32 to index
        %swap3A_1410 = arith.constant 0 : index
        %swap3A_1411 = tpu.vector_load %arg11[%swap3A_1409, %swap3A_1410] {strides = array<i32>} : memref<16x128xi32, #tpu.memory_space<vmem>>, vector<1x16xi32>,
        %swap3A_1412 = vector.shape_cast %swap3A_1411 : vector<1x16xi32> to vector<16xi32>
        %swap3A_1413 = vector.shape_cast %shift_left3A_1053 : vector<16xi32> to vector<1x16xi32>
        tpu.vector_store %arg11[%swap3A_1409, %swap3A_1410], %swap3A_1413 {strides = array<i32>} : memref<16x128xi32, #tpu.memory_space<vmem>>, vector<1x16xi32>,
        %mul3A_1414 = arith.constant 2 : i32
        %mul3A_1415 = arith.muli %mul3A_1414, %scan3A_741 : i32
        %add3A_1416 = arith.constant 1 : i32
        %add3A_1417 = arith.addi %mul3A_1415, %add3A_1416 : i32
        %swap3A_1418 = arith.index_cast %add3A_1417 : i32 to index
        %swap3A_1419 = arith.constant 16 : index
        %swap3A_1420 = tpu.vector_load %arg11[%swap3A_1418, %swap3A_1419] {strides = array<i32>} : memref<16x128xi32, #tpu.memory_space<vmem>>, vector<1x16xi32>,
        %swap3A_1421 = vector.shape_cast %swap3A_1420 : vector<1x16xi32> to vector<16xi32>
        %swap3A_1422 = vector.shape_cast %shift_left3A_1059 : vector<16xi32> to vector<1x16xi32>
        tpu.vector_store %arg11[%swap3A_1418, %swap3A_1419], %swap3A_1422 {strides = array<i32>} : memref<16x128xi32, #tpu.memory_space<vmem>>, vector<1x16xi32>,
        %mul3A_1423 = arith.constant 2 : i32
        %mul3A_1424 = arith.muli %mul3A_1423, %scan3A_741 : i32
        %add3A_1425 = arith.constant 1 : i32
        %add3A_1426 = arith.addi %mul3A_1424, %add3A_1425 : i32
        %swap3A_1427 = arith.index_cast %add3A_1426 : i32 to index
        %swap3A_1428 = arith.constant 32 : index
        %swap3A_1429 = tpu.vector_load %arg11[%swap3A_1427, %swap3A_1428] {strides = array<i32>} : memref<16x128xi32, #tpu.memory_space<vmem>>, vector<1x16xi32>,
        %swap3A_1430 = vector.shape_cast %swap3A_1429 : vector<1x16xi32> to vector<16xi32>
        %swap3A_1431 = vector.shape_cast %shift_left3A_1065 : vector<16xi32> to vector<1x16xi32>
        tpu.vector_store %arg11[%swap3A_1427, %swap3A_1428], %swap3A_1431 {strides = array<i32>} : memref<16x128xi32, #tpu.memory_space<vmem>>, vector<1x16xi32>,
        %mul3A_1432 = arith.constant 2 : i32
        %mul3A_1433 = arith.muli %mul3A_1432, %scan3A_741 : i32
        %add3A_1434 = arith.constant 1 : i32
        %add3A_1435 = arith.addi %mul3A_1433, %add3A_1434 : i32
        %swap3A_1436 = arith.index_cast %add3A_1435 : i32 to index
        %swap3A_1437 = arith.constant 48 : index
        %swap3A_1438 = tpu.vector_load %arg11[%swap3A_1436, %swap3A_1437] {strides = array<i32>} : memref<16x128xi32, #tpu.memory_space<vmem>>, vector<1x16xi32>,
        %swap3A_1439 = vector.shape_cast %swap3A_1438 : vector<1x16xi32> to vector<16xi32>
        %swap3A_1440 = vector.shape_cast %shift_left3A_1071 : vector<16xi32> to vector<1x16xi32>
        tpu.vector_store %arg11[%swap3A_1436, %swap3A_1437], %swap3A_1440 {strides = array<i32>} : memref<16x128xi32, #tpu.memory_space<vmem>>, vector<1x16xi32>,
        %mul3A_1441 = arith.constant 2 : i32
        %mul3A_1442 = arith.muli %mul3A_1441, %scan3A_741 : i32
        %add3A_1443 = arith.constant 1 : i32
        %add3A_1444 = arith.addi %mul3A_1442, %add3A_1443 : i32
        %swap3A_1445 = arith.index_cast %add3A_1444 : i32 to index
        %swap3A_1446 = arith.constant 64 : index
        %swap3A_1447 = tpu.vector_load %arg11[%swap3A_1445, %swap3A_1446] {strides = array<i32>} : memref<16x128xi32, #tpu.memory_space<vmem>>, vector<1x16xi32>,
        %swap3A_1448 = vector.shape_cast %swap3A_1447 : vector<1x16xi32> to vector<16xi32>
        %swap3A_1449 = vector.shape_cast %shift_left3A_1077 : vector<16xi32> to vector<1x16xi32>
        tpu.vector_store %arg11[%swap3A_1445, %swap3A_1446], %swap3A_1449 {strides = array<i32>} : memref<16x128xi32, #tpu.memory_space<vmem>>, vector<1x16xi32>,
        %mul3A_1450 = arith.constant 2 : i32
        %mul3A_1451 = arith.muli %mul3A_1450, %scan3A_741 : i32
        %add3A_1452 = arith.constant 1 : i32
        %add3A_1453 = arith.addi %mul3A_1451, %add3A_1452 : i32
        %swap3A_1454 = arith.index_cast %add3A_1453 : i32 to index
        %swap3A_1455 = arith.constant 80 : index
        %swap3A_1456 = tpu.vector_load %arg11[%swap3A_1454, %swap3A_1455] {strides = array<i32>} : memref<16x128xi32, #tpu.memory_space<vmem>>, vector<1x16xi32>,
        %swap3A_1457 = vector.shape_cast %swap3A_1456 : vector<1x16xi32> to vector<16xi32>
        %swap3A_1458 = vector.shape_cast %shift_left3A_1083 : vector<16xi32> to vector<1x16xi32>
        tpu.vector_store %arg11[%swap3A_1454, %swap3A_1455], %swap3A_1458 {strides = array<i32>} : memref<16x128xi32, #tpu.memory_space<vmem>>, vector<1x16xi32>,
        %mul3A_1459 = arith.constant 2 : i32
        %mul3A_1460 = arith.muli %mul3A_1459, %scan3A_741 : i32
        %add3A_1461 = arith.constant 1 : i32
        %add3A_1462 = arith.addi %mul3A_1460, %add3A_1461 : i32
        %swap3A_1463 = arith.index_cast %add3A_1462 : i32 to index
        %swap3A_1464 = arith.constant 96 : index
        %swap3A_1465 = tpu.vector_load %arg11[%swap3A_1463, %swap3A_1464] {strides = array<i32>} : memref<16x128xi32, #tpu.memory_space<vmem>>, vector<1x16xi32>,
        %swap3A_1466 = vector.shape_cast %swap3A_1465 : vector<1x16xi32> to vector<16xi32>
        %swap3A_1467 = vector.shape_cast %shift_left3A_1089 : vector<16xi32> to vector<1x16xi32>
        tpu.vector_store %arg11[%swap3A_1463, %swap3A_1464], %swap3A_1467 {strides = array<i32>} : memref<16x128xi32, #tpu.memory_space<vmem>>, vector<1x16xi32>,
        %mul3A_1468 = arith.constant 2 : i32
        %mul3A_1469 = arith.muli %mul3A_1468, %scan3A_741 : i32
        %add3A_1470 = arith.constant 1 : i32
        %add3A_1471 = arith.addi %mul3A_1469, %add3A_1470 : i32
        %swap3A_1472 = arith.index_cast %add3A_1471 : i32 to index
        %swap3A_1473 = arith.constant 112 : index
        %swap3A_1474 = tpu.vector_load %arg11[%swap3A_1472, %swap3A_1473] {strides = array<i32>} : memref<16x128xi32, #tpu.memory_space<vmem>>, vector<1x16xi32>,
        %swap3A_1475 = vector.shape_cast %swap3A_1474 : vector<1x16xi32> to vector<16xi32>
        %swap3A_1476 = vector.shape_cast %shift_left3A_1095 : vector<16xi32> to vector<1x16xi32>
        tpu.vector_store %arg11[%swap3A_1472, %swap3A_1473], %swap3A_1476 {strides = array<i32>} : memref<16x128xi32, #tpu.memory_space<vmem>>, vector<1x16xi32>,
      }
      %scan3A_573 = arith.constant 8 : i32
      %dma_start3A_574 = arith.constant 0 : i32
      %dma_start3A_575 = arith.constant 0 : i32
      %dma_start3A_576 = arith.constant 0 : i32
      %dma_start3A_577 = tpu.memref_slice %arg11[%dma_start3A_574, %dma_start3A_576] : memref<16x128xi32, #tpu.memory_space<vmem>> -> memref<1x128xi32, #tpu.memory_space<vmem>>
      %dma_start3A_578 = tpu.memref_squeeze %dma_start3A_577 : memref<1x128xi32, #tpu.memory_space<vmem>> -> memref<128xi32, #tpu.memory_space<vmem>>
      %dma_start3A_579 = arith.constant 0 : i32
      %dma_start3A_580 = tpu.memref_slice %arg9[%dma_start3A_575, %dma_start3A_579] : memref<16x128xi32, #tpu.memory_space<vmem>> -> memref<1x128xi32, #tpu.memory_space<vmem>>
      %dma_start3A_581 = tpu.memref_squeeze %dma_start3A_580 : memref<1x128xi32, #tpu.memory_space<vmem>> -> memref<128xi32, #tpu.memory_space<vmem>>
      %dma_start3A_582 = arith.constant 0 : i32
      %dma_start3A_583 = tpu.memref_slice %arg4[%dma_start3A_582] : memref<1064960xi32, #tpu.memory_space<vmem_shared>> -> memref<1064960xi32, #tpu.memory_space<vmem_shared>>
      tpu.enqueue_indirect_dma source(%dma_start3A_578 : memref<128xi32, #tpu.memory_space<vmem>>) target(%dma_start3A_583 : memref<1064960xi32, #tpu.memory_space<vmem_shared>>) offsets(%dma_start3A_581 : memref<128xi32, #tpu.memory_space<vmem>>) semaphore(%arg15 : memref<!tpu.dma_semaphore, #tpu.memory_space<semaphore_mem>>) {add = true}
      %dma_start3A_584 = arith.constant 1 : i32
      %dma_start3A_585 = arith.constant 1 : i32
      %dma_start3A_586 = arith.constant 0 : i32
      %dma_start3A_587 = tpu.memref_slice %arg11[%dma_start3A_584, %dma_start3A_586] : memref<16x128xi32, #tpu.memory_space<vmem>> -> memref<1x128xi32, #tpu.memory_space<vmem>>
      %dma_start3A_588 = tpu.memref_squeeze %dma_start3A_587 : memref<1x128xi32, #tpu.memory_space<vmem>> -> memref<128xi32, #tpu.memory_space<vmem>>
      %dma_start3A_589 = arith.constant 0 : i32
      %dma_start3A_590 = tpu.memref_slice %arg9[%dma_start3A_585, %dma_start3A_589] : memref<16x128xi32, #tpu.memory_space<vmem>> -> memref<1x128xi32, #tpu.memory_space<vmem>>
      %dma_start3A_591 = tpu.memref_squeeze %dma_start3A_590 : memref<1x128xi32, #tpu.memory_space<vmem>> -> memref<128xi32, #tpu.memory_space<vmem>>
      %dma_start3A_592 = arith.constant 0 : i32
      %dma_start3A_593 = tpu.memref_slice %arg4[%dma_start3A_592] : memref<1064960xi32, #tpu.memory_space<vmem_shared>> -> memref<1064960xi32, #tpu.memory_space<vmem_shared>>
      tpu.enqueue_indirect_dma source(%dma_start3A_588 : memref<128xi32, #tpu.memory_space<vmem>>) target(%dma_start3A_593 : memref<1064960xi32, #tpu.memory_space<vmem_shared>>) offsets(%dma_start3A_591 : memref<128xi32, #tpu.memory_space<vmem>>) semaphore(%arg15 : memref<!tpu.dma_semaphore, #tpu.memory_space<semaphore_mem>>) {add = true}
      %dma_start3A_594 = arith.constant 2 : i32
      %dma_start3A_595 = arith.constant 2 : i32
      %dma_start3A_596 = arith.constant 0 : i32
      %dma_start3A_597 = tpu.memref_slice %arg11[%dma_start3A_594, %dma_start3A_596] : memref<16x128xi32, #tpu.memory_space<vmem>> -> memref<1x128xi32, #tpu.memory_space<vmem>>
      %dma_start3A_598 = tpu.memref_squeeze %dma_start3A_597 : memref<1x128xi32, #tpu.memory_space<vmem>> -> memref<128xi32, #tpu.memory_space<vmem>>
      %dma_start3A_599 = arith.constant 0 : i32
      %dma_start3A_600 = tpu.memref_slice %arg9[%dma_start3A_595, %dma_start3A_599] : memref<16x128xi32, #tpu.memory_space<vmem>> -> memref<1x128xi32, #tpu.memory_space<vmem>>
      %dma_start3A_601 = tpu.memref_squeeze %dma_start3A_600 : memref<1x128xi32, #tpu.memory_space<vmem>> -> memref<128xi32, #tpu.memory_space<vmem>>
      %dma_start3A_602 = arith.constant 0 : i32
      %dma_start3A_603 = tpu.memref_slice %arg4[%dma_start3A_602] : memref<1064960xi32, #tpu.memory_space<vmem_shared>> -> memref<1064960xi32, #tpu.memory_space<vmem_shared>>
      tpu.enqueue_indirect_dma source(%dma_start3A_598 : memref<128xi32, #tpu.memory_space<vmem>>) target(%dma_start3A_603 : memref<1064960xi32, #tpu.memory_space<vmem_shared>>) offsets(%dma_start3A_601 : memref<128xi32, #tpu.memory_space<vmem>>) semaphore(%arg15 : memref<!tpu.dma_semaphore, #tpu.memory_space<semaphore_mem>>) {add = true}
      %dma_start3A_604 = arith.constant 3 : i32
      %dma_start3A_605 = arith.constant 3 : i32
      %dma_start3A_606 = arith.constant 0 : i32
      %dma_start3A_607 = tpu.memref_slice %arg11[%dma_start3A_604, %dma_start3A_606] : memref<16x128xi32, #tpu.memory_space<vmem>> -> memref<1x128xi32, #tpu.memory_space<vmem>>
      %dma_start3A_608 = tpu.memref_squeeze %dma_start3A_607 : memref<1x128xi32, #tpu.memory_space<vmem>> -> memref<128xi32, #tpu.memory_space<vmem>>
      %dma_start3A_609 = arith.constant 0 : i32
      %dma_start3A_610 = tpu.memref_slice %arg9[%dma_start3A_605, %dma_start3A_609] : memref<16x128xi32, #tpu.memory_space<vmem>> -> memref<1x128xi32, #tpu.memory_space<vmem>>
      %dma_start3A_611 = tpu.memref_squeeze %dma_start3A_610 : memref<1x128xi32, #tpu.memory_space<vmem>> -> memref<128xi32, #tpu.memory_space<vmem>>
      %dma_start3A_612 = arith.constant 0 : i32
      %dma_start3A_613 = tpu.memref_slice %arg4[%dma_start3A_612] : memref<1064960xi32, #tpu.memory_space<vmem_shared>> -> memref<1064960xi32, #tpu.memory_space<vmem_shared>>
      tpu.enqueue_indirect_dma source(%dma_start3A_608 : memref<128xi32, #tpu.memory_space<vmem>>) target(%dma_start3A_613 : memref<1064960xi32, #tpu.memory_space<vmem_shared>>) offsets(%dma_start3A_611 : memref<128xi32, #tpu.memory_space<vmem>>) semaphore(%arg15 : memref<!tpu.dma_semaphore, #tpu.memory_space<semaphore_mem>>) {add = true}
      %dma_start3A_614 = arith.constant 4 : i32
      %dma_start3A_615 = arith.constant 4 : i32
      %dma_start3A_616 = arith.constant 0 : i32
      %dma_start3A_617 = tpu.memref_slice %arg11[%dma_start3A_614, %dma_start3A_616] : memref<16x128xi32, #tpu.memory_space<vmem>> -> memref<1x128xi32, #tpu.memory_space<vmem>>
      %dma_start3A_618 = tpu.memref_squeeze %dma_start3A_617 : memref<1x128xi32, #tpu.memory_space<vmem>> -> memref<128xi32, #tpu.memory_space<vmem>>
      %dma_start3A_619 = arith.constant 0 : i32
      %dma_start3A_620 = tpu.memref_slice %arg9[%dma_start3A_615, %dma_start3A_619] : memref<16x128xi32, #tpu.memory_space<vmem>> -> memref<1x128xi32, #tpu.memory_space<vmem>>
      %dma_start3A_621 = tpu.memref_squeeze %dma_start3A_620 : memref<1x128xi32, #tpu.memory_space<vmem>> -> memref<128xi32, #tpu.memory_space<vmem>>
      %dma_start3A_622 = arith.constant 0 : i32
      %dma_start3A_623 = tpu.memref_slice %arg4[%dma_start3A_622] : memref<1064960xi32, #tpu.memory_space<vmem_shared>> -> memref<1064960xi32, #tpu.memory_space<vmem_shared>>
      tpu.enqueue_indirect_dma source(%dma_start3A_618 : memref<128xi32, #tpu.memory_space<vmem>>) target(%dma_start3A_623 : memref<1064960xi32, #tpu.memory_space<vmem_shared>>) offsets(%dma_start3A_621 : memref<128xi32, #tpu.memory_space<vmem>>) semaphore(%arg15 : memref<!tpu.dma_semaphore, #tpu.memory_space<semaphore_mem>>) {add = true}
      %dma_start3A_624 = arith.constant 5 : i32
      %dma_start3A_625 = arith.constant 5 : i32
      %dma_start3A_626 = arith.constant 0 : i32
      %dma_start3A_627 = tpu.memref_slice %arg11[%dma_start3A_624, %dma_start3A_626] : memref<16x128xi32, #tpu.memory_space<vmem>> -> memref<1x128xi32, #tpu.memory_space<vmem>>
      %dma_start3A_628 = tpu.memref_squeeze %dma_start3A_627 : memref<1x128xi32, #tpu.memory_space<vmem>> -> memref<128xi32, #tpu.memory_space<vmem>>
      %dma_start3A_629 = arith.constant 0 : i32
      %dma_start3A_630 = tpu.memref_slice %arg9[%dma_start3A_625, %dma_start3A_629] : memref<16x128xi32, #tpu.memory_space<vmem>> -> memref<1x128xi32, #tpu.memory_space<vmem>>
      %dma_start3A_631 = tpu.memref_squeeze %dma_start3A_630 : memref<1x128xi32, #tpu.memory_space<vmem>> -> memref<128xi32, #tpu.memory_space<vmem>>
      %dma_start3A_632 = arith.constant 0 : i32
      %dma_start3A_633 = tpu.memref_slice %arg4[%dma_start3A_632] : memref<1064960xi32, #tpu.memory_space<vmem_shared>> -> memref<1064960xi32, #tpu.memory_space<vmem_shared>>
      tpu.enqueue_indirect_dma source(%dma_start3A_628 : memref<128xi32, #tpu.memory_space<vmem>>) target(%dma_start3A_633 : memref<1064960xi32, #tpu.memory_space<vmem_shared>>) offsets(%dma_start3A_631 : memref<128xi32, #tpu.memory_space<vmem>>) semaphore(%arg15 : memref<!tpu.dma_semaphore, #tpu.memory_space<semaphore_mem>>) {add = true}
      %dma_start3A_634 = arith.constant 6 : i32
      %dma_start3A_635 = arith.constant 6 : i32
      %dma_start3A_636 = arith.constant 0 : i32
      %dma_start3A_637 = tpu.memref_slice %arg11[%dma_start3A_634, %dma_start3A_636] : memref<16x128xi32, #tpu.memory_space<vmem>> -> memref<1x128xi32, #tpu.memory_space<vmem>>
      %dma_start3A_638 = tpu.memref_squeeze %dma_start3A_637 : memref<1x128xi32, #tpu.memory_space<vmem>> -> memref<128xi32, #tpu.memory_space<vmem>>
      %dma_start3A_639 = arith.constant 0 : i32
      %dma_start3A_640 = tpu.memref_slice %arg9[%dma_start3A_635, %dma_start3A_639] : memref<16x128xi32, #tpu.memory_space<vmem>> -> memref<1x128xi32, #tpu.memory_space<vmem>>
      %dma_start3A_641 = tpu.memref_squeeze %dma_start3A_640 : memref<1x128xi32, #tpu.memory_space<vmem>> -> memref<128xi32, #tpu.memory_space<vmem>>
      %dma_start3A_642 = arith.constant 0 : i32
      %dma_start3A_643 = tpu.memref_slice %arg4[%dma_start3A_642] : memref<1064960xi32, #tpu.memory_space<vmem_shared>> -> memref<1064960xi32, #tpu.memory_space<vmem_shared>>
      tpu.enqueue_indirect_dma source(%dma_start3A_638 : memref<128xi32, #tpu.memory_space<vmem>>) target(%dma_start3A_643 : memref<1064960xi32, #tpu.memory_space<vmem_shared>>) offsets(%dma_start3A_641 : memref<128xi32, #tpu.memory_space<vmem>>) semaphore(%arg15 : memref<!tpu.dma_semaphore, #tpu.memory_space<semaphore_mem>>) {add = true}
      %dma_start3A_644 = arith.constant 7 : i32
      %dma_start3A_645 = arith.constant 7 : i32
      %dma_start3A_646 = arith.constant 0 : i32
      %dma_start3A_647 = tpu.memref_slice %arg11[%dma_start3A_644, %dma_start3A_646] : memref<16x128xi32, #tpu.memory_space<vmem>> -> memref<1x128xi32, #tpu.memory_space<vmem>>
      %dma_start3A_648 = tpu.memref_squeeze %dma_start3A_647 : memref<1x128xi32, #tpu.memory_space<vmem>> -> memref<128xi32, #tpu.memory_space<vmem>>
      %dma_start3A_649 = arith.constant 0 : i32
      %dma_start3A_650 = tpu.memref_slice %arg9[%dma_start3A_645, %dma_start3A_649] : memref<16x128xi32, #tpu.memory_space<vmem>> -> memref<1x128xi32, #tpu.memory_space<vmem>>
      %dma_start3A_651 = tpu.memref_squeeze %dma_start3A_650 : memref<1x128xi32, #tpu.memory_space<vmem>> -> memref<128xi32, #tpu.memory_space<vmem>>
      %dma_start3A_652 = arith.constant 0 : i32
      %dma_start3A_653 = tpu.memref_slice %arg4[%dma_start3A_652] : memref<1064960xi32, #tpu.memory_space<vmem_shared>> -> memref<1064960xi32, #tpu.memory_space<vmem_shared>>
      tpu.enqueue_indirect_dma source(%dma_start3A_648 : memref<128xi32, #tpu.memory_space<vmem>>) target(%dma_start3A_653 : memref<1064960xi32, #tpu.memory_space<vmem_shared>>) offsets(%dma_start3A_651 : memref<128xi32, #tpu.memory_space<vmem>>) semaphore(%arg15 : memref<!tpu.dma_semaphore, #tpu.memory_space<semaphore_mem>>) {add = true}
      %dma_start3A_654 = arith.constant 8 : i32
      %dma_start3A_655 = arith.constant 8 : i32
      %dma_start3A_656 = arith.constant 0 : i32
      %dma_start3A_657 = tpu.memref_slice %arg11[%dma_start3A_654, %dma_start3A_656] : memref<16x128xi32, #tpu.memory_space<vmem>> -> memref<1x128xi32, #tpu.memory_space<vmem>>
      %dma_start3A_658 = tpu.memref_squeeze %dma_start3A_657 : memref<1x128xi32, #tpu.memory_space<vmem>> -> memref<128xi32, #tpu.memory_space<vmem>>
      %dma_start3A_659 = arith.constant 0 : i32
      %dma_start3A_660 = tpu.memref_slice %arg9[%dma_start3A_655, %dma_start3A_659] : memref<16x128xi32, #tpu.memory_space<vmem>> -> memref<1x128xi32, #tpu.memory_space<vmem>>
      %dma_start3A_661 = tpu.memref_squeeze %dma_start3A_660 : memref<1x128xi32, #tpu.memory_space<vmem>> -> memref<128xi32, #tpu.memory_space<vmem>>
      %dma_start3A_662 = arith.constant 0 : i32
      %dma_start3A_663 = tpu.memref_slice %arg4[%dma_start3A_662] : memref<1064960xi32, #tpu.memory_space<vmem_shared>> -> memref<1064960xi32, #tpu.memory_space<vmem_shared>>
      tpu.enqueue_indirect_dma source(%dma_start3A_658 : memref<128xi32, #tpu.memory_space<vmem>>) target(%dma_start3A_663 : memref<1064960xi32, #tpu.memory_space<vmem_shared>>) offsets(%dma_start3A_661 : memref<128xi32, #tpu.memory_space<vmem>>) semaphore(%arg15 : memref<!tpu.dma_semaphore, #tpu.memory_space<semaphore_mem>>) {add = true}
      %dma_start3A_664 = arith.constant 9 : i32
      %dma_start3A_665 = arith.constant 9 : i32
      %dma_start3A_666 = arith.constant 0 : i32
      %dma_start3A_667 = tpu.memref_slice %arg11[%dma_start3A_664, %dma_start3A_666] : memref<16x128xi32, #tpu.memory_space<vmem>> -> memref<1x128xi32, #tpu.memory_space<vmem>>
      %dma_start3A_668 = tpu.memref_squeeze %dma_start3A_667 : memref<1x128xi32, #tpu.memory_space<vmem>> -> memref<128xi32, #tpu.memory_space<vmem>>
      %dma_start3A_669 = arith.constant 0 : i32
      %dma_start3A_670 = tpu.memref_slice %arg9[%dma_start3A_665, %dma_start3A_669] : memref<16x128xi32, #tpu.memory_space<vmem>> -> memref<1x128xi32, #tpu.memory_space<vmem>>
      %dma_start3A_671 = tpu.memref_squeeze %dma_start3A_670 : memref<1x128xi32, #tpu.memory_space<vmem>> -> memref<128xi32, #tpu.memory_space<vmem>>
      %dma_start3A_672 = arith.constant 0 : i32
      %dma_start3A_673 = tpu.memref_slice %arg4[%dma_start3A_672] : memref<1064960xi32, #tpu.memory_space<vmem_shared>> -> memref<1064960xi32, #tpu.memory_space<vmem_shared>>
      tpu.enqueue_indirect_dma source(%dma_start3A_668 : memref<128xi32, #tpu.memory_space<vmem>>) target(%dma_start3A_673 : memref<1064960xi32, #tpu.memory_space<vmem_shared>>) offsets(%dma_start3A_671 : memref<128xi32, #tpu.memory_space<vmem>>) semaphore(%arg15 : memref<!tpu.dma_semaphore, #tpu.memory_space<semaphore_mem>>) {add = true}
      %dma_start3A_674 = arith.constant 10 : i32
      %dma_start3A_675 = arith.constant 10 : i32
      %dma_start3A_676 = arith.constant 0 : i32
      %dma_start3A_677 = tpu.memref_slice %arg11[%dma_start3A_674, %dma_start3A_676] : memref<16x128xi32, #tpu.memory_space<vmem>> -> memref<1x128xi32, #tpu.memory_space<vmem>>
      %dma_start3A_678 = tpu.memref_squeeze %dma_start3A_677 : memref<1x128xi32, #tpu.memory_space<vmem>> -> memref<128xi32, #tpu.memory_space<vmem>>
      %dma_start3A_679 = arith.constant 0 : i32
      %dma_start3A_680 = tpu.memref_slice %arg9[%dma_start3A_675, %dma_start3A_679] : memref<16x128xi32, #tpu.memory_space<vmem>> -> memref<1x128xi32, #tpu.memory_space<vmem>>
      %dma_start3A_681 = tpu.memref_squeeze %dma_start3A_680 : memref<1x128xi32, #tpu.memory_space<vmem>> -> memref<128xi32, #tpu.memory_space<vmem>>
      %dma_start3A_682 = arith.constant 0 : i32
      %dma_start3A_683 = tpu.memref_slice %arg4[%dma_start3A_682] : memref<1064960xi32, #tpu.memory_space<vmem_shared>> -> memref<1064960xi32, #tpu.memory_space<vmem_shared>>
      tpu.enqueue_indirect_dma source(%dma_start3A_678 : memref<128xi32, #tpu.memory_space<vmem>>) target(%dma_start3A_683 : memref<1064960xi32, #tpu.memory_space<vmem_shared>>) offsets(%dma_start3A_681 : memref<128xi32, #tpu.memory_space<vmem>>) semaphore(%arg15 : memref<!tpu.dma_semaphore, #tpu.memory_space<semaphore_mem>>) {add = true}
      %dma_start3A_684 = arith.constant 11 : i32
      %dma_start3A_685 = arith.constant 11 : i32
      %dma_start3A_686 = arith.constant 0 : i32
      %dma_start3A_687 = tpu.memref_slice %arg11[%dma_start3A_684, %dma_start3A_686] : memref<16x128xi32, #tpu.memory_space<vmem>> -> memref<1x128xi32, #tpu.memory_space<vmem>>
      %dma_start3A_688 = tpu.memref_squeeze %dma_start3A_687 : memref<1x128xi32, #tpu.memory_space<vmem>> -> memref<128xi32, #tpu.memory_space<vmem>>
      %dma_start3A_689 = arith.constant 0 : i32
      %dma_start3A_690 = tpu.memref_slice %arg9[%dma_start3A_685, %dma_start3A_689] : memref<16x128xi32, #tpu.memory_space<vmem>> -> memref<1x128xi32, #tpu.memory_space<vmem>>
      %dma_start3A_691 = tpu.memref_squeeze %dma_start3A_690 : memref<1x128xi32, #tpu.memory_space<vmem>> -> memref<128xi32, #tpu.memory_space<vmem>>
      %dma_start3A_692 = arith.constant 0 : i32
      %dma_start3A_693 = tpu.memref_slice %arg4[%dma_start3A_692] : memref<1064960xi32, #tpu.memory_space<vmem_shared>> -> memref<1064960xi32, #tpu.memory_space<vmem_shared>>
      tpu.enqueue_indirect_dma source(%dma_start3A_688 : memref<128xi32, #tpu.memory_space<vmem>>) target(%dma_start3A_693 : memref<1064960xi32, #tpu.memory_space<vmem_shared>>) offsets(%dma_start3A_691 : memref<128xi32, #tpu.memory_space<vmem>>) semaphore(%arg15 : memref<!tpu.dma_semaphore, #tpu.memory_space<semaphore_mem>>) {add = true}
      %dma_start3A_694 = arith.constant 12 : i32
      %dma_start3A_695 = arith.constant 12 : i32
      %dma_start3A_696 = arith.constant 0 : i32
      %dma_start3A_697 = tpu.memref_slice %arg11[%dma_start3A_694, %dma_start3A_696] : memref<16x128xi32, #tpu.memory_space<vmem>> -> memref<1x128xi32, #tpu.memory_space<vmem>>
      %dma_start3A_698 = tpu.memref_squeeze %dma_start3A_697 : memref<1x128xi32, #tpu.memory_space<vmem>> -> memref<128xi32, #tpu.memory_space<vmem>>
      %dma_start3A_699 = arith.constant 0 : i32
      %dma_start3A_700 = tpu.memref_slice %arg9[%dma_start3A_695, %dma_start3A_699] : memref<16x128xi32, #tpu.memory_space<vmem>> -> memref<1x128xi32, #tpu.memory_space<vmem>>
      %dma_start3A_701 = tpu.memref_squeeze %dma_start3A_700 : memref<1x128xi32, #tpu.memory_space<vmem>> -> memref<128xi32, #tpu.memory_space<vmem>>
      %dma_start3A_702 = arith.constant 0 : i32
      %dma_start3A_703 = tpu.memref_slice %arg4[%dma_start3A_702] : memref<1064960xi32, #tpu.memory_space<vmem_shared>> -> memref<1064960xi32, #tpu.memory_space<vmem_shared>>
      tpu.enqueue_indirect_dma source(%dma_start3A_698 : memref<128xi32, #tpu.memory_space<vmem>>) target(%dma_start3A_703 : memref<1064960xi32, #tpu.memory_space<vmem_shared>>) offsets(%dma_start3A_701 : memref<128xi32, #tpu.memory_space<vmem>>) semaphore(%arg15 : memref<!tpu.dma_semaphore, #tpu.memory_space<semaphore_mem>>) {add = true}
      %dma_start3A_704 = arith.constant 13 : i32
      %dma_start3A_705 = arith.constant 13 : i32
      %dma_start3A_706 = arith.constant 0 : i32
      %dma_start3A_707 = tpu.memref_slice %arg11[%dma_start3A_704, %dma_start3A_706] : memref<16x128xi32, #tpu.memory_space<vmem>> -> memref<1x128xi32, #tpu.memory_space<vmem>>
      %dma_start3A_708 = tpu.memref_squeeze %dma_start3A_707 : memref<1x128xi32, #tpu.memory_space<vmem>> -> memref<128xi32, #tpu.memory_space<vmem>>
      %dma_start3A_709 = arith.constant 0 : i32
      %dma_start3A_710 = tpu.memref_slice %arg9[%dma_start3A_705, %dma_start3A_709] : memref<16x128xi32, #tpu.memory_space<vmem>> -> memref<1x128xi32, #tpu.memory_space<vmem>>
      %dma_start3A_711 = tpu.memref_squeeze %dma_start3A_710 : memref<1x128xi32, #tpu.memory_space<vmem>> -> memref<128xi32, #tpu.memory_space<vmem>>
      %dma_start3A_712 = arith.constant 0 : i32
      %dma_start3A_713 = tpu.memref_slice %arg4[%dma_start3A_712] : memref<1064960xi32, #tpu.memory_space<vmem_shared>> -> memref<1064960xi32, #tpu.memory_space<vmem_shared>>
      tpu.enqueue_indirect_dma source(%dma_start3A_708 : memref<128xi32, #tpu.memory_space<vmem>>) target(%dma_start3A_713 : memref<1064960xi32, #tpu.memory_space<vmem_shared>>) offsets(%dma_start3A_711 : memref<128xi32, #tpu.memory_space<vmem>>) semaphore(%arg15 : memref<!tpu.dma_semaphore, #tpu.memory_space<semaphore_mem>>) {add = true}
      %dma_start3A_714 = arith.constant 14 : i32
      %dma_start3A_715 = arith.constant 14 : i32
      %dma_start3A_716 = arith.constant 0 : i32
      %dma_start3A_717 = tpu.memref_slice %arg11[%dma_start3A_714, %dma_start3A_716] : memref<16x128xi32, #tpu.memory_space<vmem>> -> memref<1x128xi32, #tpu.memory_space<vmem>>
      %dma_start3A_718 = tpu.memref_squeeze %dma_start3A_717 : memref<1x128xi32, #tpu.memory_space<vmem>> -> memref<128xi32, #tpu.memory_space<vmem>>
      %dma_start3A_719 = arith.constant 0 : i32
      %dma_start3A_720 = tpu.memref_slice %arg9[%dma_start3A_715, %dma_start3A_719] : memref<16x128xi32, #tpu.memory_space<vmem>> -> memref<1x128xi32, #tpu.memory_space<vmem>>
      %dma_start3A_721 = tpu.memref_squeeze %dma_start3A_720 : memref<1x128xi32, #tpu.memory_space<vmem>> -> memref<128xi32, #tpu.memory_space<vmem>>
      %dma_start3A_722 = arith.constant 0 : i32
      %dma_start3A_723 = tpu.memref_slice %arg4[%dma_start3A_722] : memref<1064960xi32, #tpu.memory_space<vmem_shared>> -> memref<1064960xi32, #tpu.memory_space<vmem_shared>>
      tpu.enqueue_indirect_dma source(%dma_start3A_718 : memref<128xi32, #tpu.memory_space<vmem>>) target(%dma_start3A_723 : memref<1064960xi32, #tpu.memory_space<vmem_shared>>) offsets(%dma_start3A_721 : memref<128xi32, #tpu.memory_space<vmem>>) semaphore(%arg15 : memref<!tpu.dma_semaphore, #tpu.memory_space<semaphore_mem>>) {add = true}
      %dma_start3A_724 = arith.constant 15 : i32
      %dma_start3A_725 = arith.constant 15 : i32
      %dma_start3A_726 = arith.constant 0 : i32
      %dma_start3A_727 = tpu.memref_slice %arg11[%dma_start3A_724, %dma_start3A_726] : memref<16x128xi32, #tpu.memory_space<vmem>> -> memref<1x128xi32, #tpu.memory_space<vmem>>
      %dma_start3A_728 = tpu.memref_squeeze %dma_start3A_727 : memref<1x128xi32, #tpu.memory_space<vmem>> -> memref<128xi32, #tpu.memory_space<vmem>>
      %dma_start3A_729 = arith.constant 0 : i32
      %dma_start3A_730 = tpu.memref_slice %arg9[%dma_start3A_725, %dma_start3A_729] : memref<16x128xi32, #tpu.memory_space<vmem>> -> memref<1x128xi32, #tpu.memory_space<vmem>>
      %dma_start3A_731 = tpu.memref_squeeze %dma_start3A_730 : memref<1x128xi32, #tpu.memory_space<vmem>> -> memref<128xi32, #tpu.memory_space<vmem>>
      %dma_start3A_732 = arith.constant 0 : i32
      %dma_start3A_733 = tpu.memref_slice %arg4[%dma_start3A_732] : memref<1064960xi32, #tpu.memory_space<vmem_shared>> -> memref<1064960xi32, #tpu.memory_space<vmem_shared>>
      tpu.enqueue_indirect_dma source(%dma_start3A_728 : memref<128xi32, #tpu.memory_space<vmem>>) target(%dma_start3A_733 : memref<1064960xi32, #tpu.memory_space<vmem_shared>>) offsets(%dma_start3A_731 : memref<128xi32, #tpu.memory_space<vmem>>) semaphore(%arg15 : memref<!tpu.dma_semaphore, #tpu.memory_space<semaphore_mem>>) {add = true}
      %add3A_734 = arith.constant 2 : i32
      %add3A_735 = arith.addi %add3A_557, %add3A_734 : i32
      %lt3A_736 = arith.constant 256 : i32
      %lt3A_737 = arith.cmpi slt, %add3A_735, %lt3A_736 : i32
      %convert_element_type3A_738 = arith.extui %lt3A_737 : i1 to i32
      %cond3A_739 = arith.constant 0 : i32
      %cond3A_740 = arith.cmpi ne, %convert_element_type3A_738, %cond3A_739 : i32
      scf.if %cond3A_740 {
        %add3A_741 = arith.constant 2 : i32
        %add3A_742 = arith.addi %add3A_557, %add3A_741 : i32
        %mul3A_743 = arith.constant 2048 : i32
        %mul3A_744 = arith.muli %add3A_742, %mul3A_743 : i32
        %add3A_745 = arith.addi %mul3A_0, %mul3A_744 : i32
        %dma_start3A_746 = tpu.memref_slice %arg2[%add3A_745] : memref<8388608xi32, #tpu.memory_space<hbm>> -> memref<2048xi32, #tpu.memory_space<hbm>>
        %dma_start3A_747 = tpu.memref_slice %arg2[%add3A_745] : memref<8388608xi32, #tpu.memory_space<hbm>> -> memref<2048xi32, #tpu.memory_space<hbm>>
        tpu.enqueue_dma source(%dma_start3A_747 : memref<2048xi32, #tpu.memory_space<hbm>>) target(%arg7 : memref<2048xi32, #tpu.memory_space<vmem>>) target_semaphore(%arg13 : memref<!tpu.dma_semaphore, #tpu.memory_space<semaphore_mem>>)
      } else {
      }
    }
    %scan3A_42 = arith.constant 128 : i32
    %dma_wait3A = arith.constant 0 : i32
    %dma_wait3A_43 = arith.constant 0 : i32
    %dma_wait3A_44 = arith.constant 0 : i32
    %dma_wait3A_45 = tpu.memref_slice %arg10[%dma_wait3A, %dma_wait3A_44] : memref<16x128xi32, #tpu.memory_space<vmem>> -> memref<1x128xi32, #tpu.memory_space<vmem>>
    %dma_wait3A_46 = tpu.memref_squeeze %dma_wait3A_45 : memref<1x128xi32, #tpu.memory_space<vmem>> -> memref<128xi32, #tpu.memory_space<vmem>>
    %dma_wait3A_47 = arith.constant 0 : i32
    %dma_wait3A_48 = tpu.memref_slice %arg8[%dma_wait3A_43, %dma_wait3A_47] : memref<16x128xi32, #tpu.memory_space<vmem>> -> memref<1x128xi32, #tpu.memory_space<vmem>>
    %dma_wait3A_49 = tpu.memref_squeeze %dma_wait3A_48 : memref<1x128xi32, #tpu.memory_space<vmem>> -> memref<128xi32, #tpu.memory_space<vmem>>
    %dma_wait3A_50 = arith.constant 0 : i32
    %dma_wait3A_51 = tpu.memref_slice %arg4[%dma_wait3A_50] : memref<1064960xi32, #tpu.memory_space<vmem_shared>> -> memref<1064960xi32, #tpu.memory_space<vmem_shared>>
    tpu.wait_indirect_dma semaphore(%arg14 : memref<!tpu.dma_semaphore, #tpu.memory_space<semaphore_mem>>) src(%dma_wait3A_46 : memref<128xi32, #tpu.memory_space<vmem>>) dst(%dma_wait3A_51 : memref<1064960xi32, #tpu.memory_space<vmem_shared>>)
    %dma_wait3A_52 = arith.constant 1 : i32
    %dma_wait3A_53 = arith.constant 1 : i32
    %dma_wait3A_54 = arith.constant 0 : i32
    %dma_wait3A_55 = tpu.memref_slice %arg10[%dma_wait3A_52, %dma_wait3A_54] : memref<16x128xi32, #tpu.memory_space<vmem>> -> memref<1x128xi32, #tpu.memory_space<vmem>>
    %dma_wait3A_56 = tpu.memref_squeeze %dma_wait3A_55 : memref<1x128xi32, #tpu.memory_space<vmem>> -> memref<128xi32, #tpu.memory_space<vmem>>
    %dma_wait3A_57 = arith.constant 0 : i32
    %dma_wait3A_58 = tpu.memref_slice %arg8[%dma_wait3A_53, %dma_wait3A_57] : memref<16x128xi32, #tpu.memory_space<vmem>> -> memref<1x128xi32, #tpu.memory_space<vmem>>
    %dma_wait3A_59 = tpu.memref_squeeze %dma_wait3A_58 : memref<1x128xi32, #tpu.memory_space<vmem>> -> memref<128xi32, #tpu.memory_space<vmem>>
    %dma_wait3A_60 = arith.constant 0 : i32
    %dma_wait3A_61 = tpu.memref_slice %arg4[%dma_wait3A_60] : memref<1064960xi32, #tpu.memory_space<vmem_shared>> -> memref<1064960xi32, #tpu.memory_space<vmem_shared>>
    tpu.wait_indirect_dma semaphore(%arg14 : memref<!tpu.dma_semaphore, #tpu.memory_space<semaphore_mem>>) src(%dma_wait3A_56 : memref<128xi32, #tpu.memory_space<vmem>>) dst(%dma_wait3A_61 : memref<1064960xi32, #tpu.memory_space<vmem_shared>>)
    %dma_wait3A_62 = arith.constant 2 : i32
    %dma_wait3A_63 = arith.constant 2 : i32
    %dma_wait3A_64 = arith.constant 0 : i32
    %dma_wait3A_65 = tpu.memref_slice %arg10[%dma_wait3A_62, %dma_wait3A_64] : memref<16x128xi32, #tpu.memory_space<vmem>> -> memref<1x128xi32, #tpu.memory_space<vmem>>
    %dma_wait3A_66 = tpu.memref_squeeze %dma_wait3A_65 : memref<1x128xi32, #tpu.memory_space<vmem>> -> memref<128xi32, #tpu.memory_space<vmem>>
    %dma_wait3A_67 = arith.constant 0 : i32
    %dma_wait3A_68 = tpu.memref_slice %arg8[%dma_wait3A_63, %dma_wait3A_67] : memref<16x128xi32, #tpu.memory_space<vmem>> -> memref<1x128xi32, #tpu.memory_space<vmem>>
    %dma_wait3A_69 = tpu.memref_squeeze %dma_wait3A_68 : memref<1x128xi32, #tpu.memory_space<vmem>> -> memref<128xi32, #tpu.memory_space<vmem>>
    %dma_wait3A_70 = arith.constant 0 : i32
    %dma_wait3A_71 = tpu.memref_slice %arg4[%dma_wait3A_70] : memref<1064960xi32, #tpu.memory_space<vmem_shared>> -> memref<1064960xi32, #tpu.memory_space<vmem_shared>>
    tpu.wait_indirect_dma semaphore(%arg14 : memref<!tpu.dma_semaphore, #tpu.memory_space<semaphore_mem>>) src(%dma_wait3A_66 : memref<128xi32, #tpu.memory_space<vmem>>) dst(%dma_wait3A_71 : memref<1064960xi32, #tpu.memory_space<vmem_shared>>)
    %dma_wait3A_72 = arith.constant 3 : i32
    %dma_wait3A_73 = arith.constant 3 : i32
    %dma_wait3A_74 = arith.constant 0 : i32
    %dma_wait3A_75 = tpu.memref_slice %arg10[%dma_wait3A_72, %dma_wait3A_74] : memref<16x128xi32, #tpu.memory_space<vmem>> -> memref<1x128xi32, #tpu.memory_space<vmem>>
    %dma_wait3A_76 = tpu.memref_squeeze %dma_wait3A_75 : memref<1x128xi32, #tpu.memory_space<vmem>> -> memref<128xi32, #tpu.memory_space<vmem>>
    %dma_wait3A_77 = arith.constant 0 : i32
    %dma_wait3A_78 = tpu.memref_slice %arg8[%dma_wait3A_73, %dma_wait3A_77] : memref<16x128xi32, #tpu.memory_space<vmem>> -> memref<1x128xi32, #tpu.memory_space<vmem>>
    %dma_wait3A_79 = tpu.memref_squeeze %dma_wait3A_78 : memref<1x128xi32, #tpu.memory_space<vmem>> -> memref<128xi32, #tpu.memory_space<vmem>>
    %dma_wait3A_80 = arith.constant 0 : i32
    %dma_wait3A_81 = tpu.memref_slice %arg4[%dma_wait3A_80] : memref<1064960xi32, #tpu.memory_space<vmem_shared>> -> memref<1064960xi32, #tpu.memory_space<vmem_shared>>
    tpu.wait_indirect_dma semaphore(%arg14 : memref<!tpu.dma_semaphore, #tpu.memory_space<semaphore_mem>>) src(%dma_wait3A_76 : memref<128xi32, #tpu.memory_space<vmem>>) dst(%dma_wait3A_81 : memref<1064960xi32, #tpu.memory_space<vmem_shared>>)
    %dma_wait3A_82 = arith.constant 4 : i32
    %dma_wait3A_83 = arith.constant 4 : i32
    %dma_wait3A_84 = arith.constant 0 : i32
    %dma_wait3A_85 = tpu.memref_slice %arg10[%dma_wait3A_82, %dma_wait3A_84] : memref<16x128xi32, #tpu.memory_space<vmem>> -> memref<1x128xi32, #tpu.memory_space<vmem>>
    %dma_wait3A_86 = tpu.memref_squeeze %dma_wait3A_85 : memref<1x128xi32, #tpu.memory_space<vmem>> -> memref<128xi32, #tpu.memory_space<vmem>>
    %dma_wait3A_87 = arith.constant 0 : i32
    %dma_wait3A_88 = tpu.memref_slice %arg8[%dma_wait3A_83, %dma_wait3A_87] : memref<16x128xi32, #tpu.memory_space<vmem>> -> memref<1x128xi32, #tpu.memory_space<vmem>>
    %dma_wait3A_89 = tpu.memref_squeeze %dma_wait3A_88 : memref<1x128xi32, #tpu.memory_space<vmem>> -> memref<128xi32, #tpu.memory_space<vmem>>
    %dma_wait3A_90 = arith.constant 0 : i32
    %dma_wait3A_91 = tpu.memref_slice %arg4[%dma_wait3A_90] : memref<1064960xi32, #tpu.memory_space<vmem_shared>> -> memref<1064960xi32, #tpu.memory_space<vmem_shared>>
    tpu.wait_indirect_dma semaphore(%arg14 : memref<!tpu.dma_semaphore, #tpu.memory_space<semaphore_mem>>) src(%dma_wait3A_86 : memref<128xi32, #tpu.memory_space<vmem>>) dst(%dma_wait3A_91 : memref<1064960xi32, #tpu.memory_space<vmem_shared>>)
    %dma_wait3A_92 = arith.constant 5 : i32
    %dma_wait3A_93 = arith.constant 5 : i32
    %dma_wait3A_94 = arith.constant 0 : i32
    %dma_wait3A_95 = tpu.memref_slice %arg10[%dma_wait3A_92, %dma_wait3A_94] : memref<16x128xi32, #tpu.memory_space<vmem>> -> memref<1x128xi32, #tpu.memory_space<vmem>>
    %dma_wait3A_96 = tpu.memref_squeeze %dma_wait3A_95 : memref<1x128xi32, #tpu.memory_space<vmem>> -> memref<128xi32, #tpu.memory_space<vmem>>
    %dma_wait3A_97 = arith.constant 0 : i32
    %dma_wait3A_98 = tpu.memref_slice %arg8[%dma_wait3A_93, %dma_wait3A_97] : memref<16x128xi32, #tpu.memory_space<vmem>> -> memref<1x128xi32, #tpu.memory_space<vmem>>
    %dma_wait3A_99 = tpu.memref_squeeze %dma_wait3A_98 : memref<1x128xi32, #tpu.memory_space<vmem>> -> memref<128xi32, #tpu.memory_space<vmem>>
    %dma_wait3A_100 = arith.constant 0 : i32
    %dma_wait3A_101 = tpu.memref_slice %arg4[%dma_wait3A_100] : memref<1064960xi32, #tpu.memory_space<vmem_shared>> -> memref<1064960xi32, #tpu.memory_space<vmem_shared>>
    tpu.wait_indirect_dma semaphore(%arg14 : memref<!tpu.dma_semaphore, #tpu.memory_space<semaphore_mem>>) src(%dma_wait3A_96 : memref<128xi32, #tpu.memory_space<vmem>>) dst(%dma_wait3A_101 : memref<1064960xi32, #tpu.memory_space<vmem_shared>>)
    %dma_wait3A_102 = arith.constant 6 : i32
    %dma_wait3A_103 = arith.constant 6 : i32
    %dma_wait3A_104 = arith.constant 0 : i32
    %dma_wait3A_105 = tpu.memref_slice %arg10[%dma_wait3A_102, %dma_wait3A_104] : memref<16x128xi32, #tpu.memory_space<vmem>> -> memref<1x128xi32, #tpu.memory_space<vmem>>
    %dma_wait3A_106 = tpu.memref_squeeze %dma_wait3A_105 : memref<1x128xi32, #tpu.memory_space<vmem>> -> memref<128xi32, #tpu.memory_space<vmem>>
    %dma_wait3A_107 = arith.constant 0 : i32
    %dma_wait3A_108 = tpu.memref_slice %arg8[%dma_wait3A_103, %dma_wait3A_107] : memref<16x128xi32, #tpu.memory_space<vmem>> -> memref<1x128xi32, #tpu.memory_space<vmem>>
    %dma_wait3A_109 = tpu.memref_squeeze %dma_wait3A_108 : memref<1x128xi32, #tpu.memory_space<vmem>> -> memref<128xi32, #tpu.memory_space<vmem>>
    %dma_wait3A_110 = arith.constant 0 : i32
    %dma_wait3A_111 = tpu.memref_slice %arg4[%dma_wait3A_110] : memref<1064960xi32, #tpu.memory_space<vmem_shared>> -> memref<1064960xi32, #tpu.memory_space<vmem_shared>>
    tpu.wait_indirect_dma semaphore(%arg14 : memref<!tpu.dma_semaphore, #tpu.memory_space<semaphore_mem>>) src(%dma_wait3A_106 : memref<128xi32, #tpu.memory_space<vmem>>) dst(%dma_wait3A_111 : memref<1064960xi32, #tpu.memory_space<vmem_shared>>)
    %dma_wait3A_112 = arith.constant 7 : i32
    %dma_wait3A_113 = arith.constant 7 : i32
    %dma_wait3A_114 = arith.constant 0 : i32
    %dma_wait3A_115 = tpu.memref_slice %arg10[%dma_wait3A_112, %dma_wait3A_114] : memref<16x128xi32, #tpu.memory_space<vmem>> -> memref<1x128xi32, #tpu.memory_space<vmem>>
    %dma_wait3A_116 = tpu.memref_squeeze %dma_wait3A_115 : memref<1x128xi32, #tpu.memory_space<vmem>> -> memref<128xi32, #tpu.memory_space<vmem>>
    %dma_wait3A_117 = arith.constant 0 : i32
    %dma_wait3A_118 = tpu.memref_slice %arg8[%dma_wait3A_113, %dma_wait3A_117] : memref<16x128xi32, #tpu.memory_space<vmem>> -> memref<1x128xi32, #tpu.memory_space<vmem>>
    %dma_wait3A_119 = tpu.memref_squeeze %dma_wait3A_118 : memref<1x128xi32, #tpu.memory_space<vmem>> -> memref<128xi32, #tpu.memory_space<vmem>>
    %dma_wait3A_120 = arith.constant 0 : i32
    %dma_wait3A_121 = tpu.memref_slice %arg4[%dma_wait3A_120] : memref<1064960xi32, #tpu.memory_space<vmem_shared>> -> memref<1064960xi32, #tpu.memory_space<vmem_shared>>
    tpu.wait_indirect_dma semaphore(%arg14 : memref<!tpu.dma_semaphore, #tpu.memory_space<semaphore_mem>>) src(%dma_wait3A_116 : memref<128xi32, #tpu.memory_space<vmem>>) dst(%dma_wait3A_121 : memref<1064960xi32, #tpu.memory_space<vmem_shared>>)
    %dma_wait3A_122 = arith.constant 8 : i32
    %dma_wait3A_123 = arith.constant 8 : i32
    %dma_wait3A_124 = arith.constant 0 : i32
    %dma_wait3A_125 = tpu.memref_slice %arg10[%dma_wait3A_122, %dma_wait3A_124] : memref<16x128xi32, #tpu.memory_space<vmem>> -> memref<1x128xi32, #tpu.memory_space<vmem>>
    %dma_wait3A_126 = tpu.memref_squeeze %dma_wait3A_125 : memref<1x128xi32, #tpu.memory_space<vmem>> -> memref<128xi32, #tpu.memory_space<vmem>>
    %dma_wait3A_127 = arith.constant 0 : i32
    %dma_wait3A_128 = tpu.memref_slice %arg8[%dma_wait3A_123, %dma_wait3A_127] : memref<16x128xi32, #tpu.memory_space<vmem>> -> memref<1x128xi32, #tpu.memory_space<vmem>>
    %dma_wait3A_129 = tpu.memref_squeeze %dma_wait3A_128 : memref<1x128xi32, #tpu.memory_space<vmem>> -> memref<128xi32, #tpu.memory_space<vmem>>
    %dma_wait3A_130 = arith.constant 0 : i32
    %dma_wait3A_131 = tpu.memref_slice %arg4[%dma_wait3A_130] : memref<1064960xi32, #tpu.memory_space<vmem_shared>> -> memref<1064960xi32, #tpu.memory_space<vmem_shared>>
    tpu.wait_indirect_dma semaphore(%arg14 : memref<!tpu.dma_semaphore, #tpu.memory_space<semaphore_mem>>) src(%dma_wait3A_126 : memref<128xi32, #tpu.memory_space<vmem>>) dst(%dma_wait3A_131 : memref<1064960xi32, #tpu.memory_space<vmem_shared>>)
    %dma_wait3A_132 = arith.constant 9 : i32
    %dma_wait3A_133 = arith.constant 9 : i32
    %dma_wait3A_134 = arith.constant 0 : i32
    %dma_wait3A_135 = tpu.memref_slice %arg10[%dma_wait3A_132, %dma_wait3A_134] : memref<16x128xi32, #tpu.memory_space<vmem>> -> memref<1x128xi32, #tpu.memory_space<vmem>>
    %dma_wait3A_136 = tpu.memref_squeeze %dma_wait3A_135 : memref<1x128xi32, #tpu.memory_space<vmem>> -> memref<128xi32, #tpu.memory_space<vmem>>
    %dma_wait3A_137 = arith.constant 0 : i32
    %dma_wait3A_138 = tpu.memref_slice %arg8[%dma_wait3A_133, %dma_wait3A_137] : memref<16x128xi32, #tpu.memory_space<vmem>> -> memref<1x128xi32, #tpu.memory_space<vmem>>
    %dma_wait3A_139 = tpu.memref_squeeze %dma_wait3A_138 : memref<1x128xi32, #tpu.memory_space<vmem>> -> memref<128xi32, #tpu.memory_space<vmem>>
    %dma_wait3A_140 = arith.constant 0 : i32
    %dma_wait3A_141 = tpu.memref_slice %arg4[%dma_wait3A_140] : memref<1064960xi32, #tpu.memory_space<vmem_shared>> -> memref<1064960xi32, #tpu.memory_space<vmem_shared>>
    tpu.wait_indirect_dma semaphore(%arg14 : memref<!tpu.dma_semaphore, #tpu.memory_space<semaphore_mem>>) src(%dma_wait3A_136 : memref<128xi32, #tpu.memory_space<vmem>>) dst(%dma_wait3A_141 : memref<1064960xi32, #tpu.memory_space<vmem_shared>>)
    %dma_wait3A_142 = arith.constant 10 : i32
    %dma_wait3A_143 = arith.constant 10 : i32
    %dma_wait3A_144 = arith.constant 0 : i32
    %dma_wait3A_145 = tpu.memref_slice %arg10[%dma_wait3A_142, %dma_wait3A_144] : memref<16x128xi32, #tpu.memory_space<vmem>> -> memref<1x128xi32, #tpu.memory_space<vmem>>
    %dma_wait3A_146 = tpu.memref_squeeze %dma_wait3A_145 : memref<1x128xi32, #tpu.memory_space<vmem>> -> memref<128xi32, #tpu.memory_space<vmem>>
    %dma_wait3A_147 = arith.constant 0 : i32
    %dma_wait3A_148 = tpu.memref_slice %arg8[%dma_wait3A_143, %dma_wait3A_147] : memref<16x128xi32, #tpu.memory_space<vmem>> -> memref<1x128xi32, #tpu.memory_space<vmem>>
    %dma_wait3A_149 = tpu.memref_squeeze %dma_wait3A_148 : memref<1x128xi32, #tpu.memory_space<vmem>> -> memref<128xi32, #tpu.memory_space<vmem>>
    %dma_wait3A_150 = arith.constant 0 : i32
    %dma_wait3A_151 = tpu.memref_slice %arg4[%dma_wait3A_150] : memref<1064960xi32, #tpu.memory_space<vmem_shared>> -> memref<1064960xi32, #tpu.memory_space<vmem_shared>>
    tpu.wait_indirect_dma semaphore(%arg14 : memref<!tpu.dma_semaphore, #tpu.memory_space<semaphore_mem>>) src(%dma_wait3A_146 : memref<128xi32, #tpu.memory_space<vmem>>) dst(%dma_wait3A_151 : memref<1064960xi32, #tpu.memory_space<vmem_shared>>)
    %dma_wait3A_152 = arith.constant 11 : i32
    %dma_wait3A_153 = arith.constant 11 : i32
    %dma_wait3A_154 = arith.constant 0 : i32
    %dma_wait3A_155 = tpu.memref_slice %arg10[%dma_wait3A_152, %dma_wait3A_154] : memref<16x128xi32, #tpu.memory_space<vmem>> -> memref<1x128xi32, #tpu.memory_space<vmem>>
    %dma_wait3A_156 = tpu.memref_squeeze %dma_wait3A_155 : memref<1x128xi32, #tpu.memory_space<vmem>> -> memref<128xi32, #tpu.memory_space<vmem>>
    %dma_wait3A_157 = arith.constant 0 : i32
    %dma_wait3A_158 = tpu.memref_slice %arg8[%dma_wait3A_153, %dma_wait3A_157] : memref<16x128xi32, #tpu.memory_space<vmem>> -> memref<1x128xi32, #tpu.memory_space<vmem>>
    %dma_wait3A_159 = tpu.memref_squeeze %dma_wait3A_158 : memref<1x128xi32, #tpu.memory_space<vmem>> -> memref<128xi32, #tpu.memory_space<vmem>>
    %dma_wait3A_160 = arith.constant 0 : i32
    %dma_wait3A_161 = tpu.memref_slice %arg4[%dma_wait3A_160] : memref<1064960xi32, #tpu.memory_space<vmem_shared>> -> memref<1064960xi32, #tpu.memory_space<vmem_shared>>
    tpu.wait_indirect_dma semaphore(%arg14 : memref<!tpu.dma_semaphore, #tpu.memory_space<semaphore_mem>>) src(%dma_wait3A_156 : memref<128xi32, #tpu.memory_space<vmem>>) dst(%dma_wait3A_161 : memref<1064960xi32, #tpu.memory_space<vmem_shared>>)
    %dma_wait3A_162 = arith.constant 12 : i32
    %dma_wait3A_163 = arith.constant 12 : i32
    %dma_wait3A_164 = arith.constant 0 : i32
    %dma_wait3A_165 = tpu.memref_slice %arg10[%dma_wait3A_162, %dma_wait3A_164] : memref<16x128xi32, #tpu.memory_space<vmem>> -> memref<1x128xi32, #tpu.memory_space<vmem>>
    %dma_wait3A_166 = tpu.memref_squeeze %dma_wait3A_165 : memref<1x128xi32, #tpu.memory_space<vmem>> -> memref<128xi32, #tpu.memory_space<vmem>>
    %dma_wait3A_167 = arith.constant 0 : i32
    %dma_wait3A_168 = tpu.memref_slice %arg8[%dma_wait3A_163, %dma_wait3A_167] : memref<16x128xi32, #tpu.memory_space<vmem>> -> memref<1x128xi32, #tpu.memory_space<vmem>>
    %dma_wait3A_169 = tpu.memref_squeeze %dma_wait3A_168 : memref<1x128xi32, #tpu.memory_space<vmem>> -> memref<128xi32, #tpu.memory_space<vmem>>
    %dma_wait3A_170 = arith.constant 0 : i32
    %dma_wait3A_171 = tpu.memref_slice %arg4[%dma_wait3A_170] : memref<1064960xi32, #tpu.memory_space<vmem_shared>> -> memref<1064960xi32, #tpu.memory_space<vmem_shared>>
    tpu.wait_indirect_dma semaphore(%arg14 : memref<!tpu.dma_semaphore, #tpu.memory_space<semaphore_mem>>) src(%dma_wait3A_166 : memref<128xi32, #tpu.memory_space<vmem>>) dst(%dma_wait3A_171 : memref<1064960xi32, #tpu.memory_space<vmem_shared>>)
    %dma_wait3A_172 = arith.constant 13 : i32
    %dma_wait3A_173 = arith.constant 13 : i32
    %dma_wait3A_174 = arith.constant 0 : i32
    %dma_wait3A_175 = tpu.memref_slice %arg10[%dma_wait3A_172, %dma_wait3A_174] : memref<16x128xi32, #tpu.memory_space<vmem>> -> memref<1x128xi32, #tpu.memory_space<vmem>>
    %dma_wait3A_176 = tpu.memref_squeeze %dma_wait3A_175 : memref<1x128xi32, #tpu.memory_space<vmem>> -> memref<128xi32, #tpu.memory_space<vmem>>
    %dma_wait3A_177 = arith.constant 0 : i32
    %dma_wait3A_178 = tpu.memref_slice %arg8[%dma_wait3A_173, %dma_wait3A_177] : memref<16x128xi32, #tpu.memory_space<vmem>> -> memref<1x128xi32, #tpu.memory_space<vmem>>
    %dma_wait3A_179 = tpu.memref_squeeze %dma_wait3A_178 : memref<1x128xi32, #tpu.memory_space<vmem>> -> memref<128xi32, #tpu.memory_space<vmem>>
    %dma_wait3A_180 = arith.constant 0 : i32
    %dma_wait3A_181 = tpu.memref_slice %arg4[%dma_wait3A_180] : memref<1064960xi32, #tpu.memory_space<vmem_shared>> -> memref<1064960xi32, #tpu.memory_space<vmem_shared>>
    tpu.wait_indirect_dma semaphore(%arg14 : memref<!tpu.dma_semaphore, #tpu.memory_space<semaphore_mem>>) src(%dma_wait3A_176 : memref<128xi32, #tpu.memory_space<vmem>>) dst(%dma_wait3A_181 : memref<1064960xi32, #tpu.memory_space<vmem_shared>>)
    %dma_wait3A_182 = arith.constant 14 : i32
    %dma_wait3A_183 = arith.constant 14 : i32
    %dma_wait3A_184 = arith.constant 0 : i32
    %dma_wait3A_185 = tpu.memref_slice %arg10[%dma_wait3A_182, %dma_wait3A_184] : memref<16x128xi32, #tpu.memory_space<vmem>> -> memref<1x128xi32, #tpu.memory_space<vmem>>
    %dma_wait3A_186 = tpu.memref_squeeze %dma_wait3A_185 : memref<1x128xi32, #tpu.memory_space<vmem>> -> memref<128xi32, #tpu.memory_space<vmem>>
    %dma_wait3A_187 = arith.constant 0 : i32
    %dma_wait3A_188 = tpu.memref_slice %arg8[%dma_wait3A_183, %dma_wait3A_187] : memref<16x128xi32, #tpu.memory_space<vmem>> -> memref<1x128xi32, #tpu.memory_space<vmem>>
    %dma_wait3A_189 = tpu.memref_squeeze %dma_wait3A_188 : memref<1x128xi32, #tpu.memory_space<vmem>> -> memref<128xi32, #tpu.memory_space<vmem>>
    %dma_wait3A_190 = arith.constant 0 : i32
    %dma_wait3A_191 = tpu.memref_slice %arg4[%dma_wait3A_190] : memref<1064960xi32, #tpu.memory_space<vmem_shared>> -> memref<1064960xi32, #tpu.memory_space<vmem_shared>>
    tpu.wait_indirect_dma semaphore(%arg14 : memref<!tpu.dma_semaphore, #tpu.memory_space<semaphore_mem>>) src(%dma_wait3A_186 : memref<128xi32, #tpu.memory_space<vmem>>) dst(%dma_wait3A_191 : memref<1064960xi32, #tpu.memory_space<vmem_shared>>)
    %dma_wait3A_192 = arith.constant 15 : i32
    %dma_wait3A_193 = arith.constant 15 : i32
    %dma_wait3A_194 = arith.constant 0 : i32
    %dma_wait3A_195 = tpu.memref_slice %arg10[%dma_wait3A_192, %dma_wait3A_194] : memref<16x128xi32, #tpu.memory_space<vmem>> -> memref<1x128xi32, #tpu.memory_space<vmem>>
    %dma_wait3A_196 = tpu.memref_squeeze %dma_wait3A_195 : memref<1x128xi32, #tpu.memory_space<vmem>> -> memref<128xi32, #tpu.memory_space<vmem>>
    %dma_wait3A_197 = arith.constant 0 : i32
    %dma_wait3A_198 = tpu.memref_slice %arg8[%dma_wait3A_193, %dma_wait3A_197] : memref<16x128xi32, #tpu.memory_space<vmem>> -> memref<1x128xi32, #tpu.memory_space<vmem>>
    %dma_wait3A_199 = tpu.memref_squeeze %dma_wait3A_198 : memref<1x128xi32, #tpu.memory_space<vmem>> -> memref<128xi32, #tpu.memory_space<vmem>>
    %dma_wait3A_200 = arith.constant 0 : i32
    %dma_wait3A_201 = tpu.memref_slice %arg4[%dma_wait3A_200] : memref<1064960xi32, #tpu.memory_space<vmem_shared>> -> memref<1064960xi32, #tpu.memory_space<vmem_shared>>
    tpu.wait_indirect_dma semaphore(%arg14 : memref<!tpu.dma_semaphore, #tpu.memory_space<semaphore_mem>>) src(%dma_wait3A_196 : memref<128xi32, #tpu.memory_space<vmem>>) dst(%dma_wait3A_201 : memref<1064960xi32, #tpu.memory_space<vmem_shared>>)
    %dma_wait3A_202 = arith.constant 0 : i32
    %dma_wait3A_203 = arith.constant 0 : i32
    %dma_wait3A_204 = arith.constant 0 : i32
    %dma_wait3A_205 = tpu.memref_slice %arg11[%dma_wait3A_202, %dma_wait3A_204] : memref<16x128xi32, #tpu.memory_space<vmem>> -> memref<1x128xi32, #tpu.memory_space<vmem>>
    %dma_wait3A_206 = tpu.memref_squeeze %dma_wait3A_205 : memref<1x128xi32, #tpu.memory_space<vmem>> -> memref<128xi32, #tpu.memory_space<vmem>>
    %dma_wait3A_207 = arith.constant 0 : i32
    %dma_wait3A_208 = tpu.memref_slice %arg9[%dma_wait3A_203, %dma_wait3A_207] : memref<16x128xi32, #tpu.memory_space<vmem>> -> memref<1x128xi32, #tpu.memory_space<vmem>>
    %dma_wait3A_209 = tpu.memref_squeeze %dma_wait3A_208 : memref<1x128xi32, #tpu.memory_space<vmem>> -> memref<128xi32, #tpu.memory_space<vmem>>
    %dma_wait3A_210 = arith.constant 0 : i32
    %dma_wait3A_211 = tpu.memref_slice %arg4[%dma_wait3A_210] : memref<1064960xi32, #tpu.memory_space<vmem_shared>> -> memref<1064960xi32, #tpu.memory_space<vmem_shared>>
    tpu.wait_indirect_dma semaphore(%arg15 : memref<!tpu.dma_semaphore, #tpu.memory_space<semaphore_mem>>) src(%dma_wait3A_206 : memref<128xi32, #tpu.memory_space<vmem>>) dst(%dma_wait3A_211 : memref<1064960xi32, #tpu.memory_space<vmem_shared>>)
    %dma_wait3A_212 = arith.constant 1 : i32
    %dma_wait3A_213 = arith.constant 1 : i32
    %dma_wait3A_214 = arith.constant 0 : i32
    %dma_wait3A_215 = tpu.memref_slice %arg11[%dma_wait3A_212, %dma_wait3A_214] : memref<16x128xi32, #tpu.memory_space<vmem>> -> memref<1x128xi32, #tpu.memory_space<vmem>>
    %dma_wait3A_216 = tpu.memref_squeeze %dma_wait3A_215 : memref<1x128xi32, #tpu.memory_space<vmem>> -> memref<128xi32, #tpu.memory_space<vmem>>
    %dma_wait3A_217 = arith.constant 0 : i32
    %dma_wait3A_218 = tpu.memref_slice %arg9[%dma_wait3A_213, %dma_wait3A_217] : memref<16x128xi32, #tpu.memory_space<vmem>> -> memref<1x128xi32, #tpu.memory_space<vmem>>
    %dma_wait3A_219 = tpu.memref_squeeze %dma_wait3A_218 : memref<1x128xi32, #tpu.memory_space<vmem>> -> memref<128xi32, #tpu.memory_space<vmem>>
    %dma_wait3A_220 = arith.constant 0 : i32
    %dma_wait3A_221 = tpu.memref_slice %arg4[%dma_wait3A_220] : memref<1064960xi32, #tpu.memory_space<vmem_shared>> -> memref<1064960xi32, #tpu.memory_space<vmem_shared>>
    tpu.wait_indirect_dma semaphore(%arg15 : memref<!tpu.dma_semaphore, #tpu.memory_space<semaphore_mem>>) src(%dma_wait3A_216 : memref<128xi32, #tpu.memory_space<vmem>>) dst(%dma_wait3A_221 : memref<1064960xi32, #tpu.memory_space<vmem_shared>>)
    %dma_wait3A_222 = arith.constant 2 : i32
    %dma_wait3A_223 = arith.constant 2 : i32
    %dma_wait3A_224 = arith.constant 0 : i32
    %dma_wait3A_225 = tpu.memref_slice %arg11[%dma_wait3A_222, %dma_wait3A_224] : memref<16x128xi32, #tpu.memory_space<vmem>> -> memref<1x128xi32, #tpu.memory_space<vmem>>
    %dma_wait3A_226 = tpu.memref_squeeze %dma_wait3A_225 : memref<1x128xi32, #tpu.memory_space<vmem>> -> memref<128xi32, #tpu.memory_space<vmem>>
    %dma_wait3A_227 = arith.constant 0 : i32
    %dma_wait3A_228 = tpu.memref_slice %arg9[%dma_wait3A_223, %dma_wait3A_227] : memref<16x128xi32, #tpu.memory_space<vmem>> -> memref<1x128xi32, #tpu.memory_space<vmem>>
    %dma_wait3A_229 = tpu.memref_squeeze %dma_wait3A_228 : memref<1x128xi32, #tpu.memory_space<vmem>> -> memref<128xi32, #tpu.memory_space<vmem>>
    %dma_wait3A_230 = arith.constant 0 : i32
    %dma_wait3A_231 = tpu.memref_slice %arg4[%dma_wait3A_230] : memref<1064960xi32, #tpu.memory_space<vmem_shared>> -> memref<1064960xi32, #tpu.memory_space<vmem_shared>>
    tpu.wait_indirect_dma semaphore(%arg15 : memref<!tpu.dma_semaphore, #tpu.memory_space<semaphore_mem>>) src(%dma_wait3A_226 : memref<128xi32, #tpu.memory_space<vmem>>) dst(%dma_wait3A_231 : memref<1064960xi32, #tpu.memory_space<vmem_shared>>)
    %dma_wait3A_232 = arith.constant 3 : i32
    %dma_wait3A_233 = arith.constant 3 : i32
    %dma_wait3A_234 = arith.constant 0 : i32
    %dma_wait3A_235 = tpu.memref_slice %arg11[%dma_wait3A_232, %dma_wait3A_234] : memref<16x128xi32, #tpu.memory_space<vmem>> -> memref<1x128xi32, #tpu.memory_space<vmem>>
    %dma_wait3A_236 = tpu.memref_squeeze %dma_wait3A_235 : memref<1x128xi32, #tpu.memory_space<vmem>> -> memref<128xi32, #tpu.memory_space<vmem>>
    %dma_wait3A_237 = arith.constant 0 : i32
    %dma_wait3A_238 = tpu.memref_slice %arg9[%dma_wait3A_233, %dma_wait3A_237] : memref<16x128xi32, #tpu.memory_space<vmem>> -> memref<1x128xi32, #tpu.memory_space<vmem>>
    %dma_wait3A_239 = tpu.memref_squeeze %dma_wait3A_238 : memref<1x128xi32, #tpu.memory_space<vmem>> -> memref<128xi32, #tpu.memory_space<vmem>>
    %dma_wait3A_240 = arith.constant 0 : i32
    %dma_wait3A_241 = tpu.memref_slice %arg4[%dma_wait3A_240] : memref<1064960xi32, #tpu.memory_space<vmem_shared>> -> memref<1064960xi32, #tpu.memory_space<vmem_shared>>
    tpu.wait_indirect_dma semaphore(%arg15 : memref<!tpu.dma_semaphore, #tpu.memory_space<semaphore_mem>>) src(%dma_wait3A_236 : memref<128xi32, #tpu.memory_space<vmem>>) dst(%dma_wait3A_241 : memref<1064960xi32, #tpu.memory_space<vmem_shared>>)
    %dma_wait3A_242 = arith.constant 4 : i32
    %dma_wait3A_243 = arith.constant 4 : i32
    %dma_wait3A_244 = arith.constant 0 : i32
    %dma_wait3A_245 = tpu.memref_slice %arg11[%dma_wait3A_242, %dma_wait3A_244] : memref<16x128xi32, #tpu.memory_space<vmem>> -> memref<1x128xi32, #tpu.memory_space<vmem>>
    %dma_wait3A_246 = tpu.memref_squeeze %dma_wait3A_245 : memref<1x128xi32, #tpu.memory_space<vmem>> -> memref<128xi32, #tpu.memory_space<vmem>>
    %dma_wait3A_247 = arith.constant 0 : i32
    %dma_wait3A_248 = tpu.memref_slice %arg9[%dma_wait3A_243, %dma_wait3A_247] : memref<16x128xi32, #tpu.memory_space<vmem>> -> memref<1x128xi32, #tpu.memory_space<vmem>>
    %dma_wait3A_249 = tpu.memref_squeeze %dma_wait3A_248 : memref<1x128xi32, #tpu.memory_space<vmem>> -> memref<128xi32, #tpu.memory_space<vmem>>
    %dma_wait3A_250 = arith.constant 0 : i32
    %dma_wait3A_251 = tpu.memref_slice %arg4[%dma_wait3A_250] : memref<1064960xi32, #tpu.memory_space<vmem_shared>> -> memref<1064960xi32, #tpu.memory_space<vmem_shared>>
    tpu.wait_indirect_dma semaphore(%arg15 : memref<!tpu.dma_semaphore, #tpu.memory_space<semaphore_mem>>) src(%dma_wait3A_246 : memref<128xi32, #tpu.memory_space<vmem>>) dst(%dma_wait3A_251 : memref<1064960xi32, #tpu.memory_space<vmem_shared>>)
    %dma_wait3A_252 = arith.constant 5 : i32
    %dma_wait3A_253 = arith.constant 5 : i32
    %dma_wait3A_254 = arith.constant 0 : i32
    %dma_wait3A_255 = tpu.memref_slice %arg11[%dma_wait3A_252, %dma_wait3A_254] : memref<16x128xi32, #tpu.memory_space<vmem>> -> memref<1x128xi32, #tpu.memory_space<vmem>>
    %dma_wait3A_256 = tpu.memref_squeeze %dma_wait3A_255 : memref<1x128xi32, #tpu.memory_space<vmem>> -> memref<128xi32, #tpu.memory_space<vmem>>
    %dma_wait3A_257 = arith.constant 0 : i32
    %dma_wait3A_258 = tpu.memref_slice %arg9[%dma_wait3A_253, %dma_wait3A_257] : memref<16x128xi32, #tpu.memory_space<vmem>> -> memref<1x128xi32, #tpu.memory_space<vmem>>
    %dma_wait3A_259 = tpu.memref_squeeze %dma_wait3A_258 : memref<1x128xi32, #tpu.memory_space<vmem>> -> memref<128xi32, #tpu.memory_space<vmem>>
    %dma_wait3A_260 = arith.constant 0 : i32
    %dma_wait3A_261 = tpu.memref_slice %arg4[%dma_wait3A_260] : memref<1064960xi32, #tpu.memory_space<vmem_shared>> -> memref<1064960xi32, #tpu.memory_space<vmem_shared>>
    tpu.wait_indirect_dma semaphore(%arg15 : memref<!tpu.dma_semaphore, #tpu.memory_space<semaphore_mem>>) src(%dma_wait3A_256 : memref<128xi32, #tpu.memory_space<vmem>>) dst(%dma_wait3A_261 : memref<1064960xi32, #tpu.memory_space<vmem_shared>>)
    %dma_wait3A_262 = arith.constant 6 : i32
    %dma_wait3A_263 = arith.constant 6 : i32
    %dma_wait3A_264 = arith.constant 0 : i32
    %dma_wait3A_265 = tpu.memref_slice %arg11[%dma_wait3A_262, %dma_wait3A_264] : memref<16x128xi32, #tpu.memory_space<vmem>> -> memref<1x128xi32, #tpu.memory_space<vmem>>
    %dma_wait3A_266 = tpu.memref_squeeze %dma_wait3A_265 : memref<1x128xi32, #tpu.memory_space<vmem>> -> memref<128xi32, #tpu.memory_space<vmem>>
    %dma_wait3A_267 = arith.constant 0 : i32
    %dma_wait3A_268 = tpu.memref_slice %arg9[%dma_wait3A_263, %dma_wait3A_267] : memref<16x128xi32, #tpu.memory_space<vmem>> -> memref<1x128xi32, #tpu.memory_space<vmem>>
    %dma_wait3A_269 = tpu.memref_squeeze %dma_wait3A_268 : memref<1x128xi32, #tpu.memory_space<vmem>> -> memref<128xi32, #tpu.memory_space<vmem>>
    %dma_wait3A_270 = arith.constant 0 : i32
    %dma_wait3A_271 = tpu.memref_slice %arg4[%dma_wait3A_270] : memref<1064960xi32, #tpu.memory_space<vmem_shared>> -> memref<1064960xi32, #tpu.memory_space<vmem_shared>>
    tpu.wait_indirect_dma semaphore(%arg15 : memref<!tpu.dma_semaphore, #tpu.memory_space<semaphore_mem>>) src(%dma_wait3A_266 : memref<128xi32, #tpu.memory_space<vmem>>) dst(%dma_wait3A_271 : memref<1064960xi32, #tpu.memory_space<vmem_shared>>)
    %dma_wait3A_272 = arith.constant 7 : i32
    %dma_wait3A_273 = arith.constant 7 : i32
    %dma_wait3A_274 = arith.constant 0 : i32
    %dma_wait3A_275 = tpu.memref_slice %arg11[%dma_wait3A_272, %dma_wait3A_274] : memref<16x128xi32, #tpu.memory_space<vmem>> -> memref<1x128xi32, #tpu.memory_space<vmem>>
    %dma_wait3A_276 = tpu.memref_squeeze %dma_wait3A_275 : memref<1x128xi32, #tpu.memory_space<vmem>> -> memref<128xi32, #tpu.memory_space<vmem>>
    %dma_wait3A_277 = arith.constant 0 : i32
    %dma_wait3A_278 = tpu.memref_slice %arg9[%dma_wait3A_273, %dma_wait3A_277] : memref<16x128xi32, #tpu.memory_space<vmem>> -> memref<1x128xi32, #tpu.memory_space<vmem>>
    %dma_wait3A_279 = tpu.memref_squeeze %dma_wait3A_278 : memref<1x128xi32, #tpu.memory_space<vmem>> -> memref<128xi32, #tpu.memory_space<vmem>>
    %dma_wait3A_280 = arith.constant 0 : i32
    %dma_wait3A_281 = tpu.memref_slice %arg4[%dma_wait3A_280] : memref<1064960xi32, #tpu.memory_space<vmem_shared>> -> memref<1064960xi32, #tpu.memory_space<vmem_shared>>
    tpu.wait_indirect_dma semaphore(%arg15 : memref<!tpu.dma_semaphore, #tpu.memory_space<semaphore_mem>>) src(%dma_wait3A_276 : memref<128xi32, #tpu.memory_space<vmem>>) dst(%dma_wait3A_281 : memref<1064960xi32, #tpu.memory_space<vmem_shared>>)
    %dma_wait3A_282 = arith.constant 8 : i32
    %dma_wait3A_283 = arith.constant 8 : i32
    %dma_wait3A_284 = arith.constant 0 : i32
    %dma_wait3A_285 = tpu.memref_slice %arg11[%dma_wait3A_282, %dma_wait3A_284] : memref<16x128xi32, #tpu.memory_space<vmem>> -> memref<1x128xi32, #tpu.memory_space<vmem>>
    %dma_wait3A_286 = tpu.memref_squeeze %dma_wait3A_285 : memref<1x128xi32, #tpu.memory_space<vmem>> -> memref<128xi32, #tpu.memory_space<vmem>>
    %dma_wait3A_287 = arith.constant 0 : i32
    %dma_wait3A_288 = tpu.memref_slice %arg9[%dma_wait3A_283, %dma_wait3A_287] : memref<16x128xi32, #tpu.memory_space<vmem>> -> memref<1x128xi32, #tpu.memory_space<vmem>>
    %dma_wait3A_289 = tpu.memref_squeeze %dma_wait3A_288 : memref<1x128xi32, #tpu.memory_space<vmem>> -> memref<128xi32, #tpu.memory_space<vmem>>
    %dma_wait3A_290 = arith.constant 0 : i32
    %dma_wait3A_291 = tpu.memref_slice %arg4[%dma_wait3A_290] : memref<1064960xi32, #tpu.memory_space<vmem_shared>> -> memref<1064960xi32, #tpu.memory_space<vmem_shared>>
    tpu.wait_indirect_dma semaphore(%arg15 : memref<!tpu.dma_semaphore, #tpu.memory_space<semaphore_mem>>) src(%dma_wait3A_286 : memref<128xi32, #tpu.memory_space<vmem>>) dst(%dma_wait3A_291 : memref<1064960xi32, #tpu.memory_space<vmem_shared>>)
    %dma_wait3A_292 = arith.constant 9 : i32
    %dma_wait3A_293 = arith.constant 9 : i32
    %dma_wait3A_294 = arith.constant 0 : i32
    %dma_wait3A_295 = tpu.memref_slice %arg11[%dma_wait3A_292, %dma_wait3A_294] : memref<16x128xi32, #tpu.memory_space<vmem>> -> memref<1x128xi32, #tpu.memory_space<vmem>>
    %dma_wait3A_296 = tpu.memref_squeeze %dma_wait3A_295 : memref<1x128xi32, #tpu.memory_space<vmem>> -> memref<128xi32, #tpu.memory_space<vmem>>
    %dma_wait3A_297 = arith.constant 0 : i32
    %dma_wait3A_298 = tpu.memref_slice %arg9[%dma_wait3A_293, %dma_wait3A_297] : memref<16x128xi32, #tpu.memory_space<vmem>> -> memref<1x128xi32, #tpu.memory_space<vmem>>
    %dma_wait3A_299 = tpu.memref_squeeze %dma_wait3A_298 : memref<1x128xi32, #tpu.memory_space<vmem>> -> memref<128xi32, #tpu.memory_space<vmem>>
    %dma_wait3A_300 = arith.constant 0 : i32
    %dma_wait3A_301 = tpu.memref_slice %arg4[%dma_wait3A_300] : memref<1064960xi32, #tpu.memory_space<vmem_shared>> -> memref<1064960xi32, #tpu.memory_space<vmem_shared>>
    tpu.wait_indirect_dma semaphore(%arg15 : memref<!tpu.dma_semaphore, #tpu.memory_space<semaphore_mem>>) src(%dma_wait3A_296 : memref<128xi32, #tpu.memory_space<vmem>>) dst(%dma_wait3A_301 : memref<1064960xi32, #tpu.memory_space<vmem_shared>>)
    %dma_wait3A_302 = arith.constant 10 : i32
    %dma_wait3A_303 = arith.constant 10 : i32
    %dma_wait3A_304 = arith.constant 0 : i32
    %dma_wait3A_305 = tpu.memref_slice %arg11[%dma_wait3A_302, %dma_wait3A_304] : memref<16x128xi32, #tpu.memory_space<vmem>> -> memref<1x128xi32, #tpu.memory_space<vmem>>
    %dma_wait3A_306 = tpu.memref_squeeze %dma_wait3A_305 : memref<1x128xi32, #tpu.memory_space<vmem>> -> memref<128xi32, #tpu.memory_space<vmem>>
    %dma_wait3A_307 = arith.constant 0 : i32
    %dma_wait3A_308 = tpu.memref_slice %arg9[%dma_wait3A_303, %dma_wait3A_307] : memref<16x128xi32, #tpu.memory_space<vmem>> -> memref<1x128xi32, #tpu.memory_space<vmem>>
    %dma_wait3A_309 = tpu.memref_squeeze %dma_wait3A_308 : memref<1x128xi32, #tpu.memory_space<vmem>> -> memref<128xi32, #tpu.memory_space<vmem>>
    %dma_wait3A_310 = arith.constant 0 : i32
    %dma_wait3A_311 = tpu.memref_slice %arg4[%dma_wait3A_310] : memref<1064960xi32, #tpu.memory_space<vmem_shared>> -> memref<1064960xi32, #tpu.memory_space<vmem_shared>>
    tpu.wait_indirect_dma semaphore(%arg15 : memref<!tpu.dma_semaphore, #tpu.memory_space<semaphore_mem>>) src(%dma_wait3A_306 : memref<128xi32, #tpu.memory_space<vmem>>) dst(%dma_wait3A_311 : memref<1064960xi32, #tpu.memory_space<vmem_shared>>)
    %dma_wait3A_312 = arith.constant 11 : i32
    %dma_wait3A_313 = arith.constant 11 : i32
    %dma_wait3A_314 = arith.constant 0 : i32
    %dma_wait3A_315 = tpu.memref_slice %arg11[%dma_wait3A_312, %dma_wait3A_314] : memref<16x128xi32, #tpu.memory_space<vmem>> -> memref<1x128xi32, #tpu.memory_space<vmem>>
    %dma_wait3A_316 = tpu.memref_squeeze %dma_wait3A_315 : memref<1x128xi32, #tpu.memory_space<vmem>> -> memref<128xi32, #tpu.memory_space<vmem>>
    %dma_wait3A_317 = arith.constant 0 : i32
    %dma_wait3A_318 = tpu.memref_slice %arg9[%dma_wait3A_313, %dma_wait3A_317] : memref<16x128xi32, #tpu.memory_space<vmem>> -> memref<1x128xi32, #tpu.memory_space<vmem>>
    %dma_wait3A_319 = tpu.memref_squeeze %dma_wait3A_318 : memref<1x128xi32, #tpu.memory_space<vmem>> -> memref<128xi32, #tpu.memory_space<vmem>>
    %dma_wait3A_320 = arith.constant 0 : i32
    %dma_wait3A_321 = tpu.memref_slice %arg4[%dma_wait3A_320] : memref<1064960xi32, #tpu.memory_space<vmem_shared>> -> memref<1064960xi32, #tpu.memory_space<vmem_shared>>
    tpu.wait_indirect_dma semaphore(%arg15 : memref<!tpu.dma_semaphore, #tpu.memory_space<semaphore_mem>>) src(%dma_wait3A_316 : memref<128xi32, #tpu.memory_space<vmem>>) dst(%dma_wait3A_321 : memref<1064960xi32, #tpu.memory_space<vmem_shared>>)
    %dma_wait3A_322 = arith.constant 12 : i32
    %dma_wait3A_323 = arith.constant 12 : i32
    %dma_wait3A_324 = arith.constant 0 : i32
    %dma_wait3A_325 = tpu.memref_slice %arg11[%dma_wait3A_322, %dma_wait3A_324] : memref<16x128xi32, #tpu.memory_space<vmem>> -> memref<1x128xi32, #tpu.memory_space<vmem>>
    %dma_wait3A_326 = tpu.memref_squeeze %dma_wait3A_325 : memref<1x128xi32, #tpu.memory_space<vmem>> -> memref<128xi32, #tpu.memory_space<vmem>>
    %dma_wait3A_327 = arith.constant 0 : i32
    %dma_wait3A_328 = tpu.memref_slice %arg9[%dma_wait3A_323, %dma_wait3A_327] : memref<16x128xi32, #tpu.memory_space<vmem>> -> memref<1x128xi32, #tpu.memory_space<vmem>>
    %dma_wait3A_329 = tpu.memref_squeeze %dma_wait3A_328 : memref<1x128xi32, #tpu.memory_space<vmem>> -> memref<128xi32, #tpu.memory_space<vmem>>
    %dma_wait3A_330 = arith.constant 0 : i32
    %dma_wait3A_331 = tpu.memref_slice %arg4[%dma_wait3A_330] : memref<1064960xi32, #tpu.memory_space<vmem_shared>> -> memref<1064960xi32, #tpu.memory_space<vmem_shared>>
    tpu.wait_indirect_dma semaphore(%arg15 : memref<!tpu.dma_semaphore, #tpu.memory_space<semaphore_mem>>) src(%dma_wait3A_326 : memref<128xi32, #tpu.memory_space<vmem>>) dst(%dma_wait3A_331 : memref<1064960xi32, #tpu.memory_space<vmem_shared>>)
    %dma_wait3A_332 = arith.constant 13 : i32
    %dma_wait3A_333 = arith.constant 13 : i32
    %dma_wait3A_334 = arith.constant 0 : i32
    %dma_wait3A_335 = tpu.memref_slice %arg11[%dma_wait3A_332, %dma_wait3A_334] : memref<16x128xi32, #tpu.memory_space<vmem>> -> memref<1x128xi32, #tpu.memory_space<vmem>>
    %dma_wait3A_336 = tpu.memref_squeeze %dma_wait3A_335 : memref<1x128xi32, #tpu.memory_space<vmem>> -> memref<128xi32, #tpu.memory_space<vmem>>
    %dma_wait3A_337 = arith.constant 0 : i32
    %dma_wait3A_338 = tpu.memref_slice %arg9[%dma_wait3A_333, %dma_wait3A_337] : memref<16x128xi32, #tpu.memory_space<vmem>> -> memref<1x128xi32, #tpu.memory_space<vmem>>
    %dma_wait3A_339 = tpu.memref_squeeze %dma_wait3A_338 : memref<1x128xi32, #tpu.memory_space<vmem>> -> memref<128xi32, #tpu.memory_space<vmem>>
    %dma_wait3A_340 = arith.constant 0 : i32
    %dma_wait3A_341 = tpu.memref_slice %arg4[%dma_wait3A_340] : memref<1064960xi32, #tpu.memory_space<vmem_shared>> -> memref<1064960xi32, #tpu.memory_space<vmem_shared>>
    tpu.wait_indirect_dma semaphore(%arg15 : memref<!tpu.dma_semaphore, #tpu.memory_space<semaphore_mem>>) src(%dma_wait3A_336 : memref<128xi32, #tpu.memory_space<vmem>>) dst(%dma_wait3A_341 : memref<1064960xi32, #tpu.memory_space<vmem_shared>>)
    %dma_wait3A_342 = arith.constant 14 : i32
    %dma_wait3A_343 = arith.constant 14 : i32
    %dma_wait3A_344 = arith.constant 0 : i32
    %dma_wait3A_345 = tpu.memref_slice %arg11[%dma_wait3A_342, %dma_wait3A_344] : memref<16x128xi32, #tpu.memory_space<vmem>> -> memref<1x128xi32, #tpu.memory_space<vmem>>
    %dma_wait3A_346 = tpu.memref_squeeze %dma_wait3A_345 : memref<1x128xi32, #tpu.memory_space<vmem>> -> memref<128xi32, #tpu.memory_space<vmem>>
    %dma_wait3A_347 = arith.constant 0 : i32
    %dma_wait3A_348 = tpu.memref_slice %arg9[%dma_wait3A_343, %dma_wait3A_347] : memref<16x128xi32, #tpu.memory_space<vmem>> -> memref<1x128xi32, #tpu.memory_space<vmem>>
    %dma_wait3A_349 = tpu.memref_squeeze %dma_wait3A_348 : memref<1x128xi32, #tpu.memory_space<vmem>> -> memref<128xi32, #tpu.memory_space<vmem>>
    %dma_wait3A_350 = arith.constant 0 : i32
    %dma_wait3A_351 = tpu.memref_slice %arg4[%dma_wait3A_350] : memref<1064960xi32, #tpu.memory_space<vmem_shared>> -> memref<1064960xi32, #tpu.memory_space<vmem_shared>>
    tpu.wait_indirect_dma semaphore(%arg15 : memref<!tpu.dma_semaphore, #tpu.memory_space<semaphore_mem>>) src(%dma_wait3A_346 : memref<128xi32, #tpu.memory_space<vmem>>) dst(%dma_wait3A_351 : memref<1064960xi32, #tpu.memory_space<vmem_shared>>)
    %dma_wait3A_352 = arith.constant 15 : i32
    %dma_wait3A_353 = arith.constant 15 : i32
    %dma_wait3A_354 = arith.constant 0 : i32
    %dma_wait3A_355 = tpu.memref_slice %arg11[%dma_wait3A_352, %dma_wait3A_354] : memref<16x128xi32, #tpu.memory_space<vmem>> -> memref<1x128xi32, #tpu.memory_space<vmem>>
    %dma_wait3A_356 = tpu.memref_squeeze %dma_wait3A_355 : memref<1x128xi32, #tpu.memory_space<vmem>> -> memref<128xi32, #tpu.memory_space<vmem>>
    %dma_wait3A_357 = arith.constant 0 : i32
    %dma_wait3A_358 = tpu.memref_slice %arg9[%dma_wait3A_353, %dma_wait3A_357] : memref<16x128xi32, #tpu.memory_space<vmem>> -> memref<1x128xi32, #tpu.memory_space<vmem>>
    %dma_wait3A_359 = tpu.memref_squeeze %dma_wait3A_358 : memref<1x128xi32, #tpu.memory_space<vmem>> -> memref<128xi32, #tpu.memory_space<vmem>>
    %dma_wait3A_360 = arith.constant 0 : i32
    %dma_wait3A_361 = tpu.memref_slice %arg4[%dma_wait3A_360] : memref<1064960xi32, #tpu.memory_space<vmem_shared>> -> memref<1064960xi32, #tpu.memory_space<vmem_shared>>
    tpu.wait_indirect_dma semaphore(%arg15 : memref<!tpu.dma_semaphore, #tpu.memory_space<semaphore_mem>>) src(%dma_wait3A_356 : memref<128xi32, #tpu.memory_space<vmem>>) dst(%dma_wait3A_361 : memref<1064960xi32, #tpu.memory_space<vmem_shared>>)
    %barrier3A_362 = arith.constant 0 : index
    tpu.barrier barrier_id(%barrier3A_362)
    %mul3A_363 = arith.constant 65536 : i32
    %mul3A_364 = arith.muli %arg1, %mul3A_363 : i32
    %mul3A_365 = arith.constant 1048576 : i32
    %mul3A_366 = arith.muli %arg0, %mul3A_365 : i32
    %mul3A_367 = arith.constant 65536 : i32
    %mul3A_368 = arith.muli %arg1, %mul3A_367 : i32
    %add3A_369 = arith.addi %mul3A_366, %mul3A_368 : i32
    "tpu.region"() ({
      %run_scoped3A = tpu.sem_alloc : memref<!tpu.dma_semaphore, #tpu.memory_space<semaphore_mem>>
      %dma_start3A_370 = tpu.memref_slice %arg3[%add3A_369] : memref<2097152xi32, #tpu.memory_space<hbm>> -> memref<65536xi32, #tpu.memory_space<hbm>>
      %dma_start3A_371 = tpu.memref_slice %arg4[%mul3A_364] : memref<1064960xi32, #tpu.memory_space<vmem_shared>> -> memref<65536xi32, #tpu.memory_space<vmem_shared>>
      tpu.enqueue_dma source(%dma_start3A_371 : memref<65536xi32, #tpu.memory_space<vmem_shared>>) target(%dma_start3A_370 : memref<65536xi32, #tpu.memory_space<hbm>>) target_semaphore(%run_scoped3A : memref<!tpu.dma_semaphore, #tpu.memory_space<semaphore_mem>>)
      %dma_wait3A_372 = tpu.memref_slice %arg3[%add3A_369] : memref<2097152xi32, #tpu.memory_space<hbm>> -> memref<65536xi32, #tpu.memory_space<hbm>>
      %dma_wait3A_373 = tpu.memref_slice %arg4[%mul3A_364] : memref<1064960xi32, #tpu.memory_space<vmem_shared>> -> memref<65536xi32, #tpu.memory_space<vmem_shared>>
      tpu.wait_dma2 semaphore(%run_scoped3A : memref<!tpu.dma_semaphore, #tpu.memory_space<semaphore_mem>>) src(%dma_wait3A_373 : memref<65536xi32, #tpu.memory_space<vmem_shared>>) dst(%dma_wait3A_372 : memref<65536xi32, #tpu.memory_space<hbm>>)
      tpu.yield
    }) : () -> ()
    return
  }
}

module attributes {stable_mosaic.version = 14 : i64} {
  func.func @body(%arg0: i32, %arg1: memref<128x512xi32, #tpu.memory_space<vmem>>, %arg2: memref<128x4096xf32, #tpu.memory_space<vmem>>) attributes {dimension_semantics = [#tpu.dimension_semantics<arbitrary>], iteration_bounds = array<i64: 32>, scalar_prefetch = 0 : i64, scratch_operands = 0 : i64, tpu.core_type = #tpu.core_type<tc>, window_params = [{transform_indices = @transform_0, window_bounds = array<i64: 128, 512>}, {transform_indices = @transform_1, window_bounds = array<i64: 128, 4096>}]} {
    %get3A = arith.constant 0 : index
    %get3A_0 = arith.constant 0 : index
    %get3A_1 = vector.load %arg1[%get3A, %get3A_0] : memref<128x512xi32, #tpu.memory_space<vmem>>, vector<128x512xi32>
    %shift_right_logical3A = arith.constant 0 : i32
    %shift_right_logical3A_2 = vector.broadcast %shift_right_logical3A : i32 to vector<128x512xi32>
    %shift_right_logical3A_3 = arith.shrui %get3A_1, %shift_right_logical3A_2 : vector<128x512xi32>
    %and3A = arith.constant 15 : i32
    %and3A_4 = vector.broadcast %and3A : i32 to vector<128x512xi32>
    %and3A_5 = arith.andi %shift_right_logical3A_3, %and3A_4 : vector<128x512xi32>
    %ne3A = arith.constant 0 : i32
    %ne3A_6 = vector.broadcast %ne3A : i32 to vector<128x512xi32>
    %ne3A_7 = arith.cmpi ne, %and3A_5, %ne3A_6 : vector<128x512xi32>
    %convert_element_type3A = arith.extui %ne3A_7 : vector<128x512xi1> to vector<128x512xi32>
    %convert_element_type3A_8 = arith.sitofp %convert_element_type3A : vector<128x512xi32> to vector<128x512xf32>
    %swap3A = arith.constant 0 : index
    %swap3A_9 = arith.constant 0 : index
    %swap3A_10 = vector.load %arg2[%swap3A, %swap3A_9] : memref<128x4096xf32, #tpu.memory_space<vmem>>, vector<128x512xf32>
    tpu.vector_store %arg2[%swap3A, %swap3A_9], %convert_element_type3A_8 {strides = array<i32>} : memref<128x4096xf32, #tpu.memory_space<vmem>>, vector<128x512xf32>,
    %shift_right_logical3A_11 = arith.constant 4 : i32
    %shift_right_logical3A_12 = vector.broadcast %shift_right_logical3A_11 : i32 to vector<128x512xi32>
    %shift_right_logical3A_13 = arith.shrui %get3A_1, %shift_right_logical3A_12 : vector<128x512xi32>
    %and3A_14 = arith.constant 15 : i32
    %and3A_15 = vector.broadcast %and3A_14 : i32 to vector<128x512xi32>
    %and3A_16 = arith.andi %shift_right_logical3A_13, %and3A_15 : vector<128x512xi32>
    %ne3A_17 = arith.constant 0 : i32
    %ne3A_18 = vector.broadcast %ne3A_17 : i32 to vector<128x512xi32>
    %ne3A_19 = arith.cmpi ne, %and3A_16, %ne3A_18 : vector<128x512xi32>
    %convert_element_type3A_20 = arith.extui %ne3A_19 : vector<128x512xi1> to vector<128x512xi32>
    %convert_element_type3A_21 = arith.sitofp %convert_element_type3A_20 : vector<128x512xi32> to vector<128x512xf32>
    %swap3A_22 = arith.constant 0 : index
    %swap3A_23 = arith.constant 512 : index
    %swap3A_24 = vector.load %arg2[%swap3A_22, %swap3A_23] : memref<128x4096xf32, #tpu.memory_space<vmem>>, vector<128x512xf32>
    tpu.vector_store %arg2[%swap3A_22, %swap3A_23], %convert_element_type3A_21 {strides = array<i32>} : memref<128x4096xf32, #tpu.memory_space<vmem>>, vector<128x512xf32>,
    %shift_right_logical3A_25 = arith.constant 8 : i32
    %shift_right_logical3A_26 = vector.broadcast %shift_right_logical3A_25 : i32 to vector<128x512xi32>
    %shift_right_logical3A_27 = arith.shrui %get3A_1, %shift_right_logical3A_26 : vector<128x512xi32>
    %and3A_28 = arith.constant 15 : i32
    %and3A_29 = vector.broadcast %and3A_28 : i32 to vector<128x512xi32>
    %and3A_30 = arith.andi %shift_right_logical3A_27, %and3A_29 : vector<128x512xi32>
    %ne3A_31 = arith.constant 0 : i32
    %ne3A_32 = vector.broadcast %ne3A_31 : i32 to vector<128x512xi32>
    %ne3A_33 = arith.cmpi ne, %and3A_30, %ne3A_32 : vector<128x512xi32>
    %convert_element_type3A_34 = arith.extui %ne3A_33 : vector<128x512xi1> to vector<128x512xi32>
    %convert_element_type3A_35 = arith.sitofp %convert_element_type3A_34 : vector<128x512xi32> to vector<128x512xf32>
    %swap3A_36 = arith.constant 0 : index
    %swap3A_37 = arith.constant 1024 : index
    %swap3A_38 = vector.load %arg2[%swap3A_36, %swap3A_37] : memref<128x4096xf32, #tpu.memory_space<vmem>>, vector<128x512xf32>
    tpu.vector_store %arg2[%swap3A_36, %swap3A_37], %convert_element_type3A_35 {strides = array<i32>} : memref<128x4096xf32, #tpu.memory_space<vmem>>, vector<128x512xf32>,
    %shift_right_logical3A_39 = arith.constant 12 : i32
    %shift_right_logical3A_40 = vector.broadcast %shift_right_logical3A_39 : i32 to vector<128x512xi32>
    %shift_right_logical3A_41 = arith.shrui %get3A_1, %shift_right_logical3A_40 : vector<128x512xi32>
    %and3A_42 = arith.constant 15 : i32
    %and3A_43 = vector.broadcast %and3A_42 : i32 to vector<128x512xi32>
    %and3A_44 = arith.andi %shift_right_logical3A_41, %and3A_43 : vector<128x512xi32>
    %ne3A_45 = arith.constant 0 : i32
    %ne3A_46 = vector.broadcast %ne3A_45 : i32 to vector<128x512xi32>
    %ne3A_47 = arith.cmpi ne, %and3A_44, %ne3A_46 : vector<128x512xi32>
    %convert_element_type3A_48 = arith.extui %ne3A_47 : vector<128x512xi1> to vector<128x512xi32>
    %convert_element_type3A_49 = arith.sitofp %convert_element_type3A_48 : vector<128x512xi32> to vector<128x512xf32>
    %swap3A_50 = arith.constant 0 : index
    %swap3A_51 = arith.constant 1536 : index
    %swap3A_52 = vector.load %arg2[%swap3A_50, %swap3A_51] : memref<128x4096xf32, #tpu.memory_space<vmem>>, vector<128x512xf32>
    tpu.vector_store %arg2[%swap3A_50, %swap3A_51], %convert_element_type3A_49 {strides = array<i32>} : memref<128x4096xf32, #tpu.memory_space<vmem>>, vector<128x512xf32>,
    %shift_right_logical3A_53 = arith.constant 16 : i32
    %shift_right_logical3A_54 = vector.broadcast %shift_right_logical3A_53 : i32 to vector<128x512xi32>
    %shift_right_logical3A_55 = arith.shrui %get3A_1, %shift_right_logical3A_54 : vector<128x512xi32>
    %and3A_56 = arith.constant 15 : i32
    %and3A_57 = vector.broadcast %and3A_56 : i32 to vector<128x512xi32>
    %and3A_58 = arith.andi %shift_right_logical3A_55, %and3A_57 : vector<128x512xi32>
    %ne3A_59 = arith.constant 0 : i32
    %ne3A_60 = vector.broadcast %ne3A_59 : i32 to vector<128x512xi32>
    %ne3A_61 = arith.cmpi ne, %and3A_58, %ne3A_60 : vector<128x512xi32>
    %convert_element_type3A_62 = arith.extui %ne3A_61 : vector<128x512xi1> to vector<128x512xi32>
    %convert_element_type3A_63 = arith.sitofp %convert_element_type3A_62 : vector<128x512xi32> to vector<128x512xf32>
    %swap3A_64 = arith.constant 0 : index
    %swap3A_65 = arith.constant 2048 : index
    %swap3A_66 = vector.load %arg2[%swap3A_64, %swap3A_65] : memref<128x4096xf32, #tpu.memory_space<vmem>>, vector<128x512xf32>
    tpu.vector_store %arg2[%swap3A_64, %swap3A_65], %convert_element_type3A_63 {strides = array<i32>} : memref<128x4096xf32, #tpu.memory_space<vmem>>, vector<128x512xf32>,
    %shift_right_logical3A_67 = arith.constant 20 : i32
    %shift_right_logical3A_68 = vector.broadcast %shift_right_logical3A_67 : i32 to vector<128x512xi32>
    %shift_right_logical3A_69 = arith.shrui %get3A_1, %shift_right_logical3A_68 : vector<128x512xi32>
    %and3A_70 = arith.constant 15 : i32
    %and3A_71 = vector.broadcast %and3A_70 : i32 to vector<128x512xi32>
    %and3A_72 = arith.andi %shift_right_logical3A_69, %and3A_71 : vector<128x512xi32>
    %ne3A_73 = arith.constant 0 : i32
    %ne3A_74 = vector.broadcast %ne3A_73 : i32 to vector<128x512xi32>
    %ne3A_75 = arith.cmpi ne, %and3A_72, %ne3A_74 : vector<128x512xi32>
    %convert_element_type3A_76 = arith.extui %ne3A_75 : vector<128x512xi1> to vector<128x512xi32>
    %convert_element_type3A_77 = arith.sitofp %convert_element_type3A_76 : vector<128x512xi32> to vector<128x512xf32>
    %swap3A_78 = arith.constant 0 : index
    %swap3A_79 = arith.constant 2560 : index
    %swap3A_80 = vector.load %arg2[%swap3A_78, %swap3A_79] : memref<128x4096xf32, #tpu.memory_space<vmem>>, vector<128x512xf32>
    tpu.vector_store %arg2[%swap3A_78, %swap3A_79], %convert_element_type3A_77 {strides = array<i32>} : memref<128x4096xf32, #tpu.memory_space<vmem>>, vector<128x512xf32>,
    %shift_right_logical3A_81 = arith.constant 24 : i32
    %shift_right_logical3A_82 = vector.broadcast %shift_right_logical3A_81 : i32 to vector<128x512xi32>
    %shift_right_logical3A_83 = arith.shrui %get3A_1, %shift_right_logical3A_82 : vector<128x512xi32>
    %and3A_84 = arith.constant 15 : i32
    %and3A_85 = vector.broadcast %and3A_84 : i32 to vector<128x512xi32>
    %and3A_86 = arith.andi %shift_right_logical3A_83, %and3A_85 : vector<128x512xi32>
    %ne3A_87 = arith.constant 0 : i32
    %ne3A_88 = vector.broadcast %ne3A_87 : i32 to vector<128x512xi32>
    %ne3A_89 = arith.cmpi ne, %and3A_86, %ne3A_88 : vector<128x512xi32>
    %convert_element_type3A_90 = arith.extui %ne3A_89 : vector<128x512xi1> to vector<128x512xi32>
    %convert_element_type3A_91 = arith.sitofp %convert_element_type3A_90 : vector<128x512xi32> to vector<128x512xf32>
    %swap3A_92 = arith.constant 0 : index
    %swap3A_93 = arith.constant 3072 : index
    %swap3A_94 = vector.load %arg2[%swap3A_92, %swap3A_93] : memref<128x4096xf32, #tpu.memory_space<vmem>>, vector<128x512xf32>
    tpu.vector_store %arg2[%swap3A_92, %swap3A_93], %convert_element_type3A_91 {strides = array<i32>} : memref<128x4096xf32, #tpu.memory_space<vmem>>, vector<128x512xf32>,
    %shift_right_logical3A_95 = arith.constant 28 : i32
    %shift_right_logical3A_96 = vector.broadcast %shift_right_logical3A_95 : i32 to vector<128x512xi32>
    %shift_right_logical3A_97 = arith.shrui %get3A_1, %shift_right_logical3A_96 : vector<128x512xi32>
    %and3A_98 = arith.constant 15 : i32
    %and3A_99 = vector.broadcast %and3A_98 : i32 to vector<128x512xi32>
    %and3A_100 = arith.andi %shift_right_logical3A_97, %and3A_99 : vector<128x512xi32>
    %ne3A_101 = arith.constant 0 : i32
    %ne3A_102 = vector.broadcast %ne3A_101 : i32 to vector<128x512xi32>
    %ne3A_103 = arith.cmpi ne, %and3A_100, %ne3A_102 : vector<128x512xi32>
    %convert_element_type3A_104 = arith.extui %ne3A_103 : vector<128x512xi1> to vector<128x512xi32>
    %convert_element_type3A_105 = arith.sitofp %convert_element_type3A_104 : vector<128x512xi32> to vector<128x512xf32>
    %swap3A_106 = arith.constant 0 : index
    %swap3A_107 = arith.constant 3584 : index
    %swap3A_108 = vector.load %arg2[%swap3A_106, %swap3A_107] : memref<128x4096xf32, #tpu.memory_space<vmem>>, vector<128x512xf32>
    tpu.vector_store %arg2[%swap3A_106, %swap3A_107], %convert_element_type3A_105 {strides = array<i32>} : memref<128x4096xf32, #tpu.memory_space<vmem>>, vector<128x512xf32>,
    return
  }
  func.func @transform_0(%arg0: i32) -> (i32, i32) {
    %c0_i32 = arith.constant 0 : i32
    %c0_i32_0 = arith.constant 0 : i32
    return %arg0, %c0_i32 : i32, i32
  }
  func.func @transform_1(%arg0: i32) -> (i32, i32) {
    %c0_i32 = arith.constant 0 : i32
    %c0_i32_0 = arith.constant 0 : i32
    return %arg0, %c0_i32 : i32, i32
  }
}

</mosaic_0001>

<sc_bundles>
// kernel: kernel.4.cloned.1.call-start
scs
__scs_entry_jumppad:
0x0: {  	(pc) =	sbr.rel $0x88, $3  }
0x1: {  	(tag) =	ssettag $0x0;
	lr =	simm.s32 $0x1  }
0x2: {  	[smem:$0x3FA0] =	sst lr;
	_ =	strace $0xD0000000  }
0x3: {  	_ = 	snop  }
0x4: {  	_ = 	snop  }
0x5: {  	_ = 	snop  }
0x6: {  	_ = 	snop  }
0x7: {  	_ = 	snop  }
__scs_overlays_trampoline_lowered:
0x8: {  	[smem:$0x3FAF] =	sst s0  }
0x9: {  	[smem:$0x3FB0] =	sst s1  }
0xa: {  	[smem:$0x3FB1] =	sst s2  }
0xb: {  	[smem:$0x3FB2] =	sst s3  }
0xc: {  	[smem:$0x3FB3] =	sst s4  }
0xd: {  	[smem:$0x3FB4] =	sst s5  }
0xe: {  	[smem:$0x3FB5] =	sst s6  }
0xf: {  	[smem:$0x3FB6] =	sst s7  }
0x10: {  	[smem:$0x3FB7] =	sst s8  }
0x11: {  	[smem:$0x3FB8] =	sst s9;
	s0 =	simm.s32 @!p0 $0x0  }
0x12: {  	s1 =	sld [smem:$0x3F9E];
	s0 =	simm.s32 @p0 $0x1  }
0x13: {  	[smem:$0x3FB9] =	sst s0;
	s0 =	simm.s32 @!p1 $0x0  }
0x14: {  	s2 =	sld [smem:$0x3F9D];
	s0 =	simm.s32 @p1 $0x1  }
0x15: {  	[smem:$0x3FBA] =	sst s0;
	s0 =	simm.s32 @!p2 $0x0  }
0x16: {  	s3 =	sld [smem:$0x3FDB];
	s0 =	simm.s32 @p2 $0x1  }
0x17: {  	s4 =	simm.s32 $0x1BF5;
	[smem:$0x3FBC] =	sst s0  }
0x18: {  	s0 =	sld [smem:$0x3F9F];
	_ =	swait.ge [sflag:s4], $0x0  }
0x19: {  	s7 =	sld [smem:$0x3FA0]  }
0x1a: {  	s8 =	sadd.s32 $0xFFFFE003, lr  }
0x1b: {  	s9 =	sadd.s32 $0xFFFFFEF7, lr;
	s5 =	simm.s32 $0xFFFFFFFF;
	p2 =	slt.u32 s8, $0xFFFFF086  }
0x1c: {  	p1 =	slt.u32 s9, $0xF7A;
	s5 =	simm.s32 @!p2 $0x0  }
0x1d: {  	s5 =	simm.s32 @p1 $0x1;
	p0 =	seq.s32 s7, s2  }
0x1e: {  	s7 =	smul.u32 @!p0 $0xF7A, s2;
	p2 =	seq.s32 @!p0 s5, $0x0  }
0x1f: {  	s9 =	smul.u32 $0xF7A, s1;
	s8 =	simm.s32 @!p0 $0x1BF5;
	p2 =	por !p2, p0  }
0x20: {  	[sflag:s8] =	ssyncset.s32 @!p0 $0xFFFFF086;
	s6 =	sadd.s32 @!p0 s3, s7;
	s7 =	simm.s32 @!p0 $0x108  }
0x21: {  	s3 =	sadd.s32 s3, s9;
	s6 =	sadd.s32 @!p0 $0x88, s6;
	s7 =	simm.s32 @p2 $0x1082  }
0x22: {  	[simem:s7], [sflag:s8] =	dma.local @!p0 [hbm:s6], $0xF7A  }
0x23: {  	s9 =	sor.u32 $0xD0000000, s2;
	s6 =	simm.s32 $0x108;
	_ =	swait.ge @!p0 [sflag:s8], $0x0  }
0x24: {  	s3 =	sadd.s32 $0x88, s3;
	s6 =	simm.s32 @!p1 $0x1082;
	[sflag:s4] =	ssyncset.s32 $0xFFFFF086  }
0x25: {  	[simem:s6], [sflag:s4] =	dma.local [hbm:s3], $0xF7A  }
0x26: {  	[smem:$0x3FA0] =	sst s1;
	(tag) =	ssettag s2;
	_ =	strace s9  }
0x27: {  	s1 =	sld [smem:$0x3FB0]  }
0x28: {  	s2 =	sld [smem:$0x3FB1]  }
0x29: {  	s4 =	sld [smem:$0x3FB3]  }
0x2a: {  	p0 =	seq.s32 s5, $0x0;
	s5 =	sld [smem:$0x3FB4]  }
0x2b: {  	s6 =	sld [smem:$0x3FB5]  }
0x2c: {  	s7 =	sld [smem:$0x3FB6]  }
0x2d: {  	s3 =	simm.s32 $0x108;
	s8 =	sld [smem:$0x3FB7]  }
0x2e: {  	s3 =	simm.s32 @!p0 $0x1082;
	s9 =	sld [smem:$0x3FB8]  }
0x2f: {  	lr =	sadd.s32 s0, s3;
	s0 =	sld [smem:$0x3FAF]  }
0x30: {  	s3 =	sld [smem:$0x3FB2]  }
0x31: {  	[smem:$0x3FBB] =	sst s10  }
0x32: {  	s10 =	sld [smem:$0x3FB9];
	_ =	sdelay $0x3  }
0x33: {  	p0 =	seq.s32 s10, $0x1;
	s10 =	sld [smem:$0x3FBB];
	_ =	sdelay $0x3  }
0x34: {  	[smem:$0x3FBB] =	sst s10  }
0x35: {  	s10 =	sld [smem:$0x3FBA];
	_ =	sdelay $0x3  }
0x36: {  	p1 =	seq.s32 s10, $0x1;
	s10 =	sld [smem:$0x3FBB];
	_ =	sdelay $0x3  }
0x37: {  	[smem:$0x3FBB] =	sst s10  }
0x38: {  	s10 =	sld [smem:$0x3FBC]  }
0x39: {  	_ = 	snop;
	(pc) =	sbr.ind lr, $3  }
0x3a: {  	_ = 	snop  }
0x3b: {  	_ = 	snop  }
0x3c: {  	p2 =	seq.s32 s10, $0x1;
	s10 =	sld [smem:$0x3FBB]  }
0x3d: {  	_ =	shalt  }
0x3e: {  	_ =	shalt  }
0x3f: {  	_ =	shalt  }
0x40: {  	_ =	shalt  }
0x41: {  	_ =	shalt  }
0x42: {  	_ =	shalt  }
0x43: {  	_ =	shalt  }
0x44: {  	_ =	shalt  }
0x45: {  	_ =	shalt  }
0x46: {  	_ =	shalt  }
0x47: {  	_ =	shalt  }
0x48: {  	_ =	shalt  }
0x49: {  	_ =	shalt  }
0x4a: {  	_ =	shalt  }
0x4b: {  	_ =	shalt  }
0x4c: {  	_ =	shalt  }
0x4d: {  	_ =	shalt  }
0x4e: {  	_ =	shalt  }
0x4f: {  	_ =	shalt  }
0x50: {  	_ =	shalt  }
0x51: {  	_ =	shalt  }
0x52: {  	_ =	shalt  }
0x53: {  	_ =	shalt  }
0x54: {  	_ =	shalt  }
0x55: {  	_ =	shalt  }
0x56: {  	_ =	shalt  }
0x57: {  	_ =	shalt  }
0x58: {  	_ =	shalt  }
0x59: {  	_ =	shalt  }
0x5a: {  	_ =	shalt  }
0x5b: {  	_ =	shalt  }
0x5c: {  	_ =	shalt  }
0x5d: {  	_ =	shalt  }
0x5e: {  	_ =	shalt  }
0x5f: {  	_ =	shalt  }
0x60: {  	_ =	shalt  }
0x61: {  	_ =	shalt  }
0x62: {  	_ =	shalt  }
0x63: {  	_ =	shalt  }
0x64: {  	_ =	shalt  }
0x65: {  	_ =	shalt  }
0x66: {  	_ =	shalt  }
0x67: {  	_ =	shalt  }
0x68: {  	_ =	shalt  }
0x69: {  	_ =	shalt  }
0x6a: {  	_ =	shalt  }
0x6b: {  	_ =	shalt  }
0x6c: {  	_ =	shalt  }
0x6d: {  	_ =	shalt  }
0x6e: {  	_ =	shalt  }
0x6f: {  	_ =	shalt  }
0x70: {  	_ =	shalt  }
0x71: {  	_ =	shalt  }
0x72: {  	_ =	shalt  }
0x73: {  	_ =	shalt  }
0x74: {  	_ =	shalt  }
0x75: {  	_ =	shalt  }
0x76: {  	_ =	shalt  }
0x77: {  	_ =	shalt  }
0x78: {  	_ =	shalt  }
0x79: {  	_ =	shalt  }
0x7a: {  	_ =	shalt  }
0x7b: {  	_ =	shalt  }
0x7c: {  	_ =	shalt  }
0x7d: {  	_ =	shalt  }
0x7e: {  	_ =	shalt  }
0x7f: {  	_ =	shalt  }
0x80: {  	_ =	shalt  }
0x81: {  	_ =	shalt  }
0x82: {  	_ =	shalt  }
0x83: {  	_ =	shalt  }
0x84: {  	_ =	shalt  }
0x85: {  	_ =	shalt  }
0x86: {  	_ =	shalt  }
0x87: {  	_ =	shalt  }
.Lfunc_end0:
.L_simem_size_0:
called_computation_lowered:
.L_overlay_start_0:
0x88: {  	s2 =	sld [smem:$0x3FD9]  }
0x89: {  	s3 =	sld [smem:$0x3FFE];
	_ =	sdelay $0x1  }
0x8a: {  	s1 =	srdreg.scid  }
0x8b: {  	s0 =	sand.u32 $0x1, s1  }
0x8c: {  	s17 =	sshll.u32 s0, $0xA;
	s2 =	sadd.s32 s3, s2  }
0x8d: {  	s2 =	sadd.s32 s2, s17  }
0x8e: {  	[smem:$0x3FC7] =	sst s2  }
0x8f: {  	_ = 	snop  }
0x90: {  	s2 =	sld [smem:$0x3FD0];
	(tm) =	ssettm $0x1  }
0x91: {  	s18 =	sld [smem:$0x3FFB];
	_ =	sdelay $0x3  }
0x92: {  	_ =	strace s18  }
0x93: {  	s3 =	sld [smem:$0x3FFC];
	_ =	sdelay $0x3  }
0x94: {  	_ =	strace s3  }
0x95: {  	s3 =	sld [smem:$0x3FFD];
	_ =	sdelay $0x3  }
0x96: {  	_ =	strace s3  }
0x97: {  	_ =	strace $0x8FFFFFFF  }
0x98: {  	s19 =	sld [smem:$0x3FDB];
	_ =	sdelay $0x1  }
0x99: {  	s4 =	simm.s32 $_scs_section_size  }
0x9a: {  	s5 =	simm.s32 $_size__tile_overlayer_lowered;
	s6 =	simm.s32 $_tile_overlayer_lowered  }
0x9b: {  	s22 =	simm.s32 $0x1BFF;
	s21 =	sshll.u32 s6, $0x1;
	s3 =	sadd.s32 s4, s19  }
0x9c: {  	s7 =	simm.s32 $0x0;
	s20 =	sshll.u32 s5, $0x1;
	s5 =	sadd.s32 s21, s3  }
0x9d: {  	[timem:s7], [sflag:s22] =	dma.local [hbm:s5], s20  }
0x9e: {  	_ =	swait.ge [sflag:s22], s20  }
0x9f: {  	s4 =	ssub.s32 $0x0, s20;
	[sflag:s22] =	ssyncset.done $0x0  }
0xa0: {  	[sflag:s22] =	ssyncadd.s32 s4;
	_ =	sdelay $0x1  }
0xa1: {  	s23 =	simm.s32 $0x1B8B  }
0xa2: {  	_ =	swait.ge [sflag:s23], $0x1  }
0xa3: {  	[sflag:s23] =	ssyncset.done $0x0  }
0xa4: {  	s25 =	simm.s32 $0x1B8E;
	s24 =	sld [smem:$0x3FFE];
	[sflag:s23] =	ssyncadd.s32 $0xFFFFFFFF  }
0xa5: {  	s26 =	simm.s32 $execute0_lowered;
	[smem:$0x3FD2] =	sst s25  }
0xa6: {  	s5 =	sshll.u32 s26, $0x1;
	_ =	strace $0x80000046;
	[dreg:$0x1] =	wrdreg $0xFFFFFFFF  }
0xa7: {  	s28 =	simm.s32 $_size_execute0_lowered;
	s3 =	sadd.s32 s3, s5;
	[dreg:$0x0] =	wrdreg $0x0  }
0xa8: {  	s5 =	sshll.u32 s28, $0x1;
	[dreg:$0x2] =	wrdreg s3  }
0xa9: {  	[dreg:$0x3] =	wrdreg s5  }
0xaa: {  	[dreg:$0x4] =	wrdreg $0xC0  }
0xab: {  	_ =	task [dreg:s7], $0x5FFFF  }
0xac: {  	[dreg:$0x1] =	wrdreg $0xFFFFFFFF  }
0xad: {  	[dreg:$0x0] =	wrdreg $0x60  }
0xae: {  	[dreg:$0x2] =	wrdreg s2  }
0xaf: {  	[dreg:$0x3] =	wrdreg s24  }
0xb0: {  	[dreg:$0x4] =	wrdreg $0x0  }
0xb1: {  	[dreg:$0x5] =	wrdreg $0x9  }
0xb2: {  	_ =	task.clear_ibuf [dreg:s7], $0x6FFFF;
	_ =	strace $0x90000046  }
0xb3: {  	s29 =	simm.s32 $0x9;
	_ =	strace $0x80000048  }
0xb4: {  	_ =	swait.ge [sflag:s29], $0x1  }
0xb5: {  	[sflag:s29] =	ssyncadd.s32 $0xFFFFFFFF  }
0xb6: {  	_ =	strace $0x90000048  }
0xb7: {  	_ =	sfence  }
0xb8: {  	s30 =	sld [smem:$0x0];
	_ =	sdelay $0x2  }
0xb9: {  	s31 =	sshll.u32 s1, $0xD;
	s1 =	sshrl.u32 s1, $0x2  }
0xba: {  	s3 =	sand.u32 $0x4000, s31;
	s1 =	sadd.s32 s1, s30  }
0xbb: {  	s0 =	sor.u32 s3, s0;
	s1 =	sshll.u32 s1, $0x11  }
0xbc: {  	s0 =	sor.u32 s1, s0  }
0xbd: {  	s0 =	sadd.s32 $0x8F2B, s0  }
0xbe: {  	[sflag:s0] =	ssyncadd.remote.s32 $0x1  }
0xbf: {  	_ =	sfence.sel $0xFFFF  }
0xc0: {  	[dreg:$0x0] =	wrdreg $0xFFFFFFFF;
	(pc) =	sbr.abs _section_cstart, $3  }
0xc1: {  	[dreg:$0x1] =	wrdreg $0xFFFFFFFF  }
0xc2: {  	_ =	task.clear_ibuf [dreg:s7], $0x2FFFF;
	_ =	strace $0x9FFFFFFF  }
0xc3: {  	(tm) =	ssettm $0x7FFFFFFF  }
tec
execute0_lowered:
.L_overlay_start_1:
0x0: {  	(tag) =	ssettag $0x1  }
0x1: {  	s1 =	rddreg [dreg:$0x0]  }
0x2: {  	s0 =	rddreg [dreg:$0x1]  }
0x3: {  	s3 =	rddreg [dreg:$0x2];
	s2 =	srdreg.scid  }
0x4: {  	s9 =	stileid.u32;
	s4 =	simm.s32 $0x0;
	s20 =	simm.s32 $0x1  }
0x5: {  	s21 =	simm.s32 $0x80;
	s30 =	simm.s32 $0x2;
	s31 =	simm.s32 $0x4  }
0x6: {  	s28 =	simm.s32 $0x17100;
	s29 =	simm.s32 $0x16180;
	s10 =	simm.s32 $0x16300  }
0x7: {  	s11 =	simm.s32 $0x17300;
	s12 =	simm.s32 $0x0;
	s5 =	sand.u32 $0x1, s2  }
0x8: {  	s13 =	sshll.u32 s9, $0x10;
	[smem:$0x7FF] =	sst s4;
	s14 =	sshll.u32 s9, $0x13  }
0x9: {  	s17 =	sshll.u32 s9, $0xA;
	s2 =	simm.s32 $0x16200;
	s9 =	simm.s32 $0x17280  }
0xa: {  	s6 =	sshll.u32 s5, $0x14;
	s7 =	ssub.s32 $0x2, s5;
	_ =	strace $0x80000047  }
0xb: {  	s15 =	sadd.s32 s1, s13;
	s16 =	sadd.s32 s13, s3;
	s19 =	sor.u32 $0x100000, s17  }
0xc: {  	s25 =	sor.u32 $0x1000, s14;
	s17 =	simm.s32 $0x5;
	[dreg:$0x4] =	wrdreg s15  }
0xd: {  	v1 =	vmov s5;
	s5 =	simm.s32 $0x3;
	s6 =	sor.u32 s13, s6;
	[dreg:$0xb] =	wrdreg s25  }
0xe: {  	s8 =	sshrl.u32 s7, $0x1;
	s18 =	sadd.s32 $0x4000, s16;
	[dreg:$0x5] =	wrdreg s16  }
0xf: {  	s22 =	sadd.s32 $0x8000, s16;
	s23 =	sadd.s32 $0xC000, s16;
	[dreg:$0x7] =	wrdreg s18  }
0x10: {  	s24 =	sadd.s32 s19, s3;
	s13 =	sor.u32 $0x1800, s14;
	[dreg:$0x8] =	wrdreg s22  }
0x11: {  	s14 =	simm.s32 $0x16380;
	s6 =	sshrl.u32 s6, $0x3;
	[dreg:$0x9] =	wrdreg s23  }
.Ltmp0:
0x12: {  	s7 =	ssub.s32 s7, s8;
	[dreg:$0xa] =	wrdreg s24;
	(pc) =	sbr.rel .LBB2_1-.Ltmp0, $4  }
0x13: {  	s8 =	simm.s32 $0x16280;
	s0 =	sadd.s32 s6, s0;
	s6 =	sadd.s32 $0x100, s15  }
0x14: {  	s26 =	smax.u32 s7, $0x1;
	s7 =	simm.s32 $0x17200;
	[dreg:$0x6] =	wrdreg s6  }
0x15: {  	v0 =	vlaneseq.u32;
	s15 =	simm.s32 $0x17380;
	s0 =	sadd.s32 $0x400, s0;
	[dreg:$0xd] =	wrdreg s26  }
0x16: {  	v2 =	vimm.s32 $0x0;
	v3 =	vimm.s32 $0x1;
	v0 =	vor.u32 s19, v0;
	s26 =	simm.s32 $0x16100;
	[dreg:$0xc] =	wrdreg s0;
	s0 =	simm.s32 $0x17180  }
.LBB2_14:
0x17: {  	_ =	swait.ge [sflag:s5], $0x80  }
0x18: {  	[sflag:s5] =	ssyncset.done $0x0  }
0x19: {  	[sflag:s5] =	ssyncadd.s32 $0xFFFFFF80  }
0x1a: {  	_ =	swait.ge [sflag:s5], $0x80  }
0x1b: {  	[sflag:s5] =	ssyncset.done $0x0  }
0x1c: {  	[sflag:s5] =	ssyncadd.s32 $0xFFFFFF80  }
0x1d: {  	_ =	swait.ge [sflag:s5], $0x80  }
0x1e: {  	[sflag:s5] =	ssyncset.done $0x0  }
0x1f: {  	[sflag:s5] =	ssyncadd.s32 $0xFFFFFF80  }
0x20: {  	_ =	swait.ge [sflag:s5], $0x80  }
0x21: {  	[sflag:s5] =	ssyncset.done $0x0  }
0x22: {  	[sflag:s5] =	ssyncadd.s32 $0xFFFFFF80  }
0x23: {  	_ =	swait.ge [sflag:s5], $0x80  }
0x24: {  	[sflag:s5] =	ssyncset.done $0x0  }
0x25: {  	[sflag:s5] =	ssyncadd.s32 $0xFFFFFF80  }
0x26: {  	_ =	swait.ge [sflag:s5], $0x80  }
0x27: {  	[sflag:s5] =	ssyncset.done $0x0  }
0x28: {  	[sflag:s5] =	ssyncadd.s32 $0xFFFFFF80  }
0x29: {  	_ =	swait.ge [sflag:s5], $0x80  }
0x2a: {  	[sflag:s5] =	ssyncset.done $0x0  }
0x2b: {  	[sflag:s5] =	ssyncadd.s32 $0xFFFFFF80  }
0x2c: {  	_ =	swait.ge [sflag:s5], $0x80  }
0x2d: {  	[sflag:s5] =	ssyncset.done $0x0  }
0x2e: {  	[sflag:s5] =	ssyncadd.s32 $0xFFFFFF80  }
0x2f: {  	_ =	swait.ge [sflag:s5], $0x80  }
0x30: {  	[sflag:s5] =	ssyncset.done $0x0  }
0x31: {  	[sflag:s5] =	ssyncadd.s32 $0xFFFFFF80  }
0x32: {  	_ =	swait.ge [sflag:s5], $0x80  }
0x33: {  	[sflag:s5] =	ssyncset.done $0x0  }
0x34: {  	[sflag:s5] =	ssyncadd.s32 $0xFFFFFF80  }
0x35: {  	_ =	swait.ge [sflag:s5], $0x80  }
0x36: {  	[sflag:s5] =	ssyncset.done $0x0  }
0x37: {  	[sflag:s5] =	ssyncadd.s32 $0xFFFFFF80  }
0x38: {  	_ =	swait.ge [sflag:s5], $0x80  }
0x39: {  	[sflag:s5] =	ssyncset.done $0x0  }
0x3a: {  	[sflag:s5] =	ssyncadd.s32 $0xFFFFFF80  }
0x3b: {  	_ =	swait.ge [sflag:s5], $0x80  }
0x3c: {  	[sflag:s5] =	ssyncset.done $0x0  }
0x3d: {  	[sflag:s5] =	ssyncadd.s32 $0xFFFFFF80  }
0x3e: {  	_ =	swait.ge [sflag:s5], $0x80  }
0x3f: {  	[sflag:s5] =	ssyncset.done $0x0  }
0x40: {  	[sflag:s5] =	ssyncadd.s32 $0xFFFFFF80  }
0x41: {  	_ =	swait.ge [sflag:s5], $0x80  }
0x42: {  	[sflag:s5] =	ssyncset.done $0x0  }
0x43: {  	[sflag:s5] =	ssyncadd.s32 $0xFFFFFF80  }
0x44: {  	_ =	swait.ge [sflag:s5], $0x80  }
0x45: {  	[sflag:s5] =	ssyncset.done $0x0  }
0x46: {  	[sflag:s5] =	ssyncadd.s32 $0xFFFFFF80  }
0x47: {  	_ =	swait.ge [sflag:s31], $0x80  }
0x48: {  	[sflag:s31] =	ssyncset.done $0x0  }
0x49: {  	[sflag:s31] =	ssyncadd.s32 $0xFFFFFF80  }
0x4a: {  	_ =	swait.ge [sflag:s31], $0x80  }
0x4b: {  	[sflag:s31] =	ssyncset.done $0x0  }
0x4c: {  	[sflag:s31] =	ssyncadd.s32 $0xFFFFFF80  }
0x4d: {  	_ =	swait.ge [sflag:s31], $0x80  }
0x4e: {  	[sflag:s31] =	ssyncset.done $0x0  }
0x4f: {  	[sflag:s31] =	ssyncadd.s32 $0xFFFFFF80  }
0x50: {  	_ =	swait.ge [sflag:s31], $0x80  }
0x51: {  	[sflag:s31] =	ssyncset.done $0x0  }
0x52: {  	[sflag:s31] =	ssyncadd.s32 $0xFFFFFF80  }
0x53: {  	_ =	swait.ge [sflag:s31], $0x80  }
0x54: {  	[sflag:s31] =	ssyncset.done $0x0  }
0x55: {  	[sflag:s31] =	ssyncadd.s32 $0xFFFFFF80  }
0x56: {  	_ =	swait.ge [sflag:s31], $0x80  }
0x57: {  	[sflag:s31] =	ssyncset.done $0x0  }
0x58: {  	[sflag:s31] =	ssyncadd.s32 $0xFFFFFF80  }
0x59: {  	_ =	swait.ge [sflag:s31], $0x80  }
0x5a: {  	[sflag:s31] =	ssyncset.done $0x0  }
0x5b: {  	[sflag:s31] =	ssyncadd.s32 $0xFFFFFF80  }
0x5c: {  	_ =	swait.ge [sflag:s31], $0x80  }
0x5d: {  	[sflag:s31] =	ssyncset.done $0x0  }
0x5e: {  	[sflag:s31] =	ssyncadd.s32 $0xFFFFFF80  }
0x5f: {  	_ =	swait.ge [sflag:s31], $0x80  }
0x60: {  	[sflag:s31] =	ssyncset.done $0x0  }
0x61: {  	[sflag:s31] =	ssyncadd.s32 $0xFFFFFF80  }
0x62: {  	_ =	swait.ge [sflag:s31], $0x80  }
0x63: {  	[sflag:s31] =	ssyncset.done $0x0  }
0x64: {  	[sflag:s31] =	ssyncadd.s32 $0xFFFFFF80  }
0x65: {  	_ =	swait.ge [sflag:s31], $0x80  }
0x66: {  	[sflag:s31] =	ssyncset.done $0x0  }
0x67: {  	[sflag:s31] =	ssyncadd.s32 $0xFFFFFF80  }
0x68: {  	_ =	swait.ge [sflag:s31], $0x80  }
0x69: {  	[sflag:s31] =	ssyncset.done $0x0  }
0x6a: {  	[sflag:s31] =	ssyncadd.s32 $0xFFFFFF80  }
0x6b: {  	_ =	swait.ge [sflag:s31], $0x80  }
0x6c: {  	[sflag:s31] =	ssyncset.done $0x0  }
0x6d: {  	[sflag:s31] =	ssyncadd.s32 $0xFFFFFF80  }
0x6e: {  	_ =	swait.ge [sflag:s31], $0x80  }
0x6f: {  	[sflag:s31] =	ssyncset.done $0x0  }
0x70: {  	[sflag:s31] =	ssyncadd.s32 $0xFFFFFF80  }
0x71: {  	_ =	swait.ge [sflag:s31], $0x80  }
0x72: {  	[sflag:s31] =	ssyncset.done $0x0  }
0x73: {  	[sflag:s31] =	ssyncadd.s32 $0xFFFFFF80  }
0x74: {  	_ =	swait.ge [sflag:s31], $0x80  }
0x75: {  	[sflag:s31] =	ssyncset.done $0x0  }
0x76: {  	[sflag:s31] =	ssyncadd.s32 $0xFFFFFF80  }
0x77: {  	s6 =	stileid.u32;
	[bflag:$0x0] =	sbarrier.arrive $0xFFFF  }
0x78: {  	s6 =	sshll.u32 s6, $0x6;
	s16 =	rddreg [dreg:$0x5]  }
0x79: {  	s6 =	sor.u32 $0x1C05, s6;
	s17 =	rddreg [dreg:$0xc];
	s12 =	sshrl.u32 s16, $0x3  }
0x7a: {  	[hbm:s17], [sflag:s6] =	dma.local [spmem:s12], $0x2000  }
0x7b: {  	s17 =	simm.s32 $0x5  }
0x7c: {  	_ =	swait.ge [sflag:s17], $0x2000  }
0x7d: {  	s24 =	rddreg [dreg:$0xe]  }
0x7e: {  	s25 =	rddreg [dreg:$0xd];
	s12 =	sadd.s32 $0x1, s24  }
0x7f: {  	p0 =	sne.s32 s12, s25  }
.Ltmp1:
0x80: {  	_ = 	snop;
	(pc) =	sbr.rel @!p0 .LBB2_15-.Ltmp1, $3  }
0x81: {  	_ =	sdelay $0x1  }
0x82: {  	[sflag:s17] =	ssyncset.done $0x0  }
0x83: {  	[sflag:s17] =	ssyncadd.s32 $0xFFFFE000  }
.LBB2_1:
0x84: {  	[dreg:$0xe] =	wrdreg s12  }
0x85: {  	s6 =	rddreg [dreg:$0x4]  }
0x86: {  	s23 =	simm.s32 $0x14400;
	s24 =	rddreg [dreg:$0x6]  }
0x87: {  	[tilespmem:s23], [sflag:$0x1] =	stream.linear.gather [hbm4b:s6+s4], $0x800, $0x38;
	[tilespmem:$0x17400] =	vst v63  }
0x88: {  	s25 =	simm.s32 $0x14C00;
	s12 =	simm.s32 $0x0;
	s6 =	simm.s32 $0x40  }
0x89: {  	[tilespmem:s25], [sflag:$0x2] =	stream.linear.gather [hbm4b:s24+s4], $0x800, $0x38;
	[tilespmem:$0x17400] =	vst v63  }
.LBB2_2:
0x8a: {  	p0 =	sne.s32 s6, $0xFFC0;
	[tilespmem:s12+$0x10400] =	vst v2;
	s12 =	smov.u32 s6;
	s6 =	sadd.s32 $0x40, s6  }
.Ltmp2:
0x8b: {  	(pc) =	sbr.rel @p0 .LBB2_2-.Ltmp2, $2  }
0x8c: {  	_ =	sdelay $0x2  }
0x8d: {  	s12 =	sshra.s32 s12, $0x2  }
0x8e: {  	[tilespmem:s12+$0x10400] =	vst v2;
	s22 =	simm.s32 $0x10400  }
0x8f: {  	[spmem:s16] =	stream.linear.scatter [tilespmem:s22], [sflag:$0x5], $0x4000, $0x38;
	[tilespmem:$0x17400] =	vst v63  }
0x90: {  	_ =	swait.ge [sflag:s17], $0x4000  }
0x91: {  	[sflag:s17] =	ssyncset.done $0x0  }
0x92: {  	s6 =	rddreg [dreg:$0x7];
	[sflag:s17] =	ssyncadd.s32 $0xFFFFC000  }
0x93: {  	[spmem:s6] =	stream.linear.scatter [tilespmem:s22], [sflag:$0x5], $0x4000, $0x38;
	[tilespmem:$0x17400] =	vst v63  }
0x94: {  	_ =	swait.ge [sflag:s17], $0x4000  }
0x95: {  	[sflag:s17] =	ssyncset.done $0x0  }
0x96: {  	s23 =	rddreg [dreg:$0x8];
	[sflag:s17] =	ssyncadd.s32 $0xFFFFC000  }
0x97: {  	[spmem:s23] =	stream.linear.scatter [tilespmem:s22], [sflag:$0x5], $0x4000, $0x38;
	[tilespmem:$0x17400] =	vst v63  }
0x98: {  	_ =	swait.ge [sflag:s17], $0x4000  }
0x99: {  	[sflag:s17] =	ssyncset.done $0x0  }
0x9a: {  	s24 =	rddreg [dreg:$0x9];
	[sflag:s17] =	ssyncadd.s32 $0xFFFFC000  }
0x9b: {  	[spmem:s24] =	stream.linear.scatter [tilespmem:s22], [sflag:$0x5], $0x4000, $0x38;
	[tilespmem:$0x17400] =	vst v63  }
0x9c: {  	_ =	swait.ge [sflag:s17], $0x4000  }
0x9d: {  	[sflag:s17] =	ssyncset.done $0x0  }
0x9e: {  	s25 =	rddreg [dreg:$0xa];
	[sflag:s17] =	ssyncadd.s32 $0xFFFFC000  }
0x9f: {  	[spmem:s25] =	stream.linear.scatter [tilespmem:s22], [sflag:$0x5], $0x400, $0x38;
	[tilespmem:$0x17400] =	vst v63  }
0xa0: {  	_ =	swait.ge [sflag:s17], $0x400  }
0xa1: {  	[sflag:s17] =	ssyncset.done $0x0  }
0xa2: {  	[sflag:s17] =	ssyncadd.s32 $0xFFFFFC00  }
0xa3: {  	s18 =	simm.s32 $0x0;
	s6 =	simm.s32 $0x0;
	[bflag:$0x0] =	sbarrier.arrive $0xFFFF  }
.LBB2_4:
0xa4: {  	_ =	swait.ge [sflag:s20], $0x800  }
0xa5: {  	p0 =	seq.s32 s18, $0x0;
	[sflag:s20] =	ssyncset.done $0x0  }
0xa6: {  	s12 =	simm.s32 @!p0 $0x3;
	[sflag:s20] =	ssyncadd.s32 $0xFFFFF800  }
0xa7: {  	_ =	swait.ge @!p0 [sflag:s12], $0x80  }
0xa8: {  	[sflag:s12] =	ssyncset.done @!p0 $0x0  }
0xa9: {  	[sflag:s12] =	ssyncadd.s32 @!p0 $0xFFFFFF80  }
0xaa: {  	_ =	swait.ge @!p0 [sflag:s12], $0x80  }
0xab: {  	[sflag:s12] =	ssyncset.done @!p0 $0x0  }
0xac: {  	[sflag:s12] =	ssyncadd.s32 @!p0 $0xFFFFFF80  }
0xad: {  	_ =	swait.ge @!p0 [sflag:s12], $0x80  }
0xae: {  	[sflag:s12] =	ssyncset.done @!p0 $0x0  }
0xaf: {  	[sflag:s12] =	ssyncadd.s32 @!p0 $0xFFFFFF80  }
0xb0: {  	_ =	swait.ge @!p0 [sflag:s12], $0x80  }
0xb1: {  	[sflag:s12] =	ssyncset.done @!p0 $0x0  }
0xb2: {  	[sflag:s12] =	ssyncadd.s32 @!p0 $0xFFFFFF80  }
0xb3: {  	_ =	swait.ge @!p0 [sflag:s12], $0x80  }
0xb4: {  	[sflag:s12] =	ssyncset.done @!p0 $0x0  }
0xb5: {  	[sflag:s12] =	ssyncadd.s32 @!p0 $0xFFFFFF80  }
0xb6: {  	_ =	swait.ge @!p0 [sflag:s12], $0x80  }
0xb7: {  	[sflag:s12] =	ssyncset.done @!p0 $0x0  }
0xb8: {  	[sflag:s12] =	ssyncadd.s32 @!p0 $0xFFFFFF80  }
0xb9: {  	_ =	swait.ge @!p0 [sflag:s12], $0x80  }
0xba: {  	[sflag:s12] =	ssyncset.done @!p0 $0x0  }
0xbb: {  	[sflag:s12] =	ssyncadd.s32 @!p0 $0xFFFFFF80  }
0xbc: {  	_ =	swait.ge @!p0 [sflag:s12], $0x80  }
0xbd: {  	[sflag:s12] =	ssyncset.done @!p0 $0x0  }
0xbe: {  	[sflag:s12] =	ssyncadd.s32 @!p0 $0xFFFFFF80  }
0xbf: {  	_ =	swait.ge @!p0 [sflag:s12], $0x80  }
0xc0: {  	[sflag:s12] =	ssyncset.done @!p0 $0x0  }
0xc1: {  	[sflag:s12] =	ssyncadd.s32 @!p0 $0xFFFFFF80  }
0xc2: {  	_ =	swait.ge @!p0 [sflag:s12], $0x80  }
0xc3: {  	[sflag:s12] =	ssyncset.done @!p0 $0x0  }
0xc4: {  	[sflag:s12] =	ssyncadd.s32 @!p0 $0xFFFFFF80  }
0xc5: {  	_ =	swait.ge @!p0 [sflag:s12], $0x80  }
0xc6: {  	[sflag:s12] =	ssyncset.done @!p0 $0x0  }
0xc7: {  	[sflag:s12] =	ssyncadd.s32 @!p0 $0xFFFFFF80  }
0xc8: {  	_ =	swait.ge @!p0 [sflag:s12], $0x80  }
0xc9: {  	[sflag:s12] =	ssyncset.done @!p0 $0x0  }
0xca: {  	[sflag:s12] =	ssyncadd.s32 @!p0 $0xFFFFFF80  }
0xcb: {  	_ =	swait.ge @!p0 [sflag:s12], $0x80  }
0xcc: {  	[sflag:s12] =	ssyncset.done @!p0 $0x0  }
0xcd: {  	[sflag:s12] =	ssyncadd.s32 @!p0 $0xFFFFFF80  }
0xce: {  	_ =	swait.ge @!p0 [sflag:s12], $0x80  }
0xcf: {  	[sflag:s12] =	ssyncset.done @!p0 $0x0  }
0xd0: {  	[sflag:s12] =	ssyncadd.s32 @!p0 $0xFFFFFF80  }
0xd1: {  	_ =	swait.ge @!p0 [sflag:s12], $0x80  }
0xd2: {  	[sflag:s12] =	ssyncset.done @!p0 $0x0  }
0xd3: {  	[sflag:s12] =	ssyncadd.s32 @!p0 $0xFFFFFF80  }
0xd4: {  	_ =	swait.ge @!p0 [sflag:s12], $0x80  }
0xd5: {  	[sflag:s12] =	ssyncset.done @!p0 $0x0  }
0xd6: {  	[sflag:s12] =	ssyncadd.s32 @!p0 $0xFFFFFF80;
	s12 =	simm.s32 $0x14480  }
0xd7: {  	v4 =	vld [tilespmem:s12+$0x10]  }
0xd8: {  	v9 =	vld [tilespmem:s12+$0x0]  }
0xd9: {  	v12 =	vld [tilespmem:s12+$0xFFFFFFF0]  }
0xda: {  	v7 =	vld [tilespmem:s12+$0xFFFFFFE0]  }
0xdb: {  	s16 =	sand.u32 $0x300, s6;
	v8 =	vld [tilespmem:s12+$0xFFFFFFB0]  }
0xdc: {  	v25 =	vor.u32 s16, v0;
	v13 =	vld [tilespmem:s12+$0xFFFFFF90]  }
0xdd: {  	v19 =	vor.u32 $0x20, v25;
	v23 =	vor.u32 $0x30, v25;
	v5 =	vld [tilespmem:s12+$0x30]  }
0xde: {  	v38 =	vor.u32 $0x10, v25;
	v34 =	vor.u32 $0xE0, v25;
	v42 =	vor.u32 $0xC0, v25;
	v28 =	vld [tilespmem:s12+$0x40]  }
0xdf: {  	v45 =	vor.u32 $0x90, v25;
	v37 =	vor.u32 $0xA0, v25;
	v46 =	vor.u32 $0xD0, v25;
	v33 =	vld [tilespmem:s12+$0x20]  }
0xe0: {  	v44 =	vor.u32 $0xB0, v25;
	v10 =	vshrl.u32 v4, $0x14;
	v22 =	vand.u32 $0xFFFFF, v4  }
0xe1: {  	v6 =	vshrl.u32 v4, $0x15;
	v14 =	vshrl.u32 v9, $0x14;
	v11 =	vand.u32 $0xFFFFF, v9  }
0xe2: {  	v15 =	vshrl.u32 v12, $0x14;
	v16 =	vand.u32 $0xFFFFF, v7;
	v24 =	vshrl.u32 v8, $0x14  }
0xe3: {  	v17 =	vand.u32 $0xFFFFF, v8;
	v31 =	vand.u32 $0xFFFFF, v13;
	v18 =	vshrl.u32 v5, $0x14  }
0xe4: {  	v4 =	vld [tilespmem:s12+$0x70];
	v41 =	vshrl.u32 v28, $0x14;
	v39 =	vand.u32 $0xFFFFF, v28;
	v40 =	vshrl.u32 v33, $0x14  }
0xe5: {  	v28 =	vshrl.u32 v28, $0x15;
	v10 =	vand.u32 $0x1, v10;
	v20 =	vand.u32 $0x1, v14  }
0xe6: {  	v35 =	vand.u32 $0x1, v15;
	v15 =	vld [tilespmem:s12+$0x50];
	v30 =	vand.u32 $0x1, v18;
	v18 =	vor.u32 $0x80, v25  }
0xe7: {  	v14 =	vld [tilespmem:s12+$0x60];
	v47 =	vand.u32 $0x1, v40;
	vm2 =	veq.s32 v10, v1;
	v10 =	vshrl.u32 v7, $0x14  }
0xe8: {  	vm0 =	veq.s32 v20, v1;
	v20 =	vld [tilespmem:s12+$0xFFFFFF80];
	v32 =	vand.u32 $0x1, v10;
	v10 =	vshrl.u32 v13, $0x14  }
0xe9: {  	v40 =	vor.u32 $0x40, v25;
	v27 =	vand.u32 $0x1, v10;
	v21 =	vshrl.u32 v4, $0x14  }
0xea: {  	vm3 =	veq.s32 v30, v1;
	vm5 =	veq.s32 v27, v1;
	v29 =	vand.u32 $0x1, v21  }
0xeb: {  	v10 =	vld [tilespmem:s12+$0xFFFFFFC0];
	vm1 =	veq.s32 v29, v1;
	v29 =	vand.u32 $0x1, v24;
	v24 =	vshrl.u32 v15, $0x14  }
0xec: {  	v26 =	vshrl.u32 v14, $0x14;
	v21 =	vand.u32 $0xFFFFF, v4;
	v24 =	vand.u32 $0x1, v24  }
0xed: {  	v36 =	vand.u32 $0x1, v26;
	vm4 =	veq.s32 v24, v1;
	v24 =	vshrl.u32 v20, $0x14  }
0xee: {  	v26 =	vor.u32 $0xF0, v25;
	v30 =	vshrl.u32 v20, $0x15;
	v27 =	vand.u32 $0x1, v24  }
0xef: {  	s22 =	simm.s32 $0x15480;
	s23 =	simm.s32 $0x16480;
	s24 =	simm.s32 $0x100;
	v20 =	vand.u32 $0xFFFFF, v20;
	v24 =	vshll.u32 v3, v30;
	v30 =	vld [tilespmem:s12+$0xFFFFFFD0];
	vm6 =	veq.s32 v27, v1  }
0xf0: {  	s17 =	simm.s32 $0x15480;
	s19 =	simm.s32 $0x16480;
	s16 =	sshll.u32 s18, $0xC;
	v43 =	vshrl.u32 v10, $0x14;
	v27 =	vshrl.u32 v33, $0x15;
	v48 =	vsel vm6, v20, v25;
	v20 =	vld [tilespmem:s12+$0xFFFFFFA0]  }
.LBB2_5:
0xf1: {  	vm6 =	veq.s32 v32, v1;
	vm7 =	veq.s32 v35, v1;
	v32 =	vor.u32 $0x70, v25;
	s12 =	sadd.s32 $0x100, s12;
	s22 =	sadd.s32 $0x100, s22;
	s23 =	sadd.s32 $0x100, s23  }
0xf2: {  	p1 =	sne.s32 s24, $0x700;
	v35 =	vand.u32 $0xFFFFF, v12;
	v49 =	vand.u32 $0xFFFFF, v5;
	v50 =	vor.u32 $0x60, v25;
	s25 =	smov.u32 s24;
	s24 =	sadd.s32 $0x100, s24  }
0xf3: {  	v43 =	vand.u32 $0x1, v43;
	v51 =	vand.u32 $0xFFFFF, v10;
	v32 =	vsel vm7, v35, v32  }
0xf4: {  	v52 =	vand.u32 $0xFFFFF, v15;
	v53 =	vand.u32 $0xFFFFF, v14;
	v35 =	vshrl.u32 v30, $0x14;
	[tilespmem:s17+$0xFFFFFFF0] =	vst v32  }
0xf5: {  	v25 =	vor.u32 $0x50, v25;
	vm7 =	veq.s32 v47, v1;
	v32 =	vand.u32 $0x1, v41  }
0xf6: {  	v22 =	vsel vm2, v22, v45;
	vm8 =	veq.s32 v36, v1;
	vm2 =	veq.s32 v32, v1;
	[tilespmem:s17+$0xFFFFFF80] =	vst v48  }
0xf7: {  	v32 =	vshrl.u32 v20, $0x15;
	v36 =	vsel vm2, v39, v42;
	v39 =	vsel vm4, v52, v46;
	[tilespmem:s17+$0x10] =	vst v22  }
0xf8: {  	v31 =	vsel vm5, v31, v38;
	v22 =	vand.u32 $0xFFFFF, v33;
	v33 =	vshrl.u32 v30, $0x15  }
0xf9: {  	v13 =	vshrl.u32 v13, $0x15;
	v8 =	vshrl.u32 v8, $0x15;
	v35 =	vand.u32 $0x1, v35  }
0xfa: {  	v12 =	vshrl.u32 v12, $0x15;
	v15 =	vshrl.u32 v15, $0x15;
	vm2 =	veq.s32 v43, v1;
	[tilespmem:s17+$0xFFFFFF90] =	vst v31  }
0xfb: {  	v9 =	vshrl.u32 v9, $0x15;
	v14 =	vshrl.u32 v14, $0x15;
	v30 =	vand.u32 $0xFFFFF, v30;
	[tilespmem:s17+$0x50] =	vst v39  }
0xfc: {  	v34 =	vsel vm8, v53, v34;
	vm4 =	veq.s32 v35, v1;
	v31 =	vsel vm3, v49, v44;
	[tilespmem:s17+$0x40] =	vst v36  }
0xfd: {  	v35 =	vshrl.u32 v20, $0x14;
	v22 =	vsel vm7, v22, v37;
	vm3 =	veq.s32 v29, v1;
	[tilespmem:s17+$0x30] =	vst v31  }
0xfe: {  	v29 =	vand.u32 $0x1, v35;
	v17 =	vsel vm3, v17, v23;
	v23 =	vsel vm2, v51, v40;
	[tilespmem:s17+$0x20] =	vst v22  }
0xff: {  	v21 =	vsel vm1, v21, v26;
	v20 =	vand.u32 $0xFFFFF, v20;
	vm2 =	veq.s32 v29, v1;
	[tilespmem:s17+$0x60] =	vst v34  }
0x100: {  	v16 =	vsel vm6, v16, v50;
	v19 =	vsel vm2, v20, v19;
	v20 =	vsel vm4, v30, v25;
	[tilespmem:s17+$0xFFFFFFC0] =	vst v23  }
0x101: {  	v11 =	vsel vm0, v11, v18;
	v22 =	vshll.u32 v3, v27;
	[tilespmem:s17+$0xFFFFFFE0] =	vst v16  }
0x102: {  	v13 =	vshll.u32 v3, v13;
	[tilespmem:s17+$0xFFFFFFB0] =	vst v17  }
0x103: {  	v16 =	vshll.u32 v3, v28;
	[tilespmem:s17+$0x70] =	vst v21  }
0x104: {  	v17 =	vshll.u32 v3, v32;
	[tilespmem:s17+$0xFFFFFFA0] =	vst v19  }
0x105: {  	v10 =	vshrl.u32 v10, $0x15;
	v8 =	vshll.u32 v3, v8;
	[tilespmem:s17+$0x0] =	vst v11  }
0x106: {  	v10 =	vshll.u32 v3, v10;
	[tilespmem:s17+$0xFFFFFFD0] =	vst v20;
	s17 =	smov.u32 s22  }
0x107: {  	v7 =	vshrl.u32 v7, $0x15;
	v11 =	vshll.u32 v3, v33;
	[tilespmem:s19+$0xFFFFFF80] =	vst v24  }
0x108: {  	v7 =	vshll.u32 v3, v7;
	[tilespmem:s19+$0xFFFFFFD0] =	vst v11  }
0x109: {  	v11 =	vshll.u32 v3, v12;
	[tilespmem:s19+$0xFFFFFFE0] =	vst v7  }
0x10a: {  	v7 =	vshll.u32 v3, v9;
	[tilespmem:s19+$0xFFFFFFF0] =	vst v11  }
0x10b: {  	v6 =	vshll.u32 v3, v6;
	[tilespmem:s19+$0x0] =	vst v7  }
0x10c: {  	v5 =	vshrl.u32 v5, $0x15;
	[tilespmem:s19+$0x10] =	vst v6  }
0x10d: {  	v5 =	vshll.u32 v3, v5;
	[tilespmem:s19+$0xFFFFFF90] =	vst v13  }
0x10e: {  	v6 =	vshll.u32 v3, v15;
	[tilespmem:s19+$0x30] =	vst v5  }
0x10f: {  	v4 =	vshrl.u32 v4, $0x15;
	v5 =	vshll.u32 v3, v14;
	[tilespmem:s19+$0x50] =	vst v6  }
0x110: {  	v4 =	vshll.u32 v3, v4;
	[tilespmem:s19+$0x60] =	vst v5  }
0x111: {  	[tilespmem:s19+$0x40] =	vst v16  }
0x112: {  	[tilespmem:s19+$0xFFFFFFA0] =	vst v17  }
0x113: {  	[tilespmem:s19+$0xFFFFFFB0] =	vst v8  }
0x114: {  	[tilespmem:s19+$0xFFFFFFC0] =	vst v10  }
0x115: {  	[tilespmem:s19+$0x20] =	vst v22  }
0x116: {  	[tilespmem:s19+$0x70] =	vst v4;
	s19 =	smov.u32 s23  }
0x117: {  	v4 =	vld [tilespmem:s12+$0x10]  }
0x118: {  	v9 =	vld [tilespmem:s12+$0x0]  }
0x119: {  	v12 =	vld [tilespmem:s12+$0xFFFFFFF0]  }
0x11a: {  	v7 =	vld [tilespmem:s12+$0xFFFFFFE0]  }
0x11b: {  	v8 =	vld [tilespmem:s12+$0xFFFFFFB0]  }
0x11c: {  	v13 =	vld [tilespmem:s12+$0xFFFFFF90];
	v10 =	vshrl.u32 v4, $0x14;
	v22 =	vand.u32 $0xFFFFF, v4;
	v6 =	vshrl.u32 v4, $0x15  }
0x11d: {  	v5 =	vld [tilespmem:s12+$0x30];
	v14 =	vshrl.u32 v9, $0x14;
	v10 =	vand.u32 $0x1, v10;
	v11 =	vand.u32 $0xFFFFF, v9  }
0x11e: {  	v4 =	vld [tilespmem:s12+$0x70];
	v15 =	vshrl.u32 v12, $0x14;
	v24 =	vand.u32 $0x1, v14;
	vm2 =	veq.s32 v10, v1  }
0x11f: {  	v14 =	vld [tilespmem:s12+$0x60];
	v10 =	vshrl.u32 v7, $0x14;
	v35 =	vand.u32 $0x1, v15;
	v16 =	vand.u32 $0xFFFFF, v7  }
0x120: {  	s25 =	sand.u32 $0x300, s25;
	v15 =	vld [tilespmem:s12+$0x50];
	v26 =	vshrl.u32 v8, $0x14;
	v32 =	vand.u32 $0x1, v10;
	v17 =	vand.u32 $0xFFFFF, v8  }
0x121: {  	v25 =	vor.u32 s25, v0;
	v28 =	vld [tilespmem:s12+$0x40];
	v18 =	vshrl.u32 v13, $0x14;
	v31 =	vand.u32 $0xFFFFF, v13  }
0x122: {  	v19 =	vor.u32 $0x20, v25;
	v10 =	vld [tilespmem:s12+$0xFFFFFFC0];
	v27 =	vand.u32 $0x1, v18;
	v18 =	vshrl.u32 v5, $0x14  }
0x123: {  	v33 =	vld [tilespmem:s12+$0x20];
	v37 =	vand.u32 $0x1, v18;
	v20 =	vshrl.u32 v4, $0x14;
	v18 =	vor.u32 $0x80, v25  }
0x124: {  	v23 =	vor.u32 $0x30, v25;
	v30 =	vld [tilespmem:s12+$0xFFFFFFD0];
	v34 =	vshrl.u32 v14, $0x14;
	v29 =	vand.u32 $0x1, v20  }
0x125: {  	vm0 =	veq.s32 v24, v1;
	v21 =	vand.u32 $0xFFFFF, v4;
	v20 =	vld [tilespmem:s12+$0xFFFFFFA0];
	vm1 =	veq.s32 v29, v1  }
0x126: {  	v29 =	vand.u32 $0x1, v26;
	v36 =	vand.u32 $0x1, v34;
	v26 =	vor.u32 $0xF0, v25;
	v40 =	vld [tilespmem:s12+$0xFFFFFF80]  }
0x127: {  	v38 =	vor.u32 $0x10, v25;
	v24 =	vshrl.u32 v15, $0x14;
	v41 =	vshrl.u32 v28, $0x14  }
0x128: {  	v34 =	vor.u32 $0xE0, v25;
	v39 =	vand.u32 $0xFFFFF, v28;
	v43 =	vshrl.u32 v10, $0x14  }
0x129: {  	v42 =	vor.u32 $0xC0, v25;
	vm3 =	veq.s32 v37, v1;
	v24 =	vand.u32 $0x1, v24  }
0x12a: {  	v45 =	vor.u32 $0x90, v25;
	vm4 =	veq.s32 v24, v1;
	v44 =	vshrl.u32 v33, $0x14  }
.Ltmp3:
0x12b: {  	vm5 =	veq.s32 v27, v1;
	v24 =	vshrl.u32 v40, $0x14;
	v37 =	vshrl.u32 v40, $0x15;
	(pc) =	sbr.rel @p1 .LBB2_5-.Ltmp3, $4  }
0x12c: {  	v27 =	vand.u32 $0x1, v24;
	v24 =	vshll.u32 v3, v37;
	v37 =	vor.u32 $0xA0, v25  }
0x12d: {  	v46 =	vor.u32 $0xD0, v25;
	v40 =	vand.u32 $0xFFFFF, v40;
	vm6 =	veq.s32 v27, v1  }
0x12e: {  	v47 =	vand.u32 $0x1, v44;
	v44 =	vor.u32 $0xB0, v25;
	v48 =	vsel vm6, v40, v25  }
0x12f: {  	v28 =	vshrl.u32 v28, $0x15;
	v27 =	vshrl.u32 v33, $0x15;
	v40 =	vor.u32 $0x40, v25  }
0x130: {  	v22 =	vsel vm2, v22, v45;
	[tilespmem:s17+$0xFFFFFF80] =	vst v48  }
0x131: {  	vm6 =	veq.s32 v35, v1;
	v57 =	vor.u32 $0x70, v25;
	v59 =	vsel vm5, v31, v38;
	[tilespmem:s17+$0x10] =	vst v22  }
0x132: {  	v49 =	vand.u32 $0xFFFFF, v12;
	v58 =	vand.u32 $0xFFFFF, v15;
	v21 =	vsel vm1, v21, v26;
	[tilespmem:s17+$0xFFFFFF90] =	vst v59  }
0x133: {  	v41 =	vand.u32 $0x1, v41;
	v61 =	vand.u32 $0xFFFFF, v5;
	v11 =	vsel vm0, v11, v18;
	[tilespmem:s17+$0x70] =	vst v21  }
0x134: {  	v62 =	vand.u32 $0x1, v43;
	vm9 =	veq.s32 v47, v1;
	v35 =	vsel vm6, v49, v57;
	[tilespmem:s17+$0x0] =	vst v11  }
0x135: {  	vm10 =	veq.s32 v36, v1;
	v43 =	vand.u32 $0xFFFFF, v10;
	v60 =	vsel vm4, v58, v46;
	[tilespmem:s17+$0xFFFFFFF0] =	vst v35  }
0x136: {  	vm12 =	veq.s32 v32, v1;
	vm13 =	veq.s32 v29, v1;
	v22 =	vsel vm3, v61, v44;
	[tilespmem:s17+$0x50] =	vst v60  }
0x137: {  	v45 =	vshrl.u32 v20, $0x14;
	vm8 =	veq.s32 v41, v1;
	v17 =	vsel vm13, v17, v23;
	[tilespmem:s17+$0x30] =	vst v22  }
0x138: {  	v48 =	vand.u32 $0xFFFFF, v20;
	v41 =	vand.u32 $0xFFFFF, v33;
	v63 =	vsel vm8, v39, v42;
	[tilespmem:s17+$0xFFFFFFB0] =	vst v17  }
0x139: {  	v50 =	vand.u32 $0xFFFFF, v30;
	vm11 =	veq.s32 v62, v1;
	v31 =	vsel vm9, v41, v37;
	[tilespmem:s17+$0x40] =	vst v63  }
0x13a: {  	v44 =	vor.u32 $0x60, v25;
	v46 =	vshrl.u32 v30, $0x14;
	v22 =	vsel vm11, v43, v40;
	[tilespmem:s17+$0x20] =	vst v31  }
0x13b: {  	v47 =	vand.u32 $0x1, v45;
	v42 =	vand.u32 $0xFFFFF, v14;
	v16 =	vsel vm12, v16, v44;
	[tilespmem:s17+$0xFFFFFFC0] =	vst v22  }
0x13c: {  	vm14 =	veq.s32 v47, v1;
	v33 =	vsel vm10, v42, v34;
	[tilespmem:s17+$0xFFFFFFE0] =	vst v16;
	v22 =	vand.u32 $0x1, v46  }
0x13d: {  	v49 =	vor.u32 $0x50, v25;
	v16 =	vsel vm14, v48, v19;
	[tilespmem:s17+$0x60] =	vst v33;
	vm15 =	veq.s32 v22, v1  }
0x13e: {  	[tilespmem:s17+$0xFFFFFFA0] =	vst v16;
	v51 =	vsel vm15, v50, v49  }
0x13f: {  	v52 =	vshrl.u32 v30, $0x15;
	[tilespmem:s17+$0xFFFFFFD0] =	vst v51  }
0x140: {  	v7 =	vshrl.u32 v7, $0x15;
	v11 =	vshll.u32 v3, v52;
	[tilespmem:s19+$0xFFFFFF80] =	vst v24  }
0x141: {  	v53 =	vshrl.u32 v12, $0x15;
	v7 =	vshll.u32 v3, v7;
	[tilespmem:s19+$0xFFFFFFD0] =	vst v11  }
0x142: {  	v9 =	vshrl.u32 v9, $0x15;
	v54 =	vshll.u32 v3, v53;
	[tilespmem:s19+$0xFFFFFFE0] =	vst v7  }
0x143: {  	v55 =	vshll.u32 v3, v9;
	[tilespmem:s19+$0xFFFFFFF0] =	vst v54  }
0x144: {  	v56 =	vshrl.u32 v13, $0x15;
	v6 =	vshll.u32 v3, v6;
	[tilespmem:s19+$0x0] =	vst v55  }
0x145: {  	v5 =	vshrl.u32 v5, $0x15;
	v57 =	vshll.u32 v3, v56;
	[tilespmem:s19+$0x10] =	vst v6  }
0x146: {  	v5 =	vshll.u32 v3, v5;
	[tilespmem:s19+$0xFFFFFF90] =	vst v57  }
0x147: {  	v61 =	vshll.u32 v3, v28;
	v62 =	vshrl.u32 v10, $0x15;
	[tilespmem:s19+$0x30] =	vst v5  }
0x148: {  	v4 =	vshrl.u32 v4, $0x15;
	v63 =	vshll.u32 v3, v62;
	[tilespmem:s19+$0x40] =	vst v61  }
0x149: {  	v58 =	vshrl.u32 v15, $0x15;
	v4 =	vshll.u32 v3, v4;
	[tilespmem:s19+$0xFFFFFFC0] =	vst v63  }
0x14a: {  	v59 =	vshrl.u32 v14, $0x15;
	v6 =	vshll.u32 v3, v58;
	[tilespmem:s19+$0x70] =	vst v4  }
0x14b: {  	v60 =	vshrl.u32 v20, $0x15;
	v5 =	vshll.u32 v3, v59;
	[tilespmem:s19+$0x50] =	vst v6  }
0x14c: {  	[tilespmem:s19+$0x60] =	vst v5;
	v5 =	vshrl.u32 v8, $0x15;
	v6 =	vshll.u32 v3, v60  }
0x14d: {  	v5 =	vshll.u32 v3, v5;
	[tilespmem:s19+$0xFFFFFFA0] =	vst v6  }
0x14e: {  	[tilespmem:s19+$0xFFFFFFB0] =	vst v5;
	v5 =	vshll.u32 v3, v27  }
0x14f: {  	s12 =	simm.s32 $0x15400;
	s25 =	simm.s32 $0x16400;
	[tilespmem:s19+$0x20] =	vst v5  }
0x150: {  	[spmem:s3] =	stream.indirect.scatter.add.s32 [tilespmem:s25], [sflag:$0x3], $0x1, s12, s21, $0xb8;
	[tilespmem:$0x17400] =	vst v63  }
0x151: {  	s17 =	simm.s32 $0x15480;
	s19 =	simm.s32 $0x16480  }
0x152: {  	[spmem:s3] =	stream.indirect.scatter.add.s32 [tilespmem:s19], [sflag:$0x3], $0x1, s17, s21, $0xb8;
	[tilespmem:$0x17400] =	vst v63  }
0x153: {  	s22 =	simm.s32 $0x15500;
	s23 =	simm.s32 $0x16500  }
0x154: {  	[spmem:s3] =	stream.indirect.scatter.add.s32 [tilespmem:s23], [sflag:$0x3], $0x1, s22, s21, $0xb8;
	[tilespmem:$0x17400] =	vst v63  }
0x155: {  	s24 =	simm.s32 $0x15580;
	s25 =	simm.s32 $0x16580  }
0x156: {  	[spmem:s3] =	stream.indirect.scatter.add.s32 [tilespmem:s25], [sflag:$0x3], $0x1, s24, s21, $0xb8;
	[tilespmem:$0x17400] =	vst v63  }
0x157: {  	s17 =	simm.s32 $0x15600;
	s19 =	simm.s32 $0x16600  }
0x158: {  	[spmem:s3] =	stream.indirect.scatter.add.s32 [tilespmem:s19], [sflag:$0x3], $0x1, s17, s21, $0xb8;
	[tilespmem:$0x17400] =	vst v63  }
0x159: {  	s22 =	simm.s32 $0x15680;
	s23 =	simm.s32 $0x16680  }
0x15a: {  	[spmem:s3] =	stream.indirect.scatter.add.s32 [tilespmem:s23], [sflag:$0x3], $0x1, s22, s21, $0xb8;
	[tilespmem:$0x17400] =	vst v63  }
0x15b: {  	s24 =	simm.s32 $0x15700;
	s25 =	simm.s32 $0x16700  }
0x15c: {  	[spmem:s3] =	stream.indirect.scatter.add.s32 [tilespmem:s25], [sflag:$0x3], $0x1, s24, s21, $0xb8;
	[tilespmem:$0x17400] =	vst v63  }
0x15d: {  	s17 =	simm.s32 $0x15780;
	s19 =	simm.s32 $0x16780  }
0x15e: {  	[spmem:s3] =	stream.indirect.scatter.add.s32 [tilespmem:s19], [sflag:$0x3], $0x1, s17, s21, $0xb8;
	[tilespmem:$0x17400] =	vst v63  }
0x15f: {  	s22 =	simm.s32 $0x15800;
	s23 =	simm.s32 $0x16800  }
0x160: {  	[spmem:s3] =	stream.indirect.scatter.add.s32 [tilespmem:s23], [sflag:$0x3], $0x1, s22, s21, $0xb8;
	[tilespmem:$0x17400] =	vst v63  }
0x161: {  	s24 =	simm.s32 $0x15880;
	s25 =	simm.s32 $0x16880  }
0x162: {  	[spmem:s3] =	stream.indirect.scatter.add.s32 [tilespmem:s25], [sflag:$0x3], $0x1, s24, s21, $0xb8;
	[tilespmem:$0x17400] =	vst v63  }
0x163: {  	s17 =	simm.s32 $0x15900;
	s19 =	simm.s32 $0x16900  }
0x164: {  	[spmem:s3] =	stream.indirect.scatter.add.s32 [tilespmem:s19], [sflag:$0x3], $0x1, s17, s21, $0xb8;
	[tilespmem:$0x17400] =	vst v63  }
0x165: {  	s22 =	simm.s32 $0x15980;
	s23 =	simm.s32 $0x16980  }
0x166: {  	[spmem:s3] =	stream.indirect.scatter.add.s32 [tilespmem:s23], [sflag:$0x3], $0x1, s22, s21, $0xb8;
	[tilespmem:$0x17400] =	vst v63  }
0x167: {  	s24 =	simm.s32 $0x15A00;
	s25 =	simm.s32 $0x16A00  }
0x168: {  	[spmem:s3] =	stream.indirect.scatter.add.s32 [tilespmem:s25], [sflag:$0x3], $0x1, s24, s21, $0xb8;
	[tilespmem:$0x17400] =	vst v63  }
0x169: {  	p1 =	sne.s32 s18, $0x7F;
	s17 =	simm.s32 $0x15A80;
	s19 =	simm.s32 $0x16A80  }
0x16a: {  	[spmem:s3] =	stream.indirect.scatter.add.s32 [tilespmem:s19], [sflag:$0x3], $0x1, s17, s21, $0xb8;
	[tilespmem:$0x17400] =	vst v63  }
.Ltmp4:
0x16b: {  	_ = 	snop;
	(pc) =	sbr.rel @p1 .LBB2_8-.Ltmp4, $4  }
0x16c: {  	s22 =	simm.s32 $0x15B00;
	s23 =	simm.s32 $0x16B00  }
0x16d: {  	[spmem:s3] =	stream.indirect.scatter.add.s32 [tilespmem:s23], [sflag:$0x3], $0x1, s22, s21, $0xb8;
	[tilespmem:$0x17400] =	vst v63  }
0x16e: {  	s24 =	simm.s32 $0x15B80;
	s25 =	simm.s32 $0x16B80  }
0x16f: {  	[spmem:s3] =	stream.indirect.scatter.add.s32 [tilespmem:s25], [sflag:$0x3], $0x1, s24, s21, $0xb8;
	[tilespmem:$0x17400] =	vst v63  }
.Ltmp5:
0x170: {  	(pc) =	sbr.rel .LBB2_9-.Ltmp5, $4  }
0x171: {  	_ = 	snop  }
0x172: {  	_ =	swait.ge [sflag:s30], $0x800  }
0x173: {  	[sflag:s30] =	ssyncset.done $0x0  }
0x174: {  	[sflag:s30] =	ssyncadd.s32 $0xFFFFF800  }
.LBB2_8:
0x175: {  	s12 =	rddreg [dreg:$0xb]  }
0x176: {  	s12 =	sadd.s32 s16, s12  }
0x177: {  	s12 =	sshrl.u32 s12, $0x3  }
.Ltmp6:
0x178: {  	s17 =	simm.s32 $0x14400;
	s12 =	sadd.s32 s1, s12;
	(pc) =	sbr.rel @p0 .LBB2_10-.Ltmp6, $4  }
0x179: {  	[tilespmem:s17], [sflag:$0x1] =	stream.linear.gather [hbm4b:s12+s4], $0x800, $0x38;
	[tilespmem:$0x17400] =	vst v63  }
0x17a: {  	_ =	swait.ge [sflag:s30], $0x800  }
0x17b: {  	[sflag:s30] =	ssyncset.done $0x0  }
0x17c: {  	[sflag:s30] =	ssyncadd.s32 $0xFFFFF800  }
.LBB2_9:
0x17d: {  	_ =	swait.ge [sflag:s31], $0x80  }
0x17e: {  	[sflag:s31] =	ssyncset.done $0x0  }
0x17f: {  	[sflag:s31] =	ssyncadd.s32 $0xFFFFFF80  }
0x180: {  	_ =	swait.ge [sflag:s31], $0x80  }
0x181: {  	[sflag:s31] =	ssyncset.done $0x0  }
0x182: {  	[sflag:s31] =	ssyncadd.s32 $0xFFFFFF80  }
0x183: {  	_ =	swait.ge [sflag:s31], $0x80  }
0x184: {  	[sflag:s31] =	ssyncset.done $0x0  }
0x185: {  	[sflag:s31] =	ssyncadd.s32 $0xFFFFFF80  }
0x186: {  	_ =	swait.ge [sflag:s31], $0x80  }
0x187: {  	[sflag:s31] =	ssyncset.done $0x0  }
0x188: {  	[sflag:s31] =	ssyncadd.s32 $0xFFFFFF80  }
0x189: {  	_ =	swait.ge [sflag:s31], $0x80  }
0x18a: {  	[sflag:s31] =	ssyncset.done $0x0  }
0x18b: {  	[sflag:s31] =	ssyncadd.s32 $0xFFFFFF80  }
0x18c: {  	_ =	swait.ge [sflag:s31], $0x80  }
0x18d: {  	[sflag:s31] =	ssyncset.done $0x0  }
0x18e: {  	[sflag:s31] =	ssyncadd.s32 $0xFFFFFF80  }
0x18f: {  	_ =	swait.ge [sflag:s31], $0x80  }
0x190: {  	[sflag:s31] =	ssyncset.done $0x0  }
0x191: {  	[sflag:s31] =	ssyncadd.s32 $0xFFFFFF80  }
0x192: {  	_ =	swait.ge [sflag:s31], $0x80  }
0x193: {  	[sflag:s31] =	ssyncset.done $0x0  }
0x194: {  	[sflag:s31] =	ssyncadd.s32 $0xFFFFFF80  }
0x195: {  	_ =	swait.ge [sflag:s31], $0x80  }
0x196: {  	[sflag:s31] =	ssyncset.done $0x0  }
0x197: {  	[sflag:s31] =	ssyncadd.s32 $0xFFFFFF80  }
0x198: {  	_ =	swait.ge [sflag:s31], $0x80  }
0x199: {  	[sflag:s31] =	ssyncset.done $0x0  }
0x19a: {  	[sflag:s31] =	ssyncadd.s32 $0xFFFFFF80  }
0x19b: {  	_ =	swait.ge [sflag:s31], $0x80  }
0x19c: {  	[sflag:s31] =	ssyncset.done $0x0  }
0x19d: {  	[sflag:s31] =	ssyncadd.s32 $0xFFFFFF80  }
0x19e: {  	_ =	swait.ge [sflag:s31], $0x80  }
0x19f: {  	[sflag:s31] =	ssyncset.done $0x0  }
0x1a0: {  	[sflag:s31] =	ssyncadd.s32 $0xFFFFFF80  }
0x1a1: {  	_ =	swait.ge [sflag:s31], $0x80  }
0x1a2: {  	[sflag:s31] =	ssyncset.done $0x0  }
0x1a3: {  	[sflag:s31] =	ssyncadd.s32 $0xFFFFFF80  }
0x1a4: {  	_ =	swait.ge [sflag:s31], $0x80  }
0x1a5: {  	[sflag:s31] =	ssyncset.done $0x0  }
0x1a6: {  	[sflag:s31] =	ssyncadd.s32 $0xFFFFFF80  }
0x1a7: {  	_ =	swait.ge [sflag:s31], $0x80  }
0x1a8: {  	[sflag:s31] =	ssyncset.done $0x0  }
0x1a9: {  	[sflag:s31] =	ssyncadd.s32 $0xFFFFFF80  }
0x1aa: {  	_ =	swait.ge [sflag:s31], $0x80  }
0x1ab: {  	[sflag:s31] =	ssyncset.done $0x0  }
0x1ac: {  	[sflag:s31] =	ssyncadd.s32 $0xFFFFFF80  }
.LBB2_10:
0x1ad: {  	s12 =	simm.s32 $0x14C80  }
0x1ae: {  	v4 =	vld [tilespmem:s12+$0x10]  }
0x1af: {  	v9 =	vld [tilespmem:s12+$0x0]  }
0x1b0: {  	v12 =	vld [tilespmem:s12+$0xFFFFFFF0]  }
0x1b1: {  	s17 =	simm.s32 $0x0;
	v7 =	vld [tilespmem:s12+$0xFFFFFFE0]  }
0x1b2: {  	v8 =	vld [tilespmem:s12+$0xFFFFFFB0];
	s17 =	sand.u32 $0x300, s17  }
0x1b3: {  	v13 =	vld [tilespmem:s12+$0xFFFFFF90];
	v25 =	vor.u32 s17, v0  }
0x1b4: {  	v5 =	vld [tilespmem:s12+$0x30];
	v19 =	vor.u32 $0x20, v25;
	v23 =	vor.u32 $0x30, v25  }
0x1b5: {  	v28 =	vld [tilespmem:s12+$0x40];
	v38 =	vor.u32 $0x10, v25;
	v34 =	vor.u32 $0xE0, v25;
	v42 =	vor.u32 $0xC0, v25  }
0x1b6: {  	v33 =	vld [tilespmem:s12+$0x20];
	v45 =	vor.u32 $0x90, v25;
	v37 =	vor.u32 $0xA0, v25;
	v46 =	vor.u32 $0xD0, v25  }
0x1b7: {  	v44 =	vor.u32 $0xB0, v25;
	v10 =	vshrl.u32 v4, $0x14;
	v22 =	vand.u32 $0xFFFFF, v4  }
0x1b8: {  	v6 =	vshrl.u32 v4, $0x15;
	v14 =	vshrl.u32 v9, $0x14;
	v11 =	vand.u32 $0xFFFFF, v9  }
0x1b9: {  	v15 =	vshrl.u32 v12, $0x14;
	v16 =	vand.u32 $0xFFFFF, v7;
	v24 =	vshrl.u32 v8, $0x14  }
0x1ba: {  	v17 =	vand.u32 $0xFFFFF, v8;
	v31 =	vand.u32 $0xFFFFF, v13;
	v18 =	vshrl.u32 v5, $0x14  }
0x1bb: {  	v4 =	vld [tilespmem:s12+$0x70];
	v41 =	vshrl.u32 v28, $0x14;
	v39 =	vand.u32 $0xFFFFF, v28;
	v40 =	vshrl.u32 v33, $0x14  }
0x1bc: {  	v28 =	vshrl.u32 v28, $0x15;
	v10 =	vand.u32 $0x1, v10;
	v20 =	vand.u32 $0x1, v14  }
0x1bd: {  	v35 =	vand.u32 $0x1, v15;
	v15 =	vld [tilespmem:s12+$0x50];
	v30 =	vand.u32 $0x1, v18;
	v18 =	vor.u32 $0x80, v25  }
0x1be: {  	v14 =	vld [tilespmem:s12+$0x60];
	v47 =	vand.u32 $0x1, v40;
	vm2 =	veq.s32 v10, v1;
	v10 =	vshrl.u32 v7, $0x14  }
0x1bf: {  	vm0 =	veq.s32 v20, v1;
	v20 =	vld [tilespmem:s12+$0xFFFFFF80];
	v32 =	vand.u32 $0x1, v10;
	v10 =	vshrl.u32 v13, $0x14  }
0x1c0: {  	v40 =	vor.u32 $0x40, v25;
	v27 =	vand.u32 $0x1, v10;
	v21 =	vshrl.u32 v4, $0x14  }
0x1c1: {  	vm3 =	veq.s32 v30, v1;
	vm5 =	veq.s32 v27, v1;
	v29 =	vand.u32 $0x1, v21  }
0x1c2: {  	v10 =	vld [tilespmem:s12+$0xFFFFFFC0];
	vm1 =	veq.s32 v29, v1;
	v29 =	vand.u32 $0x1, v24;
	v24 =	vshrl.u32 v15, $0x14  }
0x1c3: {  	v26 =	vshrl.u32 v14, $0x14;
	v21 =	vand.u32 $0xFFFFF, v4;
	v24 =	vand.u32 $0x1, v24  }
0x1c4: {  	v36 =	vand.u32 $0x1, v26;
	vm4 =	veq.s32 v24, v1;
	v24 =	vshrl.u32 v20, $0x14  }
0x1c5: {  	v26 =	vor.u32 $0xF0, v25;
	v30 =	vshrl.u32 v20, $0x15;
	v27 =	vand.u32 $0x1, v24  }
0x1c6: {  	s22 =	simm.s32 $0x15C80;
	s23 =	simm.s32 $0x16C80;
	v20 =	vand.u32 $0xFFFFF, v20;
	v24 =	vshll.u32 v3, v30;
	v30 =	vld [tilespmem:s12+$0xFFFFFFD0];
	vm6 =	veq.s32 v27, v1  }
0x1c7: {  	s24 =	simm.s32 $0x100;
	s19 =	simm.s32 $0x16C80;
	s17 =	simm.s32 $0x15C80;
	v43 =	vshrl.u32 v10, $0x14;
	v27 =	vshrl.u32 v33, $0x15;
	v48 =	vsel vm6, v20, v25;
	v20 =	vld [tilespmem:s12+$0xFFFFFFA0]  }
.LBB2_11:
0x1c8: {  	vm6 =	veq.s32 v32, v1;
	vm7 =	veq.s32 v35, v1;
	v32 =	vor.u32 $0x70, v25;
	s12 =	sadd.s32 $0x100, s12;
	s22 =	sadd.s32 $0x100, s22;
	s23 =	sadd.s32 $0x100, s23  }
0x1c9: {  	p0 =	sne.s32 s24, $0x700;
	v35 =	vand.u32 $0xFFFFF, v12;
	v49 =	vand.u32 $0xFFFFF, v5;
	v50 =	vor.u32 $0x60, v25;
	s25 =	smov.u32 s24;
	s24 =	sadd.s32 $0x100, s24  }
0x1ca: {  	v43 =	vand.u32 $0x1, v43;
	v51 =	vand.u32 $0xFFFFF, v10;
	v32 =	vsel vm7, v35, v32  }
0x1cb: {  	v52 =	vand.u32 $0xFFFFF, v15;
	v53 =	vand.u32 $0xFFFFF, v14;
	v35 =	vshrl.u32 v30, $0x14;
	[tilespmem:s17+$0xFFFFFFF0] =	vst v32  }
0x1cc: {  	v25 =	vor.u32 $0x50, v25;
	vm7 =	veq.s32 v47, v1;
	v32 =	vand.u32 $0x1, v41  }
0x1cd: {  	v22 =	vsel vm2, v22, v45;
	vm8 =	veq.s32 v36, v1;
	vm2 =	veq.s32 v32, v1;
	[tilespmem:s17+$0xFFFFFF80] =	vst v48  }
0x1ce: {  	v32 =	vshrl.u32 v20, $0x15;
	v36 =	vsel vm2, v39, v42;
	v39 =	vsel vm4, v52, v46;
	[tilespmem:s17+$0x10] =	vst v22  }
0x1cf: {  	v31 =	vsel vm5, v31, v38;
	v22 =	vand.u32 $0xFFFFF, v33;
	v33 =	vshrl.u32 v30, $0x15  }
0x1d0: {  	v13 =	vshrl.u32 v13, $0x15;
	v8 =	vshrl.u32 v8, $0x15;
	v35 =	vand.u32 $0x1, v35  }
0x1d1: {  	v12 =	vshrl.u32 v12, $0x15;
	v15 =	vshrl.u32 v15, $0x15;
	vm2 =	veq.s32 v43, v1;
	[tilespmem:s17+$0xFFFFFF90] =	vst v31  }
0x1d2: {  	v9 =	vshrl.u32 v9, $0x15;
	v14 =	vshrl.u32 v14, $0x15;
	v30 =	vand.u32 $0xFFFFF, v30;
	[tilespmem:s17+$0x50] =	vst v39  }
0x1d3: {  	v34 =	vsel vm8, v53, v34;
	vm4 =	veq.s32 v35, v1;
	v31 =	vsel vm3, v49, v44;
	[tilespmem:s17+$0x40] =	vst v36  }
0x1d4: {  	v35 =	vshrl.u32 v20, $0x14;
	v22 =	vsel vm7, v22, v37;
	vm3 =	veq.s32 v29, v1;
	[tilespmem:s17+$0x30] =	vst v31  }
0x1d5: {  	v29 =	vand.u32 $0x1, v35;
	v17 =	vsel vm3, v17, v23;
	v23 =	vsel vm2, v51, v40;
	[tilespmem:s17+$0x20] =	vst v22  }
0x1d6: {  	v21 =	vsel vm1, v21, v26;
	v20 =	vand.u32 $0xFFFFF, v20;
	vm2 =	veq.s32 v29, v1;
	[tilespmem:s17+$0x60] =	vst v34  }
0x1d7: {  	v16 =	vsel vm6, v16, v50;
	v19 =	vsel vm2, v20, v19;
	v20 =	vsel vm4, v30, v25;
	[tilespmem:s17+$0xFFFFFFC0] =	vst v23  }
0x1d8: {  	v11 =	vsel vm0, v11, v18;
	v22 =	vshll.u32 v3, v27;
	[tilespmem:s17+$0xFFFFFFE0] =	vst v16  }
0x1d9: {  	v13 =	vshll.u32 v3, v13;
	[tilespmem:s17+$0xFFFFFFB0] =	vst v17  }
0x1da: {  	v16 =	vshll.u32 v3, v28;
	[tilespmem:s17+$0x70] =	vst v21  }
0x1db: {  	v17 =	vshll.u32 v3, v32;
	[tilespmem:s17+$0xFFFFFFA0] =	vst v19  }
0x1dc: {  	v10 =	vshrl.u32 v10, $0x15;
	v8 =	vshll.u32 v3, v8;
	[tilespmem:s17+$0x0] =	vst v11  }
0x1dd: {  	v10 =	vshll.u32 v3, v10;
	[tilespmem:s17+$0xFFFFFFD0] =	vst v20;
	s17 =	smov.u32 s22  }
0x1de: {  	v7 =	vshrl.u32 v7, $0x15;
	v11 =	vshll.u32 v3, v33;
	[tilespmem:s19+$0xFFFFFF80] =	vst v24  }
0x1df: {  	v7 =	vshll.u32 v3, v7;
	[tilespmem:s19+$0xFFFFFFD0] =	vst v11  }
0x1e0: {  	v11 =	vshll.u32 v3, v12;
	[tilespmem:s19+$0xFFFFFFE0] =	vst v7  }
0x1e1: {  	v7 =	vshll.u32 v3, v9;
	[tilespmem:s19+$0xFFFFFFF0] =	vst v11  }
0x1e2: {  	v6 =	vshll.u32 v3, v6;
	[tilespmem:s19+$0x0] =	vst v7  }
0x1e3: {  	v5 =	vshrl.u32 v5, $0x15;
	[tilespmem:s19+$0x10] =	vst v6  }
0x1e4: {  	v5 =	vshll.u32 v3, v5;
	[tilespmem:s19+$0xFFFFFF90] =	vst v13  }
0x1e5: {  	v6 =	vshll.u32 v3, v15;
	[tilespmem:s19+$0x30] =	vst v5  }
0x1e6: {  	v4 =	vshrl.u32 v4, $0x15;
	v5 =	vshll.u32 v3, v14;
	[tilespmem:s19+$0x50] =	vst v6  }
0x1e7: {  	v4 =	vshll.u32 v3, v4;
	[tilespmem:s19+$0x60] =	vst v5  }
0x1e8: {  	[tilespmem:s19+$0x40] =	vst v16  }
0x1e9: {  	[tilespmem:s19+$0xFFFFFFA0] =	vst v17  }
0x1ea: {  	[tilespmem:s19+$0xFFFFFFB0] =	vst v8  }
0x1eb: {  	[tilespmem:s19+$0xFFFFFFC0] =	vst v10  }
0x1ec: {  	[tilespmem:s19+$0x20] =	vst v22  }
0x1ed: {  	[tilespmem:s19+$0x70] =	vst v4;
	s19 =	smov.u32 s23  }
0x1ee: {  	v4 =	vld [tilespmem:s12+$0x10]  }
0x1ef: {  	v9 =	vld [tilespmem:s12+$0x0]  }
0x1f0: {  	v12 =	vld [tilespmem:s12+$0xFFFFFFF0]  }
0x1f1: {  	v7 =	vld [tilespmem:s12+$0xFFFFFFE0]  }
0x1f2: {  	v8 =	vld [tilespmem:s12+$0xFFFFFFB0]  }
0x1f3: {  	v13 =	vld [tilespmem:s12+$0xFFFFFF90];
	v10 =	vshrl.u32 v4, $0x14;
	v22 =	vand.u32 $0xFFFFF, v4;
	v6 =	vshrl.u32 v4, $0x15  }
0x1f4: {  	v5 =	vld [tilespmem:s12+$0x30];
	v14 =	vshrl.u32 v9, $0x14;
	v10 =	vand.u32 $0x1, v10;
	v11 =	vand.u32 $0xFFFFF, v9  }
0x1f5: {  	v4 =	vld [tilespmem:s12+$0x70];
	v15 =	vshrl.u32 v12, $0x14;
	v24 =	vand.u32 $0x1, v14;
	vm2 =	veq.s32 v10, v1  }
0x1f6: {  	v14 =	vld [tilespmem:s12+$0x60];
	v10 =	vshrl.u32 v7, $0x14;
	v35 =	vand.u32 $0x1, v15;
	v16 =	vand.u32 $0xFFFFF, v7  }
0x1f7: {  	s25 =	sand.u32 $0x300, s25;
	v15 =	vld [tilespmem:s12+$0x50];
	v26 =	vshrl.u32 v8, $0x14;
	v32 =	vand.u32 $0x1, v10;
	v17 =	vand.u32 $0xFFFFF, v8  }
0x1f8: {  	v25 =	vor.u32 s25, v0;
	v28 =	vld [tilespmem:s12+$0x40];
	v18 =	vshrl.u32 v13, $0x14;
	v31 =	vand.u32 $0xFFFFF, v13  }
0x1f9: {  	v19 =	vor.u32 $0x20, v25;
	v10 =	vld [tilespmem:s12+$0xFFFFFFC0];
	v27 =	vand.u32 $0x1, v18;
	v18 =	vshrl.u32 v5, $0x14  }
0x1fa: {  	v33 =	vld [tilespmem:s12+$0x20];
	v37 =	vand.u32 $0x1, v18;
	v20 =	vshrl.u32 v4, $0x14;
	v18 =	vor.u32 $0x80, v25  }
0x1fb: {  	v23 =	vor.u32 $0x30, v25;
	v30 =	vld [tilespmem:s12+$0xFFFFFFD0];
	v34 =	vshrl.u32 v14, $0x14;
	v29 =	vand.u32 $0x1, v20  }
0x1fc: {  	vm0 =	veq.s32 v24, v1;
	v21 =	vand.u32 $0xFFFFF, v4;
	v20 =	vld [tilespmem:s12+$0xFFFFFFA0];
	vm1 =	veq.s32 v29, v1  }
0x1fd: {  	v29 =	vand.u32 $0x1, v26;
	v36 =	vand.u32 $0x1, v34;
	v26 =	vor.u32 $0xF0, v25;
	v40 =	vld [tilespmem:s12+$0xFFFFFF80]  }
0x1fe: {  	v38 =	vor.u32 $0x10, v25;
	v24 =	vshrl.u32 v15, $0x14;
	v41 =	vshrl.u32 v28, $0x14  }
0x1ff: {  	v34 =	vor.u32 $0xE0, v25;
	v39 =	vand.u32 $0xFFFFF, v28;
	v43 =	vshrl.u32 v10, $0x14  }
0x200: {  	v42 =	vor.u32 $0xC0, v25;
	vm3 =	veq.s32 v37, v1;
	v24 =	vand.u32 $0x1, v24  }
0x201: {  	v45 =	vor.u32 $0x90, v25;
	vm4 =	veq.s32 v24, v1;
	v44 =	vshrl.u32 v33, $0x14  }
.Ltmp7:
0x202: {  	vm5 =	veq.s32 v27, v1;
	v24 =	vshrl.u32 v40, $0x14;
	v37 =	vshrl.u32 v40, $0x15;
	(pc) =	sbr.rel @p0 .LBB2_11-.Ltmp7, $4  }
0x203: {  	v27 =	vand.u32 $0x1, v24;
	v24 =	vshll.u32 v3, v37;
	v37 =	vor.u32 $0xA0, v25  }
0x204: {  	v46 =	vor.u32 $0xD0, v25;
	v40 =	vand.u32 $0xFFFFF, v40;
	vm6 =	veq.s32 v27, v1  }
0x205: {  	v47 =	vand.u32 $0x1, v44;
	v44 =	vor.u32 $0xB0, v25;
	v48 =	vsel vm6, v40, v25  }
0x206: {  	v28 =	vshrl.u32 v28, $0x15;
	v27 =	vshrl.u32 v33, $0x15;
	v40 =	vor.u32 $0x40, v25  }
0x207: {  	v22 =	vsel vm2, v22, v45;
	[tilespmem:s17+$0xFFFFFF80] =	vst v48  }
0x208: {  	vm6 =	veq.s32 v35, v1;
	v57 =	vor.u32 $0x70, v25;
	v59 =	vsel vm5, v31, v38;
	[tilespmem:s17+$0x10] =	vst v22  }
0x209: {  	v49 =	vand.u32 $0xFFFFF, v12;
	v58 =	vand.u32 $0xFFFFF, v15;
	v21 =	vsel vm1, v21, v26;
	[tilespmem:s17+$0xFFFFFF90] =	vst v59  }
0x20a: {  	v41 =	vand.u32 $0x1, v41;
	v61 =	vand.u32 $0xFFFFF, v5;
	v11 =	vsel vm0, v11, v18;
	[tilespmem:s17+$0x70] =	vst v21  }
0x20b: {  	v62 =	vand.u32 $0x1, v43;
	vm9 =	veq.s32 v47, v1;
	v35 =	vsel vm6, v49, v57;
	[tilespmem:s17+$0x0] =	vst v11  }
0x20c: {  	vm10 =	veq.s32 v36, v1;
	v43 =	vand.u32 $0xFFFFF, v10;
	v60 =	vsel vm4, v58, v46;
	[tilespmem:s17+$0xFFFFFFF0] =	vst v35  }
0x20d: {  	vm12 =	veq.s32 v32, v1;
	vm13 =	veq.s32 v29, v1;
	v22 =	vsel vm3, v61, v44;
	[tilespmem:s17+$0x50] =	vst v60  }
0x20e: {  	v45 =	vshrl.u32 v20, $0x14;
	vm8 =	veq.s32 v41, v1;
	v17 =	vsel vm13, v17, v23;
	[tilespmem:s17+$0x30] =	vst v22  }
0x20f: {  	v48 =	vand.u32 $0xFFFFF, v20;
	v41 =	vand.u32 $0xFFFFF, v33;
	v63 =	vsel vm8, v39, v42;
	[tilespmem:s17+$0xFFFFFFB0] =	vst v17  }
0x210: {  	v50 =	vand.u32 $0xFFFFF, v30;
	vm11 =	veq.s32 v62, v1;
	v31 =	vsel vm9, v41, v37;
	[tilespmem:s17+$0x40] =	vst v63  }
0x211: {  	v44 =	vor.u32 $0x60, v25;
	v46 =	vshrl.u32 v30, $0x14;
	v22 =	vsel vm11, v43, v40;
	[tilespmem:s17+$0x20] =	vst v31  }
0x212: {  	v47 =	vand.u32 $0x1, v45;
	v42 =	vand.u32 $0xFFFFF, v14;
	v16 =	vsel vm12, v16, v44;
	[tilespmem:s17+$0xFFFFFFC0] =	vst v22  }
0x213: {  	vm14 =	veq.s32 v47, v1;
	v33 =	vsel vm10, v42, v34;
	[tilespmem:s17+$0xFFFFFFE0] =	vst v16;
	v22 =	vand.u32 $0x1, v46  }
0x214: {  	v49 =	vor.u32 $0x50, v25;
	v16 =	vsel vm14, v48, v19;
	[tilespmem:s17+$0x60] =	vst v33;
	vm15 =	veq.s32 v22, v1  }
0x215: {  	[tilespmem:s17+$0xFFFFFFA0] =	vst v16;
	v51 =	vsel vm15, v50, v49  }
0x216: {  	v52 =	vshrl.u32 v30, $0x15;
	[tilespmem:s17+$0xFFFFFFD0] =	vst v51  }
0x217: {  	v7 =	vshrl.u32 v7, $0x15;
	v11 =	vshll.u32 v3, v52;
	[tilespmem:s19+$0xFFFFFF80] =	vst v24  }
0x218: {  	v53 =	vshrl.u32 v12, $0x15;
	v7 =	vshll.u32 v3, v7;
	[tilespmem:s19+$0xFFFFFFD0] =	vst v11  }
0x219: {  	v9 =	vshrl.u32 v9, $0x15;
	v54 =	vshll.u32 v3, v53;
	[tilespmem:s19+$0xFFFFFFE0] =	vst v7  }
0x21a: {  	v55 =	vshll.u32 v3, v9;
	[tilespmem:s19+$0xFFFFFFF0] =	vst v54  }
0x21b: {  	v56 =	vshrl.u32 v13, $0x15;
	v6 =	vshll.u32 v3, v6;
	[tilespmem:s19+$0x0] =	vst v55  }
0x21c: {  	v5 =	vshrl.u32 v5, $0x15;
	v57 =	vshll.u32 v3, v56;
	[tilespmem:s19+$0x10] =	vst v6  }
0x21d: {  	v5 =	vshll.u32 v3, v5;
	[tilespmem:s19+$0xFFFFFF90] =	vst v57  }
0x21e: {  	v61 =	vshll.u32 v3, v28;
	v62 =	vshrl.u32 v10, $0x15;
	[tilespmem:s19+$0x30] =	vst v5  }
0x21f: {  	v4 =	vshrl.u32 v4, $0x15;
	v63 =	vshll.u32 v3, v62;
	[tilespmem:s19+$0x40] =	vst v61  }
0x220: {  	v58 =	vshrl.u32 v15, $0x15;
	v4 =	vshll.u32 v3, v4;
	[tilespmem:s19+$0xFFFFFFC0] =	vst v63  }
0x221: {  	v59 =	vshrl.u32 v14, $0x15;
	v6 =	vshll.u32 v3, v58;
	[tilespmem:s19+$0x70] =	vst v4  }
0x222: {  	v60 =	vshrl.u32 v20, $0x15;
	v5 =	vshll.u32 v3, v59;
	[tilespmem:s19+$0x50] =	vst v6  }
0x223: {  	[tilespmem:s19+$0x60] =	vst v5;
	v5 =	vshrl.u32 v8, $0x15;
	v6 =	vshll.u32 v3, v60  }
0x224: {  	v5 =	vshll.u32 v3, v5;
	[tilespmem:s19+$0xFFFFFFA0] =	vst v6  }
0x225: {  	[tilespmem:s19+$0xFFFFFFB0] =	vst v5;
	v5 =	vshll.u32 v3, v27  }
0x226: {  	s12 =	simm.s32 $0x15C00;
	s25 =	simm.s32 $0x16C00;
	[tilespmem:s19+$0x20] =	vst v5  }
0x227: {  	[spmem:s3] =	stream.indirect.scatter.add.s32 [tilespmem:s25], [sflag:$0x4], $0x1, s12, s21, $0xb8;
	[tilespmem:$0x17400] =	vst v63  }
0x228: {  	s17 =	simm.s32 $0x15C80;
	s19 =	simm.s32 $0x16C80  }
0x229: {  	[spmem:s3] =	stream.indirect.scatter.add.s32 [tilespmem:s19], [sflag:$0x4], $0x1, s17, s21, $0xb8;
	[tilespmem:$0x17400] =	vst v63  }
0x22a: {  	s22 =	simm.s32 $0x15D00;
	s23 =	simm.s32 $0x16D00  }
0x22b: {  	[spmem:s3] =	stream.indirect.scatter.add.s32 [tilespmem:s23], [sflag:$0x4], $0x1, s22, s21, $0xb8;
	[tilespmem:$0x17400] =	vst v63  }
0x22c: {  	s24 =	simm.s32 $0x15D80;
	s25 =	simm.s32 $0x16D80  }
0x22d: {  	[spmem:s3] =	stream.indirect.scatter.add.s32 [tilespmem:s25], [sflag:$0x4], $0x1, s24, s21, $0xb8;
	[tilespmem:$0x17400] =	vst v63  }
0x22e: {  	s17 =	simm.s32 $0x15E00;
	s19 =	simm.s32 $0x16E00  }
0x22f: {  	[spmem:s3] =	stream.indirect.scatter.add.s32 [tilespmem:s19], [sflag:$0x4], $0x1, s17, s21, $0xb8;
	[tilespmem:$0x17400] =	vst v63  }
0x230: {  	s22 =	simm.s32 $0x15E80;
	s23 =	simm.s32 $0x16E80  }
0x231: {  	[spmem:s3] =	stream.indirect.scatter.add.s32 [tilespmem:s23], [sflag:$0x4], $0x1, s22, s21, $0xb8;
	[tilespmem:$0x17400] =	vst v63  }
0x232: {  	s24 =	simm.s32 $0x15F00;
	s25 =	simm.s32 $0x16F00  }
0x233: {  	[spmem:s3] =	stream.indirect.scatter.add.s32 [tilespmem:s25], [sflag:$0x4], $0x1, s24, s21, $0xb8;
	[tilespmem:$0x17400] =	vst v63  }
0x234: {  	s17 =	simm.s32 $0x15F80;
	s19 =	simm.s32 $0x16F80  }
0x235: {  	[spmem:s3] =	stream.indirect.scatter.add.s32 [tilespmem:s19], [sflag:$0x4], $0x1, s17, s21, $0xb8;
	[tilespmem:$0x17400] =	vst v63  }
0x236: {  	s22 =	simm.s32 $0x16000;
	s23 =	simm.s32 $0x17000  }
0x237: {  	[spmem:s3] =	stream.indirect.scatter.add.s32 [tilespmem:s23], [sflag:$0x4], $0x1, s22, s21, $0xb8;
	[tilespmem:$0x17400] =	vst v63  }
0x238: {  	s24 =	simm.s32 $0x16080;
	s25 =	simm.s32 $0x17080  }
0x239: {  	[spmem:s3] =	stream.indirect.scatter.add.s32 [tilespmem:s25], [sflag:$0x4], $0x1, s24, s21, $0xb8;
	[tilespmem:$0x17400] =	vst v63  }
0x23a: {  	_ = 	snop  }
0x23b: {  	[spmem:s3] =	stream.indirect.scatter.add.s32 [tilespmem:s28], [sflag:$0x4], $0x1, s26, s21, $0xb8;
	[tilespmem:$0x17400] =	vst v63  }
0x23c: {  	_ = 	snop  }
0x23d: {  	[spmem:s3] =	stream.indirect.scatter.add.s32 [tilespmem:s0], [sflag:$0x4], $0x1, s29, s21, $0xb8;
	[tilespmem:$0x17400] =	vst v63  }
0x23e: {  	_ = 	snop  }
0x23f: {  	[spmem:s3] =	stream.indirect.scatter.add.s32 [tilespmem:s7], [sflag:$0x4], $0x1, s2, s21, $0xb8;
	[tilespmem:$0x17400] =	vst v63  }
0x240: {  	p0 =	seq.s32 s18, $0x7F  }
0x241: {  	[spmem:s3] =	stream.indirect.scatter.add.s32 [tilespmem:s9], [sflag:$0x4], $0x1, s8, s21, $0xb8;
	[tilespmem:$0x17400] =	vst v63  }
.Ltmp8:
0x242: {  	_ = 	snop;
	(pc) =	sbr.rel @p0 .LBB2_14-.Ltmp8, $4  }
0x243: {  	_ = 	snop  }
0x244: {  	[spmem:s3] =	stream.indirect.scatter.add.s32 [tilespmem:s11], [sflag:$0x4], $0x1, s10, s21, $0xb8;
	[tilespmem:$0x17400] =	vst v63  }
0x245: {  	_ = 	snop  }
0x246: {  	[spmem:s3] =	stream.indirect.scatter.add.s32 [tilespmem:s15], [sflag:$0x4], $0x1, s14, s21, $0xb8;
	[tilespmem:$0x17400] =	vst v63  }
.Ltmp9:
0x247: {  	(pc) =	sbr.rel .LBB2_4-.Ltmp9, $4  }
0x248: {  	s12 =	sadd.s32 s16, s13  }
0x249: {  	s12 =	sshrl.u32 s12, $0x3  }
0x24a: {  	s25 =	simm.s32 $0x14C00;
	s18 =	sadd.s32 $0x1, s18;
	s12 =	sadd.s32 s1, s12  }
0x24b: {  	[tilespmem:s25], [sflag:$0x2] =	stream.linear.gather [hbm4b:s12+s4], $0x800, $0x38;
	[tilespmem:$0x17400] =	vst v63  }
.LBB2_15:
0x24c: {  	_ =	sfence.sel $0x180000  }
0x24d: {  	[bflag:$0x0] =	sbarrier.arrive $0xFFFF  }
0x24e: {  	_ =	strace $0x90000047  }
0x24f: {  	s0 =	stileid.u32;
	[bflag:$0x2] =	sbarrier.arrive $0xFFFF  }
0x250: {  	p0 =	sne.s32 s0, $0x0;
	s0 =	rddreg [dreg:$0x3]  }
0x251: {  	s0 =	sadd.s32 @!p0 $0x100000, s0  }
0x252: {  	[sflag:s0] =	ssyncadd.tile.s32 @!p0 $0x1;
	_ =	shalt  }
.Lfunc_end2:
_tile_overlayer_lowered:
.L_overlay_start_2:
0x253: {  	(tag) =	ssettag $0x2  }
0x254: {  	s0 =	rddreg [dreg:$0x0];
	s2 =	stileid.u32  }
0x255: {  	s1 =	rddreg [dreg:$0x1];
	p0 =	sne.s32 s2, $0x0  }
0x256: {  	s3 =	rddreg [dreg:$0x2];
	[bflag:$0x3] =	sbarrier.arrive $0xFFFF;
	s2 =	simm.s32 @!p0 $0x1C05  }
0x257: {  	[timem:s3], [sflag:s2] =	dma.local @!p0 [hbm:s0], s1  }
0x258: {  	s0 =	simm.s32 @!p0 $0x5  }
0x259: {  	_ =	swait.ge @!p0 [sflag:s0], s1  }
0x25a: {  	s1 =	ssub.s32 @!p0 $0x0, s1;
	[sflag:s0] =	ssyncset.done @!p0 $0x0  }
0x25b: {  	[sflag:s0] =	ssyncadd.s32 @!p0 s1  }
0x25c: {  	[bflag:$0x3] =	sbarrier.arrive $0xFFFF  }
0x25d: {  	_ =	shalt  }

</sc_bundles>
